<compile_context>
chip_gen: v7x
topology: tpu7x:2x2x1
jax: 0.10.2.dev20260603
libtpu: 0.0.44.dev20260713+nightly
codegen_flags: <defaults>
</compile_context>

<pallas_src>
import functools

import jax
import jax.numpy as jnp
from jax import lax
from jax.experimental import pallas as pl
from jax.experimental.pallas import tpu as pltpu
from jax.experimental.pallas import tpu_sc as plsc

N = 10000
E = 320000
D_IN = 128
H = 64
BN_EPS = 1e-5

NSUB = 32
N_PAD = 10240
R = N_PAD // NSUB
EC = 2560
FB = 128
NEG = float("-inf")


ROWS_BLK = 1280
GRID = N_PAD // ROWS_BLK


def _proj_body(x_ref, w_ref, b_ref, o_ref):
    o_ref[...] = (
        jnp.dot(x_ref[...], w_ref[...], preferred_element_type=jnp.float32)
        + b_ref[...]
    )


def _proj(x, w_t, b):
    return pl.pallas_call(
        _proj_body,
        grid=(GRID,),
        in_specs=[
            pl.BlockSpec((ROWS_BLK, D_IN), lambda i: (i, 0)),
            pl.BlockSpec((D_IN, H), lambda i: (0, 0)),
            pl.BlockSpec((1, H), lambda i: (0, 0)),
        ],
        out_specs=pl.BlockSpec((ROWS_BLK, H), lambda i: (i, 0)),
        out_shape=jax.ShapeDtypeStruct((N_PAD, H), jnp.float32),
    )(x, w_t, b)


def _sage_body(agg_ref, x_ref, wl_ref, wr_ref, bl_ref, g_ref, be_ref, o_ref):
    z = (
        jnp.dot(agg_ref[...], wl_ref[...], preferred_element_type=jnp.float32)
        + jnp.dot(x_ref[...], wr_ref[...], preferred_element_type=jnp.float32)
        + bl_ref[...]
    )
    scale = g_ref[...] * jax.lax.rsqrt(jnp.float32(1.0 + BN_EPS))
    o_ref[...] = jnp.maximum(z * scale + be_ref[...], 0.0)


def _sage_dense(agg, x, wl_t, wr_t, bl, gamma, beta):
    return pl.pallas_call(
        _sage_body,
        grid=(GRID,),
        in_specs=[
            pl.BlockSpec((ROWS_BLK, H), lambda i: (i, 0)),
            pl.BlockSpec((ROWS_BLK, H), lambda i: (i, 0)),
            pl.BlockSpec((H, H), lambda i: (0, 0)),
            pl.BlockSpec((H, H), lambda i: (0, 0)),
            pl.BlockSpec((1, H), lambda i: (0, 0)),
            pl.BlockSpec((1, H), lambda i: (0, 0)),
            pl.BlockSpec((1, H), lambda i: (0, 0)),
        ],
        out_specs=pl.BlockSpec((ROWS_BLK, H), lambda i: (i, 0)),
        out_shape=jax.ShapeDtypeStruct((N_PAD, H), jnp.float32),
    )(agg, x, wl_t, wr_t, bl, gamma, beta)


def _head_body(agg_ref, x_ref, wl_ref, wr_ref, bl_ref, g_ref, be_ref,
               wf1_ref, bf1_ref, wf2_ref, bf2_ref, o_ref):
    z = (
        jnp.dot(agg_ref[...], wl_ref[...], preferred_element_type=jnp.float32)
        + jnp.dot(x_ref[...], wr_ref[...], preferred_element_type=jnp.float32)
        + bl_ref[...]
    )
    scale = g_ref[...] * jax.lax.rsqrt(jnp.float32(1.0 + BN_EPS))
    x2 = jnp.maximum(z * scale + be_ref[...], 0.0)
    h = jnp.maximum(
        jnp.dot(x2, wf1_ref[...], preferred_element_type=jnp.float32)
        + bf1_ref[...],
        0.0,
    )
    o_ref[...] = (
        jnp.dot(h, wf2_ref[...], preferred_element_type=jnp.float32)
        + bf2_ref[...]
    )


def _head(agg, x, wl_t, wr_t, bl, gamma, beta, wf1_t, bf1, wf2_t, bf2):
    return pl.pallas_call(
        _head_body,
        grid=(GRID,),
        in_specs=[
            pl.BlockSpec((ROWS_BLK, H), lambda i: (i, 0)),
            pl.BlockSpec((ROWS_BLK, H), lambda i: (i, 0)),
            pl.BlockSpec((H, H), lambda i: (0, 0)),
            pl.BlockSpec((H, H), lambda i: (0, 0)),
            pl.BlockSpec((1, H), lambda i: (0, 0)),
            pl.BlockSpec((1, H), lambda i: (0, 0)),
            pl.BlockSpec((1, H), lambda i: (0, 0)),
            pl.BlockSpec((H, H), lambda i: (0, 0)),
            pl.BlockSpec((1, H), lambda i: (0, 0)),
            pl.BlockSpec((H, 8), lambda i: (0, 0)),
            pl.BlockSpec((1, 8), lambda i: (0, 0)),
        ],
        out_specs=pl.BlockSpec((ROWS_BLK, 8), lambda i: (i, 0)),
        out_shape=jax.ShapeDtypeStruct((N_PAD, 8), jnp.float32),
    )(agg, x, wl_t, wr_t, bl, gamma, beta, wf1_t, bf1, wf2_t, bf2)




G_EC = 2560
G_GRP = G_EC // 16
FB = 128
RB = 128
NROUNDS = 22
CAP = G_EC + 160
NEG = float("-inf")


def _segmax_sc_body(xf_hbm, src_hbm, dst_hbm, out_hbm,
                    agg, srcc, dstc, redir, flg, srcH, rowb, wbuf, shx, sem):
    nc = 2
    wid = lax.axis_index("s") * nc + lax.axis_index("c")
    lo = wid * R
    lane = lax.iota(jnp.int32, 16)
    neg16 = jnp.full((16,), NEG, jnp.float32)

    @pl.when(lax.axis_index("s") == 0)
    def _():
        pltpu.sync_copy(xf_hbm, shx)
    plsc.subcore_barrier()

    def initrow(i, _):
        for c in range(H // 16):
            agg[i, pl.ds(c * 16, 16)] = neg16
        return 0
    lax.fori_loop(0, R + 1, initrow, 0)

    for q in range(4):
        wbuf[pl.ds(q * 48 + 16, 16)] = jnp.full((16,), 16, jnp.int32)

    def chunk_body(ci, _):
        pltpu.sync_copy(src_hbm.at[pl.ds(ci * G_EC, G_EC)],
                        srcc.at[pl.ds(0, G_EC)])
        pltpu.sync_copy(dst_hbm.at[pl.ds(ci * G_EC, G_EC)],
                        dstc.at[pl.ds(0, G_EC)])

        def scan_group(gq, _):
            for q in range(4):
                g16 = (gq * 4 + q) * 16
                wb = q * 48
                dv = dstc[pl.ds(g16, 16)]
                dl = dv - lo
                m = (dl >= 0) & (dl < R)
                redir[pl.ds(g16, 16)] = jnp.where(m, dl, R)
                srcH[pl.ds(g16, 16)] = srcc[pl.ds(g16, 16)] * H
                wbuf[pl.ds(wb, 16)] = jnp.where(m, lane, 16)
            for sh in (1, 2, 4, 8):
                for q in range(4):
                    wb = q * 48
                    wmn = jnp.minimum(wbuf[pl.ds(wb, 16)],
                                      wbuf[pl.ds(wb + sh, 16)])
                    wbuf[pl.ds(wb, 16)] = wmn
            for q in range(4):
                g16 = (gq * 4 + q) * 16
                flg[pl.ds(g16, 16)] = wbuf[pl.ds(q * 48, 16)]
            return 0

        lax.fori_loop(0, G_GRP // 4, scan_group, 0)

        def acc_group(g, _):
            g16 = g * 16
            fv = flg[pl.ds(g16, 16)]

            @pl.when(fv[0] < 16)
            def _():
                rv = redir[pl.ds(g16, 16)]
                sHv = srcH[pl.ds(g16, 16)]
                for l in range(16):
                    dl_l = rv[l]
                    sH_l = sHv[l]

                    @pl.when(dl_l < R)
                    def _():
                        pltpu.sync_copy(
                            shx.at[pl.ds(pl.multiple_of(sH_l, 8), H)], rowb)
                        for c in range(H // 16):
                            sl = pl.ds(c * 16, 16)
                            agg[dl_l, sl] = jnp.maximum(
                                agg[dl_l, sl], rowb[sl])
            return 0

        lax.fori_loop(0, G_GRP, acc_group, 0)
        return 0

    lax.fori_loop(0, E // G_EC, chunk_body, 0)

    def fixrow(i, _):
        for c in range(H // 16):
            sl = pl.ds(c * 16, 16)
            v = agg[i, sl]
            agg[i, sl] = jnp.where(v == NEG, jnp.float32(0.0), v)
        return 0
    lax.fori_loop(0, R, fixrow, 0)

    pltpu.sync_copy(agg.at[pl.ds(0, R)], out_hbm.at[pl.ds(lo, R)])


@functools.partial(
    pl.kernel,
    out_type=jax.ShapeDtypeStruct((N_PAD, H), jnp.float32),
    mesh=plsc.VectorSubcoreMesh(core_axis_name="c", subcore_axis_name="s"),
    scratch_types=[
        pltpu.VMEM((R + 1, H), jnp.float32),
        pltpu.VMEM((G_EC + 16,), jnp.int32),
        pltpu.VMEM((G_EC + 16,), jnp.int32),
        pltpu.VMEM((G_EC + 16,), jnp.int32),
        pltpu.VMEM((G_EC + 16,), jnp.int32),
        pltpu.VMEM((G_EC + 16,), jnp.int32),
        pltpu.VMEM((H,), jnp.float32),
        pltpu.VMEM((192,), jnp.int32),
        pltpu.VMEM_SHARED((N_PAD * H,), jnp.float32),
        pltpu.SemaphoreType.DMA,
    ],
)
def _segmax_sc(xf_hbm, src_hbm, dst_hbm, out_hbm,
               agg, srcc, dstc, redir, flg, srcH, rowb, wbuf, shx, sem):
    _segmax_sc_body(xf_hbm, src_hbm, dst_hbm, out_hbm,
                    agg, srcc, dstc, redir, flg, srcH, rowb, wbuf, shx, sem)


def kernel(features, edge_index, Wp, bp, Wl0, bl0, Wr0, gamma0, beta0,
           Wl1, bl1, Wr1, gamma1, beta1, Wf1, bf1, Wf2, bf2):
    f_pad = jnp.pad(features, ((0, N_PAD - N), (0, 0)))
    x0 = _proj(f_pad, Wp.T, bp.reshape(1, H))
    src = edge_index[1]
    dst = edge_index[0]
    agg0 = _segmax_sc(x0.reshape(N_PAD * H), src, dst)
    x1 = _sage_dense(agg0, x0, Wl0.T, Wr0.T, bl0.reshape(1, H),
                     gamma0.reshape(1, H), beta0.reshape(1, H))
    agg1 = _segmax_sc(x1.reshape(N_PAD * H), src, dst)
    wf2_t = jnp.pad(Wf2.T, ((0, 0), (0, 4)))
    bf2_p = jnp.pad(bf2, (0, 4)).reshape(1, 8)
    out = _head(agg1, x1, Wl1.T, Wr1.T, bl1.reshape(1, H),
                gamma1.reshape(1, H), beta1.reshape(1, H),
                Wf1.T, bf1.reshape(1, H), wf2_t, bf2_p)
    return out[:N, :4]

# --- scband reference (transcript-rebuilt; emitter-appended) ---
"""Pipeline reference for scband-graph-sageinteractions-80788334838319 (READ-ONLY COPY).

The authoritative reference and input builder live on the scoring server;
editing this copy changes nothing except your own understanding.
"""

import jax, jax.numpy as jnp
import numpy as np

N = 10000
E = 320000
D_IN = 128
H = 64
BN_EPS = 1e-5


def setup_inputs(seed: int = 0) -> dict:
    key = jax.random.key(seed)
    ks = jax.random.split(key, 12)
    s = 0.05
    inp = {}
    inp["features"] = jax.random.normal(ks[0], (N, D_IN), dtype=jnp.float32)
    inp["edge_index"] = jax.random.randint(ks[1], (2, E), 0, N, dtype=jnp.int32)
    # feature_proj: Linear(D_IN -> H)
    inp["Wp"] = jax.random.normal(ks[2], (H, D_IN), dtype=jnp.float32) * s
    inp["bp"] = jnp.zeros((H,), dtype=jnp.float32)
    # SAGEConv layer 0: lin_l (applied to max-aggregated neighbors, with bias), lin_r (root, no bias)
    inp["Wl0"] = jax.random.normal(ks[3], (H, H), dtype=jnp.float32) * s
    inp["bl0"] = jnp.zeros((H,), dtype=jnp.float32)
    inp["Wr0"] = jax.random.normal(ks[4], (H, H), dtype=jnp.float32) * s
    inp["gamma0"] = jnp.ones((H,), dtype=jnp.float32)
    inp["beta0"] = jnp.zeros((H,), dtype=jnp.float32)
    # SAGEConv layer 1
    inp["Wl1"] = jax.random.normal(ks[5], (H, H), dtype=jnp.float32) * s
    inp["bl1"] = jnp.zeros((H,), dtype=jnp.float32)
    inp["Wr1"] = jax.random.normal(ks[6], (H, H), dtype=jnp.float32) * s
    inp["gamma1"] = jnp.ones((H,), dtype=jnp.float32)
    inp["beta1"] = jnp.zeros((H,), dtype=jnp.float32)
    # fc head: Linear(H,H) -> ReLU -> Linear(H,4)
    inp["Wf1"] = jax.random.normal(ks[7], (H, H), dtype=jnp.float32) * s
    inp["bf1"] = jnp.zeros((H,), dtype=jnp.float32)
    inp["Wf2"] = jax.random.normal(ks[8], (4, H), dtype=jnp.float32) * s
    inp["bf2"] = jnp.zeros((4,), dtype=jnp.float32)
    return inp


def _sage_layer(x, src, dst, Wl, bl, Wr, gamma, beta):
    # messages flow src -> dst (edge_index already flipped by caller, matching edge_index.flip(0))
    msgs = jnp.take(x, src, axis=0)
    agg = jax.ops.segment_max(msgs, dst, num_segments=N)
    # nodes with no in-edges: segment_max fills with -inf; PyG max-aggr yields 0 there
    agg = jnp.where(jnp.isneginf(agg), 0.0, agg)
    out = agg @ Wl.T + bl + x @ Wr.T
    # BatchNorm1d in eval mode: running_mean=0, running_var=1
    out = gamma * out / jnp.sqrt(1.0 + BN_EPS) + beta
    return jax.nn.relu(out)


def reference(features, edge_index, Wp, bp, Wl0, bl0, Wr0, gamma0, beta0, Wl1, bl1, Wr1, gamma1, beta1, Wf1, bf1, Wf2, bf2):
    x = features @ Wp.T + bp
    # edge_index.flip(0): original row0 becomes dst of messages, row1 becomes src
    src = edge_index[1]
    dst = edge_index[0]
    x = _sage_layer(x, src, dst, Wl0, bl0, Wr0, gamma0, beta0)
    x = _sage_layer(x, src, dst, Wl1, bl1, Wr1, gamma1, beta1)
    h = jax.nn.relu(x @ Wf1.T + bf1)
    return h @ Wf2.T + bf2

if __name__ == "__main__":
    import jax
    _d = setup_inputs()
    print(jax.jit(kernel)(*tuple(_d.values())))

</pallas_src>

<mosaic_0001>
#map = affine_map<(d0, d1) -> (0)>
#map1 = affine_map<(d0, d1) -> (0, 0)>
module attributes {stable_mosaic.version = 14 : i64} {
  func.func @_segmax_sc(%arg0: i32, %arg1: i32, %arg2: memref<655360xf32, #tpu.memory_space<hbm>>, %arg3: memref<320000xi32, #tpu.memory_space<hbm>>, %arg4: memref<320000xi32, #tpu.memory_space<hbm>>, %arg5: memref<10240x64xf32, #tpu.memory_space<hbm>>, %arg6: memref<321x64xf32, #tpu.memory_space<vmem>>, %arg7: memref<2576xi32, #tpu.memory_space<vmem>>, %arg8: memref<2576xi32, #tpu.memory_space<vmem>>, %arg9: memref<2576xi32, #tpu.memory_space<vmem>>, %arg10: memref<2576xi32, #tpu.memory_space<vmem>>, %arg11: memref<2576xi32, #tpu.memory_space<vmem>>, %arg12: memref<64xf32, #tpu.memory_space<vmem>>, %arg13: memref<192xi32, #tpu.memory_space<vmem>>, %arg14: memref<655360xf32, #tpu.memory_space<vmem_shared>>, %arg15: memref<!tpu.dma_semaphore, #tpu.memory_space<semaphore_mem>>) attributes {dimension_semantics = [#tpu.dimension_semantics<core_parallel>, #tpu.dimension_semantics<subcore_parallel>], iteration_bounds = array<i64: 2, 16>, scalar_prefetch = 0 : i64, scratch_operands = 10 : i64, tpu.core_type = #tpu.core_type<sc_vector_subcore>, window_params = [{transform_indices = #map}, {transform_indices = #map}, {transform_indices = #map}, {transform_indices = #map1}]} {
    %mul3A = arith.constant 2 : i32
    %mul3A_0 = arith.muli %arg1, %mul3A : i32
    %add3A = arith.addi %mul3A_0, %arg0 : i32
    %mul3A_1 = arith.constant 320 : i32
    %mul3A_2 = arith.muli %add3A, %mul3A_1 : i32
    %iota3A = tpu.iota {dimensions = array<i32: 0>} : vector<16xi32>
    %broadcast_in_dim3A = arith.constant 0xFF800000 : f32
    %broadcast_in_dim3A_3 = vector.broadcast %broadcast_in_dim3A : f32 to vector<16xf32>
    %eq3A = arith.constant 0 : i32
    %eq3A_4 = arith.cmpi eq, %arg1, %eq3A : i32
    %convert_element_type3A = arith.extui %eq3A_4 : i1 to i32
    %cond3A = arith.constant 0 : i32
    %cond3A_5 = arith.cmpi ne, %convert_element_type3A, %cond3A : i32
    scf.if %cond3A_5 {
      "tpu.region"() ({
        %run_scoped3A = tpu.sem_alloc : memref<!tpu.dma_semaphore, #tpu.memory_space<semaphore_mem>>
        tpu.enqueue_dma source(%arg2 : memref<655360xf32, #tpu.memory_space<hbm>>) target(%arg14 : memref<655360xf32, #tpu.memory_space<vmem_shared>>) target_semaphore(%run_scoped3A : memref<!tpu.dma_semaphore, #tpu.memory_space<semaphore_mem>>)
        tpu.wait_dma2 semaphore(%run_scoped3A : memref<!tpu.dma_semaphore, #tpu.memory_space<semaphore_mem>>) src(%arg2 : memref<655360xf32, #tpu.memory_space<hbm>>) dst(%arg14 : memref<655360xf32, #tpu.memory_space<vmem_shared>>)
        tpu.yield
      }) : () -> ()
    } else {
    }
    %barrier3A = arith.constant 0 : index
    tpu.barrier barrier_id(%barrier3A)
    %scan3A = arith.constant 0 : i32
    %scan3A_6 = arith.constant 0 : i32
    %scan3A_7 = arith.constant 321 : i32
    %scan3A_8 = arith.addi %scan3A_6, %scan3A_7 : i32
    %scan3A_9 = arith.constant 1 : i32
    %scan3A_10 = scf.for %scan3A_49 = %scan3A_6 to %scan3A_8 step %scan3A_9 iter_args(%scan3A_50 = %scan3A) -> (i32)  : i32 {
      %swap3A_51 = arith.index_cast %scan3A_49 : i32 to index
      %swap3A_52 = arith.constant 0 : index
      %swap3A_53 = tpu.vector_load %arg6[%swap3A_51, %swap3A_52] {strides = array<i32>} : memref<321x64xf32, #tpu.memory_space<vmem>>, vector<1x16xf32>,
      %swap3A_54 = vector.shape_cast %swap3A_53 : vector<1x16xf32> to vector<16xf32>
      %swap3A_55 = vector.shape_cast %broadcast_in_dim3A_3 : vector<16xf32> to vector<1x16xf32>
      tpu.vector_store %arg6[%swap3A_51, %swap3A_52], %swap3A_55 {strides = array<i32>} : memref<321x64xf32, #tpu.memory_space<vmem>>, vector<1x16xf32>,
      %swap3A_56 = arith.index_cast %scan3A_49 : i32 to index
      %swap3A_57 = arith.constant 16 : index
      %swap3A_58 = tpu.vector_load %arg6[%swap3A_56, %swap3A_57] {strides = array<i32>} : memref<321x64xf32, #tpu.memory_space<vmem>>, vector<1x16xf32>,
      %swap3A_59 = vector.shape_cast %swap3A_58 : vector<1x16xf32> to vector<16xf32>
      %swap3A_60 = vector.shape_cast %broadcast_in_dim3A_3 : vector<16xf32> to vector<1x16xf32>
      tpu.vector_store %arg6[%swap3A_56, %swap3A_57], %swap3A_60 {strides = array<i32>} : memref<321x64xf32, #tpu.memory_space<vmem>>, vector<1x16xf32>,
      %swap3A_61 = arith.index_cast %scan3A_49 : i32 to index
      %swap3A_62 = arith.constant 32 : index
      %swap3A_63 = tpu.vector_load %arg6[%swap3A_61, %swap3A_62] {strides = array<i32>} : memref<321x64xf32, #tpu.memory_space<vmem>>, vector<1x16xf32>,
      %swap3A_64 = vector.shape_cast %swap3A_63 : vector<1x16xf32> to vector<16xf32>
      %swap3A_65 = vector.shape_cast %broadcast_in_dim3A_3 : vector<16xf32> to vector<1x16xf32>
      tpu.vector_store %arg6[%swap3A_61, %swap3A_62], %swap3A_65 {strides = array<i32>} : memref<321x64xf32, #tpu.memory_space<vmem>>, vector<1x16xf32>,
      %swap3A_66 = arith.index_cast %scan3A_49 : i32 to index
      %swap3A_67 = arith.constant 48 : index
      %swap3A_68 = tpu.vector_load %arg6[%swap3A_66, %swap3A_67] {strides = array<i32>} : memref<321x64xf32, #tpu.memory_space<vmem>>, vector<1x16xf32>,
      %swap3A_69 = vector.shape_cast %swap3A_68 : vector<1x16xf32> to vector<16xf32>
      %swap3A_70 = vector.shape_cast %broadcast_in_dim3A_3 : vector<16xf32> to vector<1x16xf32>
      tpu.vector_store %arg6[%swap3A_66, %swap3A_67], %swap3A_70 {strides = array<i32>} : memref<321x64xf32, #tpu.memory_space<vmem>>, vector<1x16xf32>,
      %scan3A_71 = arith.constant 0 : i32
      scf.yield %scan3A_71 : i32
    }
    %scan3A_11 = arith.constant 321 : i32
    %broadcast_in_dim3A_12 = arith.constant 16 : i32
    %broadcast_in_dim3A_13 = vector.broadcast %broadcast_in_dim3A_12 : i32 to vector<16xi32>
    %swap3A = arith.constant 16 : index
    %swap3A_14 = tpu.vector_load %arg13[%swap3A] {strides = array<i32>} : memref<192xi32, #tpu.memory_space<vmem>>, vector<16xi32>,
    %swap3A_15 = vector.shape_cast %swap3A_14 : vector<16xi32> to vector<16xi32>
    %swap3A_16 = vector.shape_cast %broadcast_in_dim3A_13 : vector<16xi32> to vector<16xi32>
    tpu.vector_store %arg13[%swap3A], %swap3A_16 {strides = array<i32>} : memref<192xi32, #tpu.memory_space<vmem>>, vector<16xi32>,
    %broadcast_in_dim3A_17 = arith.constant 16 : i32
    %broadcast_in_dim3A_18 = vector.broadcast %broadcast_in_dim3A_17 : i32 to vector<16xi32>
    %swap3A_19 = arith.constant 64 : index
    %swap3A_20 = tpu.vector_load %arg13[%swap3A_19] {strides = array<i32>} : memref<192xi32, #tpu.memory_space<vmem>>, vector<16xi32>,
    %swap3A_21 = vector.shape_cast %swap3A_20 : vector<16xi32> to vector<16xi32>
    %swap3A_22 = vector.shape_cast %broadcast_in_dim3A_18 : vector<16xi32> to vector<16xi32>
    tpu.vector_store %arg13[%swap3A_19], %swap3A_22 {strides = array<i32>} : memref<192xi32, #tpu.memory_space<vmem>>, vector<16xi32>,
    %broadcast_in_dim3A_23 = arith.constant 16 : i32
    %broadcast_in_dim3A_24 = vector.broadcast %broadcast_in_dim3A_23 : i32 to vector<16xi32>
    %swap3A_25 = arith.constant 112 : index
    %swap3A_26 = tpu.vector_load %arg13[%swap3A_25] {strides = array<i32>} : memref<192xi32, #tpu.memory_space<vmem>>, vector<16xi32>,
    %swap3A_27 = vector.shape_cast %swap3A_26 : vector<16xi32> to vector<16xi32>
    %swap3A_28 = vector.shape_cast %broadcast_in_dim3A_24 : vector<16xi32> to vector<16xi32>
    tpu.vector_store %arg13[%swap3A_25], %swap3A_28 {strides = array<i32>} : memref<192xi32, #tpu.memory_space<vmem>>, vector<16xi32>,
    %broadcast_in_dim3A_29 = arith.constant 16 : i32
    %broadcast_in_dim3A_30 = vector.broadcast %broadcast_in_dim3A_29 : i32 to vector<16xi32>
    %swap3A_31 = arith.constant 160 : index
    %swap3A_32 = tpu.vector_load %arg13[%swap3A_31] {strides = array<i32>} : memref<192xi32, #tpu.memory_space<vmem>>, vector<16xi32>,
    %swap3A_33 = vector.shape_cast %swap3A_32 : vector<16xi32> to vector<16xi32>
    %swap3A_34 = vector.shape_cast %broadcast_in_dim3A_30 : vector<16xi32> to vector<16xi32>
    tpu.vector_store %arg13[%swap3A_31], %swap3A_34 {strides = array<i32>} : memref<192xi32, #tpu.memory_space<vmem>>, vector<16xi32>,
    %scan3A_35 = arith.constant 0 : i32
    %scan3A_36 = arith.constant 0 : i32
    %scan3A_37 = arith.constant 125 : i32
    %scan3A_38 = arith.addi %scan3A_36, %scan3A_37 : i32
    %scan3A_39 = arith.constant 1 : i32
    %scan3A_40 = scf.for %scan3A_49 = %scan3A_36 to %scan3A_38 step %scan3A_39 iter_args(%scan3A_50 = %scan3A_35) -> (i32)  : i32 {
      %mul3A_51 = arith.constant 2560 : i32
      %mul3A_52 = arith.muli %scan3A_49, %mul3A_51 : i32
      "tpu.region"() ({
        %run_scoped3A = tpu.sem_alloc : memref<!tpu.dma_semaphore, #tpu.memory_space<semaphore_mem>>
        %dma_start3A = arith.constant 0 : i32
        %dma_start3A_70 = tpu.memref_slice %arg7[%dma_start3A] : memref<2576xi32, #tpu.memory_space<vmem>> -> memref<2560xi32, #tpu.memory_space<vmem>>
        %dma_start3A_71 = tpu.memref_slice %arg3[%mul3A_52] : memref<320000xi32, #tpu.memory_space<hbm>> -> memref<2560xi32, #tpu.memory_space<hbm>>
        %dma_start3A_72 = arith.constant 0 : i32
        %dma_start3A_73 = tpu.memref_slice %arg7[%dma_start3A_72] : memref<2576xi32, #tpu.memory_space<vmem>> -> memref<2560xi32, #tpu.memory_space<vmem>>
        %dma_start3A_74 = tpu.memref_slice %arg3[%mul3A_52] : memref<320000xi32, #tpu.memory_space<hbm>> -> memref<2560xi32, #tpu.memory_space<hbm>>
        tpu.enqueue_dma source(%dma_start3A_74 : memref<2560xi32, #tpu.memory_space<hbm>>) target(%dma_start3A_73 : memref<2560xi32, #tpu.memory_space<vmem>>) target_semaphore(%run_scoped3A : memref<!tpu.dma_semaphore, #tpu.memory_space<semaphore_mem>>)
        %dma_wait3A = arith.constant 0 : i32
        %dma_wait3A_75 = tpu.memref_slice %arg7[%dma_wait3A] : memref<2576xi32, #tpu.memory_space<vmem>> -> memref<2560xi32, #tpu.memory_space<vmem>>
        %dma_wait3A_76 = tpu.memref_slice %arg3[%mul3A_52] : memref<320000xi32, #tpu.memory_space<hbm>> -> memref<2560xi32, #tpu.memory_space<hbm>>
        %dma_wait3A_77 = arith.constant 0 : i32
        %dma_wait3A_78 = tpu.memref_slice %arg7[%dma_wait3A_77] : memref<2576xi32, #tpu.memory_space<vmem>> -> memref<2560xi32, #tpu.memory_space<vmem>>
        %dma_wait3A_79 = tpu.memref_slice %arg3[%mul3A_52] : memref<320000xi32, #tpu.memory_space<hbm>> -> memref<2560xi32, #tpu.memory_space<hbm>>
        tpu.wait_dma2 semaphore(%run_scoped3A : memref<!tpu.dma_semaphore, #tpu.memory_space<semaphore_mem>>) src(%dma_wait3A_79 : memref<2560xi32, #tpu.memory_space<hbm>>) dst(%dma_wait3A_78 : memref<2560xi32, #tpu.memory_space<vmem>>)
        tpu.yield
      }) : () -> ()
      %mul3A_53 = arith.constant 2560 : i32
      %mul3A_54 = arith.muli %scan3A_49, %mul3A_53 : i32
      "tpu.region"() ({
        %run_scoped3A = tpu.sem_alloc : memref<!tpu.dma_semaphore, #tpu.memory_space<semaphore_mem>>
        %dma_start3A = arith.constant 0 : i32
        %dma_start3A_70 = tpu.memref_slice %arg8[%dma_start3A] : memref<2576xi32, #tpu.memory_space<vmem>> -> memref<2560xi32, #tpu.memory_space<vmem>>
        %dma_start3A_71 = tpu.memref_slice %arg4[%mul3A_54] : memref<320000xi32, #tpu.memory_space<hbm>> -> memref<2560xi32, #tpu.memory_space<hbm>>
        %dma_start3A_72 = arith.constant 0 : i32
        %dma_start3A_73 = tpu.memref_slice %arg8[%dma_start3A_72] : memref<2576xi32, #tpu.memory_space<vmem>> -> memref<2560xi32, #tpu.memory_space<vmem>>
        %dma_start3A_74 = tpu.memref_slice %arg4[%mul3A_54] : memref<320000xi32, #tpu.memory_space<hbm>> -> memref<2560xi32, #tpu.memory_space<hbm>>
        tpu.enqueue_dma source(%dma_start3A_74 : memref<2560xi32, #tpu.memory_space<hbm>>) target(%dma_start3A_73 : memref<2560xi32, #tpu.memory_space<vmem>>) target_semaphore(%run_scoped3A : memref<!tpu.dma_semaphore, #tpu.memory_space<semaphore_mem>>)
        %dma_wait3A = arith.constant 0 : i32
        %dma_wait3A_75 = tpu.memref_slice %arg8[%dma_wait3A] : memref<2576xi32, #tpu.memory_space<vmem>> -> memref<2560xi32, #tpu.memory_space<vmem>>
        %dma_wait3A_76 = tpu.memref_slice %arg4[%mul3A_54] : memref<320000xi32, #tpu.memory_space<hbm>> -> memref<2560xi32, #tpu.memory_space<hbm>>
        %dma_wait3A_77 = arith.constant 0 : i32
        %dma_wait3A_78 = tpu.memref_slice %arg8[%dma_wait3A_77] : memref<2576xi32, #tpu.memory_space<vmem>> -> memref<2560xi32, #tpu.memory_space<vmem>>
        %dma_wait3A_79 = tpu.memref_slice %arg4[%mul3A_54] : memref<320000xi32, #tpu.memory_space<hbm>> -> memref<2560xi32, #tpu.memory_space<hbm>>
        tpu.wait_dma2 semaphore(%run_scoped3A : memref<!tpu.dma_semaphore, #tpu.memory_space<semaphore_mem>>) src(%dma_wait3A_79 : memref<2560xi32, #tpu.memory_space<hbm>>) dst(%dma_wait3A_78 : memref<2560xi32, #tpu.memory_space<vmem>>)
        tpu.yield
      }) : () -> ()
      %scan3A_55 = arith.constant 0 : i32
      %scan3A_56 = arith.constant 0 : i32
      %scan3A_57 = arith.constant 40 : i32
      %scan3A_58 = arith.addi %scan3A_56, %scan3A_57 : i32
      %scan3A_59 = arith.constant 1 : i32
      %scan3A_60 = scf.for %scan3A_70 = %scan3A_56 to %scan3A_58 step %scan3A_59 iter_args(%scan3A_71 = %scan3A_55) -> (i32)  : i32 {
        %mul3A_72 = arith.constant 4 : i32
        %mul3A_73 = arith.muli %scan3A_70, %mul3A_72 : i32
        %add3A_74 = arith.constant 0 : i32
        %add3A_75 = arith.addi %mul3A_73, %add3A_74 : i32
        %mul3A_76 = arith.constant 16 : i32
        %mul3A_77 = arith.muli %add3A_75, %mul3A_76 : i32
        %get3A = arith.index_cast %mul3A_77 : i32 to index
        %get3A_78 = tpu.vector_load %arg8[%get3A] {strides = array<i32>} : memref<2576xi32, #tpu.memory_space<vmem>>, vector<16xi32>,
        %get3A_79 = vector.shape_cast %get3A_78 : vector<16xi32> to vector<16xi32>
        %sub3A = vector.broadcast %mul3A_2 : i32 to vector<16xi32>
        %sub3A_80 = arith.subi %get3A_79, %sub3A : vector<16xi32>
        %ge3A = arith.constant 0 : i32
        %ge3A_81 = vector.broadcast %ge3A : i32 to vector<16xi32>
        %ge3A_82 = arith.cmpi sge, %sub3A_80, %ge3A_81 : vector<16xi32>
        %lt3A = arith.constant 320 : i32
        %lt3A_83 = vector.broadcast %lt3A : i32 to vector<16xi32>
        %lt3A_84 = arith.cmpi slt, %sub3A_80, %lt3A_83 : vector<16xi32>
        %and3A = arith.andi %ge3A_82, %lt3A_84 : vector<16xi1>
        %jit3A = arith.constant 320 : i32
        %broadcast_in_dim3A_85 = vector.broadcast %jit3A : i32 to vector<16xi32>
        %select_n3A = arith.select %and3A, %sub3A_80, %broadcast_in_dim3A_85 : vector<16xi1>, vector<16xi32>
        %swap3A_86 = arith.index_cast %mul3A_77 : i32 to index
        %swap3A_87 = tpu.vector_load %arg9[%swap3A_86] {strides = array<i32>} : memref<2576xi32, #tpu.memory_space<vmem>>, vector<16xi32>,
        %swap3A_88 = vector.shape_cast %swap3A_87 : vector<16xi32> to vector<16xi32>
        %swap3A_89 = vector.shape_cast %select_n3A : vector<16xi32> to vector<16xi32>
        tpu.vector_store %arg9[%swap3A_86], %swap3A_89 {strides = array<i32>} : memref<2576xi32, #tpu.memory_space<vmem>>, vector<16xi32>,
        %get3A_90 = arith.index_cast %mul3A_77 : i32 to index
        %get3A_91 = tpu.vector_load %arg7[%get3A_90] {strides = array<i32>} : memref<2576xi32, #tpu.memory_space<vmem>>, vector<16xi32>,
        %get3A_92 = vector.shape_cast %get3A_91 : vector<16xi32> to vector<16xi32>
        %mul3A_93 = arith.constant 64 : i32
        %mul3A_94 = vector.broadcast %mul3A_93 : i32 to vector<16xi32>
        %mul3A_95 = arith.muli %get3A_92, %mul3A_94 : vector<16xi32>
        %swap3A_96 = arith.index_cast %mul3A_77 : i32 to index
        %swap3A_97 = tpu.vector_load %arg11[%swap3A_96] {strides = array<i32>} : memref<2576xi32, #tpu.memory_space<vmem>>, vector<16xi32>,
        %swap3A_98 = vector.shape_cast %swap3A_97 : vector<16xi32> to vector<16xi32>
        %swap3A_99 = vector.shape_cast %mul3A_95 : vector<16xi32> to vector<16xi32>
        tpu.vector_store %arg11[%swap3A_96], %swap3A_99 {strides = array<i32>} : memref<2576xi32, #tpu.memory_space<vmem>>, vector<16xi32>,
        %jit3A_100 = arith.constant 16 : i32
        %broadcast_in_dim3A_101 = vector.broadcast %jit3A_100 : i32 to vector<16xi32>
        %select_n3A_102 = arith.select %and3A, %iota3A, %broadcast_in_dim3A_101 : vector<16xi1>, vector<16xi32>
        %swap3A_103 = arith.constant 0 : index
        %swap3A_104 = tpu.vector_load %arg13[%swap3A_103] {strides = array<i32>} : memref<192xi32, #tpu.memory_space<vmem>>, vector<16xi32>,
        %swap3A_105 = vector.shape_cast %swap3A_104 : vector<16xi32> to vector<16xi32>
        %swap3A_106 = vector.shape_cast %select_n3A_102 : vector<16xi32> to vector<16xi32>
        tpu.vector_store %arg13[%swap3A_103], %swap3A_106 {strides = array<i32>} : memref<192xi32, #tpu.memory_space<vmem>>, vector<16xi32>,
        %mul3A_107 = arith.constant 4 : i32
        %mul3A_108 = arith.muli %scan3A_70, %mul3A_107 : i32
        %add3A_109 = arith.constant 1 : i32
        %add3A_110 = arith.addi %mul3A_108, %add3A_109 : i32
        %mul3A_111 = arith.constant 16 : i32
        %mul3A_112 = arith.muli %add3A_110, %mul3A_111 : i32
        %get3A_113 = arith.index_cast %mul3A_112 : i32 to index
        %get3A_114 = tpu.vector_load %arg8[%get3A_113] {strides = array<i32>} : memref<2576xi32, #tpu.memory_space<vmem>>, vector<16xi32>,
        %get3A_115 = vector.shape_cast %get3A_114 : vector<16xi32> to vector<16xi32>
        %sub3A_116 = vector.broadcast %mul3A_2 : i32 to vector<16xi32>
        %sub3A_117 = arith.subi %get3A_115, %sub3A_116 : vector<16xi32>
        %ge3A_118 = arith.constant 0 : i32
        %ge3A_119 = vector.broadcast %ge3A_118 : i32 to vector<16xi32>
        %ge3A_120 = arith.cmpi sge, %sub3A_117, %ge3A_119 : vector<16xi32>
        %lt3A_121 = arith.constant 320 : i32
        %lt3A_122 = vector.broadcast %lt3A_121 : i32 to vector<16xi32>
        %lt3A_123 = arith.cmpi slt, %sub3A_117, %lt3A_122 : vector<16xi32>
        %and3A_124 = arith.andi %ge3A_120, %lt3A_123 : vector<16xi1>
        %jit3A_125 = arith.constant 320 : i32
        %broadcast_in_dim3A_126 = vector.broadcast %jit3A_125 : i32 to vector<16xi32>
        %select_n3A_127 = arith.select %and3A_124, %sub3A_117, %broadcast_in_dim3A_126 : vector<16xi1>, vector<16xi32>
        %swap3A_128 = arith.index_cast %mul3A_112 : i32 to index
        %swap3A_129 = tpu.vector_load %arg9[%swap3A_128] {strides = array<i32>} : memref<2576xi32, #tpu.memory_space<vmem>>, vector<16xi32>,
        %swap3A_130 = vector.shape_cast %swap3A_129 : vector<16xi32> to vector<16xi32>
        %swap3A_131 = vector.shape_cast %select_n3A_127 : vector<16xi32> to vector<16xi32>
        tpu.vector_store %arg9[%swap3A_128], %swap3A_131 {strides = array<i32>} : memref<2576xi32, #tpu.memory_space<vmem>>, vector<16xi32>,
        %get3A_132 = arith.index_cast %mul3A_112 : i32 to index
        %get3A_133 = tpu.vector_load %arg7[%get3A_132] {strides = array<i32>} : memref<2576xi32, #tpu.memory_space<vmem>>, vector<16xi32>,
        %get3A_134 = vector.shape_cast %get3A_133 : vector<16xi32> to vector<16xi32>
        %mul3A_135 = arith.constant 64 : i32
        %mul3A_136 = vector.broadcast %mul3A_135 : i32 to vector<16xi32>
        %mul3A_137 = arith.muli %get3A_134, %mul3A_136 : vector<16xi32>
        %swap3A_138 = arith.index_cast %mul3A_112 : i32 to index
        %swap3A_139 = tpu.vector_load %arg11[%swap3A_138] {strides = array<i32>} : memref<2576xi32, #tpu.memory_space<vmem>>, vector<16xi32>,
        %swap3A_140 = vector.shape_cast %swap3A_139 : vector<16xi32> to vector<16xi32>
        %swap3A_141 = vector.shape_cast %mul3A_137 : vector<16xi32> to vector<16xi32>
        tpu.vector_store %arg11[%swap3A_138], %swap3A_141 {strides = array<i32>} : memref<2576xi32, #tpu.memory_space<vmem>>, vector<16xi32>,
        %jit3A_142 = arith.constant 16 : i32
        %broadcast_in_dim3A_143 = vector.broadcast %jit3A_142 : i32 to vector<16xi32>
        %select_n3A_144 = arith.select %and3A_124, %iota3A, %broadcast_in_dim3A_143 : vector<16xi1>, vector<16xi32>
        %swap3A_145 = arith.constant 48 : index
        %swap3A_146 = tpu.vector_load %arg13[%swap3A_145] {strides = array<i32>} : memref<192xi32, #tpu.memory_space<vmem>>, vector<16xi32>,
        %swap3A_147 = vector.shape_cast %swap3A_146 : vector<16xi32> to vector<16xi32>
        %swap3A_148 = vector.shape_cast %select_n3A_144 : vector<16xi32> to vector<16xi32>
        tpu.vector_store %arg13[%swap3A_145], %swap3A_148 {strides = array<i32>} : memref<192xi32, #tpu.memory_space<vmem>>, vector<16xi32>,
        %mul3A_149 = arith.constant 4 : i32
        %mul3A_150 = arith.muli %scan3A_70, %mul3A_149 : i32
        %add3A_151 = arith.constant 2 : i32
        %add3A_152 = arith.addi %mul3A_150, %add3A_151 : i32
        %mul3A_153 = arith.constant 16 : i32
        %mul3A_154 = arith.muli %add3A_152, %mul3A_153 : i32
        %get3A_155 = arith.index_cast %mul3A_154 : i32 to index
        %get3A_156 = tpu.vector_load %arg8[%get3A_155] {strides = array<i32>} : memref<2576xi32, #tpu.memory_space<vmem>>, vector<16xi32>,
        %get3A_157 = vector.shape_cast %get3A_156 : vector<16xi32> to vector<16xi32>
        %sub3A_158 = vector.broadcast %mul3A_2 : i32 to vector<16xi32>
        %sub3A_159 = arith.subi %get3A_157, %sub3A_158 : vector<16xi32>
        %ge3A_160 = arith.constant 0 : i32
        %ge3A_161 = vector.broadcast %ge3A_160 : i32 to vector<16xi32>
        %ge3A_162 = arith.cmpi sge, %sub3A_159, %ge3A_161 : vector<16xi32>
        %lt3A_163 = arith.constant 320 : i32
        %lt3A_164 = vector.broadcast %lt3A_163 : i32 to vector<16xi32>
        %lt3A_165 = arith.cmpi slt, %sub3A_159, %lt3A_164 : vector<16xi32>
        %and3A_166 = arith.andi %ge3A_162, %lt3A_165 : vector<16xi1>
        %jit3A_167 = arith.constant 320 : i32
        %broadcast_in_dim3A_168 = vector.broadcast %jit3A_167 : i32 to vector<16xi32>
        %select_n3A_169 = arith.select %and3A_166, %sub3A_159, %broadcast_in_dim3A_168 : vector<16xi1>, vector<16xi32>
        %swap3A_170 = arith.index_cast %mul3A_154 : i32 to index
        %swap3A_171 = tpu.vector_load %arg9[%swap3A_170] {strides = array<i32>} : memref<2576xi32, #tpu.memory_space<vmem>>, vector<16xi32>,
        %swap3A_172 = vector.shape_cast %swap3A_171 : vector<16xi32> to vector<16xi32>
        %swap3A_173 = vector.shape_cast %select_n3A_169 : vector<16xi32> to vector<16xi32>
        tpu.vector_store %arg9[%swap3A_170], %swap3A_173 {strides = array<i32>} : memref<2576xi32, #tpu.memory_space<vmem>>, vector<16xi32>,
        %get3A_174 = arith.index_cast %mul3A_154 : i32 to index
        %get3A_175 = tpu.vector_load %arg7[%get3A_174] {strides = array<i32>} : memref<2576xi32, #tpu.memory_space<vmem>>, vector<16xi32>,
        %get3A_176 = vector.shape_cast %get3A_175 : vector<16xi32> to vector<16xi32>
        %mul3A_177 = arith.constant 64 : i32
        %mul3A_178 = vector.broadcast %mul3A_177 : i32 to vector<16xi32>
        %mul3A_179 = arith.muli %get3A_176, %mul3A_178 : vector<16xi32>
        %swap3A_180 = arith.index_cast %mul3A_154 : i32 to index
        %swap3A_181 = tpu.vector_load %arg11[%swap3A_180] {strides = array<i32>} : memref<2576xi32, #tpu.memory_space<vmem>>, vector<16xi32>,
        %swap3A_182 = vector.shape_cast %swap3A_181 : vector<16xi32> to vector<16xi32>
        %swap3A_183 = vector.shape_cast %mul3A_179 : vector<16xi32> to vector<16xi32>
        tpu.vector_store %arg11[%swap3A_180], %swap3A_183 {strides = array<i32>} : memref<2576xi32, #tpu.memory_space<vmem>>, vector<16xi32>,
        %jit3A_184 = arith.constant 16 : i32
        %broadcast_in_dim3A_185 = vector.broadcast %jit3A_184 : i32 to vector<16xi32>
        %select_n3A_186 = arith.select %and3A_166, %iota3A, %broadcast_in_dim3A_185 : vector<16xi1>, vector<16xi32>
        %swap3A_187 = arith.constant 96 : index
        %swap3A_188 = tpu.vector_load %arg13[%swap3A_187] {strides = array<i32>} : memref<192xi32, #tpu.memory_space<vmem>>, vector<16xi32>,
        %swap3A_189 = vector.shape_cast %swap3A_188 : vector<16xi32> to vector<16xi32>
        %swap3A_190 = vector.shape_cast %select_n3A_186 : vector<16xi32> to vector<16xi32>
        tpu.vector_store %arg13[%swap3A_187], %swap3A_190 {strides = array<i32>} : memref<192xi32, #tpu.memory_space<vmem>>, vector<16xi32>,
        %mul3A_191 = arith.constant 4 : i32
        %mul3A_192 = arith.muli %scan3A_70, %mul3A_191 : i32
        %add3A_193 = arith.constant 3 : i32
        %add3A_194 = arith.addi %mul3A_192, %add3A_193 : i32
        %mul3A_195 = arith.constant 16 : i32
        %mul3A_196 = arith.muli %add3A_194, %mul3A_195 : i32
        %get3A_197 = arith.index_cast %mul3A_196 : i32 to index
        %get3A_198 = tpu.vector_load %arg8[%get3A_197] {strides = array<i32>} : memref<2576xi32, #tpu.memory_space<vmem>>, vector<16xi32>,
        %get3A_199 = vector.shape_cast %get3A_198 : vector<16xi32> to vector<16xi32>
        %sub3A_200 = vector.broadcast %mul3A_2 : i32 to vector<16xi32>
        %sub3A_201 = arith.subi %get3A_199, %sub3A_200 : vector<16xi32>
        %ge3A_202 = arith.constant 0 : i32
        %ge3A_203 = vector.broadcast %ge3A_202 : i32 to vector<16xi32>
        %ge3A_204 = arith.cmpi sge, %sub3A_201, %ge3A_203 : vector<16xi32>
        %lt3A_205 = arith.constant 320 : i32
        %lt3A_206 = vector.broadcast %lt3A_205 : i32 to vector<16xi32>
        %lt3A_207 = arith.cmpi slt, %sub3A_201, %lt3A_206 : vector<16xi32>
        %and3A_208 = arith.andi %ge3A_204, %lt3A_207 : vector<16xi1>
        %jit3A_209 = arith.constant 320 : i32
        %broadcast_in_dim3A_210 = vector.broadcast %jit3A_209 : i32 to vector<16xi32>
        %select_n3A_211 = arith.select %and3A_208, %sub3A_201, %broadcast_in_dim3A_210 : vector<16xi1>, vector<16xi32>
        %swap3A_212 = arith.index_cast %mul3A_196 : i32 to index
        %swap3A_213 = tpu.vector_load %arg9[%swap3A_212] {strides = array<i32>} : memref<2576xi32, #tpu.memory_space<vmem>>, vector<16xi32>,
        %swap3A_214 = vector.shape_cast %swap3A_213 : vector<16xi32> to vector<16xi32>
        %swap3A_215 = vector.shape_cast %select_n3A_211 : vector<16xi32> to vector<16xi32>
        tpu.vector_store %arg9[%swap3A_212], %swap3A_215 {strides = array<i32>} : memref<2576xi32, #tpu.memory_space<vmem>>, vector<16xi32>,
        %get3A_216 = arith.index_cast %mul3A_196 : i32 to index
        %get3A_217 = tpu.vector_load %arg7[%get3A_216] {strides = array<i32>} : memref<2576xi32, #tpu.memory_space<vmem>>, vector<16xi32>,
        %get3A_218 = vector.shape_cast %get3A_217 : vector<16xi32> to vector<16xi32>
        %mul3A_219 = arith.constant 64 : i32
        %mul3A_220 = vector.broadcast %mul3A_219 : i32 to vector<16xi32>
        %mul3A_221 = arith.muli %get3A_218, %mul3A_220 : vector<16xi32>
        %swap3A_222 = arith.index_cast %mul3A_196 : i32 to index
        %swap3A_223 = tpu.vector_load %arg11[%swap3A_222] {strides = array<i32>} : memref<2576xi32, #tpu.memory_space<vmem>>, vector<16xi32>,
        %swap3A_224 = vector.shape_cast %swap3A_223 : vector<16xi32> to vector<16xi32>
        %swap3A_225 = vector.shape_cast %mul3A_221 : vector<16xi32> to vector<16xi32>
        tpu.vector_store %arg11[%swap3A_222], %swap3A_225 {strides = array<i32>} : memref<2576xi32, #tpu.memory_space<vmem>>, vector<16xi32>,
        %jit3A_226 = arith.constant 16 : i32
        %broadcast_in_dim3A_227 = vector.broadcast %jit3A_226 : i32 to vector<16xi32>
        %select_n3A_228 = arith.select %and3A_208, %iota3A, %broadcast_in_dim3A_227 : vector<16xi1>, vector<16xi32>
        %swap3A_229 = arith.constant 144 : index
        %swap3A_230 = tpu.vector_load %arg13[%swap3A_229] {strides = array<i32>} : memref<192xi32, #tpu.memory_space<vmem>>, vector<16xi32>,
        %swap3A_231 = vector.shape_cast %swap3A_230 : vector<16xi32> to vector<16xi32>
        %swap3A_232 = vector.shape_cast %select_n3A_228 : vector<16xi32> to vector<16xi32>
        tpu.vector_store %arg13[%swap3A_229], %swap3A_232 {strides = array<i32>} : memref<192xi32, #tpu.memory_space<vmem>>, vector<16xi32>,
        %get3A_233 = arith.constant 0 : index
        %get3A_234 = tpu.vector_load %arg13[%get3A_233] {strides = array<i32>} : memref<192xi32, #tpu.memory_space<vmem>>, vector<16xi32>,
        %get3A_235 = vector.shape_cast %get3A_234 : vector<16xi32> to vector<16xi32>
        %get3A_236 = arith.constant 1 : index
        %get3A_237 = tpu.vector_load %arg13[%get3A_236] {strides = array<i32>} : memref<192xi32, #tpu.memory_space<vmem>>, vector<16xi32>,
        %get3A_238 = vector.shape_cast %get3A_237 : vector<16xi32> to vector<16xi32>
        %min3A = arith.minsi %get3A_235, %get3A_238 : vector<16xi32>
        %swap3A_239 = arith.constant 0 : index
        %swap3A_240 = tpu.vector_load %arg13[%swap3A_239] {strides = array<i32>} : memref<192xi32, #tpu.memory_space<vmem>>, vector<16xi32>,
        %swap3A_241 = vector.shape_cast %swap3A_240 : vector<16xi32> to vector<16xi32>
        %swap3A_242 = vector.shape_cast %min3A : vector<16xi32> to vector<16xi32>
        tpu.vector_store %arg13[%swap3A_239], %swap3A_242 {strides = array<i32>} : memref<192xi32, #tpu.memory_space<vmem>>, vector<16xi32>,
        %get3A_243 = arith.constant 48 : index
        %get3A_244 = tpu.vector_load %arg13[%get3A_243] {strides = array<i32>} : memref<192xi32, #tpu.memory_space<vmem>>, vector<16xi32>,
        %get3A_245 = vector.shape_cast %get3A_244 : vector<16xi32> to vector<16xi32>
        %get3A_246 = arith.constant 49 : index
        %get3A_247 = tpu.vector_load %arg13[%get3A_246] {strides = array<i32>} : memref<192xi32, #tpu.memory_space<vmem>>, vector<16xi32>,
        %get3A_248 = vector.shape_cast %get3A_247 : vector<16xi32> to vector<16xi32>
        %min3A_249 = arith.minsi %get3A_245, %get3A_248 : vector<16xi32>
        %swap3A_250 = arith.constant 48 : index
        %swap3A_251 = tpu.vector_load %arg13[%swap3A_250] {strides = array<i32>} : memref<192xi32, #tpu.memory_space<vmem>>, vector<16xi32>,
        %swap3A_252 = vector.shape_cast %swap3A_251 : vector<16xi32> to vector<16xi32>
        %swap3A_253 = vector.shape_cast %min3A_249 : vector<16xi32> to vector<16xi32>
        tpu.vector_store %arg13[%swap3A_250], %swap3A_253 {strides = array<i32>} : memref<192xi32, #tpu.memory_space<vmem>>, vector<16xi32>,
        %get3A_254 = arith.constant 96 : index
        %get3A_255 = tpu.vector_load %arg13[%get3A_254] {strides = array<i32>} : memref<192xi32, #tpu.memory_space<vmem>>, vector<16xi32>,
        %get3A_256 = vector.shape_cast %get3A_255 : vector<16xi32> to vector<16xi32>
        %get3A_257 = arith.constant 97 : index
        %get3A_258 = tpu.vector_load %arg13[%get3A_257] {strides = array<i32>} : memref<192xi32, #tpu.memory_space<vmem>>, vector<16xi32>,
        %get3A_259 = vector.shape_cast %get3A_258 : vector<16xi32> to vector<16xi32>
        %min3A_260 = arith.minsi %get3A_256, %get3A_259 : vector<16xi32>
        %swap3A_261 = arith.constant 96 : index
        %swap3A_262 = tpu.vector_load %arg13[%swap3A_261] {strides = array<i32>} : memref<192xi32, #tpu.memory_space<vmem>>, vector<16xi32>,
        %swap3A_263 = vector.shape_cast %swap3A_262 : vector<16xi32> to vector<16xi32>
        %swap3A_264 = vector.shape_cast %min3A_260 : vector<16xi32> to vector<16xi32>
        tpu.vector_store %arg13[%swap3A_261], %swap3A_264 {strides = array<i32>} : memref<192xi32, #tpu.memory_space<vmem>>, vector<16xi32>,
        %get3A_265 = arith.constant 144 : index
        %get3A_266 = tpu.vector_load %arg13[%get3A_265] {strides = array<i32>} : memref<192xi32, #tpu.memory_space<vmem>>, vector<16xi32>,
        %get3A_267 = vector.shape_cast %get3A_266 : vector<16xi32> to vector<16xi32>
        %get3A_268 = arith.constant 145 : index
        %get3A_269 = tpu.vector_load %arg13[%get3A_268] {strides = array<i32>} : memref<192xi32, #tpu.memory_space<vmem>>, vector<16xi32>,
        %get3A_270 = vector.shape_cast %get3A_269 : vector<16xi32> to vector<16xi32>
        %min3A_271 = arith.minsi %get3A_267, %get3A_270 : vector<16xi32>
        %swap3A_272 = arith.constant 144 : index
        %swap3A_273 = tpu.vector_load %arg13[%swap3A_272] {strides = array<i32>} : memref<192xi32, #tpu.memory_space<vmem>>, vector<16xi32>,
        %swap3A_274 = vector.shape_cast %swap3A_273 : vector<16xi32> to vector<16xi32>
        %swap3A_275 = vector.shape_cast %min3A_271 : vector<16xi32> to vector<16xi32>
        tpu.vector_store %arg13[%swap3A_272], %swap3A_275 {strides = array<i32>} : memref<192xi32, #tpu.memory_space<vmem>>, vector<16xi32>,
        %get3A_276 = arith.constant 0 : index
        %get3A_277 = tpu.vector_load %arg13[%get3A_276] {strides = array<i32>} : memref<192xi32, #tpu.memory_space<vmem>>, vector<16xi32>,
        %get3A_278 = vector.shape_cast %get3A_277 : vector<16xi32> to vector<16xi32>
        %get3A_279 = arith.constant 2 : index
        %get3A_280 = tpu.vector_load %arg13[%get3A_279] {strides = array<i32>} : memref<192xi32, #tpu.memory_space<vmem>>, vector<16xi32>,
        %get3A_281 = vector.shape_cast %get3A_280 : vector<16xi32> to vector<16xi32>
        %min3A_282 = arith.minsi %get3A_278, %get3A_281 : vector<16xi32>
        %swap3A_283 = arith.constant 0 : index
        %swap3A_284 = tpu.vector_load %arg13[%swap3A_283] {strides = array<i32>} : memref<192xi32, #tpu.memory_space<vmem>>, vector<16xi32>,
        %swap3A_285 = vector.shape_cast %swap3A_284 : vector<16xi32> to vector<16xi32>
        %swap3A_286 = vector.shape_cast %min3A_282 : vector<16xi32> to vector<16xi32>
        tpu.vector_store %arg13[%swap3A_283], %swap3A_286 {strides = array<i32>} : memref<192xi32, #tpu.memory_space<vmem>>, vector<16xi32>,
        %get3A_287 = arith.constant 48 : index
        %get3A_288 = tpu.vector_load %arg13[%get3A_287] {strides = array<i32>} : memref<192xi32, #tpu.memory_space<vmem>>, vector<16xi32>,
        %get3A_289 = vector.shape_cast %get3A_288 : vector<16xi32> to vector<16xi32>
        %get3A_290 = arith.constant 50 : index
        %get3A_291 = tpu.vector_load %arg13[%get3A_290] {strides = array<i32>} : memref<192xi32, #tpu.memory_space<vmem>>, vector<16xi32>,
        %get3A_292 = vector.shape_cast %get3A_291 : vector<16xi32> to vector<16xi32>
        %min3A_293 = arith.minsi %get3A_289, %get3A_292 : vector<16xi32>
        %swap3A_294 = arith.constant 48 : index
        %swap3A_295 = tpu.vector_load %arg13[%swap3A_294] {strides = array<i32>} : memref<192xi32, #tpu.memory_space<vmem>>, vector<16xi32>,
        %swap3A_296 = vector.shape_cast %swap3A_295 : vector<16xi32> to vector<16xi32>
        %swap3A_297 = vector.shape_cast %min3A_293 : vector<16xi32> to vector<16xi32>
        tpu.vector_store %arg13[%swap3A_294], %swap3A_297 {strides = array<i32>} : memref<192xi32, #tpu.memory_space<vmem>>, vector<16xi32>,
        %get3A_298 = arith.constant 96 : index
        %get3A_299 = tpu.vector_load %arg13[%get3A_298] {strides = array<i32>} : memref<192xi32, #tpu.memory_space<vmem>>, vector<16xi32>,
        %get3A_300 = vector.shape_cast %get3A_299 : vector<16xi32> to vector<16xi32>
        %get3A_301 = arith.constant 98 : index
        %get3A_302 = tpu.vector_load %arg13[%get3A_301] {strides = array<i32>} : memref<192xi32, #tpu.memory_space<vmem>>, vector<16xi32>,
        %get3A_303 = vector.shape_cast %get3A_302 : vector<16xi32> to vector<16xi32>
        %min3A_304 = arith.minsi %get3A_300, %get3A_303 : vector<16xi32>
        %swap3A_305 = arith.constant 96 : index
        %swap3A_306 = tpu.vector_load %arg13[%swap3A_305] {strides = array<i32>} : memref<192xi32, #tpu.memory_space<vmem>>, vector<16xi32>,
        %swap3A_307 = vector.shape_cast %swap3A_306 : vector<16xi32> to vector<16xi32>
        %swap3A_308 = vector.shape_cast %min3A_304 : vector<16xi32> to vector<16xi32>
        tpu.vector_store %arg13[%swap3A_305], %swap3A_308 {strides = array<i32>} : memref<192xi32, #tpu.memory_space<vmem>>, vector<16xi32>,
        %get3A_309 = arith.constant 144 : index
        %get3A_310 = tpu.vector_load %arg13[%get3A_309] {strides = array<i32>} : memref<192xi32, #tpu.memory_space<vmem>>, vector<16xi32>,
        %get3A_311 = vector.shape_cast %get3A_310 : vector<16xi32> to vector<16xi32>
        %get3A_312 = arith.constant 146 : index
        %get3A_313 = tpu.vector_load %arg13[%get3A_312] {strides = array<i32>} : memref<192xi32, #tpu.memory_space<vmem>>, vector<16xi32>,
        %get3A_314 = vector.shape_cast %get3A_313 : vector<16xi32> to vector<16xi32>
        %min3A_315 = arith.minsi %get3A_311, %get3A_314 : vector<16xi32>
        %swap3A_316 = arith.constant 144 : index
        %swap3A_317 = tpu.vector_load %arg13[%swap3A_316] {strides = array<i32>} : memref<192xi32, #tpu.memory_space<vmem>>, vector<16xi32>,
        %swap3A_318 = vector.shape_cast %swap3A_317 : vector<16xi32> to vector<16xi32>
        %swap3A_319 = vector.shape_cast %min3A_315 : vector<16xi32> to vector<16xi32>
        tpu.vector_store %arg13[%swap3A_316], %swap3A_319 {strides = array<i32>} : memref<192xi32, #tpu.memory_space<vmem>>, vector<16xi32>,
        %get3A_320 = arith.constant 0 : index
        %get3A_321 = tpu.vector_load %arg13[%get3A_320] {strides = array<i32>} : memref<192xi32, #tpu.memory_space<vmem>>, vector<16xi32>,
        %get3A_322 = vector.shape_cast %get3A_321 : vector<16xi32> to vector<16xi32>
        %get3A_323 = arith.constant 4 : index
        %get3A_324 = tpu.vector_load %arg13[%get3A_323] {strides = array<i32>} : memref<192xi32, #tpu.memory_space<vmem>>, vector<16xi32>,
        %get3A_325 = vector.shape_cast %get3A_324 : vector<16xi32> to vector<16xi32>
        %min3A_326 = arith.minsi %get3A_322, %get3A_325 : vector<16xi32>
        %swap3A_327 = arith.constant 0 : index
        %swap3A_328 = tpu.vector_load %arg13[%swap3A_327] {strides = array<i32>} : memref<192xi32, #tpu.memory_space<vmem>>, vector<16xi32>,
        %swap3A_329 = vector.shape_cast %swap3A_328 : vector<16xi32> to vector<16xi32>
        %swap3A_330 = vector.shape_cast %min3A_326 : vector<16xi32> to vector<16xi32>
        tpu.vector_store %arg13[%swap3A_327], %swap3A_330 {strides = array<i32>} : memref<192xi32, #tpu.memory_space<vmem>>, vector<16xi32>,
        %get3A_331 = arith.constant 48 : index
        %get3A_332 = tpu.vector_load %arg13[%get3A_331] {strides = array<i32>} : memref<192xi32, #tpu.memory_space<vmem>>, vector<16xi32>,
        %get3A_333 = vector.shape_cast %get3A_332 : vector<16xi32> to vector<16xi32>
        %get3A_334 = arith.constant 52 : index
        %get3A_335 = tpu.vector_load %arg13[%get3A_334] {strides = array<i32>} : memref<192xi32, #tpu.memory_space<vmem>>, vector<16xi32>,
        %get3A_336 = vector.shape_cast %get3A_335 : vector<16xi32> to vector<16xi32>
        %min3A_337 = arith.minsi %get3A_333, %get3A_336 : vector<16xi32>
        %swap3A_338 = arith.constant 48 : index
        %swap3A_339 = tpu.vector_load %arg13[%swap3A_338] {strides = array<i32>} : memref<192xi32, #tpu.memory_space<vmem>>, vector<16xi32>,
        %swap3A_340 = vector.shape_cast %swap3A_339 : vector<16xi32> to vector<16xi32>
        %swap3A_341 = vector.shape_cast %min3A_337 : vector<16xi32> to vector<16xi32>
        tpu.vector_store %arg13[%swap3A_338], %swap3A_341 {strides = array<i32>} : memref<192xi32, #tpu.memory_space<vmem>>, vector<16xi32>,
        %get3A_342 = arith.constant 96 : index
        %get3A_343 = tpu.vector_load %arg13[%get3A_342] {strides = array<i32>} : memref<192xi32, #tpu.memory_space<vmem>>, vector<16xi32>,
        %get3A_344 = vector.shape_cast %get3A_343 : vector<16xi32> to vector<16xi32>
        %get3A_345 = arith.constant 100 : index
        %get3A_346 = tpu.vector_load %arg13[%get3A_345] {strides = array<i32>} : memref<192xi32, #tpu.memory_space<vmem>>, vector<16xi32>,
        %get3A_347 = vector.shape_cast %get3A_346 : vector<16xi32> to vector<16xi32>
        %min3A_348 = arith.minsi %get3A_344, %get3A_347 : vector<16xi32>
        %swap3A_349 = arith.constant 96 : index
        %swap3A_350 = tpu.vector_load %arg13[%swap3A_349] {strides = array<i32>} : memref<192xi32, #tpu.memory_space<vmem>>, vector<16xi32>,
        %swap3A_351 = vector.shape_cast %swap3A_350 : vector<16xi32> to vector<16xi32>
        %swap3A_352 = vector.shape_cast %min3A_348 : vector<16xi32> to vector<16xi32>
        tpu.vector_store %arg13[%swap3A_349], %swap3A_352 {strides = array<i32>} : memref<192xi32, #tpu.memory_space<vmem>>, vector<16xi32>,
        %get3A_353 = arith.constant 144 : index
        %get3A_354 = tpu.vector_load %arg13[%get3A_353] {strides = array<i32>} : memref<192xi32, #tpu.memory_space<vmem>>, vector<16xi32>,
        %get3A_355 = vector.shape_cast %get3A_354 : vector<16xi32> to vector<16xi32>
        %get3A_356 = arith.constant 148 : index
        %get3A_357 = tpu.vector_load %arg13[%get3A_356] {strides = array<i32>} : memref<192xi32, #tpu.memory_space<vmem>>, vector<16xi32>,
        %get3A_358 = vector.shape_cast %get3A_357 : vector<16xi32> to vector<16xi32>
        %min3A_359 = arith.minsi %get3A_355, %get3A_358 : vector<16xi32>
        %swap3A_360 = arith.constant 144 : index
        %swap3A_361 = tpu.vector_load %arg13[%swap3A_360] {strides = array<i32>} : memref<192xi32, #tpu.memory_space<vmem>>, vector<16xi32>,
        %swap3A_362 = vector.shape_cast %swap3A_361 : vector<16xi32> to vector<16xi32>
        %swap3A_363 = vector.shape_cast %min3A_359 : vector<16xi32> to vector<16xi32>
        tpu.vector_store %arg13[%swap3A_360], %swap3A_363 {strides = array<i32>} : memref<192xi32, #tpu.memory_space<vmem>>, vector<16xi32>,
        %get3A_364 = arith.constant 0 : index
        %get3A_365 = tpu.vector_load %arg13[%get3A_364] {strides = array<i32>} : memref<192xi32, #tpu.memory_space<vmem>>, vector<16xi32>,
        %get3A_366 = vector.shape_cast %get3A_365 : vector<16xi32> to vector<16xi32>
        %get3A_367 = arith.constant 8 : index
        %get3A_368 = tpu.vector_load %arg13[%get3A_367] {strides = array<i32>} : memref<192xi32, #tpu.memory_space<vmem>>, vector<16xi32>,
        %get3A_369 = vector.shape_cast %get3A_368 : vector<16xi32> to vector<16xi32>
        %min3A_370 = arith.minsi %get3A_366, %get3A_369 : vector<16xi32>
        %swap3A_371 = arith.constant 0 : index
        %swap3A_372 = tpu.vector_load %arg13[%swap3A_371] {strides = array<i32>} : memref<192xi32, #tpu.memory_space<vmem>>, vector<16xi32>,
        %swap3A_373 = vector.shape_cast %swap3A_372 : vector<16xi32> to vector<16xi32>
        %swap3A_374 = vector.shape_cast %min3A_370 : vector<16xi32> to vector<16xi32>
        tpu.vector_store %arg13[%swap3A_371], %swap3A_374 {strides = array<i32>} : memref<192xi32, #tpu.memory_space<vmem>>, vector<16xi32>,
        %get3A_375 = arith.constant 48 : index
        %get3A_376 = tpu.vector_load %arg13[%get3A_375] {strides = array<i32>} : memref<192xi32, #tpu.memory_space<vmem>>, vector<16xi32>,
        %get3A_377 = vector.shape_cast %get3A_376 : vector<16xi32> to vector<16xi32>
        %get3A_378 = arith.constant 56 : index
        %get3A_379 = tpu.vector_load %arg13[%get3A_378] {strides = array<i32>} : memref<192xi32, #tpu.memory_space<vmem>>, vector<16xi32>,
        %get3A_380 = vector.shape_cast %get3A_379 : vector<16xi32> to vector<16xi32>
        %min3A_381 = arith.minsi %get3A_377, %get3A_380 : vector<16xi32>
        %swap3A_382 = arith.constant 48 : index
        %swap3A_383 = tpu.vector_load %arg13[%swap3A_382] {strides = array<i32>} : memref<192xi32, #tpu.memory_space<vmem>>, vector<16xi32>,
        %swap3A_384 = vector.shape_cast %swap3A_383 : vector<16xi32> to vector<16xi32>
        %swap3A_385 = vector.shape_cast %min3A_381 : vector<16xi32> to vector<16xi32>
        tpu.vector_store %arg13[%swap3A_382], %swap3A_385 {strides = array<i32>} : memref<192xi32, #tpu.memory_space<vmem>>, vector<16xi32>,
        %get3A_386 = arith.constant 96 : index
        %get3A_387 = tpu.vector_load %arg13[%get3A_386] {strides = array<i32>} : memref<192xi32, #tpu.memory_space<vmem>>, vector<16xi32>,
        %get3A_388 = vector.shape_cast %get3A_387 : vector<16xi32> to vector<16xi32>
        %get3A_389 = arith.constant 104 : index
        %get3A_390 = tpu.vector_load %arg13[%get3A_389] {strides = array<i32>} : memref<192xi32, #tpu.memory_space<vmem>>, vector<16xi32>,
        %get3A_391 = vector.shape_cast %get3A_390 : vector<16xi32> to vector<16xi32>
        %min3A_392 = arith.minsi %get3A_388, %get3A_391 : vector<16xi32>
        %swap3A_393 = arith.constant 96 : index
        %swap3A_394 = tpu.vector_load %arg13[%swap3A_393] {strides = array<i32>} : memref<192xi32, #tpu.memory_space<vmem>>, vector<16xi32>,
        %swap3A_395 = vector.shape_cast %swap3A_394 : vector<16xi32> to vector<16xi32>
        %swap3A_396 = vector.shape_cast %min3A_392 : vector<16xi32> to vector<16xi32>
        tpu.vector_store %arg13[%swap3A_393], %swap3A_396 {strides = array<i32>} : memref<192xi32, #tpu.memory_space<vmem>>, vector<16xi32>,
        %get3A_397 = arith.constant 144 : index
        %get3A_398 = tpu.vector_load %arg13[%get3A_397] {strides = array<i32>} : memref<192xi32, #tpu.memory_space<vmem>>, vector<16xi32>,
        %get3A_399 = vector.shape_cast %get3A_398 : vector<16xi32> to vector<16xi32>
        %get3A_400 = arith.constant 152 : index
        %get3A_401 = tpu.vector_load %arg13[%get3A_400] {strides = array<i32>} : memref<192xi32, #tpu.memory_space<vmem>>, vector<16xi32>,
        %get3A_402 = vector.shape_cast %get3A_401 : vector<16xi32> to vector<16xi32>
        %min3A_403 = arith.minsi %get3A_399, %get3A_402 : vector<16xi32>
        %swap3A_404 = arith.constant 144 : index
        %swap3A_405 = tpu.vector_load %arg13[%swap3A_404] {strides = array<i32>} : memref<192xi32, #tpu.memory_space<vmem>>, vector<16xi32>,
        %swap3A_406 = vector.shape_cast %swap3A_405 : vector<16xi32> to vector<16xi32>
        %swap3A_407 = vector.shape_cast %min3A_403 : vector<16xi32> to vector<16xi32>
        tpu.vector_store %arg13[%swap3A_404], %swap3A_407 {strides = array<i32>} : memref<192xi32, #tpu.memory_space<vmem>>, vector<16xi32>,
        %mul3A_408 = arith.constant 4 : i32
        %mul3A_409 = arith.muli %scan3A_70, %mul3A_408 : i32
        %add3A_410 = arith.constant 0 : i32
        %add3A_411 = arith.addi %mul3A_409, %add3A_410 : i32
        %mul3A_412 = arith.constant 16 : i32
        %mul3A_413 = arith.muli %add3A_411, %mul3A_412 : i32
        %get3A_414 = arith.constant 0 : index
        %get3A_415 = tpu.vector_load %arg13[%get3A_414] {strides = array<i32>} : memref<192xi32, #tpu.memory_space<vmem>>, vector<16xi32>,
        %get3A_416 = vector.shape_cast %get3A_415 : vector<16xi32> to vector<16xi32>
        %swap3A_417 = arith.index_cast %mul3A_413 : i32 to index
        %swap3A_418 = tpu.vector_load %arg10[%swap3A_417] {strides = array<i32>} : memref<2576xi32, #tpu.memory_space<vmem>>, vector<16xi32>,
        %swap3A_419 = vector.shape_cast %swap3A_418 : vector<16xi32> to vector<16xi32>
        %swap3A_420 = vector.shape_cast %get3A_416 : vector<16xi32> to vector<16xi32>
        tpu.vector_store %arg10[%swap3A_417], %swap3A_420 {strides = array<i32>} : memref<2576xi32, #tpu.memory_space<vmem>>, vector<16xi32>,
        %mul3A_421 = arith.constant 4 : i32
        %mul3A_422 = arith.muli %scan3A_70, %mul3A_421 : i32
        %add3A_423 = arith.constant 1 : i32
        %add3A_424 = arith.addi %mul3A_422, %add3A_423 : i32
        %mul3A_425 = arith.constant 16 : i32
        %mul3A_426 = arith.muli %add3A_424, %mul3A_425 : i32
        %get3A_427 = arith.constant 48 : index
        %get3A_428 = tpu.vector_load %arg13[%get3A_427] {strides = array<i32>} : memref<192xi32, #tpu.memory_space<vmem>>, vector<16xi32>,
        %get3A_429 = vector.shape_cast %get3A_428 : vector<16xi32> to vector<16xi32>
        %swap3A_430 = arith.index_cast %mul3A_426 : i32 to index
        %swap3A_431 = tpu.vector_load %arg10[%swap3A_430] {strides = array<i32>} : memref<2576xi32, #tpu.memory_space<vmem>>, vector<16xi32>,
        %swap3A_432 = vector.shape_cast %swap3A_431 : vector<16xi32> to vector<16xi32>
        %swap3A_433 = vector.shape_cast %get3A_429 : vector<16xi32> to vector<16xi32>
        tpu.vector_store %arg10[%swap3A_430], %swap3A_433 {strides = array<i32>} : memref<2576xi32, #tpu.memory_space<vmem>>, vector<16xi32>,
        %mul3A_434 = arith.constant 4 : i32
        %mul3A_435 = arith.muli %scan3A_70, %mul3A_434 : i32
        %add3A_436 = arith.constant 2 : i32
        %add3A_437 = arith.addi %mul3A_435, %add3A_436 : i32
        %mul3A_438 = arith.constant 16 : i32
        %mul3A_439 = arith.muli %add3A_437, %mul3A_438 : i32
        %get3A_440 = arith.constant 96 : index
        %get3A_441 = tpu.vector_load %arg13[%get3A_440] {strides = array<i32>} : memref<192xi32, #tpu.memory_space<vmem>>, vector<16xi32>,
        %get3A_442 = vector.shape_cast %get3A_441 : vector<16xi32> to vector<16xi32>
        %swap3A_443 = arith.index_cast %mul3A_439 : i32 to index
        %swap3A_444 = tpu.vector_load %arg10[%swap3A_443] {strides = array<i32>} : memref<2576xi32, #tpu.memory_space<vmem>>, vector<16xi32>,
        %swap3A_445 = vector.shape_cast %swap3A_444 : vector<16xi32> to vector<16xi32>
        %swap3A_446 = vector.shape_cast %get3A_442 : vector<16xi32> to vector<16xi32>
        tpu.vector_store %arg10[%swap3A_443], %swap3A_446 {strides = array<i32>} : memref<2576xi32, #tpu.memory_space<vmem>>, vector<16xi32>,
        %mul3A_447 = arith.constant 4 : i32
        %mul3A_448 = arith.muli %scan3A_70, %mul3A_447 : i32
        %add3A_449 = arith.constant 3 : i32
        %add3A_450 = arith.addi %mul3A_448, %add3A_449 : i32
        %mul3A_451 = arith.constant 16 : i32
        %mul3A_452 = arith.muli %add3A_450, %mul3A_451 : i32
        %get3A_453 = arith.constant 144 : index
        %get3A_454 = tpu.vector_load %arg13[%get3A_453] {strides = array<i32>} : memref<192xi32, #tpu.memory_space<vmem>>, vector<16xi32>,
        %get3A_455 = vector.shape_cast %get3A_454 : vector<16xi32> to vector<16xi32>
        %swap3A_456 = arith.index_cast %mul3A_452 : i32 to index
        %swap3A_457 = tpu.vector_load %arg10[%swap3A_456] {strides = array<i32>} : memref<2576xi32, #tpu.memory_space<vmem>>, vector<16xi32>,
        %swap3A_458 = vector.shape_cast %swap3A_457 : vector<16xi32> to vector<16xi32>
        %swap3A_459 = vector.shape_cast %get3A_455 : vector<16xi32> to vector<16xi32>
        tpu.vector_store %arg10[%swap3A_456], %swap3A_459 {strides = array<i32>} : memref<2576xi32, #tpu.memory_space<vmem>>, vector<16xi32>,
        %scan3A_460 = arith.constant 0 : i32
        scf.yield %scan3A_460 : i32
      }
      %scan3A_61 = arith.constant 40 : i32
      %scan3A_62 = arith.constant 0 : i32
      %scan3A_63 = arith.constant 0 : i32
      %scan3A_64 = arith.constant 160 : i32
      %scan3A_65 = arith.addi %scan3A_63, %scan3A_64 : i32
      %scan3A_66 = arith.constant 1 : i32
      %scan3A_67 = scf.for %scan3A_70 = %scan3A_63 to %scan3A_65 step %scan3A_66 iter_args(%scan3A_71 = %scan3A_62) -> (i32)  : i32 {
        %mul3A_72 = arith.constant 16 : i32
        %mul3A_73 = arith.muli %scan3A_70, %mul3A_72 : i32
        %get3A = arith.index_cast %mul3A_73 : i32 to index
        %get3A_74 = tpu.vector_load %arg10[%get3A] {strides = array<i32>} : memref<2576xi32, #tpu.memory_space<vmem>>, vector<16xi32>,
        %get3A_75 = vector.shape_cast %get3A_74 : vector<16xi32> to vector<16xi32>
        %slice3A = vector.extract_strided_slice %get3A_75 {offsets = [0], sizes = [1], strides = [1]} : vector<16xi32> to vector<1xi32>
        %squeeze3A = vector.extract %slice3A[0] : i32 from vector<1xi32>
        %lt3A = arith.constant 16 : i32
        %lt3A_76 = arith.cmpi slt, %squeeze3A, %lt3A : i32
        %convert_element_type3A_77 = arith.extui %lt3A_76 : i1 to i32
        %cond3A_78 = arith.constant 0 : i32
        %cond3A_79 = arith.cmpi ne, %convert_element_type3A_77, %cond3A_78 : i32
        scf.if %cond3A_79 {
          %get3A_81 = arith.index_cast %mul3A_73 : i32 to index
          %get3A_82 = tpu.vector_load %arg9[%get3A_81] {strides = array<i32>} : memref<2576xi32, #tpu.memory_space<vmem>>, vector<16xi32>,
          %get3A_83 = vector.shape_cast %get3A_82 : vector<16xi32> to vector<16xi32>
          %get3A_84 = arith.index_cast %mul3A_73 : i32 to index
          %get3A_85 = tpu.vector_load %arg11[%get3A_84] {strides = array<i32>} : memref<2576xi32, #tpu.memory_space<vmem>>, vector<16xi32>,
          %get3A_86 = vector.shape_cast %get3A_85 : vector<16xi32> to vector<16xi32>
          %slice3A_87 = vector.extract_strided_slice %get3A_83 {offsets = [0], sizes = [1], strides = [1]} : vector<16xi32> to vector<1xi32>
          %squeeze3A_88 = vector.extract %slice3A_87[0] : i32 from vector<1xi32>
          %slice3A_89 = vector.extract_strided_slice %get3A_86 {offsets = [0], sizes = [1], strides = [1]} : vector<16xi32> to vector<1xi32>
          %squeeze3A_90 = vector.extract %slice3A_89[0] : i32 from vector<1xi32>
          %lt3A_91 = arith.constant 320 : i32
          %lt3A_92 = arith.cmpi slt, %squeeze3A_88, %lt3A_91 : i32
          %convert_element_type3A_93 = arith.extui %lt3A_92 : i1 to i32
          %cond3A_94 = arith.constant 0 : i32
          %cond3A_95 = arith.cmpi ne, %convert_element_type3A_93, %cond3A_94 : i32
          scf.if %cond3A_95 {
            %multiple_of3A = tpu.assume_multiple %squeeze3A_90, 8 : i32
            "tpu.region"() ({
              %run_scoped3A = tpu.sem_alloc : memref<!tpu.dma_semaphore, #tpu.memory_space<semaphore_mem>>
              %dma_start3A = tpu.memref_slice %arg14[%multiple_of3A] : memref<655360xf32, #tpu.memory_space<vmem_shared>> -> memref<64xf32, #tpu.memory_space<vmem_shared>>
              %dma_start3A_282 = tpu.memref_slice %arg14[%multiple_of3A] : memref<655360xf32, #tpu.memory_space<vmem_shared>> -> memref<64xf32, #tpu.memory_space<vmem_shared>>
              tpu.enqueue_dma source(%dma_start3A_282 : memref<64xf32, #tpu.memory_space<vmem_shared>>) target(%arg12 : memref<64xf32, #tpu.memory_space<vmem>>) target_semaphore(%run_scoped3A : memref<!tpu.dma_semaphore, #tpu.memory_space<semaphore_mem>>)
              %dma_wait3A = tpu.memref_slice %arg14[%multiple_of3A] : memref<655360xf32, #tpu.memory_space<vmem_shared>> -> memref<64xf32, #tpu.memory_space<vmem_shared>>
              %dma_wait3A_283 = tpu.memref_slice %arg14[%multiple_of3A] : memref<655360xf32, #tpu.memory_space<vmem_shared>> -> memref<64xf32, #tpu.memory_space<vmem_shared>>
              tpu.wait_dma2 semaphore(%run_scoped3A : memref<!tpu.dma_semaphore, #tpu.memory_space<semaphore_mem>>) src(%dma_wait3A_283 : memref<64xf32, #tpu.memory_space<vmem_shared>>) dst(%arg12 : memref<64xf32, #tpu.memory_space<vmem>>)
              tpu.yield
            }) : () -> ()
            %get3A_231 = arith.index_cast %squeeze3A_88 : i32 to index
            %get3A_232 = arith.constant 0 : index
            %get3A_233 = tpu.vector_load %arg6[%get3A_231, %get3A_232] {strides = array<i32>} : memref<321x64xf32, #tpu.memory_space<vmem>>, vector<1x16xf32>,
            %get3A_234 = vector.shape_cast %get3A_233 : vector<1x16xf32> to vector<16xf32>
            %get3A_235 = arith.constant 0 : index
            %get3A_236 = tpu.vector_load %arg12[%get3A_235] {strides = array<i32>} : memref<64xf32, #tpu.memory_space<vmem>>, vector<16xf32>,
            %get3A_237 = vector.shape_cast %get3A_236 : vector<16xf32> to vector<16xf32>
            %max3A = arith.maximumf %get3A_234, %get3A_237 : vector<16xf32>
            %swap3A_238 = arith.index_cast %squeeze3A_88 : i32 to index
            %swap3A_239 = arith.constant 0 : index
            %swap3A_240 = tpu.vector_load %arg6[%swap3A_238, %swap3A_239] {strides = array<i32>} : memref<321x64xf32, #tpu.memory_space<vmem>>, vector<1x16xf32>,
            %swap3A_241 = vector.shape_cast %swap3A_240 : vector<1x16xf32> to vector<16xf32>
            %swap3A_242 = vector.shape_cast %max3A : vector<16xf32> to vector<1x16xf32>
            tpu.vector_store %arg6[%swap3A_238, %swap3A_239], %swap3A_242 {strides = array<i32>} : memref<321x64xf32, #tpu.memory_space<vmem>>, vector<1x16xf32>,
            %get3A_243 = arith.index_cast %squeeze3A_88 : i32 to index
            %get3A_244 = arith.constant 16 : index
            %get3A_245 = tpu.vector_load %arg6[%get3A_243, %get3A_244] {strides = array<i32>} : memref<321x64xf32, #tpu.memory_space<vmem>>, vector<1x16xf32>,
            %get3A_246 = vector.shape_cast %get3A_245 : vector<1x16xf32> to vector<16xf32>
            %get3A_247 = arith.constant 16 : index
            %get3A_248 = tpu.vector_load %arg12[%get3A_247] {strides = array<i32>} : memref<64xf32, #tpu.memory_space<vmem>>, vector<16xf32>,
            %get3A_249 = vector.shape_cast %get3A_248 : vector<16xf32> to vector<16xf32>
            %max3A_250 = arith.maximumf %get3A_246, %get3A_249 : vector<16xf32>
            %swap3A_251 = arith.index_cast %squeeze3A_88 : i32 to index
            %swap3A_252 = arith.constant 16 : index
            %swap3A_253 = tpu.vector_load %arg6[%swap3A_251, %swap3A_252] {strides = array<i32>} : memref<321x64xf32, #tpu.memory_space<vmem>>, vector<1x16xf32>,
            %swap3A_254 = vector.shape_cast %swap3A_253 : vector<1x16xf32> to vector<16xf32>
            %swap3A_255 = vector.shape_cast %max3A_250 : vector<16xf32> to vector<1x16xf32>
            tpu.vector_store %arg6[%swap3A_251, %swap3A_252], %swap3A_255 {strides = array<i32>} : memref<321x64xf32, #tpu.memory_space<vmem>>, vector<1x16xf32>,
            %get3A_256 = arith.index_cast %squeeze3A_88 : i32 to index
            %get3A_257 = arith.constant 32 : index
            %get3A_258 = tpu.vector_load %arg6[%get3A_256, %get3A_257] {strides = array<i32>} : memref<321x64xf32, #tpu.memory_space<vmem>>, vector<1x16xf32>,
            %get3A_259 = vector.shape_cast %get3A_258 : vector<1x16xf32> to vector<16xf32>
            %get3A_260 = arith.constant 32 : index
            %get3A_261 = tpu.vector_load %arg12[%get3A_260] {strides = array<i32>} : memref<64xf32, #tpu.memory_space<vmem>>, vector<16xf32>,
            %get3A_262 = vector.shape_cast %get3A_261 : vector<16xf32> to vector<16xf32>
            %max3A_263 = arith.maximumf %get3A_259, %get3A_262 : vector<16xf32>
            %swap3A_264 = arith.index_cast %squeeze3A_88 : i32 to index
            %swap3A_265 = arith.constant 32 : index
            %swap3A_266 = tpu.vector_load %arg6[%swap3A_264, %swap3A_265] {strides = array<i32>} : memref<321x64xf32, #tpu.memory_space<vmem>>, vector<1x16xf32>,
            %swap3A_267 = vector.shape_cast %swap3A_266 : vector<1x16xf32> to vector<16xf32>
            %swap3A_268 = vector.shape_cast %max3A_263 : vector<16xf32> to vector<1x16xf32>
            tpu.vector_store %arg6[%swap3A_264, %swap3A_265], %swap3A_268 {strides = array<i32>} : memref<321x64xf32, #tpu.memory_space<vmem>>, vector<1x16xf32>,
            %get3A_269 = arith.index_cast %squeeze3A_88 : i32 to index
            %get3A_270 = arith.constant 48 : index
            %get3A_271 = tpu.vector_load %arg6[%get3A_269, %get3A_270] {strides = array<i32>} : memref<321x64xf32, #tpu.memory_space<vmem>>, vector<1x16xf32>,
            %get3A_272 = vector.shape_cast %get3A_271 : vector<1x16xf32> to vector<16xf32>
            %get3A_273 = arith.constant 48 : index
            %get3A_274 = tpu.vector_load %arg12[%get3A_273] {strides = array<i32>} : memref<64xf32, #tpu.memory_space<vmem>>, vector<16xf32>,
            %get3A_275 = vector.shape_cast %get3A_274 : vector<16xf32> to vector<16xf32>
            %max3A_276 = arith.maximumf %get3A_272, %get3A_275 : vector<16xf32>
            %swap3A_277 = arith.index_cast %squeeze3A_88 : i32 to index
            %swap3A_278 = arith.constant 48 : index
            %swap3A_279 = tpu.vector_load %arg6[%swap3A_277, %swap3A_278] {strides = array<i32>} : memref<321x64xf32, #tpu.memory_space<vmem>>, vector<1x16xf32>,
            %swap3A_280 = vector.shape_cast %swap3A_279 : vector<1x16xf32> to vector<16xf32>
            %swap3A_281 = vector.shape_cast %max3A_276 : vector<16xf32> to vector<1x16xf32>
            tpu.vector_store %arg6[%swap3A_277, %swap3A_278], %swap3A_281 {strides = array<i32>} : memref<321x64xf32, #tpu.memory_space<vmem>>, vector<1x16xf32>,
          } else {
          }
          %slice3A_96 = vector.extract_strided_slice %get3A_83 {offsets = [1], sizes = [1], strides = [1]} : vector<16xi32> to vector<1xi32>
          %squeeze3A_97 = vector.extract %slice3A_96[0] : i32 from vector<1xi32>
          %slice3A_98 = vector.extract_strided_slice %get3A_86 {offsets = [1], sizes = [1], strides = [1]} : vector<16xi32> to vector<1xi32>
          %squeeze3A_99 = vector.extract %slice3A_98[0] : i32 from vector<1xi32>
          %lt3A_100 = arith.constant 320 : i32
          %lt3A_101 = arith.cmpi slt, %squeeze3A_97, %lt3A_100 : i32
          %convert_element_type3A_102 = arith.extui %lt3A_101 : i1 to i32
          %cond3A_103 = arith.constant 0 : i32
          %cond3A_104 = arith.cmpi ne, %convert_element_type3A_102, %cond3A_103 : i32
          scf.if %cond3A_104 {
            %multiple_of3A = tpu.assume_multiple %squeeze3A_99, 8 : i32
            "tpu.region"() ({
              %run_scoped3A = tpu.sem_alloc : memref<!tpu.dma_semaphore, #tpu.memory_space<semaphore_mem>>
              %dma_start3A = tpu.memref_slice %arg14[%multiple_of3A] : memref<655360xf32, #tpu.memory_space<vmem_shared>> -> memref<64xf32, #tpu.memory_space<vmem_shared>>
              %dma_start3A_282 = tpu.memref_slice %arg14[%multiple_of3A] : memref<655360xf32, #tpu.memory_space<vmem_shared>> -> memref<64xf32, #tpu.memory_space<vmem_shared>>
              tpu.enqueue_dma source(%dma_start3A_282 : memref<64xf32, #tpu.memory_space<vmem_shared>>) target(%arg12 : memref<64xf32, #tpu.memory_space<vmem>>) target_semaphore(%run_scoped3A : memref<!tpu.dma_semaphore, #tpu.memory_space<semaphore_mem>>)
              %dma_wait3A = tpu.memref_slice %arg14[%multiple_of3A] : memref<655360xf32, #tpu.memory_space<vmem_shared>> -> memref<64xf32, #tpu.memory_space<vmem_shared>>
              %dma_wait3A_283 = tpu.memref_slice %arg14[%multiple_of3A] : memref<655360xf32, #tpu.memory_space<vmem_shared>> -> memref<64xf32, #tpu.memory_space<vmem_shared>>
              tpu.wait_dma2 semaphore(%run_scoped3A : memref<!tpu.dma_semaphore, #tpu.memory_space<semaphore_mem>>) src(%dma_wait3A_283 : memref<64xf32, #tpu.memory_space<vmem_shared>>) dst(%arg12 : memref<64xf32, #tpu.memory_space<vmem>>)
              tpu.yield
            }) : () -> ()
            %get3A_231 = arith.index_cast %squeeze3A_97 : i32 to index
            %get3A_232 = arith.constant 0 : index
            %get3A_233 = tpu.vector_load %arg6[%get3A_231, %get3A_232] {strides = array<i32>} : memref<321x64xf32, #tpu.memory_space<vmem>>, vector<1x16xf32>,
            %get3A_234 = vector.shape_cast %get3A_233 : vector<1x16xf32> to vector<16xf32>
            %get3A_235 = arith.constant 0 : index
            %get3A_236 = tpu.vector_load %arg12[%get3A_235] {strides = array<i32>} : memref<64xf32, #tpu.memory_space<vmem>>, vector<16xf32>,
            %get3A_237 = vector.shape_cast %get3A_236 : vector<16xf32> to vector<16xf32>
            %max3A = arith.maximumf %get3A_234, %get3A_237 : vector<16xf32>
            %swap3A_238 = arith.index_cast %squeeze3A_97 : i32 to index
            %swap3A_239 = arith.constant 0 : index
            %swap3A_240 = tpu.vector_load %arg6[%swap3A_238, %swap3A_239] {strides = array<i32>} : memref<321x64xf32, #tpu.memory_space<vmem>>, vector<1x16xf32>,
            %swap3A_241 = vector.shape_cast %swap3A_240 : vector<1x16xf32> to vector<16xf32>
            %swap3A_242 = vector.shape_cast %max3A : vector<16xf32> to vector<1x16xf32>
            tpu.vector_store %arg6[%swap3A_238, %swap3A_239], %swap3A_242 {strides = array<i32>} : memref<321x64xf32, #tpu.memory_space<vmem>>, vector<1x16xf32>,
            %get3A_243 = arith.index_cast %squeeze3A_97 : i32 to index
            %get3A_244 = arith.constant 16 : index
            %get3A_245 = tpu.vector_load %arg6[%get3A_243, %get3A_244] {strides = array<i32>} : memref<321x64xf32, #tpu.memory_space<vmem>>, vector<1x16xf32>,
            %get3A_246 = vector.shape_cast %get3A_245 : vector<1x16xf32> to vector<16xf32>
            %get3A_247 = arith.constant 16 : index
            %get3A_248 = tpu.vector_load %arg12[%get3A_247] {strides = array<i32>} : memref<64xf32, #tpu.memory_space<vmem>>, vector<16xf32>,
            %get3A_249 = vector.shape_cast %get3A_248 : vector<16xf32> to vector<16xf32>
            %max3A_250 = arith.maximumf %get3A_246, %get3A_249 : vector<16xf32>
            %swap3A_251 = arith.index_cast %squeeze3A_97 : i32 to index
            %swap3A_252 = arith.constant 16 : index
            %swap3A_253 = tpu.vector_load %arg6[%swap3A_251, %swap3A_252] {strides = array<i32>} : memref<321x64xf32, #tpu.memory_space<vmem>>, vector<1x16xf32>,
            %swap3A_254 = vector.shape_cast %swap3A_253 : vector<1x16xf32> to vector<16xf32>
            %swap3A_255 = vector.shape_cast %max3A_250 : vector<16xf32> to vector<1x16xf32>
            tpu.vector_store %arg6[%swap3A_251, %swap3A_252], %swap3A_255 {strides = array<i32>} : memref<321x64xf32, #tpu.memory_space<vmem>>, vector<1x16xf32>,
            %get3A_256 = arith.index_cast %squeeze3A_97 : i32 to index
            %get3A_257 = arith.constant 32 : index
            %get3A_258 = tpu.vector_load %arg6[%get3A_256, %get3A_257] {strides = array<i32>} : memref<321x64xf32, #tpu.memory_space<vmem>>, vector<1x16xf32>,
            %get3A_259 = vector.shape_cast %get3A_258 : vector<1x16xf32> to vector<16xf32>
            %get3A_260 = arith.constant 32 : index
            %get3A_261 = tpu.vector_load %arg12[%get3A_260] {strides = array<i32>} : memref<64xf32, #tpu.memory_space<vmem>>, vector<16xf32>,
            %get3A_262 = vector.shape_cast %get3A_261 : vector<16xf32> to vector<16xf32>
            %max3A_263 = arith.maximumf %get3A_259, %get3A_262 : vector<16xf32>
            %swap3A_264 = arith.index_cast %squeeze3A_97 : i32 to index
            %swap3A_265 = arith.constant 32 : index
            %swap3A_266 = tpu.vector_load %arg6[%swap3A_264, %swap3A_265] {strides = array<i32>} : memref<321x64xf32, #tpu.memory_space<vmem>>, vector<1x16xf32>,
            %swap3A_267 = vector.shape_cast %swap3A_266 : vector<1x16xf32> to vector<16xf32>
            %swap3A_268 = vector.shape_cast %max3A_263 : vector<16xf32> to vector<1x16xf32>
            tpu.vector_store %arg6[%swap3A_264, %swap3A_265], %swap3A_268 {strides = array<i32>} : memref<321x64xf32, #tpu.memory_space<vmem>>, vector<1x16xf32>,
            %get3A_269 = arith.index_cast %squeeze3A_97 : i32 to index
            %get3A_270 = arith.constant 48 : index
            %get3A_271 = tpu.vector_load %arg6[%get3A_269, %get3A_270] {strides = array<i32>} : memref<321x64xf32, #tpu.memory_space<vmem>>, vector<1x16xf32>,
            %get3A_272 = vector.shape_cast %get3A_271 : vector<1x16xf32> to vector<16xf32>
            %get3A_273 = arith.constant 48 : index
            %get3A_274 = tpu.vector_load %arg12[%get3A_273] {strides = array<i32>} : memref<64xf32, #tpu.memory_space<vmem>>, vector<16xf32>,
            %get3A_275 = vector.shape_cast %get3A_274 : vector<16xf32> to vector<16xf32>
            %max3A_276 = arith.maximumf %get3A_272, %get3A_275 : vector<16xf32>
            %swap3A_277 = arith.index_cast %squeeze3A_97 : i32 to index
            %swap3A_278 = arith.constant 48 : index
            %swap3A_279 = tpu.vector_load %arg6[%swap3A_277, %swap3A_278] {strides = array<i32>} : memref<321x64xf32, #tpu.memory_space<vmem>>, vector<1x16xf32>,
            %swap3A_280 = vector.shape_cast %swap3A_279 : vector<1x16xf32> to vector<16xf32>
            %swap3A_281 = vector.shape_cast %max3A_276 : vector<16xf32> to vector<1x16xf32>
            tpu.vector_store %arg6[%swap3A_277, %swap3A_278], %swap3A_281 {strides = array<i32>} : memref<321x64xf32, #tpu.memory_space<vmem>>, vector<1x16xf32>,
          } else {
          }
          %slice3A_105 = vector.extract_strided_slice %get3A_83 {offsets = [2], sizes = [1], strides = [1]} : vector<16xi32> to vector<1xi32>
          %squeeze3A_106 = vector.extract %slice3A_105[0] : i32 from vector<1xi32>
          %slice3A_107 = vector.extract_strided_slice %get3A_86 {offsets = [2], sizes = [1], strides = [1]} : vector<16xi32> to vector<1xi32>
          %squeeze3A_108 = vector.extract %slice3A_107[0] : i32 from vector<1xi32>
          %lt3A_109 = arith.constant 320 : i32
          %lt3A_110 = arith.cmpi slt, %squeeze3A_106, %lt3A_109 : i32
          %convert_element_type3A_111 = arith.extui %lt3A_110 : i1 to i32
          %cond3A_112 = arith.constant 0 : i32
          %cond3A_113 = arith.cmpi ne, %convert_element_type3A_111, %cond3A_112 : i32
          scf.if %cond3A_113 {
            %multiple_of3A = tpu.assume_multiple %squeeze3A_108, 8 : i32
            "tpu.region"() ({
              %run_scoped3A = tpu.sem_alloc : memref<!tpu.dma_semaphore, #tpu.memory_space<semaphore_mem>>
              %dma_start3A = tpu.memref_slice %arg14[%multiple_of3A] : memref<655360xf32, #tpu.memory_space<vmem_shared>> -> memref<64xf32, #tpu.memory_space<vmem_shared>>
              %dma_start3A_282 = tpu.memref_slice %arg14[%multiple_of3A] : memref<655360xf32, #tpu.memory_space<vmem_shared>> -> memref<64xf32, #tpu.memory_space<vmem_shared>>
              tpu.enqueue_dma source(%dma_start3A_282 : memref<64xf32, #tpu.memory_space<vmem_shared>>) target(%arg12 : memref<64xf32, #tpu.memory_space<vmem>>) target_semaphore(%run_scoped3A : memref<!tpu.dma_semaphore, #tpu.memory_space<semaphore_mem>>)
              %dma_wait3A = tpu.memref_slice %arg14[%multiple_of3A] : memref<655360xf32, #tpu.memory_space<vmem_shared>> -> memref<64xf32, #tpu.memory_space<vmem_shared>>
              %dma_wait3A_283 = tpu.memref_slice %arg14[%multiple_of3A] : memref<655360xf32, #tpu.memory_space<vmem_shared>> -> memref<64xf32, #tpu.memory_space<vmem_shared>>
              tpu.wait_dma2 semaphore(%run_scoped3A : memref<!tpu.dma_semaphore, #tpu.memory_space<semaphore_mem>>) src(%dma_wait3A_283 : memref<64xf32, #tpu.memory_space<vmem_shared>>) dst(%arg12 : memref<64xf32, #tpu.memory_space<vmem>>)
              tpu.yield
            }) : () -> ()
            %get3A_231 = arith.index_cast %squeeze3A_106 : i32 to index
            %get3A_232 = arith.constant 0 : index
            %get3A_233 = tpu.vector_load %arg6[%get3A_231, %get3A_232] {strides = array<i32>} : memref<321x64xf32, #tpu.memory_space<vmem>>, vector<1x16xf32>,
            %get3A_234 = vector.shape_cast %get3A_233 : vector<1x16xf32> to vector<16xf32>
            %get3A_235 = arith.constant 0 : index
            %get3A_236 = tpu.vector_load %arg12[%get3A_235] {strides = array<i32>} : memref<64xf32, #tpu.memory_space<vmem>>, vector<16xf32>,
            %get3A_237 = vector.shape_cast %get3A_236 : vector<16xf32> to vector<16xf32>
            %max3A = arith.maximumf %get3A_234, %get3A_237 : vector<16xf32>
            %swap3A_238 = arith.index_cast %squeeze3A_106 : i32 to index
            %swap3A_239 = arith.constant 0 : index
            %swap3A_240 = tpu.vector_load %arg6[%swap3A_238, %swap3A_239] {strides = array<i32>} : memref<321x64xf32, #tpu.memory_space<vmem>>, vector<1x16xf32>,
            %swap3A_241 = vector.shape_cast %swap3A_240 : vector<1x16xf32> to vector<16xf32>
            %swap3A_242 = vector.shape_cast %max3A : vector<16xf32> to vector<1x16xf32>
            tpu.vector_store %arg6[%swap3A_238, %swap3A_239], %swap3A_242 {strides = array<i32>} : memref<321x64xf32, #tpu.memory_space<vmem>>, vector<1x16xf32>,
            %get3A_243 = arith.index_cast %squeeze3A_106 : i32 to index
            %get3A_244 = arith.constant 16 : index
            %get3A_245 = tpu.vector_load %arg6[%get3A_243, %get3A_244] {strides = array<i32>} : memref<321x64xf32, #tpu.memory_space<vmem>>, vector<1x16xf32>,
            %get3A_246 = vector.shape_cast %get3A_245 : vector<1x16xf32> to vector<16xf32>
            %get3A_247 = arith.constant 16 : index
            %get3A_248 = tpu.vector_load %arg12[%get3A_247] {strides = array<i32>} : memref<64xf32, #tpu.memory_space<vmem>>, vector<16xf32>,
            %get3A_249 = vector.shape_cast %get3A_248 : vector<16xf32> to vector<16xf32>
            %max3A_250 = arith.maximumf %get3A_246, %get3A_249 : vector<16xf32>
            %swap3A_251 = arith.index_cast %squeeze3A_106 : i32 to index
            %swap3A_252 = arith.constant 16 : index
            %swap3A_253 = tpu.vector_load %arg6[%swap3A_251, %swap3A_252] {strides = array<i32>} : memref<321x64xf32, #tpu.memory_space<vmem>>, vector<1x16xf32>,
            %swap3A_254 = vector.shape_cast %swap3A_253 : vector<1x16xf32> to vector<16xf32>
            %swap3A_255 = vector.shape_cast %max3A_250 : vector<16xf32> to vector<1x16xf32>
            tpu.vector_store %arg6[%swap3A_251, %swap3A_252], %swap3A_255 {strides = array<i32>} : memref<321x64xf32, #tpu.memory_space<vmem>>, vector<1x16xf32>,
            %get3A_256 = arith.index_cast %squeeze3A_106 : i32 to index
            %get3A_257 = arith.constant 32 : index
            %get3A_258 = tpu.vector_load %arg6[%get3A_256, %get3A_257] {strides = array<i32>} : memref<321x64xf32, #tpu.memory_space<vmem>>, vector<1x16xf32>,
            %get3A_259 = vector.shape_cast %get3A_258 : vector<1x16xf32> to vector<16xf32>
            %get3A_260 = arith.constant 32 : index
            %get3A_261 = tpu.vector_load %arg12[%get3A_260] {strides = array<i32>} : memref<64xf32, #tpu.memory_space<vmem>>, vector<16xf32>,
            %get3A_262 = vector.shape_cast %get3A_261 : vector<16xf32> to vector<16xf32>
            %max3A_263 = arith.maximumf %get3A_259, %get3A_262 : vector<16xf32>
            %swap3A_264 = arith.index_cast %squeeze3A_106 : i32 to index
            %swap3A_265 = arith.constant 32 : index
            %swap3A_266 = tpu.vector_load %arg6[%swap3A_264, %swap3A_265] {strides = array<i32>} : memref<321x64xf32, #tpu.memory_space<vmem>>, vector<1x16xf32>,
            %swap3A_267 = vector.shape_cast %swap3A_266 : vector<1x16xf32> to vector<16xf32>
            %swap3A_268 = vector.shape_cast %max3A_263 : vector<16xf32> to vector<1x16xf32>
            tpu.vector_store %arg6[%swap3A_264, %swap3A_265], %swap3A_268 {strides = array<i32>} : memref<321x64xf32, #tpu.memory_space<vmem>>, vector<1x16xf32>,
            %get3A_269 = arith.index_cast %squeeze3A_106 : i32 to index
            %get3A_270 = arith.constant 48 : index
            %get3A_271 = tpu.vector_load %arg6[%get3A_269, %get3A_270] {strides = array<i32>} : memref<321x64xf32, #tpu.memory_space<vmem>>, vector<1x16xf32>,
            %get3A_272 = vector.shape_cast %get3A_271 : vector<1x16xf32> to vector<16xf32>
            %get3A_273 = arith.constant 48 : index
            %get3A_274 = tpu.vector_load %arg12[%get3A_273] {strides = array<i32>} : memref<64xf32, #tpu.memory_space<vmem>>, vector<16xf32>,
            %get3A_275 = vector.shape_cast %get3A_274 : vector<16xf32> to vector<16xf32>
            %max3A_276 = arith.maximumf %get3A_272, %get3A_275 : vector<16xf32>
            %swap3A_277 = arith.index_cast %squeeze3A_106 : i32 to index
            %swap3A_278 = arith.constant 48 : index
            %swap3A_279 = tpu.vector_load %arg6[%swap3A_277, %swap3A_278] {strides = array<i32>} : memref<321x64xf32, #tpu.memory_space<vmem>>, vector<1x16xf32>,
            %swap3A_280 = vector.shape_cast %swap3A_279 : vector<1x16xf32> to vector<16xf32>
            %swap3A_281 = vector.shape_cast %max3A_276 : vector<16xf32> to vector<1x16xf32>
            tpu.vector_store %arg6[%swap3A_277, %swap3A_278], %swap3A_281 {strides = array<i32>} : memref<321x64xf32, #tpu.memory_space<vmem>>, vector<1x16xf32>,
          } else {
          }
          %slice3A_114 = vector.extract_strided_slice %get3A_83 {offsets = [3], sizes = [1], strides = [1]} : vector<16xi32> to vector<1xi32>
          %squeeze3A_115 = vector.extract %slice3A_114[0] : i32 from vector<1xi32>
          %slice3A_116 = vector.extract_strided_slice %get3A_86 {offsets = [3], sizes = [1], strides = [1]} : vector<16xi32> to vector<1xi32>
          %squeeze3A_117 = vector.extract %slice3A_116[0] : i32 from vector<1xi32>
          %lt3A_118 = arith.constant 320 : i32
          %lt3A_119 = arith.cmpi slt, %squeeze3A_115, %lt3A_118 : i32
          %convert_element_type3A_120 = arith.extui %lt3A_119 : i1 to i32
          %cond3A_121 = arith.constant 0 : i32
          %cond3A_122 = arith.cmpi ne, %convert_element_type3A_120, %cond3A_121 : i32
          scf.if %cond3A_122 {
            %multiple_of3A = tpu.assume_multiple %squeeze3A_117, 8 : i32
            "tpu.region"() ({
              %run_scoped3A = tpu.sem_alloc : memref<!tpu.dma_semaphore, #tpu.memory_space<semaphore_mem>>
              %dma_start3A = tpu.memref_slice %arg14[%multiple_of3A] : memref<655360xf32, #tpu.memory_space<vmem_shared>> -> memref<64xf32, #tpu.memory_space<vmem_shared>>
              %dma_start3A_282 = tpu.memref_slice %arg14[%multiple_of3A] : memref<655360xf32, #tpu.memory_space<vmem_shared>> -> memref<64xf32, #tpu.memory_space<vmem_shared>>
              tpu.enqueue_dma source(%dma_start3A_282 : memref<64xf32, #tpu.memory_space<vmem_shared>>) target(%arg12 : memref<64xf32, #tpu.memory_space<vmem>>) target_semaphore(%run_scoped3A : memref<!tpu.dma_semaphore, #tpu.memory_space<semaphore_mem>>)
              %dma_wait3A = tpu.memref_slice %arg14[%multiple_of3A] : memref<655360xf32, #tpu.memory_space<vmem_shared>> -> memref<64xf32, #tpu.memory_space<vmem_shared>>
              %dma_wait3A_283 = tpu.memref_slice %arg14[%multiple_of3A] : memref<655360xf32, #tpu.memory_space<vmem_shared>> -> memref<64xf32, #tpu.memory_space<vmem_shared>>
              tpu.wait_dma2 semaphore(%run_scoped3A : memref<!tpu.dma_semaphore, #tpu.memory_space<semaphore_mem>>) src(%dma_wait3A_283 : memref<64xf32, #tpu.memory_space<vmem_shared>>) dst(%arg12 : memref<64xf32, #tpu.memory_space<vmem>>)
              tpu.yield
            }) : () -> ()
            %get3A_231 = arith.index_cast %squeeze3A_115 : i32 to index
            %get3A_232 = arith.constant 0 : index
            %get3A_233 = tpu.vector_load %arg6[%get3A_231, %get3A_232] {strides = array<i32>} : memref<321x64xf32, #tpu.memory_space<vmem>>, vector<1x16xf32>,
            %get3A_234 = vector.shape_cast %get3A_233 : vector<1x16xf32> to vector<16xf32>
            %get3A_235 = arith.constant 0 : index
            %get3A_236 = tpu.vector_load %arg12[%get3A_235] {strides = array<i32>} : memref<64xf32, #tpu.memory_space<vmem>>, vector<16xf32>,
            %get3A_237 = vector.shape_cast %get3A_236 : vector<16xf32> to vector<16xf32>
            %max3A = arith.maximumf %get3A_234, %get3A_237 : vector<16xf32>
            %swap3A_238 = arith.index_cast %squeeze3A_115 : i32 to index
            %swap3A_239 = arith.constant 0 : index
            %swap3A_240 = tpu.vector_load %arg6[%swap3A_238, %swap3A_239] {strides = array<i32>} : memref<321x64xf32, #tpu.memory_space<vmem>>, vector<1x16xf32>,
            %swap3A_241 = vector.shape_cast %swap3A_240 : vector<1x16xf32> to vector<16xf32>
            %swap3A_242 = vector.shape_cast %max3A : vector<16xf32> to vector<1x16xf32>
            tpu.vector_store %arg6[%swap3A_238, %swap3A_239], %swap3A_242 {strides = array<i32>} : memref<321x64xf32, #tpu.memory_space<vmem>>, vector<1x16xf32>,
            %get3A_243 = arith.index_cast %squeeze3A_115 : i32 to index
            %get3A_244 = arith.constant 16 : index
            %get3A_245 = tpu.vector_load %arg6[%get3A_243, %get3A_244] {strides = array<i32>} : memref<321x64xf32, #tpu.memory_space<vmem>>, vector<1x16xf32>,
            %get3A_246 = vector.shape_cast %get3A_245 : vector<1x16xf32> to vector<16xf32>
            %get3A_247 = arith.constant 16 : index
            %get3A_248 = tpu.vector_load %arg12[%get3A_247] {strides = array<i32>} : memref<64xf32, #tpu.memory_space<vmem>>, vector<16xf32>,
            %get3A_249 = vector.shape_cast %get3A_248 : vector<16xf32> to vector<16xf32>
            %max3A_250 = arith.maximumf %get3A_246, %get3A_249 : vector<16xf32>
            %swap3A_251 = arith.index_cast %squeeze3A_115 : i32 to index
            %swap3A_252 = arith.constant 16 : index
            %swap3A_253 = tpu.vector_load %arg6[%swap3A_251, %swap3A_252] {strides = array<i32>} : memref<321x64xf32, #tpu.memory_space<vmem>>, vector<1x16xf32>,
            %swap3A_254 = vector.shape_cast %swap3A_253 : vector<1x16xf32> to vector<16xf32>
            %swap3A_255 = vector.shape_cast %max3A_250 : vector<16xf32> to vector<1x16xf32>
            tpu.vector_store %arg6[%swap3A_251, %swap3A_252], %swap3A_255 {strides = array<i32>} : memref<321x64xf32, #tpu.memory_space<vmem>>, vector<1x16xf32>,
            %get3A_256 = arith.index_cast %squeeze3A_115 : i32 to index
            %get3A_257 = arith.constant 32 : index
            %get3A_258 = tpu.vector_load %arg6[%get3A_256, %get3A_257] {strides = array<i32>} : memref<321x64xf32, #tpu.memory_space<vmem>>, vector<1x16xf32>,
            %get3A_259 = vector.shape_cast %get3A_258 : vector<1x16xf32> to vector<16xf32>
            %get3A_260 = arith.constant 32 : index
            %get3A_261 = tpu.vector_load %arg12[%get3A_260] {strides = array<i32>} : memref<64xf32, #tpu.memory_space<vmem>>, vector<16xf32>,
            %get3A_262 = vector.shape_cast %get3A_261 : vector<16xf32> to vector<16xf32>
            %max3A_263 = arith.maximumf %get3A_259, %get3A_262 : vector<16xf32>
            %swap3A_264 = arith.index_cast %squeeze3A_115 : i32 to index
            %swap3A_265 = arith.constant 32 : index
            %swap3A_266 = tpu.vector_load %arg6[%swap3A_264, %swap3A_265] {strides = array<i32>} : memref<321x64xf32, #tpu.memory_space<vmem>>, vector<1x16xf32>,
            %swap3A_267 = vector.shape_cast %swap3A_266 : vector<1x16xf32> to vector<16xf32>
            %swap3A_268 = vector.shape_cast %max3A_263 : vector<16xf32> to vector<1x16xf32>
            tpu.vector_store %arg6[%swap3A_264, %swap3A_265], %swap3A_268 {strides = array<i32>} : memref<321x64xf32, #tpu.memory_space<vmem>>, vector<1x16xf32>,
            %get3A_269 = arith.index_cast %squeeze3A_115 : i32 to index
            %get3A_270 = arith.constant 48 : index
            %get3A_271 = tpu.vector_load %arg6[%get3A_269, %get3A_270] {strides = array<i32>} : memref<321x64xf32, #tpu.memory_space<vmem>>, vector<1x16xf32>,
            %get3A_272 = vector.shape_cast %get3A_271 : vector<1x16xf32> to vector<16xf32>
            %get3A_273 = arith.constant 48 : index
            %get3A_274 = tpu.vector_load %arg12[%get3A_273] {strides = array<i32>} : memref<64xf32, #tpu.memory_space<vmem>>, vector<16xf32>,
            %get3A_275 = vector.shape_cast %get3A_274 : vector<16xf32> to vector<16xf32>
            %max3A_276 = arith.maximumf %get3A_272, %get3A_275 : vector<16xf32>
            %swap3A_277 = arith.index_cast %squeeze3A_115 : i32 to index
            %swap3A_278 = arith.constant 48 : index
            %swap3A_279 = tpu.vector_load %arg6[%swap3A_277, %swap3A_278] {strides = array<i32>} : memref<321x64xf32, #tpu.memory_space<vmem>>, vector<1x16xf32>,
            %swap3A_280 = vector.shape_cast %swap3A_279 : vector<1x16xf32> to vector<16xf32>
            %swap3A_281 = vector.shape_cast %max3A_276 : vector<16xf32> to vector<1x16xf32>
            tpu.vector_store %arg6[%swap3A_277, %swap3A_278], %swap3A_281 {strides = array<i32>} : memref<321x64xf32, #tpu.memory_space<vmem>>, vector<1x16xf32>,
          } else {
          }
          %slice3A_123 = vector.extract_strided_slice %get3A_83 {offsets = [4], sizes = [1], strides = [1]} : vector<16xi32> to vector<1xi32>
          %squeeze3A_124 = vector.extract %slice3A_123[0] : i32 from vector<1xi32>
          %slice3A_125 = vector.extract_strided_slice %get3A_86 {offsets = [4], sizes = [1], strides = [1]} : vector<16xi32> to vector<1xi32>
          %squeeze3A_126 = vector.extract %slice3A_125[0] : i32 from vector<1xi32>
          %lt3A_127 = arith.constant 320 : i32
          %lt3A_128 = arith.cmpi slt, %squeeze3A_124, %lt3A_127 : i32
          %convert_element_type3A_129 = arith.extui %lt3A_128 : i1 to i32
          %cond3A_130 = arith.constant 0 : i32
          %cond3A_131 = arith.cmpi ne, %convert_element_type3A_129, %cond3A_130 : i32
          scf.if %cond3A_131 {
            %multiple_of3A = tpu.assume_multiple %squeeze3A_126, 8 : i32
            "tpu.region"() ({
              %run_scoped3A = tpu.sem_alloc : memref<!tpu.dma_semaphore, #tpu.memory_space<semaphore_mem>>
              %dma_start3A = tpu.memref_slice %arg14[%multiple_of3A] : memref<655360xf32, #tpu.memory_space<vmem_shared>> -> memref<64xf32, #tpu.memory_space<vmem_shared>>
              %dma_start3A_282 = tpu.memref_slice %arg14[%multiple_of3A] : memref<655360xf32, #tpu.memory_space<vmem_shared>> -> memref<64xf32, #tpu.memory_space<vmem_shared>>
              tpu.enqueue_dma source(%dma_start3A_282 : memref<64xf32, #tpu.memory_space<vmem_shared>>) target(%arg12 : memref<64xf32, #tpu.memory_space<vmem>>) target_semaphore(%run_scoped3A : memref<!tpu.dma_semaphore, #tpu.memory_space<semaphore_mem>>)
              %dma_wait3A = tpu.memref_slice %arg14[%multiple_of3A] : memref<655360xf32, #tpu.memory_space<vmem_shared>> -> memref<64xf32, #tpu.memory_space<vmem_shared>>
              %dma_wait3A_283 = tpu.memref_slice %arg14[%multiple_of3A] : memref<655360xf32, #tpu.memory_space<vmem_shared>> -> memref<64xf32, #tpu.memory_space<vmem_shared>>
              tpu.wait_dma2 semaphore(%run_scoped3A : memref<!tpu.dma_semaphore, #tpu.memory_space<semaphore_mem>>) src(%dma_wait3A_283 : memref<64xf32, #tpu.memory_space<vmem_shared>>) dst(%arg12 : memref<64xf32, #tpu.memory_space<vmem>>)
              tpu.yield
            }) : () -> ()
            %get3A_231 = arith.index_cast %squeeze3A_124 : i32 to index
            %get3A_232 = arith.constant 0 : index
            %get3A_233 = tpu.vector_load %arg6[%get3A_231, %get3A_232] {strides = array<i32>} : memref<321x64xf32, #tpu.memory_space<vmem>>, vector<1x16xf32>,
            %get3A_234 = vector.shape_cast %get3A_233 : vector<1x16xf32> to vector<16xf32>
            %get3A_235 = arith.constant 0 : index
            %get3A_236 = tpu.vector_load %arg12[%get3A_235] {strides = array<i32>} : memref<64xf32, #tpu.memory_space<vmem>>, vector<16xf32>,
            %get3A_237 = vector.shape_cast %get3A_236 : vector<16xf32> to vector<16xf32>
            %max3A = arith.maximumf %get3A_234, %get3A_237 : vector<16xf32>
            %swap3A_238 = arith.index_cast %squeeze3A_124 : i32 to index
            %swap3A_239 = arith.constant 0 : index
            %swap3A_240 = tpu.vector_load %arg6[%swap3A_238, %swap3A_239] {strides = array<i32>} : memref<321x64xf32, #tpu.memory_space<vmem>>, vector<1x16xf32>,
            %swap3A_241 = vector.shape_cast %swap3A_240 : vector<1x16xf32> to vector<16xf32>
            %swap3A_242 = vector.shape_cast %max3A : vector<16xf32> to vector<1x16xf32>
            tpu.vector_store %arg6[%swap3A_238, %swap3A_239], %swap3A_242 {strides = array<i32>} : memref<321x64xf32, #tpu.memory_space<vmem>>, vector<1x16xf32>,
            %get3A_243 = arith.index_cast %squeeze3A_124 : i32 to index
            %get3A_244 = arith.constant 16 : index
            %get3A_245 = tpu.vector_load %arg6[%get3A_243, %get3A_244] {strides = array<i32>} : memref<321x64xf32, #tpu.memory_space<vmem>>, vector<1x16xf32>,
            %get3A_246 = vector.shape_cast %get3A_245 : vector<1x16xf32> to vector<16xf32>
            %get3A_247 = arith.constant 16 : index
            %get3A_248 = tpu.vector_load %arg12[%get3A_247] {strides = array<i32>} : memref<64xf32, #tpu.memory_space<vmem>>, vector<16xf32>,
            %get3A_249 = vector.shape_cast %get3A_248 : vector<16xf32> to vector<16xf32>
            %max3A_250 = arith.maximumf %get3A_246, %get3A_249 : vector<16xf32>
            %swap3A_251 = arith.index_cast %squeeze3A_124 : i32 to index
            %swap3A_252 = arith.constant 16 : index
            %swap3A_253 = tpu.vector_load %arg6[%swap3A_251, %swap3A_252] {strides = array<i32>} : memref<321x64xf32, #tpu.memory_space<vmem>>, vector<1x16xf32>,
            %swap3A_254 = vector.shape_cast %swap3A_253 : vector<1x16xf32> to vector<16xf32>
            %swap3A_255 = vector.shape_cast %max3A_250 : vector<16xf32> to vector<1x16xf32>
            tpu.vector_store %arg6[%swap3A_251, %swap3A_252], %swap3A_255 {strides = array<i32>} : memref<321x64xf32, #tpu.memory_space<vmem>>, vector<1x16xf32>,
            %get3A_256 = arith.index_cast %squeeze3A_124 : i32 to index
            %get3A_257 = arith.constant 32 : index
            %get3A_258 = tpu.vector_load %arg6[%get3A_256, %get3A_257] {strides = array<i32>} : memref<321x64xf32, #tpu.memory_space<vmem>>, vector<1x16xf32>,
            %get3A_259 = vector.shape_cast %get3A_258 : vector<1x16xf32> to vector<16xf32>
            %get3A_260 = arith.constant 32 : index
            %get3A_261 = tpu.vector_load %arg12[%get3A_260] {strides = array<i32>} : memref<64xf32, #tpu.memory_space<vmem>>, vector<16xf32>,
            %get3A_262 = vector.shape_cast %get3A_261 : vector<16xf32> to vector<16xf32>
            %max3A_263 = arith.maximumf %get3A_259, %get3A_262 : vector<16xf32>
            %swap3A_264 = arith.index_cast %squeeze3A_124 : i32 to index
            %swap3A_265 = arith.constant 32 : index
            %swap3A_266 = tpu.vector_load %arg6[%swap3A_264, %swap3A_265] {strides = array<i32>} : memref<321x64xf32, #tpu.memory_space<vmem>>, vector<1x16xf32>,
            %swap3A_267 = vector.shape_cast %swap3A_266 : vector<1x16xf32> to vector<16xf32>
            %swap3A_268 = vector.shape_cast %max3A_263 : vector<16xf32> to vector<1x16xf32>
            tpu.vector_store %arg6[%swap3A_264, %swap3A_265], %swap3A_268 {strides = array<i32>} : memref<321x64xf32, #tpu.memory_space<vmem>>, vector<1x16xf32>,
            %get3A_269 = arith.index_cast %squeeze3A_124 : i32 to index
            %get3A_270 = arith.constant 48 : index
            %get3A_271 = tpu.vector_load %arg6[%get3A_269, %get3A_270] {strides = array<i32>} : memref<321x64xf32, #tpu.memory_space<vmem>>, vector<1x16xf32>,
            %get3A_272 = vector.shape_cast %get3A_271 : vector<1x16xf32> to vector<16xf32>
            %get3A_273 = arith.constant 48 : index
            %get3A_274 = tpu.vector_load %arg12[%get3A_273] {strides = array<i32>} : memref<64xf32, #tpu.memory_space<vmem>>, vector<16xf32>,
            %get3A_275 = vector.shape_cast %get3A_274 : vector<16xf32> to vector<16xf32>
            %max3A_276 = arith.maximumf %get3A_272, %get3A_275 : vector<16xf32>
            %swap3A_277 = arith.index_cast %squeeze3A_124 : i32 to index
            %swap3A_278 = arith.constant 48 : index
            %swap3A_279 = tpu.vector_load %arg6[%swap3A_277, %swap3A_278] {strides = array<i32>} : memref<321x64xf32, #tpu.memory_space<vmem>>, vector<1x16xf32>,
            %swap3A_280 = vector.shape_cast %swap3A_279 : vector<1x16xf32> to vector<16xf32>
            %swap3A_281 = vector.shape_cast %max3A_276 : vector<16xf32> to vector<1x16xf32>
            tpu.vector_store %arg6[%swap3A_277, %swap3A_278], %swap3A_281 {strides = array<i32>} : memref<321x64xf32, #tpu.memory_space<vmem>>, vector<1x16xf32>,
          } else {
          }
          %slice3A_132 = vector.extract_strided_slice %get3A_83 {offsets = [5], sizes = [1], strides = [1]} : vector<16xi32> to vector<1xi32>
          %squeeze3A_133 = vector.extract %slice3A_132[0] : i32 from vector<1xi32>
          %slice3A_134 = vector.extract_strided_slice %get3A_86 {offsets = [5], sizes = [1], strides = [1]} : vector<16xi32> to vector<1xi32>
          %squeeze3A_135 = vector.extract %slice3A_134[0] : i32 from vector<1xi32>
          %lt3A_136 = arith.constant 320 : i32
          %lt3A_137 = arith.cmpi slt, %squeeze3A_133, %lt3A_136 : i32
          %convert_element_type3A_138 = arith.extui %lt3A_137 : i1 to i32
          %cond3A_139 = arith.constant 0 : i32
          %cond3A_140 = arith.cmpi ne, %convert_element_type3A_138, %cond3A_139 : i32
          scf.if %cond3A_140 {
            %multiple_of3A = tpu.assume_multiple %squeeze3A_135, 8 : i32
            "tpu.region"() ({
              %run_scoped3A = tpu.sem_alloc : memref<!tpu.dma_semaphore, #tpu.memory_space<semaphore_mem>>
              %dma_start3A = tpu.memref_slice %arg14[%multiple_of3A] : memref<655360xf32, #tpu.memory_space<vmem_shared>> -> memref<64xf32, #tpu.memory_space<vmem_shared>>
              %dma_start3A_282 = tpu.memref_slice %arg14[%multiple_of3A] : memref<655360xf32, #tpu.memory_space<vmem_shared>> -> memref<64xf32, #tpu.memory_space<vmem_shared>>
              tpu.enqueue_dma source(%dma_start3A_282 : memref<64xf32, #tpu.memory_space<vmem_shared>>) target(%arg12 : memref<64xf32, #tpu.memory_space<vmem>>) target_semaphore(%run_scoped3A : memref<!tpu.dma_semaphore, #tpu.memory_space<semaphore_mem>>)
              %dma_wait3A = tpu.memref_slice %arg14[%multiple_of3A] : memref<655360xf32, #tpu.memory_space<vmem_shared>> -> memref<64xf32, #tpu.memory_space<vmem_shared>>
              %dma_wait3A_283 = tpu.memref_slice %arg14[%multiple_of3A] : memref<655360xf32, #tpu.memory_space<vmem_shared>> -> memref<64xf32, #tpu.memory_space<vmem_shared>>
              tpu.wait_dma2 semaphore(%run_scoped3A : memref<!tpu.dma_semaphore, #tpu.memory_space<semaphore_mem>>) src(%dma_wait3A_283 : memref<64xf32, #tpu.memory_space<vmem_shared>>) dst(%arg12 : memref<64xf32, #tpu.memory_space<vmem>>)
              tpu.yield
            }) : () -> ()
            %get3A_231 = arith.index_cast %squeeze3A_133 : i32 to index
            %get3A_232 = arith.constant 0 : index
            %get3A_233 = tpu.vector_load %arg6[%get3A_231, %get3A_232] {strides = array<i32>} : memref<321x64xf32, #tpu.memory_space<vmem>>, vector<1x16xf32>,
            %get3A_234 = vector.shape_cast %get3A_233 : vector<1x16xf32> to vector<16xf32>
            %get3A_235 = arith.constant 0 : index
            %get3A_236 = tpu.vector_load %arg12[%get3A_235] {strides = array<i32>} : memref<64xf32, #tpu.memory_space<vmem>>, vector<16xf32>,
            %get3A_237 = vector.shape_cast %get3A_236 : vector<16xf32> to vector<16xf32>
            %max3A = arith.maximumf %get3A_234, %get3A_237 : vector<16xf32>
            %swap3A_238 = arith.index_cast %squeeze3A_133 : i32 to index
            %swap3A_239 = arith.constant 0 : index
            %swap3A_240 = tpu.vector_load %arg6[%swap3A_238, %swap3A_239] {strides = array<i32>} : memref<321x64xf32, #tpu.memory_space<vmem>>, vector<1x16xf32>,
            %swap3A_241 = vector.shape_cast %swap3A_240 : vector<1x16xf32> to vector<16xf32>
            %swap3A_242 = vector.shape_cast %max3A : vector<16xf32> to vector<1x16xf32>
            tpu.vector_store %arg6[%swap3A_238, %swap3A_239], %swap3A_242 {strides = array<i32>} : memref<321x64xf32, #tpu.memory_space<vmem>>, vector<1x16xf32>,
            %get3A_243 = arith.index_cast %squeeze3A_133 : i32 to index
            %get3A_244 = arith.constant 16 : index
            %get3A_245 = tpu.vector_load %arg6[%get3A_243, %get3A_244] {strides = array<i32>} : memref<321x64xf32, #tpu.memory_space<vmem>>, vector<1x16xf32>,
            %get3A_246 = vector.shape_cast %get3A_245 : vector<1x16xf32> to vector<16xf32>
            %get3A_247 = arith.constant 16 : index
            %get3A_248 = tpu.vector_load %arg12[%get3A_247] {strides = array<i32>} : memref<64xf32, #tpu.memory_space<vmem>>, vector<16xf32>,
            %get3A_249 = vector.shape_cast %get3A_248 : vector<16xf32> to vector<16xf32>
            %max3A_250 = arith.maximumf %get3A_246, %get3A_249 : vector<16xf32>
            %swap3A_251 = arith.index_cast %squeeze3A_133 : i32 to index
            %swap3A_252 = arith.constant 16 : index
            %swap3A_253 = tpu.vector_load %arg6[%swap3A_251, %swap3A_252] {strides = array<i32>} : memref<321x64xf32, #tpu.memory_space<vmem>>, vector<1x16xf32>,
            %swap3A_254 = vector.shape_cast %swap3A_253 : vector<1x16xf32> to vector<16xf32>
            %swap3A_255 = vector.shape_cast %max3A_250 : vector<16xf32> to vector<1x16xf32>
            tpu.vector_store %arg6[%swap3A_251, %swap3A_252], %swap3A_255 {strides = array<i32>} : memref<321x64xf32, #tpu.memory_space<vmem>>, vector<1x16xf32>,
            %get3A_256 = arith.index_cast %squeeze3A_133 : i32 to index
            %get3A_257 = arith.constant 32 : index
            %get3A_258 = tpu.vector_load %arg6[%get3A_256, %get3A_257] {strides = array<i32>} : memref<321x64xf32, #tpu.memory_space<vmem>>, vector<1x16xf32>,
            %get3A_259 = vector.shape_cast %get3A_258 : vector<1x16xf32> to vector<16xf32>
            %get3A_260 = arith.constant 32 : index
            %get3A_261 = tpu.vector_load %arg12[%get3A_260] {strides = array<i32>} : memref<64xf32, #tpu.memory_space<vmem>>, vector<16xf32>,
            %get3A_262 = vector.shape_cast %get3A_261 : vector<16xf32> to vector<16xf32>
            %max3A_263 = arith.maximumf %get3A_259, %get3A_262 : vector<16xf32>
            %swap3A_264 = arith.index_cast %squeeze3A_133 : i32 to index
            %swap3A_265 = arith.constant 32 : index
            %swap3A_266 = tpu.vector_load %arg6[%swap3A_264, %swap3A_265] {strides = array<i32>} : memref<321x64xf32, #tpu.memory_space<vmem>>, vector<1x16xf32>,
            %swap3A_267 = vector.shape_cast %swap3A_266 : vector<1x16xf32> to vector<16xf32>
            %swap3A_268 = vector.shape_cast %max3A_263 : vector<16xf32> to vector<1x16xf32>
            tpu.vector_store %arg6[%swap3A_264, %swap3A_265], %swap3A_268 {strides = array<i32>} : memref<321x64xf32, #tpu.memory_space<vmem>>, vector<1x16xf32>,
            %get3A_269 = arith.index_cast %squeeze3A_133 : i32 to index
            %get3A_270 = arith.constant 48 : index
            %get3A_271 = tpu.vector_load %arg6[%get3A_269, %get3A_270] {strides = array<i32>} : memref<321x64xf32, #tpu.memory_space<vmem>>, vector<1x16xf32>,
            %get3A_272 = vector.shape_cast %get3A_271 : vector<1x16xf32> to vector<16xf32>
            %get3A_273 = arith.constant 48 : index
            %get3A_274 = tpu.vector_load %arg12[%get3A_273] {strides = array<i32>} : memref<64xf32, #tpu.memory_space<vmem>>, vector<16xf32>,
            %get3A_275 = vector.shape_cast %get3A_274 : vector<16xf32> to vector<16xf32>
            %max3A_276 = arith.maximumf %get3A_272, %get3A_275 : vector<16xf32>
            %swap3A_277 = arith.index_cast %squeeze3A_133 : i32 to index
            %swap3A_278 = arith.constant 48 : index
            %swap3A_279 = tpu.vector_load %arg6[%swap3A_277, %swap3A_278] {strides = array<i32>} : memref<321x64xf32, #tpu.memory_space<vmem>>, vector<1x16xf32>,
            %swap3A_280 = vector.shape_cast %swap3A_279 : vector<1x16xf32> to vector<16xf32>
            %swap3A_281 = vector.shape_cast %max3A_276 : vector<16xf32> to vector<1x16xf32>
            tpu.vector_store %arg6[%swap3A_277, %swap3A_278], %swap3A_281 {strides = array<i32>} : memref<321x64xf32, #tpu.memory_space<vmem>>, vector<1x16xf32>,
          } else {
          }
          %slice3A_141 = vector.extract_strided_slice %get3A_83 {offsets = [6], sizes = [1], strides = [1]} : vector<16xi32> to vector<1xi32>
          %squeeze3A_142 = vector.extract %slice3A_141[0] : i32 from vector<1xi32>
          %slice3A_143 = vector.extract_strided_slice %get3A_86 {offsets = [6], sizes = [1], strides = [1]} : vector<16xi32> to vector<1xi32>
          %squeeze3A_144 = vector.extract %slice3A_143[0] : i32 from vector<1xi32>
          %lt3A_145 = arith.constant 320 : i32
          %lt3A_146 = arith.cmpi slt, %squeeze3A_142, %lt3A_145 : i32
          %convert_element_type3A_147 = arith.extui %lt3A_146 : i1 to i32
          %cond3A_148 = arith.constant 0 : i32
          %cond3A_149 = arith.cmpi ne, %convert_element_type3A_147, %cond3A_148 : i32
          scf.if %cond3A_149 {
            %multiple_of3A = tpu.assume_multiple %squeeze3A_144, 8 : i32
            "tpu.region"() ({
              %run_scoped3A = tpu.sem_alloc : memref<!tpu.dma_semaphore, #tpu.memory_space<semaphore_mem>>
              %dma_start3A = tpu.memref_slice %arg14[%multiple_of3A] : memref<655360xf32, #tpu.memory_space<vmem_shared>> -> memref<64xf32, #tpu.memory_space<vmem_shared>>
              %dma_start3A_282 = tpu.memref_slice %arg14[%multiple_of3A] : memref<655360xf32, #tpu.memory_space<vmem_shared>> -> memref<64xf32, #tpu.memory_space<vmem_shared>>
              tpu.enqueue_dma source(%dma_start3A_282 : memref<64xf32, #tpu.memory_space<vmem_shared>>) target(%arg12 : memref<64xf32, #tpu.memory_space<vmem>>) target_semaphore(%run_scoped3A : memref<!tpu.dma_semaphore, #tpu.memory_space<semaphore_mem>>)
              %dma_wait3A = tpu.memref_slice %arg14[%multiple_of3A] : memref<655360xf32, #tpu.memory_space<vmem_shared>> -> memref<64xf32, #tpu.memory_space<vmem_shared>>
              %dma_wait3A_283 = tpu.memref_slice %arg14[%multiple_of3A] : memref<655360xf32, #tpu.memory_space<vmem_shared>> -> memref<64xf32, #tpu.memory_space<vmem_shared>>
              tpu.wait_dma2 semaphore(%run_scoped3A : memref<!tpu.dma_semaphore, #tpu.memory_space<semaphore_mem>>) src(%dma_wait3A_283 : memref<64xf32, #tpu.memory_space<vmem_shared>>) dst(%arg12 : memref<64xf32, #tpu.memory_space<vmem>>)
              tpu.yield
            }) : () -> ()
            %get3A_231 = arith.index_cast %squeeze3A_142 : i32 to index
            %get3A_232 = arith.constant 0 : index
            %get3A_233 = tpu.vector_load %arg6[%get3A_231, %get3A_232] {strides = array<i32>} : memref<321x64xf32, #tpu.memory_space<vmem>>, vector<1x16xf32>,
            %get3A_234 = vector.shape_cast %get3A_233 : vector<1x16xf32> to vector<16xf32>
            %get3A_235 = arith.constant 0 : index
            %get3A_236 = tpu.vector_load %arg12[%get3A_235] {strides = array<i32>} : memref<64xf32, #tpu.memory_space<vmem>>, vector<16xf32>,
            %get3A_237 = vector.shape_cast %get3A_236 : vector<16xf32> to vector<16xf32>
            %max3A = arith.maximumf %get3A_234, %get3A_237 : vector<16xf32>
            %swap3A_238 = arith.index_cast %squeeze3A_142 : i32 to index
            %swap3A_239 = arith.constant 0 : index
            %swap3A_240 = tpu.vector_load %arg6[%swap3A_238, %swap3A_239] {strides = array<i32>} : memref<321x64xf32, #tpu.memory_space<vmem>>, vector<1x16xf32>,
            %swap3A_241 = vector.shape_cast %swap3A_240 : vector<1x16xf32> to vector<16xf32>
            %swap3A_242 = vector.shape_cast %max3A : vector<16xf32> to vector<1x16xf32>
            tpu.vector_store %arg6[%swap3A_238, %swap3A_239], %swap3A_242 {strides = array<i32>} : memref<321x64xf32, #tpu.memory_space<vmem>>, vector<1x16xf32>,
            %get3A_243 = arith.index_cast %squeeze3A_142 : i32 to index
            %get3A_244 = arith.constant 16 : index
            %get3A_245 = tpu.vector_load %arg6[%get3A_243, %get3A_244] {strides = array<i32>} : memref<321x64xf32, #tpu.memory_space<vmem>>, vector<1x16xf32>,
            %get3A_246 = vector.shape_cast %get3A_245 : vector<1x16xf32> to vector<16xf32>
            %get3A_247 = arith.constant 16 : index
            %get3A_248 = tpu.vector_load %arg12[%get3A_247] {strides = array<i32>} : memref<64xf32, #tpu.memory_space<vmem>>, vector<16xf32>,
            %get3A_249 = vector.shape_cast %get3A_248 : vector<16xf32> to vector<16xf32>
            %max3A_250 = arith.maximumf %get3A_246, %get3A_249 : vector<16xf32>
            %swap3A_251 = arith.index_cast %squeeze3A_142 : i32 to index
            %swap3A_252 = arith.constant 16 : index
            %swap3A_253 = tpu.vector_load %arg6[%swap3A_251, %swap3A_252] {strides = array<i32>} : memref<321x64xf32, #tpu.memory_space<vmem>>, vector<1x16xf32>,
            %swap3A_254 = vector.shape_cast %swap3A_253 : vector<1x16xf32> to vector<16xf32>
            %swap3A_255 = vector.shape_cast %max3A_250 : vector<16xf32> to vector<1x16xf32>
            tpu.vector_store %arg6[%swap3A_251, %swap3A_252], %swap3A_255 {strides = array<i32>} : memref<321x64xf32, #tpu.memory_space<vmem>>, vector<1x16xf32>,
            %get3A_256 = arith.index_cast %squeeze3A_142 : i32 to index
            %get3A_257 = arith.constant 32 : index
            %get3A_258 = tpu.vector_load %arg6[%get3A_256, %get3A_257] {strides = array<i32>} : memref<321x64xf32, #tpu.memory_space<vmem>>, vector<1x16xf32>,
            %get3A_259 = vector.shape_cast %get3A_258 : vector<1x16xf32> to vector<16xf32>
            %get3A_260 = arith.constant 32 : index
            %get3A_261 = tpu.vector_load %arg12[%get3A_260] {strides = array<i32>} : memref<64xf32, #tpu.memory_space<vmem>>, vector<16xf32>,
            %get3A_262 = vector.shape_cast %get3A_261 : vector<16xf32> to vector<16xf32>
            %max3A_263 = arith.maximumf %get3A_259, %get3A_262 : vector<16xf32>
            %swap3A_264 = arith.index_cast %squeeze3A_142 : i32 to index
            %swap3A_265 = arith.constant 32 : index
            %swap3A_266 = tpu.vector_load %arg6[%swap3A_264, %swap3A_265] {strides = array<i32>} : memref<321x64xf32, #tpu.memory_space<vmem>>, vector<1x16xf32>,
            %swap3A_267 = vector.shape_cast %swap3A_266 : vector<1x16xf32> to vector<16xf32>
            %swap3A_268 = vector.shape_cast %max3A_263 : vector<16xf32> to vector<1x16xf32>
            tpu.vector_store %arg6[%swap3A_264, %swap3A_265], %swap3A_268 {strides = array<i32>} : memref<321x64xf32, #tpu.memory_space<vmem>>, vector<1x16xf32>,
            %get3A_269 = arith.index_cast %squeeze3A_142 : i32 to index
            %get3A_270 = arith.constant 48 : index
            %get3A_271 = tpu.vector_load %arg6[%get3A_269, %get3A_270] {strides = array<i32>} : memref<321x64xf32, #tpu.memory_space<vmem>>, vector<1x16xf32>,
            %get3A_272 = vector.shape_cast %get3A_271 : vector<1x16xf32> to vector<16xf32>
            %get3A_273 = arith.constant 48 : index
            %get3A_274 = tpu.vector_load %arg12[%get3A_273] {strides = array<i32>} : memref<64xf32, #tpu.memory_space<vmem>>, vector<16xf32>,
            %get3A_275 = vector.shape_cast %get3A_274 : vector<16xf32> to vector<16xf32>
            %max3A_276 = arith.maximumf %get3A_272, %get3A_275 : vector<16xf32>
            %swap3A_277 = arith.index_cast %squeeze3A_142 : i32 to index
            %swap3A_278 = arith.constant 48 : index
            %swap3A_279 = tpu.vector_load %arg6[%swap3A_277, %swap3A_278] {strides = array<i32>} : memref<321x64xf32, #tpu.memory_space<vmem>>, vector<1x16xf32>,
            %swap3A_280 = vector.shape_cast %swap3A_279 : vector<1x16xf32> to vector<16xf32>
            %swap3A_281 = vector.shape_cast %max3A_276 : vector<16xf32> to vector<1x16xf32>
            tpu.vector_store %arg6[%swap3A_277, %swap3A_278], %swap3A_281 {strides = array<i32>} : memref<321x64xf32, #tpu.memory_space<vmem>>, vector<1x16xf32>,
          } else {
          }
          %slice3A_150 = vector.extract_strided_slice %get3A_83 {offsets = [7], sizes = [1], strides = [1]} : vector<16xi32> to vector<1xi32>
          %squeeze3A_151 = vector.extract %slice3A_150[0] : i32 from vector<1xi32>
          %slice3A_152 = vector.extract_strided_slice %get3A_86 {offsets = [7], sizes = [1], strides = [1]} : vector<16xi32> to vector<1xi32>
          %squeeze3A_153 = vector.extract %slice3A_152[0] : i32 from vector<1xi32>
          %lt3A_154 = arith.constant 320 : i32
          %lt3A_155 = arith.cmpi slt, %squeeze3A_151, %lt3A_154 : i32
          %convert_element_type3A_156 = arith.extui %lt3A_155 : i1 to i32
          %cond3A_157 = arith.constant 0 : i32
          %cond3A_158 = arith.cmpi ne, %convert_element_type3A_156, %cond3A_157 : i32
          scf.if %cond3A_158 {
            %multiple_of3A = tpu.assume_multiple %squeeze3A_153, 8 : i32
            "tpu.region"() ({
              %run_scoped3A = tpu.sem_alloc : memref<!tpu.dma_semaphore, #tpu.memory_space<semaphore_mem>>
              %dma_start3A = tpu.memref_slice %arg14[%multiple_of3A] : memref<655360xf32, #tpu.memory_space<vmem_shared>> -> memref<64xf32, #tpu.memory_space<vmem_shared>>
              %dma_start3A_282 = tpu.memref_slice %arg14[%multiple_of3A] : memref<655360xf32, #tpu.memory_space<vmem_shared>> -> memref<64xf32, #tpu.memory_space<vmem_shared>>
              tpu.enqueue_dma source(%dma_start3A_282 : memref<64xf32, #tpu.memory_space<vmem_shared>>) target(%arg12 : memref<64xf32, #tpu.memory_space<vmem>>) target_semaphore(%run_scoped3A : memref<!tpu.dma_semaphore, #tpu.memory_space<semaphore_mem>>)
              %dma_wait3A = tpu.memref_slice %arg14[%multiple_of3A] : memref<655360xf32, #tpu.memory_space<vmem_shared>> -> memref<64xf32, #tpu.memory_space<vmem_shared>>
              %dma_wait3A_283 = tpu.memref_slice %arg14[%multiple_of3A] : memref<655360xf32, #tpu.memory_space<vmem_shared>> -> memref<64xf32, #tpu.memory_space<vmem_shared>>
              tpu.wait_dma2 semaphore(%run_scoped3A : memref<!tpu.dma_semaphore, #tpu.memory_space<semaphore_mem>>) src(%dma_wait3A_283 : memref<64xf32, #tpu.memory_space<vmem_shared>>) dst(%arg12 : memref<64xf32, #tpu.memory_space<vmem>>)
              tpu.yield
            }) : () -> ()
            %get3A_231 = arith.index_cast %squeeze3A_151 : i32 to index
            %get3A_232 = arith.constant 0 : index
            %get3A_233 = tpu.vector_load %arg6[%get3A_231, %get3A_232] {strides = array<i32>} : memref<321x64xf32, #tpu.memory_space<vmem>>, vector<1x16xf32>,
            %get3A_234 = vector.shape_cast %get3A_233 : vector<1x16xf32> to vector<16xf32>
            %get3A_235 = arith.constant 0 : index
            %get3A_236 = tpu.vector_load %arg12[%get3A_235] {strides = array<i32>} : memref<64xf32, #tpu.memory_space<vmem>>, vector<16xf32>,
            %get3A_237 = vector.shape_cast %get3A_236 : vector<16xf32> to vector<16xf32>
            %max3A = arith.maximumf %get3A_234, %get3A_237 : vector<16xf32>
            %swap3A_238 = arith.index_cast %squeeze3A_151 : i32 to index
            %swap3A_239 = arith.constant 0 : index
            %swap3A_240 = tpu.vector_load %arg6[%swap3A_238, %swap3A_239] {strides = array<i32>} : memref<321x64xf32, #tpu.memory_space<vmem>>, vector<1x16xf32>,
            %swap3A_241 = vector.shape_cast %swap3A_240 : vector<1x16xf32> to vector<16xf32>
            %swap3A_242 = vector.shape_cast %max3A : vector<16xf32> to vector<1x16xf32>
            tpu.vector_store %arg6[%swap3A_238, %swap3A_239], %swap3A_242 {strides = array<i32>} : memref<321x64xf32, #tpu.memory_space<vmem>>, vector<1x16xf32>,
            %get3A_243 = arith.index_cast %squeeze3A_151 : i32 to index
            %get3A_244 = arith.constant 16 : index
            %get3A_245 = tpu.vector_load %arg6[%get3A_243, %get3A_244] {strides = array<i32>} : memref<321x64xf32, #tpu.memory_space<vmem>>, vector<1x16xf32>,
            %get3A_246 = vector.shape_cast %get3A_245 : vector<1x16xf32> to vector<16xf32>
            %get3A_247 = arith.constant 16 : index
            %get3A_248 = tpu.vector_load %arg12[%get3A_247] {strides = array<i32>} : memref<64xf32, #tpu.memory_space<vmem>>, vector<16xf32>,
            %get3A_249 = vector.shape_cast %get3A_248 : vector<16xf32> to vector<16xf32>
            %max3A_250 = arith.maximumf %get3A_246, %get3A_249 : vector<16xf32>
            %swap3A_251 = arith.index_cast %squeeze3A_151 : i32 to index
            %swap3A_252 = arith.constant 16 : index
            %swap3A_253 = tpu.vector_load %arg6[%swap3A_251, %swap3A_252] {strides = array<i32>} : memref<321x64xf32, #tpu.memory_space<vmem>>, vector<1x16xf32>,
            %swap3A_254 = vector.shape_cast %swap3A_253 : vector<1x16xf32> to vector<16xf32>
            %swap3A_255 = vector.shape_cast %max3A_250 : vector<16xf32> to vector<1x16xf32>
            tpu.vector_store %arg6[%swap3A_251, %swap3A_252], %swap3A_255 {strides = array<i32>} : memref<321x64xf32, #tpu.memory_space<vmem>>, vector<1x16xf32>,
            %get3A_256 = arith.index_cast %squeeze3A_151 : i32 to index
            %get3A_257 = arith.constant 32 : index
            %get3A_258 = tpu.vector_load %arg6[%get3A_256, %get3A_257] {strides = array<i32>} : memref<321x64xf32, #tpu.memory_space<vmem>>, vector<1x16xf32>,
            %get3A_259 = vector.shape_cast %get3A_258 : vector<1x16xf32> to vector<16xf32>
            %get3A_260 = arith.constant 32 : index
            %get3A_261 = tpu.vector_load %arg12[%get3A_260] {strides = array<i32>} : memref<64xf32, #tpu.memory_space<vmem>>, vector<16xf32>,
            %get3A_262 = vector.shape_cast %get3A_261 : vector<16xf32> to vector<16xf32>
            %max3A_263 = arith.maximumf %get3A_259, %get3A_262 : vector<16xf32>
            %swap3A_264 = arith.index_cast %squeeze3A_151 : i32 to index
            %swap3A_265 = arith.constant 32 : index
            %swap3A_266 = tpu.vector_load %arg6[%swap3A_264, %swap3A_265] {strides = array<i32>} : memref<321x64xf32, #tpu.memory_space<vmem>>, vector<1x16xf32>,
            %swap3A_267 = vector.shape_cast %swap3A_266 : vector<1x16xf32> to vector<16xf32>
            %swap3A_268 = vector.shape_cast %max3A_263 : vector<16xf32> to vector<1x16xf32>
            tpu.vector_store %arg6[%swap3A_264, %swap3A_265], %swap3A_268 {strides = array<i32>} : memref<321x64xf32, #tpu.memory_space<vmem>>, vector<1x16xf32>,
            %get3A_269 = arith.index_cast %squeeze3A_151 : i32 to index
            %get3A_270 = arith.constant 48 : index
            %get3A_271 = tpu.vector_load %arg6[%get3A_269, %get3A_270] {strides = array<i32>} : memref<321x64xf32, #tpu.memory_space<vmem>>, vector<1x16xf32>,
            %get3A_272 = vector.shape_cast %get3A_271 : vector<1x16xf32> to vector<16xf32>
            %get3A_273 = arith.constant 48 : index
            %get3A_274 = tpu.vector_load %arg12[%get3A_273] {strides = array<i32>} : memref<64xf32, #tpu.memory_space<vmem>>, vector<16xf32>,
            %get3A_275 = vector.shape_cast %get3A_274 : vector<16xf32> to vector<16xf32>
            %max3A_276 = arith.maximumf %get3A_272, %get3A_275 : vector<16xf32>
            %swap3A_277 = arith.index_cast %squeeze3A_151 : i32 to index
            %swap3A_278 = arith.constant 48 : index
            %swap3A_279 = tpu.vector_load %arg6[%swap3A_277, %swap3A_278] {strides = array<i32>} : memref<321x64xf32, #tpu.memory_space<vmem>>, vector<1x16xf32>,
            %swap3A_280 = vector.shape_cast %swap3A_279 : vector<1x16xf32> to vector<16xf32>
            %swap3A_281 = vector.shape_cast %max3A_276 : vector<16xf32> to vector<1x16xf32>
            tpu.vector_store %arg6[%swap3A_277, %swap3A_278], %swap3A_281 {strides = array<i32>} : memref<321x64xf32, #tpu.memory_space<vmem>>, vector<1x16xf32>,
          } else {
          }
          %slice3A_159 = vector.extract_strided_slice %get3A_83 {offsets = [8], sizes = [1], strides = [1]} : vector<16xi32> to vector<1xi32>
          %squeeze3A_160 = vector.extract %slice3A_159[0] : i32 from vector<1xi32>
          %slice3A_161 = vector.extract_strided_slice %get3A_86 {offsets = [8], sizes = [1], strides = [1]} : vector<16xi32> to vector<1xi32>
          %squeeze3A_162 = vector.extract %slice3A_161[0] : i32 from vector<1xi32>
          %lt3A_163 = arith.constant 320 : i32
          %lt3A_164 = arith.cmpi slt, %squeeze3A_160, %lt3A_163 : i32
          %convert_element_type3A_165 = arith.extui %lt3A_164 : i1 to i32
          %cond3A_166 = arith.constant 0 : i32
          %cond3A_167 = arith.cmpi ne, %convert_element_type3A_165, %cond3A_166 : i32
          scf.if %cond3A_167 {
            %multiple_of3A = tpu.assume_multiple %squeeze3A_162, 8 : i32
            "tpu.region"() ({
              %run_scoped3A = tpu.sem_alloc : memref<!tpu.dma_semaphore, #tpu.memory_space<semaphore_mem>>
              %dma_start3A = tpu.memref_slice %arg14[%multiple_of3A] : memref<655360xf32, #tpu.memory_space<vmem_shared>> -> memref<64xf32, #tpu.memory_space<vmem_shared>>
              %dma_start3A_282 = tpu.memref_slice %arg14[%multiple_of3A] : memref<655360xf32, #tpu.memory_space<vmem_shared>> -> memref<64xf32, #tpu.memory_space<vmem_shared>>
              tpu.enqueue_dma source(%dma_start3A_282 : memref<64xf32, #tpu.memory_space<vmem_shared>>) target(%arg12 : memref<64xf32, #tpu.memory_space<vmem>>) target_semaphore(%run_scoped3A : memref<!tpu.dma_semaphore, #tpu.memory_space<semaphore_mem>>)
              %dma_wait3A = tpu.memref_slice %arg14[%multiple_of3A] : memref<655360xf32, #tpu.memory_space<vmem_shared>> -> memref<64xf32, #tpu.memory_space<vmem_shared>>
              %dma_wait3A_283 = tpu.memref_slice %arg14[%multiple_of3A] : memref<655360xf32, #tpu.memory_space<vmem_shared>> -> memref<64xf32, #tpu.memory_space<vmem_shared>>
              tpu.wait_dma2 semaphore(%run_scoped3A : memref<!tpu.dma_semaphore, #tpu.memory_space<semaphore_mem>>) src(%dma_wait3A_283 : memref<64xf32, #tpu.memory_space<vmem_shared>>) dst(%arg12 : memref<64xf32, #tpu.memory_space<vmem>>)
              tpu.yield
            }) : () -> ()
            %get3A_231 = arith.index_cast %squeeze3A_160 : i32 to index
            %get3A_232 = arith.constant 0 : index
            %get3A_233 = tpu.vector_load %arg6[%get3A_231, %get3A_232] {strides = array<i32>} : memref<321x64xf32, #tpu.memory_space<vmem>>, vector<1x16xf32>,
            %get3A_234 = vector.shape_cast %get3A_233 : vector<1x16xf32> to vector<16xf32>
            %get3A_235 = arith.constant 0 : index
            %get3A_236 = tpu.vector_load %arg12[%get3A_235] {strides = array<i32>} : memref<64xf32, #tpu.memory_space<vmem>>, vector<16xf32>,
            %get3A_237 = vector.shape_cast %get3A_236 : vector<16xf32> to vector<16xf32>
            %max3A = arith.maximumf %get3A_234, %get3A_237 : vector<16xf32>
            %swap3A_238 = arith.index_cast %squeeze3A_160 : i32 to index
            %swap3A_239 = arith.constant 0 : index
            %swap3A_240 = tpu.vector_load %arg6[%swap3A_238, %swap3A_239] {strides = array<i32>} : memref<321x64xf32, #tpu.memory_space<vmem>>, vector<1x16xf32>,
            %swap3A_241 = vector.shape_cast %swap3A_240 : vector<1x16xf32> to vector<16xf32>
            %swap3A_242 = vector.shape_cast %max3A : vector<16xf32> to vector<1x16xf32>
            tpu.vector_store %arg6[%swap3A_238, %swap3A_239], %swap3A_242 {strides = array<i32>} : memref<321x64xf32, #tpu.memory_space<vmem>>, vector<1x16xf32>,
            %get3A_243 = arith.index_cast %squeeze3A_160 : i32 to index
            %get3A_244 = arith.constant 16 : index
            %get3A_245 = tpu.vector_load %arg6[%get3A_243, %get3A_244] {strides = array<i32>} : memref<321x64xf32, #tpu.memory_space<vmem>>, vector<1x16xf32>,
            %get3A_246 = vector.shape_cast %get3A_245 : vector<1x16xf32> to vector<16xf32>
            %get3A_247 = arith.constant 16 : index
            %get3A_248 = tpu.vector_load %arg12[%get3A_247] {strides = array<i32>} : memref<64xf32, #tpu.memory_space<vmem>>, vector<16xf32>,
            %get3A_249 = vector.shape_cast %get3A_248 : vector<16xf32> to vector<16xf32>
            %max3A_250 = arith.maximumf %get3A_246, %get3A_249 : vector<16xf32>
            %swap3A_251 = arith.index_cast %squeeze3A_160 : i32 to index
            %swap3A_252 = arith.constant 16 : index
            %swap3A_253 = tpu.vector_load %arg6[%swap3A_251, %swap3A_252] {strides = array<i32>} : memref<321x64xf32, #tpu.memory_space<vmem>>, vector<1x16xf32>,
            %swap3A_254 = vector.shape_cast %swap3A_253 : vector<1x16xf32> to vector<16xf32>
            %swap3A_255 = vector.shape_cast %max3A_250 : vector<16xf32> to vector<1x16xf32>
            tpu.vector_store %arg6[%swap3A_251, %swap3A_252], %swap3A_255 {strides = array<i32>} : memref<321x64xf32, #tpu.memory_space<vmem>>, vector<1x16xf32>,
            %get3A_256 = arith.index_cast %squeeze3A_160 : i32 to index
            %get3A_257 = arith.constant 32 : index
            %get3A_258 = tpu.vector_load %arg6[%get3A_256, %get3A_257] {strides = array<i32>} : memref<321x64xf32, #tpu.memory_space<vmem>>, vector<1x16xf32>,
            %get3A_259 = vector.shape_cast %get3A_258 : vector<1x16xf32> to vector<16xf32>
            %get3A_260 = arith.constant 32 : index
            %get3A_261 = tpu.vector_load %arg12[%get3A_260] {strides = array<i32>} : memref<64xf32, #tpu.memory_space<vmem>>, vector<16xf32>,
            %get3A_262 = vector.shape_cast %get3A_261 : vector<16xf32> to vector<16xf32>
            %max3A_263 = arith.maximumf %get3A_259, %get3A_262 : vector<16xf32>
            %swap3A_264 = arith.index_cast %squeeze3A_160 : i32 to index
            %swap3A_265 = arith.constant 32 : index
            %swap3A_266 = tpu.vector_load %arg6[%swap3A_264, %swap3A_265] {strides = array<i32>} : memref<321x64xf32, #tpu.memory_space<vmem>>, vector<1x16xf32>,
            %swap3A_267 = vector.shape_cast %swap3A_266 : vector<1x16xf32> to vector<16xf32>
            %swap3A_268 = vector.shape_cast %max3A_263 : vector<16xf32> to vector<1x16xf32>
            tpu.vector_store %arg6[%swap3A_264, %swap3A_265], %swap3A_268 {strides = array<i32>} : memref<321x64xf32, #tpu.memory_space<vmem>>, vector<1x16xf32>,
            %get3A_269 = arith.index_cast %squeeze3A_160 : i32 to index
            %get3A_270 = arith.constant 48 : index
            %get3A_271 = tpu.vector_load %arg6[%get3A_269, %get3A_270] {strides = array<i32>} : memref<321x64xf32, #tpu.memory_space<vmem>>, vector<1x16xf32>,
            %get3A_272 = vector.shape_cast %get3A_271 : vector<1x16xf32> to vector<16xf32>
            %get3A_273 = arith.constant 48 : index
            %get3A_274 = tpu.vector_load %arg12[%get3A_273] {strides = array<i32>} : memref<64xf32, #tpu.memory_space<vmem>>, vector<16xf32>,
            %get3A_275 = vector.shape_cast %get3A_274 : vector<16xf32> to vector<16xf32>
            %max3A_276 = arith.maximumf %get3A_272, %get3A_275 : vector<16xf32>
            %swap3A_277 = arith.index_cast %squeeze3A_160 : i32 to index
            %swap3A_278 = arith.constant 48 : index
            %swap3A_279 = tpu.vector_load %arg6[%swap3A_277, %swap3A_278] {strides = array<i32>} : memref<321x64xf32, #tpu.memory_space<vmem>>, vector<1x16xf32>,
            %swap3A_280 = vector.shape_cast %swap3A_279 : vector<1x16xf32> to vector<16xf32>
            %swap3A_281 = vector.shape_cast %max3A_276 : vector<16xf32> to vector<1x16xf32>
            tpu.vector_store %arg6[%swap3A_277, %swap3A_278], %swap3A_281 {strides = array<i32>} : memref<321x64xf32, #tpu.memory_space<vmem>>, vector<1x16xf32>,
          } else {
          }
          %slice3A_168 = vector.extract_strided_slice %get3A_83 {offsets = [9], sizes = [1], strides = [1]} : vector<16xi32> to vector<1xi32>
          %squeeze3A_169 = vector.extract %slice3A_168[0] : i32 from vector<1xi32>
          %slice3A_170 = vector.extract_strided_slice %get3A_86 {offsets = [9], sizes = [1], strides = [1]} : vector<16xi32> to vector<1xi32>
          %squeeze3A_171 = vector.extract %slice3A_170[0] : i32 from vector<1xi32>
          %lt3A_172 = arith.constant 320 : i32
          %lt3A_173 = arith.cmpi slt, %squeeze3A_169, %lt3A_172 : i32
          %convert_element_type3A_174 = arith.extui %lt3A_173 : i1 to i32
          %cond3A_175 = arith.constant 0 : i32
          %cond3A_176 = arith.cmpi ne, %convert_element_type3A_174, %cond3A_175 : i32
          scf.if %cond3A_176 {
            %multiple_of3A = tpu.assume_multiple %squeeze3A_171, 8 : i32
            "tpu.region"() ({
              %run_scoped3A = tpu.sem_alloc : memref<!tpu.dma_semaphore, #tpu.memory_space<semaphore_mem>>
              %dma_start3A = tpu.memref_slice %arg14[%multiple_of3A] : memref<655360xf32, #tpu.memory_space<vmem_shared>> -> memref<64xf32, #tpu.memory_space<vmem_shared>>
              %dma_start3A_282 = tpu.memref_slice %arg14[%multiple_of3A] : memref<655360xf32, #tpu.memory_space<vmem_shared>> -> memref<64xf32, #tpu.memory_space<vmem_shared>>
              tpu.enqueue_dma source(%dma_start3A_282 : memref<64xf32, #tpu.memory_space<vmem_shared>>) target(%arg12 : memref<64xf32, #tpu.memory_space<vmem>>) target_semaphore(%run_scoped3A : memref<!tpu.dma_semaphore, #tpu.memory_space<semaphore_mem>>)
              %dma_wait3A = tpu.memref_slice %arg14[%multiple_of3A] : memref<655360xf32, #tpu.memory_space<vmem_shared>> -> memref<64xf32, #tpu.memory_space<vmem_shared>>
              %dma_wait3A_283 = tpu.memref_slice %arg14[%multiple_of3A] : memref<655360xf32, #tpu.memory_space<vmem_shared>> -> memref<64xf32, #tpu.memory_space<vmem_shared>>
              tpu.wait_dma2 semaphore(%run_scoped3A : memref<!tpu.dma_semaphore, #tpu.memory_space<semaphore_mem>>) src(%dma_wait3A_283 : memref<64xf32, #tpu.memory_space<vmem_shared>>) dst(%arg12 : memref<64xf32, #tpu.memory_space<vmem>>)
              tpu.yield
            }) : () -> ()
            %get3A_231 = arith.index_cast %squeeze3A_169 : i32 to index
            %get3A_232 = arith.constant 0 : index
            %get3A_233 = tpu.vector_load %arg6[%get3A_231, %get3A_232] {strides = array<i32>} : memref<321x64xf32, #tpu.memory_space<vmem>>, vector<1x16xf32>,
            %get3A_234 = vector.shape_cast %get3A_233 : vector<1x16xf32> to vector<16xf32>
            %get3A_235 = arith.constant 0 : index
            %get3A_236 = tpu.vector_load %arg12[%get3A_235] {strides = array<i32>} : memref<64xf32, #tpu.memory_space<vmem>>, vector<16xf32>,
            %get3A_237 = vector.shape_cast %get3A_236 : vector<16xf32> to vector<16xf32>
            %max3A = arith.maximumf %get3A_234, %get3A_237 : vector<16xf32>
            %swap3A_238 = arith.index_cast %squeeze3A_169 : i32 to index
            %swap3A_239 = arith.constant 0 : index
            %swap3A_240 = tpu.vector_load %arg6[%swap3A_238, %swap3A_239] {strides = array<i32>} : memref<321x64xf32, #tpu.memory_space<vmem>>, vector<1x16xf32>,
            %swap3A_241 = vector.shape_cast %swap3A_240 : vector<1x16xf32> to vector<16xf32>
            %swap3A_242 = vector.shape_cast %max3A : vector<16xf32> to vector<1x16xf32>
            tpu.vector_store %arg6[%swap3A_238, %swap3A_239], %swap3A_242 {strides = array<i32>} : memref<321x64xf32, #tpu.memory_space<vmem>>, vector<1x16xf32>,
            %get3A_243 = arith.index_cast %squeeze3A_169 : i32 to index
            %get3A_244 = arith.constant 16 : index
            %get3A_245 = tpu.vector_load %arg6[%get3A_243, %get3A_244] {strides = array<i32>} : memref<321x64xf32, #tpu.memory_space<vmem>>, vector<1x16xf32>,
            %get3A_246 = vector.shape_cast %get3A_245 : vector<1x16xf32> to vector<16xf32>
            %get3A_247 = arith.constant 16 : index
            %get3A_248 = tpu.vector_load %arg12[%get3A_247] {strides = array<i32>} : memref<64xf32, #tpu.memory_space<vmem>>, vector<16xf32>,
            %get3A_249 = vector.shape_cast %get3A_248 : vector<16xf32> to vector<16xf32>
            %max3A_250 = arith.maximumf %get3A_246, %get3A_249 : vector<16xf32>
            %swap3A_251 = arith.index_cast %squeeze3A_169 : i32 to index
            %swap3A_252 = arith.constant 16 : index
            %swap3A_253 = tpu.vector_load %arg6[%swap3A_251, %swap3A_252] {strides = array<i32>} : memref<321x64xf32, #tpu.memory_space<vmem>>, vector<1x16xf32>,
            %swap3A_254 = vector.shape_cast %swap3A_253 : vector<1x16xf32> to vector<16xf32>
            %swap3A_255 = vector.shape_cast %max3A_250 : vector<16xf32> to vector<1x16xf32>
            tpu.vector_store %arg6[%swap3A_251, %swap3A_252], %swap3A_255 {strides = array<i32>} : memref<321x64xf32, #tpu.memory_space<vmem>>, vector<1x16xf32>,
            %get3A_256 = arith.index_cast %squeeze3A_169 : i32 to index
            %get3A_257 = arith.constant 32 : index
            %get3A_258 = tpu.vector_load %arg6[%get3A_256, %get3A_257] {strides = array<i32>} : memref<321x64xf32, #tpu.memory_space<vmem>>, vector<1x16xf32>,
            %get3A_259 = vector.shape_cast %get3A_258 : vector<1x16xf32> to vector<16xf32>
            %get3A_260 = arith.constant 32 : index
            %get3A_261 = tpu.vector_load %arg12[%get3A_260] {strides = array<i32>} : memref<64xf32, #tpu.memory_space<vmem>>, vector<16xf32>,
            %get3A_262 = vector.shape_cast %get3A_261 : vector<16xf32> to vector<16xf32>
            %max3A_263 = arith.maximumf %get3A_259, %get3A_262 : vector<16xf32>
            %swap3A_264 = arith.index_cast %squeeze3A_169 : i32 to index
            %swap3A_265 = arith.constant 32 : index
            %swap3A_266 = tpu.vector_load %arg6[%swap3A_264, %swap3A_265] {strides = array<i32>} : memref<321x64xf32, #tpu.memory_space<vmem>>, vector<1x16xf32>,
            %swap3A_267 = vector.shape_cast %swap3A_266 : vector<1x16xf32> to vector<16xf32>
            %swap3A_268 = vector.shape_cast %max3A_263 : vector<16xf32> to vector<1x16xf32>
            tpu.vector_store %arg6[%swap3A_264, %swap3A_265], %swap3A_268 {strides = array<i32>} : memref<321x64xf32, #tpu.memory_space<vmem>>, vector<1x16xf32>,
            %get3A_269 = arith.index_cast %squeeze3A_169 : i32 to index
            %get3A_270 = arith.constant 48 : index
            %get3A_271 = tpu.vector_load %arg6[%get3A_269, %get3A_270] {strides = array<i32>} : memref<321x64xf32, #tpu.memory_space<vmem>>, vector<1x16xf32>,
            %get3A_272 = vector.shape_cast %get3A_271 : vector<1x16xf32> to vector<16xf32>
            %get3A_273 = arith.constant 48 : index
            %get3A_274 = tpu.vector_load %arg12[%get3A_273] {strides = array<i32>} : memref<64xf32, #tpu.memory_space<vmem>>, vector<16xf32>,
            %get3A_275 = vector.shape_cast %get3A_274 : vector<16xf32> to vector<16xf32>
            %max3A_276 = arith.maximumf %get3A_272, %get3A_275 : vector<16xf32>
            %swap3A_277 = arith.index_cast %squeeze3A_169 : i32 to index
            %swap3A_278 = arith.constant 48 : index
            %swap3A_279 = tpu.vector_load %arg6[%swap3A_277, %swap3A_278] {strides = array<i32>} : memref<321x64xf32, #tpu.memory_space<vmem>>, vector<1x16xf32>,
            %swap3A_280 = vector.shape_cast %swap3A_279 : vector<1x16xf32> to vector<16xf32>
            %swap3A_281 = vector.shape_cast %max3A_276 : vector<16xf32> to vector<1x16xf32>
            tpu.vector_store %arg6[%swap3A_277, %swap3A_278], %swap3A_281 {strides = array<i32>} : memref<321x64xf32, #tpu.memory_space<vmem>>, vector<1x16xf32>,
          } else {
          }
          %slice3A_177 = vector.extract_strided_slice %get3A_83 {offsets = [10], sizes = [1], strides = [1]} : vector<16xi32> to vector<1xi32>
          %squeeze3A_178 = vector.extract %slice3A_177[0] : i32 from vector<1xi32>
          %slice3A_179 = vector.extract_strided_slice %get3A_86 {offsets = [10], sizes = [1], strides = [1]} : vector<16xi32> to vector<1xi32>
          %squeeze3A_180 = vector.extract %slice3A_179[0] : i32 from vector<1xi32>
          %lt3A_181 = arith.constant 320 : i32
          %lt3A_182 = arith.cmpi slt, %squeeze3A_178, %lt3A_181 : i32
          %convert_element_type3A_183 = arith.extui %lt3A_182 : i1 to i32
          %cond3A_184 = arith.constant 0 : i32
          %cond3A_185 = arith.cmpi ne, %convert_element_type3A_183, %cond3A_184 : i32
          scf.if %cond3A_185 {
            %multiple_of3A = tpu.assume_multiple %squeeze3A_180, 8 : i32
            "tpu.region"() ({
              %run_scoped3A = tpu.sem_alloc : memref<!tpu.dma_semaphore, #tpu.memory_space<semaphore_mem>>
              %dma_start3A = tpu.memref_slice %arg14[%multiple_of3A] : memref<655360xf32, #tpu.memory_space<vmem_shared>> -> memref<64xf32, #tpu.memory_space<vmem_shared>>
              %dma_start3A_282 = tpu.memref_slice %arg14[%multiple_of3A] : memref<655360xf32, #tpu.memory_space<vmem_shared>> -> memref<64xf32, #tpu.memory_space<vmem_shared>>
              tpu.enqueue_dma source(%dma_start3A_282 : memref<64xf32, #tpu.memory_space<vmem_shared>>) target(%arg12 : memref<64xf32, #tpu.memory_space<vmem>>) target_semaphore(%run_scoped3A : memref<!tpu.dma_semaphore, #tpu.memory_space<semaphore_mem>>)
              %dma_wait3A = tpu.memref_slice %arg14[%multiple_of3A] : memref<655360xf32, #tpu.memory_space<vmem_shared>> -> memref<64xf32, #tpu.memory_space<vmem_shared>>
              %dma_wait3A_283 = tpu.memref_slice %arg14[%multiple_of3A] : memref<655360xf32, #tpu.memory_space<vmem_shared>> -> memref<64xf32, #tpu.memory_space<vmem_shared>>
              tpu.wait_dma2 semaphore(%run_scoped3A : memref<!tpu.dma_semaphore, #tpu.memory_space<semaphore_mem>>) src(%dma_wait3A_283 : memref<64xf32, #tpu.memory_space<vmem_shared>>) dst(%arg12 : memref<64xf32, #tpu.memory_space<vmem>>)
              tpu.yield
            }) : () -> ()
            %get3A_231 = arith.index_cast %squeeze3A_178 : i32 to index
            %get3A_232 = arith.constant 0 : index
            %get3A_233 = tpu.vector_load %arg6[%get3A_231, %get3A_232] {strides = array<i32>} : memref<321x64xf32, #tpu.memory_space<vmem>>, vector<1x16xf32>,
            %get3A_234 = vector.shape_cast %get3A_233 : vector<1x16xf32> to vector<16xf32>
            %get3A_235 = arith.constant 0 : index
            %get3A_236 = tpu.vector_load %arg12[%get3A_235] {strides = array<i32>} : memref<64xf32, #tpu.memory_space<vmem>>, vector<16xf32>,
            %get3A_237 = vector.shape_cast %get3A_236 : vector<16xf32> to vector<16xf32>
            %max3A = arith.maximumf %get3A_234, %get3A_237 : vector<16xf32>
            %swap3A_238 = arith.index_cast %squeeze3A_178 : i32 to index
            %swap3A_239 = arith.constant 0 : index
            %swap3A_240 = tpu.vector_load %arg6[%swap3A_238, %swap3A_239] {strides = array<i32>} : memref<321x64xf32, #tpu.memory_space<vmem>>, vector<1x16xf32>,
            %swap3A_241 = vector.shape_cast %swap3A_240 : vector<1x16xf32> to vector<16xf32>
            %swap3A_242 = vector.shape_cast %max3A : vector<16xf32> to vector<1x16xf32>
            tpu.vector_store %arg6[%swap3A_238, %swap3A_239], %swap3A_242 {strides = array<i32>} : memref<321x64xf32, #tpu.memory_space<vmem>>, vector<1x16xf32>,
            %get3A_243 = arith.index_cast %squeeze3A_178 : i32 to index
            %get3A_244 = arith.constant 16 : index
            %get3A_245 = tpu.vector_load %arg6[%get3A_243, %get3A_244] {strides = array<i32>} : memref<321x64xf32, #tpu.memory_space<vmem>>, vector<1x16xf32>,
            %get3A_246 = vector.shape_cast %get3A_245 : vector<1x16xf32> to vector<16xf32>
            %get3A_247 = arith.constant 16 : index
            %get3A_248 = tpu.vector_load %arg12[%get3A_247] {strides = array<i32>} : memref<64xf32, #tpu.memory_space<vmem>>, vector<16xf32>,
            %get3A_249 = vector.shape_cast %get3A_248 : vector<16xf32> to vector<16xf32>
            %max3A_250 = arith.maximumf %get3A_246, %get3A_249 : vector<16xf32>
            %swap3A_251 = arith.index_cast %squeeze3A_178 : i32 to index
            %swap3A_252 = arith.constant 16 : index
            %swap3A_253 = tpu.vector_load %arg6[%swap3A_251, %swap3A_252] {strides = array<i32>} : memref<321x64xf32, #tpu.memory_space<vmem>>, vector<1x16xf32>,
            %swap3A_254 = vector.shape_cast %swap3A_253 : vector<1x16xf32> to vector<16xf32>
            %swap3A_255 = vector.shape_cast %max3A_250 : vector<16xf32> to vector<1x16xf32>
            tpu.vector_store %arg6[%swap3A_251, %swap3A_252], %swap3A_255 {strides = array<i32>} : memref<321x64xf32, #tpu.memory_space<vmem>>, vector<1x16xf32>,
            %get3A_256 = arith.index_cast %squeeze3A_178 : i32 to index
            %get3A_257 = arith.constant 32 : index
            %get3A_258 = tpu.vector_load %arg6[%get3A_256, %get3A_257] {strides = array<i32>} : memref<321x64xf32, #tpu.memory_space<vmem>>, vector<1x16xf32>,
            %get3A_259 = vector.shape_cast %get3A_258 : vector<1x16xf32> to vector<16xf32>
            %get3A_260 = arith.constant 32 : index
            %get3A_261 = tpu.vector_load %arg12[%get3A_260] {strides = array<i32>} : memref<64xf32, #tpu.memory_space<vmem>>, vector<16xf32>,
            %get3A_262 = vector.shape_cast %get3A_261 : vector<16xf32> to vector<16xf32>
            %max3A_263 = arith.maximumf %get3A_259, %get3A_262 : vector<16xf32>
            %swap3A_264 = arith.index_cast %squeeze3A_178 : i32 to index
            %swap3A_265 = arith.constant 32 : index
            %swap3A_266 = tpu.vector_load %arg6[%swap3A_264, %swap3A_265] {strides = array<i32>} : memref<321x64xf32, #tpu.memory_space<vmem>>, vector<1x16xf32>,
            %swap3A_267 = vector.shape_cast %swap3A_266 : vector<1x16xf32> to vector<16xf32>
            %swap3A_268 = vector.shape_cast %max3A_263 : vector<16xf32> to vector<1x16xf32>
            tpu.vector_store %arg6[%swap3A_264, %swap3A_265], %swap3A_268 {strides = array<i32>} : memref<321x64xf32, #tpu.memory_space<vmem>>, vector<1x16xf32>,
            %get3A_269 = arith.index_cast %squeeze3A_178 : i32 to index
            %get3A_270 = arith.constant 48 : index
            %get3A_271 = tpu.vector_load %arg6[%get3A_269, %get3A_270] {strides = array<i32>} : memref<321x64xf32, #tpu.memory_space<vmem>>, vector<1x16xf32>,
            %get3A_272 = vector.shape_cast %get3A_271 : vector<1x16xf32> to vector<16xf32>
            %get3A_273 = arith.constant 48 : index
            %get3A_274 = tpu.vector_load %arg12[%get3A_273] {strides = array<i32>} : memref<64xf32, #tpu.memory_space<vmem>>, vector<16xf32>,
            %get3A_275 = vector.shape_cast %get3A_274 : vector<16xf32> to vector<16xf32>
            %max3A_276 = arith.maximumf %get3A_272, %get3A_275 : vector<16xf32>
            %swap3A_277 = arith.index_cast %squeeze3A_178 : i32 to index
            %swap3A_278 = arith.constant 48 : index
            %swap3A_279 = tpu.vector_load %arg6[%swap3A_277, %swap3A_278] {strides = array<i32>} : memref<321x64xf32, #tpu.memory_space<vmem>>, vector<1x16xf32>,
            %swap3A_280 = vector.shape_cast %swap3A_279 : vector<1x16xf32> to vector<16xf32>
            %swap3A_281 = vector.shape_cast %max3A_276 : vector<16xf32> to vector<1x16xf32>
            tpu.vector_store %arg6[%swap3A_277, %swap3A_278], %swap3A_281 {strides = array<i32>} : memref<321x64xf32, #tpu.memory_space<vmem>>, vector<1x16xf32>,
          } else {
          }
          %slice3A_186 = vector.extract_strided_slice %get3A_83 {offsets = [11], sizes = [1], strides = [1]} : vector<16xi32> to vector<1xi32>
          %squeeze3A_187 = vector.extract %slice3A_186[0] : i32 from vector<1xi32>
          %slice3A_188 = vector.extract_strided_slice %get3A_86 {offsets = [11], sizes = [1], strides = [1]} : vector<16xi32> to vector<1xi32>
          %squeeze3A_189 = vector.extract %slice3A_188[0] : i32 from vector<1xi32>
          %lt3A_190 = arith.constant 320 : i32
          %lt3A_191 = arith.cmpi slt, %squeeze3A_187, %lt3A_190 : i32
          %convert_element_type3A_192 = arith.extui %lt3A_191 : i1 to i32
          %cond3A_193 = arith.constant 0 : i32
          %cond3A_194 = arith.cmpi ne, %convert_element_type3A_192, %cond3A_193 : i32
          scf.if %cond3A_194 {
            %multiple_of3A = tpu.assume_multiple %squeeze3A_189, 8 : i32
            "tpu.region"() ({
              %run_scoped3A = tpu.sem_alloc : memref<!tpu.dma_semaphore, #tpu.memory_space<semaphore_mem>>
              %dma_start3A = tpu.memref_slice %arg14[%multiple_of3A] : memref<655360xf32, #tpu.memory_space<vmem_shared>> -> memref<64xf32, #tpu.memory_space<vmem_shared>>
              %dma_start3A_282 = tpu.memref_slice %arg14[%multiple_of3A] : memref<655360xf32, #tpu.memory_space<vmem_shared>> -> memref<64xf32, #tpu.memory_space<vmem_shared>>
              tpu.enqueue_dma source(%dma_start3A_282 : memref<64xf32, #tpu.memory_space<vmem_shared>>) target(%arg12 : memref<64xf32, #tpu.memory_space<vmem>>) target_semaphore(%run_scoped3A : memref<!tpu.dma_semaphore, #tpu.memory_space<semaphore_mem>>)
              %dma_wait3A = tpu.memref_slice %arg14[%multiple_of3A] : memref<655360xf32, #tpu.memory_space<vmem_shared>> -> memref<64xf32, #tpu.memory_space<vmem_shared>>
              %dma_wait3A_283 = tpu.memref_slice %arg14[%multiple_of3A] : memref<655360xf32, #tpu.memory_space<vmem_shared>> -> memref<64xf32, #tpu.memory_space<vmem_shared>>
              tpu.wait_dma2 semaphore(%run_scoped3A : memref<!tpu.dma_semaphore, #tpu.memory_space<semaphore_mem>>) src(%dma_wait3A_283 : memref<64xf32, #tpu.memory_space<vmem_shared>>) dst(%arg12 : memref<64xf32, #tpu.memory_space<vmem>>)
              tpu.yield
            }) : () -> ()
            %get3A_231 = arith.index_cast %squeeze3A_187 : i32 to index
            %get3A_232 = arith.constant 0 : index
            %get3A_233 = tpu.vector_load %arg6[%get3A_231, %get3A_232] {strides = array<i32>} : memref<321x64xf32, #tpu.memory_space<vmem>>, vector<1x16xf32>,
            %get3A_234 = vector.shape_cast %get3A_233 : vector<1x16xf32> to vector<16xf32>
            %get3A_235 = arith.constant 0 : index
            %get3A_236 = tpu.vector_load %arg12[%get3A_235] {strides = array<i32>} : memref<64xf32, #tpu.memory_space<vmem>>, vector<16xf32>,
            %get3A_237 = vector.shape_cast %get3A_236 : vector<16xf32> to vector<16xf32>
            %max3A = arith.maximumf %get3A_234, %get3A_237 : vector<16xf32>
            %swap3A_238 = arith.index_cast %squeeze3A_187 : i32 to index
            %swap3A_239 = arith.constant 0 : index
            %swap3A_240 = tpu.vector_load %arg6[%swap3A_238, %swap3A_239] {strides = array<i32>} : memref<321x64xf32, #tpu.memory_space<vmem>>, vector<1x16xf32>,
            %swap3A_241 = vector.shape_cast %swap3A_240 : vector<1x16xf32> to vector<16xf32>
            %swap3A_242 = vector.shape_cast %max3A : vector<16xf32> to vector<1x16xf32>
            tpu.vector_store %arg6[%swap3A_238, %swap3A_239], %swap3A_242 {strides = array<i32>} : memref<321x64xf32, #tpu.memory_space<vmem>>, vector<1x16xf32>,
            %get3A_243 = arith.index_cast %squeeze3A_187 : i32 to index
            %get3A_244 = arith.constant 16 : index
            %get3A_245 = tpu.vector_load %arg6[%get3A_243, %get3A_244] {strides = array<i32>} : memref<321x64xf32, #tpu.memory_space<vmem>>, vector<1x16xf32>,
            %get3A_246 = vector.shape_cast %get3A_245 : vector<1x16xf32> to vector<16xf32>
            %get3A_247 = arith.constant 16 : index
            %get3A_248 = tpu.vector_load %arg12[%get3A_247] {strides = array<i32>} : memref<64xf32, #tpu.memory_space<vmem>>, vector<16xf32>,
            %get3A_249 = vector.shape_cast %get3A_248 : vector<16xf32> to vector<16xf32>
            %max3A_250 = arith.maximumf %get3A_246, %get3A_249 : vector<16xf32>
            %swap3A_251 = arith.index_cast %squeeze3A_187 : i32 to index
            %swap3A_252 = arith.constant 16 : index
            %swap3A_253 = tpu.vector_load %arg6[%swap3A_251, %swap3A_252] {strides = array<i32>} : memref<321x64xf32, #tpu.memory_space<vmem>>, vector<1x16xf32>,
            %swap3A_254 = vector.shape_cast %swap3A_253 : vector<1x16xf32> to vector<16xf32>
            %swap3A_255 = vector.shape_cast %max3A_250 : vector<16xf32> to vector<1x16xf32>
            tpu.vector_store %arg6[%swap3A_251, %swap3A_252], %swap3A_255 {strides = array<i32>} : memref<321x64xf32, #tpu.memory_space<vmem>>, vector<1x16xf32>,
            %get3A_256 = arith.index_cast %squeeze3A_187 : i32 to index
            %get3A_257 = arith.constant 32 : index
            %get3A_258 = tpu.vector_load %arg6[%get3A_256, %get3A_257] {strides = array<i32>} : memref<321x64xf32, #tpu.memory_space<vmem>>, vector<1x16xf32>,
            %get3A_259 = vector.shape_cast %get3A_258 : vector<1x16xf32> to vector<16xf32>
            %get3A_260 = arith.constant 32 : index
            %get3A_261 = tpu.vector_load %arg12[%get3A_260] {strides = array<i32>} : memref<64xf32, #tpu.memory_space<vmem>>, vector<16xf32>,
            %get3A_262 = vector.shape_cast %get3A_261 : vector<16xf32> to vector<16xf32>
            %max3A_263 = arith.maximumf %get3A_259, %get3A_262 : vector<16xf32>
            %swap3A_264 = arith.index_cast %squeeze3A_187 : i32 to index
            %swap3A_265 = arith.constant 32 : index
            %swap3A_266 = tpu.vector_load %arg6[%swap3A_264, %swap3A_265] {strides = array<i32>} : memref<321x64xf32, #tpu.memory_space<vmem>>, vector<1x16xf32>,
            %swap3A_267 = vector.shape_cast %swap3A_266 : vector<1x16xf32> to vector<16xf32>
            %swap3A_268 = vector.shape_cast %max3A_263 : vector<16xf32> to vector<1x16xf32>
            tpu.vector_store %arg6[%swap3A_264, %swap3A_265], %swap3A_268 {strides = array<i32>} : memref<321x64xf32, #tpu.memory_space<vmem>>, vector<1x16xf32>,
            %get3A_269 = arith.index_cast %squeeze3A_187 : i32 to index
            %get3A_270 = arith.constant 48 : index
            %get3A_271 = tpu.vector_load %arg6[%get3A_269, %get3A_270] {strides = array<i32>} : memref<321x64xf32, #tpu.memory_space<vmem>>, vector<1x16xf32>,
            %get3A_272 = vector.shape_cast %get3A_271 : vector<1x16xf32> to vector<16xf32>
            %get3A_273 = arith.constant 48 : index
            %get3A_274 = tpu.vector_load %arg12[%get3A_273] {strides = array<i32>} : memref<64xf32, #tpu.memory_space<vmem>>, vector<16xf32>,
            %get3A_275 = vector.shape_cast %get3A_274 : vector<16xf32> to vector<16xf32>
            %max3A_276 = arith.maximumf %get3A_272, %get3A_275 : vector<16xf32>
            %swap3A_277 = arith.index_cast %squeeze3A_187 : i32 to index
            %swap3A_278 = arith.constant 48 : index
            %swap3A_279 = tpu.vector_load %arg6[%swap3A_277, %swap3A_278] {strides = array<i32>} : memref<321x64xf32, #tpu.memory_space<vmem>>, vector<1x16xf32>,
            %swap3A_280 = vector.shape_cast %swap3A_279 : vector<1x16xf32> to vector<16xf32>
            %swap3A_281 = vector.shape_cast %max3A_276 : vector<16xf32> to vector<1x16xf32>
            tpu.vector_store %arg6[%swap3A_277, %swap3A_278], %swap3A_281 {strides = array<i32>} : memref<321x64xf32, #tpu.memory_space<vmem>>, vector<1x16xf32>,
          } else {
          }
          %slice3A_195 = vector.extract_strided_slice %get3A_83 {offsets = [12], sizes = [1], strides = [1]} : vector<16xi32> to vector<1xi32>
          %squeeze3A_196 = vector.extract %slice3A_195[0] : i32 from vector<1xi32>
          %slice3A_197 = vector.extract_strided_slice %get3A_86 {offsets = [12], sizes = [1], strides = [1]} : vector<16xi32> to vector<1xi32>
          %squeeze3A_198 = vector.extract %slice3A_197[0] : i32 from vector<1xi32>
          %lt3A_199 = arith.constant 320 : i32
          %lt3A_200 = arith.cmpi slt, %squeeze3A_196, %lt3A_199 : i32
          %convert_element_type3A_201 = arith.extui %lt3A_200 : i1 to i32
          %cond3A_202 = arith.constant 0 : i32
          %cond3A_203 = arith.cmpi ne, %convert_element_type3A_201, %cond3A_202 : i32
          scf.if %cond3A_203 {
            %multiple_of3A = tpu.assume_multiple %squeeze3A_198, 8 : i32
            "tpu.region"() ({
              %run_scoped3A = tpu.sem_alloc : memref<!tpu.dma_semaphore, #tpu.memory_space<semaphore_mem>>
              %dma_start3A = tpu.memref_slice %arg14[%multiple_of3A] : memref<655360xf32, #tpu.memory_space<vmem_shared>> -> memref<64xf32, #tpu.memory_space<vmem_shared>>
              %dma_start3A_282 = tpu.memref_slice %arg14[%multiple_of3A] : memref<655360xf32, #tpu.memory_space<vmem_shared>> -> memref<64xf32, #tpu.memory_space<vmem_shared>>
              tpu.enqueue_dma source(%dma_start3A_282 : memref<64xf32, #tpu.memory_space<vmem_shared>>) target(%arg12 : memref<64xf32, #tpu.memory_space<vmem>>) target_semaphore(%run_scoped3A : memref<!tpu.dma_semaphore, #tpu.memory_space<semaphore_mem>>)
              %dma_wait3A = tpu.memref_slice %arg14[%multiple_of3A] : memref<655360xf32, #tpu.memory_space<vmem_shared>> -> memref<64xf32, #tpu.memory_space<vmem_shared>>
              %dma_wait3A_283 = tpu.memref_slice %arg14[%multiple_of3A] : memref<655360xf32, #tpu.memory_space<vmem_shared>> -> memref<64xf32, #tpu.memory_space<vmem_shared>>
              tpu.wait_dma2 semaphore(%run_scoped3A : memref<!tpu.dma_semaphore, #tpu.memory_space<semaphore_mem>>) src(%dma_wait3A_283 : memref<64xf32, #tpu.memory_space<vmem_shared>>) dst(%arg12 : memref<64xf32, #tpu.memory_space<vmem>>)
              tpu.yield
            }) : () -> ()
            %get3A_231 = arith.index_cast %squeeze3A_196 : i32 to index
            %get3A_232 = arith.constant 0 : index
            %get3A_233 = tpu.vector_load %arg6[%get3A_231, %get3A_232] {strides = array<i32>} : memref<321x64xf32, #tpu.memory_space<vmem>>, vector<1x16xf32>,
            %get3A_234 = vector.shape_cast %get3A_233 : vector<1x16xf32> to vector<16xf32>
            %get3A_235 = arith.constant 0 : index
            %get3A_236 = tpu.vector_load %arg12[%get3A_235] {strides = array<i32>} : memref<64xf32, #tpu.memory_space<vmem>>, vector<16xf32>,
            %get3A_237 = vector.shape_cast %get3A_236 : vector<16xf32> to vector<16xf32>
            %max3A = arith.maximumf %get3A_234, %get3A_237 : vector<16xf32>
            %swap3A_238 = arith.index_cast %squeeze3A_196 : i32 to index
            %swap3A_239 = arith.constant 0 : index
            %swap3A_240 = tpu.vector_load %arg6[%swap3A_238, %swap3A_239] {strides = array<i32>} : memref<321x64xf32, #tpu.memory_space<vmem>>, vector<1x16xf32>,
            %swap3A_241 = vector.shape_cast %swap3A_240 : vector<1x16xf32> to vector<16xf32>
            %swap3A_242 = vector.shape_cast %max3A : vector<16xf32> to vector<1x16xf32>
            tpu.vector_store %arg6[%swap3A_238, %swap3A_239], %swap3A_242 {strides = array<i32>} : memref<321x64xf32, #tpu.memory_space<vmem>>, vector<1x16xf32>,
            %get3A_243 = arith.index_cast %squeeze3A_196 : i32 to index
            %get3A_244 = arith.constant 16 : index
            %get3A_245 = tpu.vector_load %arg6[%get3A_243, %get3A_244] {strides = array<i32>} : memref<321x64xf32, #tpu.memory_space<vmem>>, vector<1x16xf32>,
            %get3A_246 = vector.shape_cast %get3A_245 : vector<1x16xf32> to vector<16xf32>
            %get3A_247 = arith.constant 16 : index
            %get3A_248 = tpu.vector_load %arg12[%get3A_247] {strides = array<i32>} : memref<64xf32, #tpu.memory_space<vmem>>, vector<16xf32>,
            %get3A_249 = vector.shape_cast %get3A_248 : vector<16xf32> to vector<16xf32>
            %max3A_250 = arith.maximumf %get3A_246, %get3A_249 : vector<16xf32>
            %swap3A_251 = arith.index_cast %squeeze3A_196 : i32 to index
            %swap3A_252 = arith.constant 16 : index
            %swap3A_253 = tpu.vector_load %arg6[%swap3A_251, %swap3A_252] {strides = array<i32>} : memref<321x64xf32, #tpu.memory_space<vmem>>, vector<1x16xf32>,
            %swap3A_254 = vector.shape_cast %swap3A_253 : vector<1x16xf32> to vector<16xf32>
            %swap3A_255 = vector.shape_cast %max3A_250 : vector<16xf32> to vector<1x16xf32>
            tpu.vector_store %arg6[%swap3A_251, %swap3A_252], %swap3A_255 {strides = array<i32>} : memref<321x64xf32, #tpu.memory_space<vmem>>, vector<1x16xf32>,
            %get3A_256 = arith.index_cast %squeeze3A_196 : i32 to index
            %get3A_257 = arith.constant 32 : index
            %get3A_258 = tpu.vector_load %arg6[%get3A_256, %get3A_257] {strides = array<i32>} : memref<321x64xf32, #tpu.memory_space<vmem>>, vector<1x16xf32>,
            %get3A_259 = vector.shape_cast %get3A_258 : vector<1x16xf32> to vector<16xf32>
            %get3A_260 = arith.constant 32 : index
            %get3A_261 = tpu.vector_load %arg12[%get3A_260] {strides = array<i32>} : memref<64xf32, #tpu.memory_space<vmem>>, vector<16xf32>,
            %get3A_262 = vector.shape_cast %get3A_261 : vector<16xf32> to vector<16xf32>
            %max3A_263 = arith.maximumf %get3A_259, %get3A_262 : vector<16xf32>
            %swap3A_264 = arith.index_cast %squeeze3A_196 : i32 to index
            %swap3A_265 = arith.constant 32 : index
            %swap3A_266 = tpu.vector_load %arg6[%swap3A_264, %swap3A_265] {strides = array<i32>} : memref<321x64xf32, #tpu.memory_space<vmem>>, vector<1x16xf32>,
            %swap3A_267 = vector.shape_cast %swap3A_266 : vector<1x16xf32> to vector<16xf32>
            %swap3A_268 = vector.shape_cast %max3A_263 : vector<16xf32> to vector<1x16xf32>
            tpu.vector_store %arg6[%swap3A_264, %swap3A_265], %swap3A_268 {strides = array<i32>} : memref<321x64xf32, #tpu.memory_space<vmem>>, vector<1x16xf32>,
            %get3A_269 = arith.index_cast %squeeze3A_196 : i32 to index
            %get3A_270 = arith.constant 48 : index
            %get3A_271 = tpu.vector_load %arg6[%get3A_269, %get3A_270] {strides = array<i32>} : memref<321x64xf32, #tpu.memory_space<vmem>>, vector<1x16xf32>,
            %get3A_272 = vector.shape_cast %get3A_271 : vector<1x16xf32> to vector<16xf32>
            %get3A_273 = arith.constant 48 : index
            %get3A_274 = tpu.vector_load %arg12[%get3A_273] {strides = array<i32>} : memref<64xf32, #tpu.memory_space<vmem>>, vector<16xf32>,
            %get3A_275 = vector.shape_cast %get3A_274 : vector<16xf32> to vector<16xf32>
            %max3A_276 = arith.maximumf %get3A_272, %get3A_275 : vector<16xf32>
            %swap3A_277 = arith.index_cast %squeeze3A_196 : i32 to index
            %swap3A_278 = arith.constant 48 : index
            %swap3A_279 = tpu.vector_load %arg6[%swap3A_277, %swap3A_278] {strides = array<i32>} : memref<321x64xf32, #tpu.memory_space<vmem>>, vector<1x16xf32>,
            %swap3A_280 = vector.shape_cast %swap3A_279 : vector<1x16xf32> to vector<16xf32>
            %swap3A_281 = vector.shape_cast %max3A_276 : vector<16xf32> to vector<1x16xf32>
            tpu.vector_store %arg6[%swap3A_277, %swap3A_278], %swap3A_281 {strides = array<i32>} : memref<321x64xf32, #tpu.memory_space<vmem>>, vector<1x16xf32>,
          } else {
          }
          %slice3A_204 = vector.extract_strided_slice %get3A_83 {offsets = [13], sizes = [1], strides = [1]} : vector<16xi32> to vector<1xi32>
          %squeeze3A_205 = vector.extract %slice3A_204[0] : i32 from vector<1xi32>
          %slice3A_206 = vector.extract_strided_slice %get3A_86 {offsets = [13], sizes = [1], strides = [1]} : vector<16xi32> to vector<1xi32>
          %squeeze3A_207 = vector.extract %slice3A_206[0] : i32 from vector<1xi32>
          %lt3A_208 = arith.constant 320 : i32
          %lt3A_209 = arith.cmpi slt, %squeeze3A_205, %lt3A_208 : i32
          %convert_element_type3A_210 = arith.extui %lt3A_209 : i1 to i32
          %cond3A_211 = arith.constant 0 : i32
          %cond3A_212 = arith.cmpi ne, %convert_element_type3A_210, %cond3A_211 : i32
          scf.if %cond3A_212 {
            %multiple_of3A = tpu.assume_multiple %squeeze3A_207, 8 : i32
            "tpu.region"() ({
              %run_scoped3A = tpu.sem_alloc : memref<!tpu.dma_semaphore, #tpu.memory_space<semaphore_mem>>
              %dma_start3A = tpu.memref_slice %arg14[%multiple_of3A] : memref<655360xf32, #tpu.memory_space<vmem_shared>> -> memref<64xf32, #tpu.memory_space<vmem_shared>>
              %dma_start3A_282 = tpu.memref_slice %arg14[%multiple_of3A] : memref<655360xf32, #tpu.memory_space<vmem_shared>> -> memref<64xf32, #tpu.memory_space<vmem_shared>>
              tpu.enqueue_dma source(%dma_start3A_282 : memref<64xf32, #tpu.memory_space<vmem_shared>>) target(%arg12 : memref<64xf32, #tpu.memory_space<vmem>>) target_semaphore(%run_scoped3A : memref<!tpu.dma_semaphore, #tpu.memory_space<semaphore_mem>>)
              %dma_wait3A = tpu.memref_slice %arg14[%multiple_of3A] : memref<655360xf32, #tpu.memory_space<vmem_shared>> -> memref<64xf32, #tpu.memory_space<vmem_shared>>
              %dma_wait3A_283 = tpu.memref_slice %arg14[%multiple_of3A] : memref<655360xf32, #tpu.memory_space<vmem_shared>> -> memref<64xf32, #tpu.memory_space<vmem_shared>>
              tpu.wait_dma2 semaphore(%run_scoped3A : memref<!tpu.dma_semaphore, #tpu.memory_space<semaphore_mem>>) src(%dma_wait3A_283 : memref<64xf32, #tpu.memory_space<vmem_shared>>) dst(%arg12 : memref<64xf32, #tpu.memory_space<vmem>>)
              tpu.yield
            }) : () -> ()
            %get3A_231 = arith.index_cast %squeeze3A_205 : i32 to index
            %get3A_232 = arith.constant 0 : index
            %get3A_233 = tpu.vector_load %arg6[%get3A_231, %get3A_232] {strides = array<i32>} : memref<321x64xf32, #tpu.memory_space<vmem>>, vector<1x16xf32>,
            %get3A_234 = vector.shape_cast %get3A_233 : vector<1x16xf32> to vector<16xf32>
            %get3A_235 = arith.constant 0 : index
            %get3A_236 = tpu.vector_load %arg12[%get3A_235] {strides = array<i32>} : memref<64xf32, #tpu.memory_space<vmem>>, vector<16xf32>,
            %get3A_237 = vector.shape_cast %get3A_236 : vector<16xf32> to vector<16xf32>
            %max3A = arith.maximumf %get3A_234, %get3A_237 : vector<16xf32>
            %swap3A_238 = arith.index_cast %squeeze3A_205 : i32 to index
            %swap3A_239 = arith.constant 0 : index
            %swap3A_240 = tpu.vector_load %arg6[%swap3A_238, %swap3A_239] {strides = array<i32>} : memref<321x64xf32, #tpu.memory_space<vmem>>, vector<1x16xf32>,
            %swap3A_241 = vector.shape_cast %swap3A_240 : vector<1x16xf32> to vector<16xf32>
            %swap3A_242 = vector.shape_cast %max3A : vector<16xf32> to vector<1x16xf32>
            tpu.vector_store %arg6[%swap3A_238, %swap3A_239], %swap3A_242 {strides = array<i32>} : memref<321x64xf32, #tpu.memory_space<vmem>>, vector<1x16xf32>,
            %get3A_243 = arith.index_cast %squeeze3A_205 : i32 to index
            %get3A_244 = arith.constant 16 : index
            %get3A_245 = tpu.vector_load %arg6[%get3A_243, %get3A_244] {strides = array<i32>} : memref<321x64xf32, #tpu.memory_space<vmem>>, vector<1x16xf32>,
            %get3A_246 = vector.shape_cast %get3A_245 : vector<1x16xf32> to vector<16xf32>
            %get3A_247 = arith.constant 16 : index
            %get3A_248 = tpu.vector_load %arg12[%get3A_247] {strides = array<i32>} : memref<64xf32, #tpu.memory_space<vmem>>, vector<16xf32>,
            %get3A_249 = vector.shape_cast %get3A_248 : vector<16xf32> to vector<16xf32>
            %max3A_250 = arith.maximumf %get3A_246, %get3A_249 : vector<16xf32>
            %swap3A_251 = arith.index_cast %squeeze3A_205 : i32 to index
            %swap3A_252 = arith.constant 16 : index
            %swap3A_253 = tpu.vector_load %arg6[%swap3A_251, %swap3A_252] {strides = array<i32>} : memref<321x64xf32, #tpu.memory_space<vmem>>, vector<1x16xf32>,
            %swap3A_254 = vector.shape_cast %swap3A_253 : vector<1x16xf32> to vector<16xf32>
            %swap3A_255 = vector.shape_cast %max3A_250 : vector<16xf32> to vector<1x16xf32>
            tpu.vector_store %arg6[%swap3A_251, %swap3A_252], %swap3A_255 {strides = array<i32>} : memref<321x64xf32, #tpu.memory_space<vmem>>, vector<1x16xf32>,
            %get3A_256 = arith.index_cast %squeeze3A_205 : i32 to index
            %get3A_257 = arith.constant 32 : index
            %get3A_258 = tpu.vector_load %arg6[%get3A_256, %get3A_257] {strides = array<i32>} : memref<321x64xf32, #tpu.memory_space<vmem>>, vector<1x16xf32>,
            %get3A_259 = vector.shape_cast %get3A_258 : vector<1x16xf32> to vector<16xf32>
            %get3A_260 = arith.constant 32 : index
            %get3A_261 = tpu.vector_load %arg12[%get3A_260] {strides = array<i32>} : memref<64xf32, #tpu.memory_space<vmem>>, vector<16xf32>,
            %get3A_262 = vector.shape_cast %get3A_261 : vector<16xf32> to vector<16xf32>
            %max3A_263 = arith.maximumf %get3A_259, %get3A_262 : vector<16xf32>
            %swap3A_264 = arith.index_cast %squeeze3A_205 : i32 to index
            %swap3A_265 = arith.constant 32 : index
            %swap3A_266 = tpu.vector_load %arg6[%swap3A_264, %swap3A_265] {strides = array<i32>} : memref<321x64xf32, #tpu.memory_space<vmem>>, vector<1x16xf32>,
            %swap3A_267 = vector.shape_cast %swap3A_266 : vector<1x16xf32> to vector<16xf32>
            %swap3A_268 = vector.shape_cast %max3A_263 : vector<16xf32> to vector<1x16xf32>
            tpu.vector_store %arg6[%swap3A_264, %swap3A_265], %swap3A_268 {strides = array<i32>} : memref<321x64xf32, #tpu.memory_space<vmem>>, vector<1x16xf32>,
            %get3A_269 = arith.index_cast %squeeze3A_205 : i32 to index
            %get3A_270 = arith.constant 48 : index
            %get3A_271 = tpu.vector_load %arg6[%get3A_269, %get3A_270] {strides = array<i32>} : memref<321x64xf32, #tpu.memory_space<vmem>>, vector<1x16xf32>,
            %get3A_272 = vector.shape_cast %get3A_271 : vector<1x16xf32> to vector<16xf32>
            %get3A_273 = arith.constant 48 : index
            %get3A_274 = tpu.vector_load %arg12[%get3A_273] {strides = array<i32>} : memref<64xf32, #tpu.memory_space<vmem>>, vector<16xf32>,
            %get3A_275 = vector.shape_cast %get3A_274 : vector<16xf32> to vector<16xf32>
            %max3A_276 = arith.maximumf %get3A_272, %get3A_275 : vector<16xf32>
            %swap3A_277 = arith.index_cast %squeeze3A_205 : i32 to index
            %swap3A_278 = arith.constant 48 : index
            %swap3A_279 = tpu.vector_load %arg6[%swap3A_277, %swap3A_278] {strides = array<i32>} : memref<321x64xf32, #tpu.memory_space<vmem>>, vector<1x16xf32>,
            %swap3A_280 = vector.shape_cast %swap3A_279 : vector<1x16xf32> to vector<16xf32>
            %swap3A_281 = vector.shape_cast %max3A_276 : vector<16xf32> to vector<1x16xf32>
            tpu.vector_store %arg6[%swap3A_277, %swap3A_278], %swap3A_281 {strides = array<i32>} : memref<321x64xf32, #tpu.memory_space<vmem>>, vector<1x16xf32>,
          } else {
          }
          %slice3A_213 = vector.extract_strided_slice %get3A_83 {offsets = [14], sizes = [1], strides = [1]} : vector<16xi32> to vector<1xi32>
          %squeeze3A_214 = vector.extract %slice3A_213[0] : i32 from vector<1xi32>
          %slice3A_215 = vector.extract_strided_slice %get3A_86 {offsets = [14], sizes = [1], strides = [1]} : vector<16xi32> to vector<1xi32>
          %squeeze3A_216 = vector.extract %slice3A_215[0] : i32 from vector<1xi32>
          %lt3A_217 = arith.constant 320 : i32
          %lt3A_218 = arith.cmpi slt, %squeeze3A_214, %lt3A_217 : i32
          %convert_element_type3A_219 = arith.extui %lt3A_218 : i1 to i32
          %cond3A_220 = arith.constant 0 : i32
          %cond3A_221 = arith.cmpi ne, %convert_element_type3A_219, %cond3A_220 : i32
          scf.if %cond3A_221 {
            %multiple_of3A = tpu.assume_multiple %squeeze3A_216, 8 : i32
            "tpu.region"() ({
              %run_scoped3A = tpu.sem_alloc : memref<!tpu.dma_semaphore, #tpu.memory_space<semaphore_mem>>
              %dma_start3A = tpu.memref_slice %arg14[%multiple_of3A] : memref<655360xf32, #tpu.memory_space<vmem_shared>> -> memref<64xf32, #tpu.memory_space<vmem_shared>>
              %dma_start3A_282 = tpu.memref_slice %arg14[%multiple_of3A] : memref<655360xf32, #tpu.memory_space<vmem_shared>> -> memref<64xf32, #tpu.memory_space<vmem_shared>>
              tpu.enqueue_dma source(%dma_start3A_282 : memref<64xf32, #tpu.memory_space<vmem_shared>>) target(%arg12 : memref<64xf32, #tpu.memory_space<vmem>>) target_semaphore(%run_scoped3A : memref<!tpu.dma_semaphore, #tpu.memory_space<semaphore_mem>>)
              %dma_wait3A = tpu.memref_slice %arg14[%multiple_of3A] : memref<655360xf32, #tpu.memory_space<vmem_shared>> -> memref<64xf32, #tpu.memory_space<vmem_shared>>
              %dma_wait3A_283 = tpu.memref_slice %arg14[%multiple_of3A] : memref<655360xf32, #tpu.memory_space<vmem_shared>> -> memref<64xf32, #tpu.memory_space<vmem_shared>>
              tpu.wait_dma2 semaphore(%run_scoped3A : memref<!tpu.dma_semaphore, #tpu.memory_space<semaphore_mem>>) src(%dma_wait3A_283 : memref<64xf32, #tpu.memory_space<vmem_shared>>) dst(%arg12 : memref<64xf32, #tpu.memory_space<vmem>>)
              tpu.yield
            }) : () -> ()
            %get3A_231 = arith.index_cast %squeeze3A_214 : i32 to index
            %get3A_232 = arith.constant 0 : index
            %get3A_233 = tpu.vector_load %arg6[%get3A_231, %get3A_232] {strides = array<i32>} : memref<321x64xf32, #tpu.memory_space<vmem>>, vector<1x16xf32>,
            %get3A_234 = vector.shape_cast %get3A_233 : vector<1x16xf32> to vector<16xf32>
            %get3A_235 = arith.constant 0 : index
            %get3A_236 = tpu.vector_load %arg12[%get3A_235] {strides = array<i32>} : memref<64xf32, #tpu.memory_space<vmem>>, vector<16xf32>,
            %get3A_237 = vector.shape_cast %get3A_236 : vector<16xf32> to vector<16xf32>
            %max3A = arith.maximumf %get3A_234, %get3A_237 : vector<16xf32>
            %swap3A_238 = arith.index_cast %squeeze3A_214 : i32 to index
            %swap3A_239 = arith.constant 0 : index
            %swap3A_240 = tpu.vector_load %arg6[%swap3A_238, %swap3A_239] {strides = array<i32>} : memref<321x64xf32, #tpu.memory_space<vmem>>, vector<1x16xf32>,
            %swap3A_241 = vector.shape_cast %swap3A_240 : vector<1x16xf32> to vector<16xf32>
            %swap3A_242 = vector.shape_cast %max3A : vector<16xf32> to vector<1x16xf32>
            tpu.vector_store %arg6[%swap3A_238, %swap3A_239], %swap3A_242 {strides = array<i32>} : memref<321x64xf32, #tpu.memory_space<vmem>>, vector<1x16xf32>,
            %get3A_243 = arith.index_cast %squeeze3A_214 : i32 to index
            %get3A_244 = arith.constant 16 : index
            %get3A_245 = tpu.vector_load %arg6[%get3A_243, %get3A_244] {strides = array<i32>} : memref<321x64xf32, #tpu.memory_space<vmem>>, vector<1x16xf32>,
            %get3A_246 = vector.shape_cast %get3A_245 : vector<1x16xf32> to vector<16xf32>
            %get3A_247 = arith.constant 16 : index
            %get3A_248 = tpu.vector_load %arg12[%get3A_247] {strides = array<i32>} : memref<64xf32, #tpu.memory_space<vmem>>, vector<16xf32>,
            %get3A_249 = vector.shape_cast %get3A_248 : vector<16xf32> to vector<16xf32>
            %max3A_250 = arith.maximumf %get3A_246, %get3A_249 : vector<16xf32>
            %swap3A_251 = arith.index_cast %squeeze3A_214 : i32 to index
            %swap3A_252 = arith.constant 16 : index
            %swap3A_253 = tpu.vector_load %arg6[%swap3A_251, %swap3A_252] {strides = array<i32>} : memref<321x64xf32, #tpu.memory_space<vmem>>, vector<1x16xf32>,
            %swap3A_254 = vector.shape_cast %swap3A_253 : vector<1x16xf32> to vector<16xf32>
            %swap3A_255 = vector.shape_cast %max3A_250 : vector<16xf32> to vector<1x16xf32>
            tpu.vector_store %arg6[%swap3A_251, %swap3A_252], %swap3A_255 {strides = array<i32>} : memref<321x64xf32, #tpu.memory_space<vmem>>, vector<1x16xf32>,
            %get3A_256 = arith.index_cast %squeeze3A_214 : i32 to index
            %get3A_257 = arith.constant 32 : index
            %get3A_258 = tpu.vector_load %arg6[%get3A_256, %get3A_257] {strides = array<i32>} : memref<321x64xf32, #tpu.memory_space<vmem>>, vector<1x16xf32>,
            %get3A_259 = vector.shape_cast %get3A_258 : vector<1x16xf32> to vector<16xf32>
            %get3A_260 = arith.constant 32 : index
            %get3A_261 = tpu.vector_load %arg12[%get3A_260] {strides = array<i32>} : memref<64xf32, #tpu.memory_space<vmem>>, vector<16xf32>,
            %get3A_262 = vector.shape_cast %get3A_261 : vector<16xf32> to vector<16xf32>
            %max3A_263 = arith.maximumf %get3A_259, %get3A_262 : vector<16xf32>
            %swap3A_264 = arith.index_cast %squeeze3A_214 : i32 to index
            %swap3A_265 = arith.constant 32 : index
            %swap3A_266 = tpu.vector_load %arg6[%swap3A_264, %swap3A_265] {strides = array<i32>} : memref<321x64xf32, #tpu.memory_space<vmem>>, vector<1x16xf32>,
            %swap3A_267 = vector.shape_cast %swap3A_266 : vector<1x16xf32> to vector<16xf32>
            %swap3A_268 = vector.shape_cast %max3A_263 : vector<16xf32> to vector<1x16xf32>
            tpu.vector_store %arg6[%swap3A_264, %swap3A_265], %swap3A_268 {strides = array<i32>} : memref<321x64xf32, #tpu.memory_space<vmem>>, vector<1x16xf32>,
            %get3A_269 = arith.index_cast %squeeze3A_214 : i32 to index
            %get3A_270 = arith.constant 48 : index
            %get3A_271 = tpu.vector_load %arg6[%get3A_269, %get3A_270] {strides = array<i32>} : memref<321x64xf32, #tpu.memory_space<vmem>>, vector<1x16xf32>,
            %get3A_272 = vector.shape_cast %get3A_271 : vector<1x16xf32> to vector<16xf32>
            %get3A_273 = arith.constant 48 : index
            %get3A_274 = tpu.vector_load %arg12[%get3A_273] {strides = array<i32>} : memref<64xf32, #tpu.memory_space<vmem>>, vector<16xf32>,
            %get3A_275 = vector.shape_cast %get3A_274 : vector<16xf32> to vector<16xf32>
            %max3A_276 = arith.maximumf %get3A_272, %get3A_275 : vector<16xf32>
            %swap3A_277 = arith.index_cast %squeeze3A_214 : i32 to index
            %swap3A_278 = arith.constant 48 : index
            %swap3A_279 = tpu.vector_load %arg6[%swap3A_277, %swap3A_278] {strides = array<i32>} : memref<321x64xf32, #tpu.memory_space<vmem>>, vector<1x16xf32>,
            %swap3A_280 = vector.shape_cast %swap3A_279 : vector<1x16xf32> to vector<16xf32>
            %swap3A_281 = vector.shape_cast %max3A_276 : vector<16xf32> to vector<1x16xf32>
            tpu.vector_store %arg6[%swap3A_277, %swap3A_278], %swap3A_281 {strides = array<i32>} : memref<321x64xf32, #tpu.memory_space<vmem>>, vector<1x16xf32>,
          } else {
          }
          %slice3A_222 = vector.extract_strided_slice %get3A_83 {offsets = [15], sizes = [1], strides = [1]} : vector<16xi32> to vector<1xi32>
          %squeeze3A_223 = vector.extract %slice3A_222[0] : i32 from vector<1xi32>
          %slice3A_224 = vector.extract_strided_slice %get3A_86 {offsets = [15], sizes = [1], strides = [1]} : vector<16xi32> to vector<1xi32>
          %squeeze3A_225 = vector.extract %slice3A_224[0] : i32 from vector<1xi32>
          %lt3A_226 = arith.constant 320 : i32
          %lt3A_227 = arith.cmpi slt, %squeeze3A_223, %lt3A_226 : i32
          %convert_element_type3A_228 = arith.extui %lt3A_227 : i1 to i32
          %cond3A_229 = arith.constant 0 : i32
          %cond3A_230 = arith.cmpi ne, %convert_element_type3A_228, %cond3A_229 : i32
          scf.if %cond3A_230 {
            %multiple_of3A = tpu.assume_multiple %squeeze3A_225, 8 : i32
            "tpu.region"() ({
              %run_scoped3A = tpu.sem_alloc : memref<!tpu.dma_semaphore, #tpu.memory_space<semaphore_mem>>
              %dma_start3A = tpu.memref_slice %arg14[%multiple_of3A] : memref<655360xf32, #tpu.memory_space<vmem_shared>> -> memref<64xf32, #tpu.memory_space<vmem_shared>>
              %dma_start3A_282 = tpu.memref_slice %arg14[%multiple_of3A] : memref<655360xf32, #tpu.memory_space<vmem_shared>> -> memref<64xf32, #tpu.memory_space<vmem_shared>>
              tpu.enqueue_dma source(%dma_start3A_282 : memref<64xf32, #tpu.memory_space<vmem_shared>>) target(%arg12 : memref<64xf32, #tpu.memory_space<vmem>>) target_semaphore(%run_scoped3A : memref<!tpu.dma_semaphore, #tpu.memory_space<semaphore_mem>>)
              %dma_wait3A = tpu.memref_slice %arg14[%multiple_of3A] : memref<655360xf32, #tpu.memory_space<vmem_shared>> -> memref<64xf32, #tpu.memory_space<vmem_shared>>
              %dma_wait3A_283 = tpu.memref_slice %arg14[%multiple_of3A] : memref<655360xf32, #tpu.memory_space<vmem_shared>> -> memref<64xf32, #tpu.memory_space<vmem_shared>>
              tpu.wait_dma2 semaphore(%run_scoped3A : memref<!tpu.dma_semaphore, #tpu.memory_space<semaphore_mem>>) src(%dma_wait3A_283 : memref<64xf32, #tpu.memory_space<vmem_shared>>) dst(%arg12 : memref<64xf32, #tpu.memory_space<vmem>>)
              tpu.yield
            }) : () -> ()
            %get3A_231 = arith.index_cast %squeeze3A_223 : i32 to index
            %get3A_232 = arith.constant 0 : index
            %get3A_233 = tpu.vector_load %arg6[%get3A_231, %get3A_232] {strides = array<i32>} : memref<321x64xf32, #tpu.memory_space<vmem>>, vector<1x16xf32>,
            %get3A_234 = vector.shape_cast %get3A_233 : vector<1x16xf32> to vector<16xf32>
            %get3A_235 = arith.constant 0 : index
            %get3A_236 = tpu.vector_load %arg12[%get3A_235] {strides = array<i32>} : memref<64xf32, #tpu.memory_space<vmem>>, vector<16xf32>,
            %get3A_237 = vector.shape_cast %get3A_236 : vector<16xf32> to vector<16xf32>
            %max3A = arith.maximumf %get3A_234, %get3A_237 : vector<16xf32>
            %swap3A_238 = arith.index_cast %squeeze3A_223 : i32 to index
            %swap3A_239 = arith.constant 0 : index
            %swap3A_240 = tpu.vector_load %arg6[%swap3A_238, %swap3A_239] {strides = array<i32>} : memref<321x64xf32, #tpu.memory_space<vmem>>, vector<1x16xf32>,
            %swap3A_241 = vector.shape_cast %swap3A_240 : vector<1x16xf32> to vector<16xf32>
            %swap3A_242 = vector.shape_cast %max3A : vector<16xf32> to vector<1x16xf32>
            tpu.vector_store %arg6[%swap3A_238, %swap3A_239], %swap3A_242 {strides = array<i32>} : memref<321x64xf32, #tpu.memory_space<vmem>>, vector<1x16xf32>,
            %get3A_243 = arith.index_cast %squeeze3A_223 : i32 to index
            %get3A_244 = arith.constant 16 : index
            %get3A_245 = tpu.vector_load %arg6[%get3A_243, %get3A_244] {strides = array<i32>} : memref<321x64xf32, #tpu.memory_space<vmem>>, vector<1x16xf32>,
            %get3A_246 = vector.shape_cast %get3A_245 : vector<1x16xf32> to vector<16xf32>
            %get3A_247 = arith.constant 16 : index
            %get3A_248 = tpu.vector_load %arg12[%get3A_247] {strides = array<i32>} : memref<64xf32, #tpu.memory_space<vmem>>, vector<16xf32>,
            %get3A_249 = vector.shape_cast %get3A_248 : vector<16xf32> to vector<16xf32>
            %max3A_250 = arith.maximumf %get3A_246, %get3A_249 : vector<16xf32>
            %swap3A_251 = arith.index_cast %squeeze3A_223 : i32 to index
            %swap3A_252 = arith.constant 16 : index
            %swap3A_253 = tpu.vector_load %arg6[%swap3A_251, %swap3A_252] {strides = array<i32>} : memref<321x64xf32, #tpu.memory_space<vmem>>, vector<1x16xf32>,
            %swap3A_254 = vector.shape_cast %swap3A_253 : vector<1x16xf32> to vector<16xf32>
            %swap3A_255 = vector.shape_cast %max3A_250 : vector<16xf32> to vector<1x16xf32>
            tpu.vector_store %arg6[%swap3A_251, %swap3A_252], %swap3A_255 {strides = array<i32>} : memref<321x64xf32, #tpu.memory_space<vmem>>, vector<1x16xf32>,
            %get3A_256 = arith.index_cast %squeeze3A_223 : i32 to index
            %get3A_257 = arith.constant 32 : index
            %get3A_258 = tpu.vector_load %arg6[%get3A_256, %get3A_257] {strides = array<i32>} : memref<321x64xf32, #tpu.memory_space<vmem>>, vector<1x16xf32>,
            %get3A_259 = vector.shape_cast %get3A_258 : vector<1x16xf32> to vector<16xf32>
            %get3A_260 = arith.constant 32 : index
            %get3A_261 = tpu.vector_load %arg12[%get3A_260] {strides = array<i32>} : memref<64xf32, #tpu.memory_space<vmem>>, vector<16xf32>,
            %get3A_262 = vector.shape_cast %get3A_261 : vector<16xf32> to vector<16xf32>
            %max3A_263 = arith.maximumf %get3A_259, %get3A_262 : vector<16xf32>
            %swap3A_264 = arith.index_cast %squeeze3A_223 : i32 to index
            %swap3A_265 = arith.constant 32 : index
            %swap3A_266 = tpu.vector_load %arg6[%swap3A_264, %swap3A_265] {strides = array<i32>} : memref<321x64xf32, #tpu.memory_space<vmem>>, vector<1x16xf32>,
            %swap3A_267 = vector.shape_cast %swap3A_266 : vector<1x16xf32> to vector<16xf32>
            %swap3A_268 = vector.shape_cast %max3A_263 : vector<16xf32> to vector<1x16xf32>
            tpu.vector_store %arg6[%swap3A_264, %swap3A_265], %swap3A_268 {strides = array<i32>} : memref<321x64xf32, #tpu.memory_space<vmem>>, vector<1x16xf32>,
            %get3A_269 = arith.index_cast %squeeze3A_223 : i32 to index
            %get3A_270 = arith.constant 48 : index
            %get3A_271 = tpu.vector_load %arg6[%get3A_269, %get3A_270] {strides = array<i32>} : memref<321x64xf32, #tpu.memory_space<vmem>>, vector<1x16xf32>,
            %get3A_272 = vector.shape_cast %get3A_271 : vector<1x16xf32> to vector<16xf32>
            %get3A_273 = arith.constant 48 : index
            %get3A_274 = tpu.vector_load %arg12[%get3A_273] {strides = array<i32>} : memref<64xf32, #tpu.memory_space<vmem>>, vector<16xf32>,
            %get3A_275 = vector.shape_cast %get3A_274 : vector<16xf32> to vector<16xf32>
            %max3A_276 = arith.maximumf %get3A_272, %get3A_275 : vector<16xf32>
            %swap3A_277 = arith.index_cast %squeeze3A_223 : i32 to index
            %swap3A_278 = arith.constant 48 : index
            %swap3A_279 = tpu.vector_load %arg6[%swap3A_277, %swap3A_278] {strides = array<i32>} : memref<321x64xf32, #tpu.memory_space<vmem>>, vector<1x16xf32>,
            %swap3A_280 = vector.shape_cast %swap3A_279 : vector<1x16xf32> to vector<16xf32>
            %swap3A_281 = vector.shape_cast %max3A_276 : vector<16xf32> to vector<1x16xf32>
            tpu.vector_store %arg6[%swap3A_277, %swap3A_278], %swap3A_281 {strides = array<i32>} : memref<321x64xf32, #tpu.memory_space<vmem>>, vector<1x16xf32>,
          } else {
          }
        } else {
        }
        %scan3A_80 = arith.constant 0 : i32
        scf.yield %scan3A_80 : i32
      }
      %scan3A_68 = arith.constant 160 : i32
      %scan3A_69 = arith.constant 0 : i32
      scf.yield %scan3A_69 : i32
    }
    %scan3A_41 = arith.constant 125 : i32
    %scan3A_42 = arith.constant 0 : i32
    %scan3A_43 = arith.constant 0 : i32
    %scan3A_44 = arith.constant 320 : i32
    %scan3A_45 = arith.addi %scan3A_43, %scan3A_44 : i32
    %scan3A_46 = arith.constant 1 : i32
    %scan3A_47 = scf.for %scan3A_49 = %scan3A_43 to %scan3A_45 step %scan3A_46 iter_args(%scan3A_50 = %scan3A_42) -> (i32)  : i32 {
      %get3A = arith.index_cast %scan3A_49 : i32 to index
      %get3A_51 = arith.constant 0 : index
      %get3A_52 = tpu.vector_load %arg6[%get3A, %get3A_51] {strides = array<i32>} : memref<321x64xf32, #tpu.memory_space<vmem>>, vector<1x16xf32>,
      %get3A_53 = vector.shape_cast %get3A_52 : vector<1x16xf32> to vector<16xf32>
      %eq3A_54 = arith.constant 0xFF800000 : f32
      %eq3A_55 = vector.broadcast %eq3A_54 : f32 to vector<16xf32>
      %eq3A_56 = arith.cmpf oeq, %get3A_53, %eq3A_55 : vector<16xf32>
      %jit3A = arith.constant 0.000000e+00 : f32
      %broadcast_in_dim3A_57 = vector.broadcast %jit3A : f32 to vector<16xf32>
      %select_n3A = arith.select %eq3A_56, %broadcast_in_dim3A_57, %get3A_53 : vector<16xi1>, vector<16xf32>
      %swap3A_58 = arith.index_cast %scan3A_49 : i32 to index
      %swap3A_59 = arith.constant 0 : index
      %swap3A_60 = tpu.vector_load %arg6[%swap3A_58, %swap3A_59] {strides = array<i32>} : memref<321x64xf32, #tpu.memory_space<vmem>>, vector<1x16xf32>,
      %swap3A_61 = vector.shape_cast %swap3A_60 : vector<1x16xf32> to vector<16xf32>
      %swap3A_62 = vector.shape_cast %select_n3A : vector<16xf32> to vector<1x16xf32>
      tpu.vector_store %arg6[%swap3A_58, %swap3A_59], %swap3A_62 {strides = array<i32>} : memref<321x64xf32, #tpu.memory_space<vmem>>, vector<1x16xf32>,
      %get3A_63 = arith.index_cast %scan3A_49 : i32 to index
      %get3A_64 = arith.constant 16 : index
      %get3A_65 = tpu.vector_load %arg6[%get3A_63, %get3A_64] {strides = array<i32>} : memref<321x64xf32, #tpu.memory_space<vmem>>, vector<1x16xf32>,
      %get3A_66 = vector.shape_cast %get3A_65 : vector<1x16xf32> to vector<16xf32>
      %eq3A_67 = arith.constant 0xFF800000 : f32
      %eq3A_68 = vector.broadcast %eq3A_67 : f32 to vector<16xf32>
      %eq3A_69 = arith.cmpf oeq, %get3A_66, %eq3A_68 : vector<16xf32>
      %jit3A_70 = arith.constant 0.000000e+00 : f32
      %broadcast_in_dim3A_71 = vector.broadcast %jit3A_70 : f32 to vector<16xf32>
      %select_n3A_72 = arith.select %eq3A_69, %broadcast_in_dim3A_71, %get3A_66 : vector<16xi1>, vector<16xf32>
      %swap3A_73 = arith.index_cast %scan3A_49 : i32 to index
      %swap3A_74 = arith.constant 16 : index
      %swap3A_75 = tpu.vector_load %arg6[%swap3A_73, %swap3A_74] {strides = array<i32>} : memref<321x64xf32, #tpu.memory_space<vmem>>, vector<1x16xf32>,
      %swap3A_76 = vector.shape_cast %swap3A_75 : vector<1x16xf32> to vector<16xf32>
      %swap3A_77 = vector.shape_cast %select_n3A_72 : vector<16xf32> to vector<1x16xf32>
      tpu.vector_store %arg6[%swap3A_73, %swap3A_74], %swap3A_77 {strides = array<i32>} : memref<321x64xf32, #tpu.memory_space<vmem>>, vector<1x16xf32>,
      %get3A_78 = arith.index_cast %scan3A_49 : i32 to index
      %get3A_79 = arith.constant 32 : index
      %get3A_80 = tpu.vector_load %arg6[%get3A_78, %get3A_79] {strides = array<i32>} : memref<321x64xf32, #tpu.memory_space<vmem>>, vector<1x16xf32>,
      %get3A_81 = vector.shape_cast %get3A_80 : vector<1x16xf32> to vector<16xf32>
      %eq3A_82 = arith.constant 0xFF800000 : f32
      %eq3A_83 = vector.broadcast %eq3A_82 : f32 to vector<16xf32>
      %eq3A_84 = arith.cmpf oeq, %get3A_81, %eq3A_83 : vector<16xf32>
      %jit3A_85 = arith.constant 0.000000e+00 : f32
      %broadcast_in_dim3A_86 = vector.broadcast %jit3A_85 : f32 to vector<16xf32>
      %select_n3A_87 = arith.select %eq3A_84, %broadcast_in_dim3A_86, %get3A_81 : vector<16xi1>, vector<16xf32>
      %swap3A_88 = arith.index_cast %scan3A_49 : i32 to index
      %swap3A_89 = arith.constant 32 : index
      %swap3A_90 = tpu.vector_load %arg6[%swap3A_88, %swap3A_89] {strides = array<i32>} : memref<321x64xf32, #tpu.memory_space<vmem>>, vector<1x16xf32>,
      %swap3A_91 = vector.shape_cast %swap3A_90 : vector<1x16xf32> to vector<16xf32>
      %swap3A_92 = vector.shape_cast %select_n3A_87 : vector<16xf32> to vector<1x16xf32>
      tpu.vector_store %arg6[%swap3A_88, %swap3A_89], %swap3A_92 {strides = array<i32>} : memref<321x64xf32, #tpu.memory_space<vmem>>, vector<1x16xf32>,
      %get3A_93 = arith.index_cast %scan3A_49 : i32 to index
      %get3A_94 = arith.constant 48 : index
      %get3A_95 = tpu.vector_load %arg6[%get3A_93, %get3A_94] {strides = array<i32>} : memref<321x64xf32, #tpu.memory_space<vmem>>, vector<1x16xf32>,
      %get3A_96 = vector.shape_cast %get3A_95 : vector<1x16xf32> to vector<16xf32>
      %eq3A_97 = arith.constant 0xFF800000 : f32
      %eq3A_98 = vector.broadcast %eq3A_97 : f32 to vector<16xf32>
      %eq3A_99 = arith.cmpf oeq, %get3A_96, %eq3A_98 : vector<16xf32>
      %jit3A_100 = arith.constant 0.000000e+00 : f32
      %broadcast_in_dim3A_101 = vector.broadcast %jit3A_100 : f32 to vector<16xf32>
      %select_n3A_102 = arith.select %eq3A_99, %broadcast_in_dim3A_101, %get3A_96 : vector<16xi1>, vector<16xf32>
      %swap3A_103 = arith.index_cast %scan3A_49 : i32 to index
      %swap3A_104 = arith.constant 48 : index
      %swap3A_105 = tpu.vector_load %arg6[%swap3A_103, %swap3A_104] {strides = array<i32>} : memref<321x64xf32, #tpu.memory_space<vmem>>, vector<1x16xf32>,
      %swap3A_106 = vector.shape_cast %swap3A_105 : vector<1x16xf32> to vector<16xf32>
      %swap3A_107 = vector.shape_cast %select_n3A_102 : vector<16xf32> to vector<1x16xf32>
      tpu.vector_store %arg6[%swap3A_103, %swap3A_104], %swap3A_107 {strides = array<i32>} : memref<321x64xf32, #tpu.memory_space<vmem>>, vector<1x16xf32>,
      %scan3A_108 = arith.constant 0 : i32
      scf.yield %scan3A_108 : i32
    }
    %scan3A_48 = arith.constant 320 : i32
    "tpu.region"() ({
      %run_scoped3A = tpu.sem_alloc : memref<!tpu.dma_semaphore, #tpu.memory_space<semaphore_mem>>
      %dma_start3A = arith.constant 0 : i32
      %dma_start3A_49 = arith.constant 0 : i32
      %dma_start3A_50 = tpu.memref_slice %arg6[%dma_start3A, %dma_start3A_49] : memref<321x64xf32, #tpu.memory_space<vmem>> -> memref<320x64xf32, #tpu.memory_space<vmem>>
      %dma_start3A_51 = arith.constant 0 : i32
      %dma_start3A_52 = tpu.memref_slice %arg5[%mul3A_2, %dma_start3A_51] : memref<10240x64xf32, #tpu.memory_space<hbm>> -> memref<320x64xf32, #tpu.memory_space<hbm>>
      %dma_start3A_53 = arith.constant 0 : i32
      %dma_start3A_54 = tpu.memref_slice %arg5[%mul3A_2, %dma_start3A_53] : memref<10240x64xf32, #tpu.memory_space<hbm>> -> memref<320x64xf32, #tpu.memory_space<hbm>>
      %dma_start3A_55 = arith.constant 0 : i32
      %dma_start3A_56 = arith.constant 0 : i32
      %dma_start3A_57 = tpu.memref_slice %arg6[%dma_start3A_55, %dma_start3A_56] : memref<321x64xf32, #tpu.memory_space<vmem>> -> memref<320x64xf32, #tpu.memory_space<vmem>>
      tpu.enqueue_dma source(%dma_start3A_57 : memref<320x64xf32, #tpu.memory_space<vmem>>) target(%dma_start3A_54 : memref<320x64xf32, #tpu.memory_space<hbm>>) target_semaphore(%run_scoped3A : memref<!tpu.dma_semaphore, #tpu.memory_space<semaphore_mem>>)
      %dma_wait3A = arith.constant 0 : i32
      %dma_wait3A_58 = arith.constant 0 : i32
      %dma_wait3A_59 = tpu.memref_slice %arg6[%dma_wait3A, %dma_wait3A_58] : memref<321x64xf32, #tpu.memory_space<vmem>> -> memref<320x64xf32, #tpu.memory_space<vmem>>
      %dma_wait3A_60 = arith.constant 0 : i32
      %dma_wait3A_61 = tpu.memref_slice %arg5[%mul3A_2, %dma_wait3A_60] : memref<10240x64xf32, #tpu.memory_space<hbm>> -> memref<320x64xf32, #tpu.memory_space<hbm>>
      %dma_wait3A_62 = arith.constant 0 : i32
      %dma_wait3A_63 = tpu.memref_slice %arg5[%mul3A_2, %dma_wait3A_62] : memref<10240x64xf32, #tpu.memory_space<hbm>> -> memref<320x64xf32, #tpu.memory_space<hbm>>
      %dma_wait3A_64 = arith.constant 0 : i32
      %dma_wait3A_65 = arith.constant 0 : i32
      %dma_wait3A_66 = tpu.memref_slice %arg6[%dma_wait3A_64, %dma_wait3A_65] : memref<321x64xf32, #tpu.memory_space<vmem>> -> memref<320x64xf32, #tpu.memory_space<vmem>>
      tpu.wait_dma2 semaphore(%run_scoped3A : memref<!tpu.dma_semaphore, #tpu.memory_space<semaphore_mem>>) src(%dma_wait3A_66 : memref<320x64xf32, #tpu.memory_space<vmem>>) dst(%dma_wait3A_63 : memref<320x64xf32, #tpu.memory_space<hbm>>)
      tpu.yield
    }) : () -> ()
    return
  }
}

#map = affine_map<(d0, d1) -> (0)>
#map1 = affine_map<(d0, d1) -> (0, 0)>
module attributes {stable_mosaic.version = 14 : i64} {
  func.func @_segmax_sc(%arg0: i32, %arg1: i32, %arg2: memref<655360xf32, #tpu.memory_space<hbm>>, %arg3: memref<320000xi32, #tpu.memory_space<hbm>>, %arg4: memref<320000xi32, #tpu.memory_space<hbm>>, %arg5: memref<10240x64xf32, #tpu.memory_space<hbm>>, %arg6: memref<321x64xf32, #tpu.memory_space<vmem>>, %arg7: memref<2576xi32, #tpu.memory_space<vmem>>, %arg8: memref<2576xi32, #tpu.memory_space<vmem>>, %arg9: memref<2576xi32, #tpu.memory_space<vmem>>, %arg10: memref<2576xi32, #tpu.memory_space<vmem>>, %arg11: memref<2576xi32, #tpu.memory_space<vmem>>, %arg12: memref<64xf32, #tpu.memory_space<vmem>>, %arg13: memref<192xi32, #tpu.memory_space<vmem>>, %arg14: memref<655360xf32, #tpu.memory_space<vmem_shared>>, %arg15: memref<!tpu.dma_semaphore, #tpu.memory_space<semaphore_mem>>) attributes {dimension_semantics = [#tpu.dimension_semantics<core_parallel>, #tpu.dimension_semantics<subcore_parallel>], iteration_bounds = array<i64: 2, 16>, scalar_prefetch = 0 : i64, scratch_operands = 10 : i64, tpu.core_type = #tpu.core_type<sc_vector_subcore>, window_params = [{transform_indices = #map}, {transform_indices = #map}, {transform_indices = #map}, {transform_indices = #map1}]} {
    %mul3A = arith.constant 2 : i32
    %mul3A_0 = arith.muli %arg1, %mul3A : i32
    %add3A = arith.addi %mul3A_0, %arg0 : i32
    %mul3A_1 = arith.constant 320 : i32
    %mul3A_2 = arith.muli %add3A, %mul3A_1 : i32
    %iota3A = tpu.iota {dimensions = array<i32: 0>} : vector<16xi32>
    %broadcast_in_dim3A = arith.constant 0xFF800000 : f32
    %broadcast_in_dim3A_3 = vector.broadcast %broadcast_in_dim3A : f32 to vector<16xf32>
    %eq3A = arith.constant 0 : i32
    %eq3A_4 = arith.cmpi eq, %arg1, %eq3A : i32
    %convert_element_type3A = arith.extui %eq3A_4 : i1 to i32
    %cond3A = arith.constant 0 : i32
    %cond3A_5 = arith.cmpi ne, %convert_element_type3A, %cond3A : i32
    scf.if %cond3A_5 {
      "tpu.region"() ({
        %run_scoped3A = tpu.sem_alloc : memref<!tpu.dma_semaphore, #tpu.memory_space<semaphore_mem>>
        tpu.enqueue_dma source(%arg2 : memref<655360xf32, #tpu.memory_space<hbm>>) target(%arg14 : memref<655360xf32, #tpu.memory_space<vmem_shared>>) target_semaphore(%run_scoped3A : memref<!tpu.dma_semaphore, #tpu.memory_space<semaphore_mem>>)
        tpu.wait_dma2 semaphore(%run_scoped3A : memref<!tpu.dma_semaphore, #tpu.memory_space<semaphore_mem>>) src(%arg2 : memref<655360xf32, #tpu.memory_space<hbm>>) dst(%arg14 : memref<655360xf32, #tpu.memory_space<vmem_shared>>)
        tpu.yield
      }) : () -> ()
    } else {
    }
    %barrier3A = arith.constant 0 : index
    tpu.barrier barrier_id(%barrier3A)
    %scan3A = arith.constant 0 : i32
    %scan3A_6 = arith.constant 0 : i32
    %scan3A_7 = arith.constant 321 : i32
    %scan3A_8 = arith.addi %scan3A_6, %scan3A_7 : i32
    %scan3A_9 = arith.constant 1 : i32
    %scan3A_10 = scf.for %scan3A_49 = %scan3A_6 to %scan3A_8 step %scan3A_9 iter_args(%scan3A_50 = %scan3A) -> (i32)  : i32 {
      %swap3A_51 = arith.index_cast %scan3A_49 : i32 to index
      %swap3A_52 = arith.constant 0 : index
      %swap3A_53 = tpu.vector_load %arg6[%swap3A_51, %swap3A_52] {strides = array<i32>} : memref<321x64xf32, #tpu.memory_space<vmem>>, vector<1x16xf32>,
      %swap3A_54 = vector.shape_cast %swap3A_53 : vector<1x16xf32> to vector<16xf32>
      %swap3A_55 = vector.shape_cast %broadcast_in_dim3A_3 : vector<16xf32> to vector<1x16xf32>
      tpu.vector_store %arg6[%swap3A_51, %swap3A_52], %swap3A_55 {strides = array<i32>} : memref<321x64xf32, #tpu.memory_space<vmem>>, vector<1x16xf32>,
      %swap3A_56 = arith.index_cast %scan3A_49 : i32 to index
      %swap3A_57 = arith.constant 16 : index
      %swap3A_58 = tpu.vector_load %arg6[%swap3A_56, %swap3A_57] {strides = array<i32>} : memref<321x64xf32, #tpu.memory_space<vmem>>, vector<1x16xf32>,
      %swap3A_59 = vector.shape_cast %swap3A_58 : vector<1x16xf32> to vector<16xf32>
      %swap3A_60 = vector.shape_cast %broadcast_in_dim3A_3 : vector<16xf32> to vector<1x16xf32>
      tpu.vector_store %arg6[%swap3A_56, %swap3A_57], %swap3A_60 {strides = array<i32>} : memref<321x64xf32, #tpu.memory_space<vmem>>, vector<1x16xf32>,
      %swap3A_61 = arith.index_cast %scan3A_49 : i32 to index
      %swap3A_62 = arith.constant 32 : index
      %swap3A_63 = tpu.vector_load %arg6[%swap3A_61, %swap3A_62] {strides = array<i32>} : memref<321x64xf32, #tpu.memory_space<vmem>>, vector<1x16xf32>,
      %swap3A_64 = vector.shape_cast %swap3A_63 : vector<1x16xf32> to vector<16xf32>
      %swap3A_65 = vector.shape_cast %broadcast_in_dim3A_3 : vector<16xf32> to vector<1x16xf32>
      tpu.vector_store %arg6[%swap3A_61, %swap3A_62], %swap3A_65 {strides = array<i32>} : memref<321x64xf32, #tpu.memory_space<vmem>>, vector<1x16xf32>,
      %swap3A_66 = arith.index_cast %scan3A_49 : i32 to index
      %swap3A_67 = arith.constant 48 : index
      %swap3A_68 = tpu.vector_load %arg6[%swap3A_66, %swap3A_67] {strides = array<i32>} : memref<321x64xf32, #tpu.memory_space<vmem>>, vector<1x16xf32>,
      %swap3A_69 = vector.shape_cast %swap3A_68 : vector<1x16xf32> to vector<16xf32>
      %swap3A_70 = vector.shape_cast %broadcast_in_dim3A_3 : vector<16xf32> to vector<1x16xf32>
      tpu.vector_store %arg6[%swap3A_66, %swap3A_67], %swap3A_70 {strides = array<i32>} : memref<321x64xf32, #tpu.memory_space<vmem>>, vector<1x16xf32>,
      %scan3A_71 = arith.constant 0 : i32
      scf.yield %scan3A_71 : i32
    }
    %scan3A_11 = arith.constant 321 : i32
    %broadcast_in_dim3A_12 = arith.constant 16 : i32
    %broadcast_in_dim3A_13 = vector.broadcast %broadcast_in_dim3A_12 : i32 to vector<16xi32>
    %swap3A = arith.constant 16 : index
    %swap3A_14 = tpu.vector_load %arg13[%swap3A] {strides = array<i32>} : memref<192xi32, #tpu.memory_space<vmem>>, vector<16xi32>,
    %swap3A_15 = vector.shape_cast %swap3A_14 : vector<16xi32> to vector<16xi32>
    %swap3A_16 = vector.shape_cast %broadcast_in_dim3A_13 : vector<16xi32> to vector<16xi32>
    tpu.vector_store %arg13[%swap3A], %swap3A_16 {strides = array<i32>} : memref<192xi32, #tpu.memory_space<vmem>>, vector<16xi32>,
    %broadcast_in_dim3A_17 = arith.constant 16 : i32
    %broadcast_in_dim3A_18 = vector.broadcast %broadcast_in_dim3A_17 : i32 to vector<16xi32>
    %swap3A_19 = arith.constant 64 : index
    %swap3A_20 = tpu.vector_load %arg13[%swap3A_19] {strides = array<i32>} : memref<192xi32, #tpu.memory_space<vmem>>, vector<16xi32>,
    %swap3A_21 = vector.shape_cast %swap3A_20 : vector<16xi32> to vector<16xi32>
    %swap3A_22 = vector.shape_cast %broadcast_in_dim3A_18 : vector<16xi32> to vector<16xi32>
    tpu.vector_store %arg13[%swap3A_19], %swap3A_22 {strides = array<i32>} : memref<192xi32, #tpu.memory_space<vmem>>, vector<16xi32>,
    %broadcast_in_dim3A_23 = arith.constant 16 : i32
    %broadcast_in_dim3A_24 = vector.broadcast %broadcast_in_dim3A_23 : i32 to vector<16xi32>
    %swap3A_25 = arith.constant 112 : index
    %swap3A_26 = tpu.vector_load %arg13[%swap3A_25] {strides = array<i32>} : memref<192xi32, #tpu.memory_space<vmem>>, vector<16xi32>,
    %swap3A_27 = vector.shape_cast %swap3A_26 : vector<16xi32> to vector<16xi32>
    %swap3A_28 = vector.shape_cast %broadcast_in_dim3A_24 : vector<16xi32> to vector<16xi32>
    tpu.vector_store %arg13[%swap3A_25], %swap3A_28 {strides = array<i32>} : memref<192xi32, #tpu.memory_space<vmem>>, vector<16xi32>,
    %broadcast_in_dim3A_29 = arith.constant 16 : i32
    %broadcast_in_dim3A_30 = vector.broadcast %broadcast_in_dim3A_29 : i32 to vector<16xi32>
    %swap3A_31 = arith.constant 160 : index
    %swap3A_32 = tpu.vector_load %arg13[%swap3A_31] {strides = array<i32>} : memref<192xi32, #tpu.memory_space<vmem>>, vector<16xi32>,
    %swap3A_33 = vector.shape_cast %swap3A_32 : vector<16xi32> to vector<16xi32>
    %swap3A_34 = vector.shape_cast %broadcast_in_dim3A_30 : vector<16xi32> to vector<16xi32>
    tpu.vector_store %arg13[%swap3A_31], %swap3A_34 {strides = array<i32>} : memref<192xi32, #tpu.memory_space<vmem>>, vector<16xi32>,
    %scan3A_35 = arith.constant 0 : i32
    %scan3A_36 = arith.constant 0 : i32
    %scan3A_37 = arith.constant 125 : i32
    %scan3A_38 = arith.addi %scan3A_36, %scan3A_37 : i32
    %scan3A_39 = arith.constant 1 : i32
    %scan3A_40 = scf.for %scan3A_49 = %scan3A_36 to %scan3A_38 step %scan3A_39 iter_args(%scan3A_50 = %scan3A_35) -> (i32)  : i32 {
      %mul3A_51 = arith.constant 2560 : i32
      %mul3A_52 = arith.muli %scan3A_49, %mul3A_51 : i32
      "tpu.region"() ({
        %run_scoped3A = tpu.sem_alloc : memref<!tpu.dma_semaphore, #tpu.memory_space<semaphore_mem>>
        %dma_start3A = arith.constant 0 : i32
        %dma_start3A_70 = tpu.memref_slice %arg7[%dma_start3A] : memref<2576xi32, #tpu.memory_space<vmem>> -> memref<2560xi32, #tpu.memory_space<vmem>>
        %dma_start3A_71 = tpu.memref_slice %arg3[%mul3A_52] : memref<320000xi32, #tpu.memory_space<hbm>> -> memref<2560xi32, #tpu.memory_space<hbm>>
        %dma_start3A_72 = arith.constant 0 : i32
        %dma_start3A_73 = tpu.memref_slice %arg7[%dma_start3A_72] : memref<2576xi32, #tpu.memory_space<vmem>> -> memref<2560xi32, #tpu.memory_space<vmem>>
        %dma_start3A_74 = tpu.memref_slice %arg3[%mul3A_52] : memref<320000xi32, #tpu.memory_space<hbm>> -> memref<2560xi32, #tpu.memory_space<hbm>>
        tpu.enqueue_dma source(%dma_start3A_74 : memref<2560xi32, #tpu.memory_space<hbm>>) target(%dma_start3A_73 : memref<2560xi32, #tpu.memory_space<vmem>>) target_semaphore(%run_scoped3A : memref<!tpu.dma_semaphore, #tpu.memory_space<semaphore_mem>>)
        %dma_wait3A = arith.constant 0 : i32
        %dma_wait3A_75 = tpu.memref_slice %arg7[%dma_wait3A] : memref<2576xi32, #tpu.memory_space<vmem>> -> memref<2560xi32, #tpu.memory_space<vmem>>
        %dma_wait3A_76 = tpu.memref_slice %arg3[%mul3A_52] : memref<320000xi32, #tpu.memory_space<hbm>> -> memref<2560xi32, #tpu.memory_space<hbm>>
        %dma_wait3A_77 = arith.constant 0 : i32
        %dma_wait3A_78 = tpu.memref_slice %arg7[%dma_wait3A_77] : memref<2576xi32, #tpu.memory_space<vmem>> -> memref<2560xi32, #tpu.memory_space<vmem>>
        %dma_wait3A_79 = tpu.memref_slice %arg3[%mul3A_52] : memref<320000xi32, #tpu.memory_space<hbm>> -> memref<2560xi32, #tpu.memory_space<hbm>>
        tpu.wait_dma2 semaphore(%run_scoped3A : memref<!tpu.dma_semaphore, #tpu.memory_space<semaphore_mem>>) src(%dma_wait3A_79 : memref<2560xi32, #tpu.memory_space<hbm>>) dst(%dma_wait3A_78 : memref<2560xi32, #tpu.memory_space<vmem>>)
        tpu.yield
      }) : () -> ()
      %mul3A_53 = arith.constant 2560 : i32
      %mul3A_54 = arith.muli %scan3A_49, %mul3A_53 : i32
      "tpu.region"() ({
        %run_scoped3A = tpu.sem_alloc : memref<!tpu.dma_semaphore, #tpu.memory_space<semaphore_mem>>
        %dma_start3A = arith.constant 0 : i32
        %dma_start3A_70 = tpu.memref_slice %arg8[%dma_start3A] : memref<2576xi32, #tpu.memory_space<vmem>> -> memref<2560xi32, #tpu.memory_space<vmem>>
        %dma_start3A_71 = tpu.memref_slice %arg4[%mul3A_54] : memref<320000xi32, #tpu.memory_space<hbm>> -> memref<2560xi32, #tpu.memory_space<hbm>>
        %dma_start3A_72 = arith.constant 0 : i32
        %dma_start3A_73 = tpu.memref_slice %arg8[%dma_start3A_72] : memref<2576xi32, #tpu.memory_space<vmem>> -> memref<2560xi32, #tpu.memory_space<vmem>>
        %dma_start3A_74 = tpu.memref_slice %arg4[%mul3A_54] : memref<320000xi32, #tpu.memory_space<hbm>> -> memref<2560xi32, #tpu.memory_space<hbm>>
        tpu.enqueue_dma source(%dma_start3A_74 : memref<2560xi32, #tpu.memory_space<hbm>>) target(%dma_start3A_73 : memref<2560xi32, #tpu.memory_space<vmem>>) target_semaphore(%run_scoped3A : memref<!tpu.dma_semaphore, #tpu.memory_space<semaphore_mem>>)
        %dma_wait3A = arith.constant 0 : i32
        %dma_wait3A_75 = tpu.memref_slice %arg8[%dma_wait3A] : memref<2576xi32, #tpu.memory_space<vmem>> -> memref<2560xi32, #tpu.memory_space<vmem>>
        %dma_wait3A_76 = tpu.memref_slice %arg4[%mul3A_54] : memref<320000xi32, #tpu.memory_space<hbm>> -> memref<2560xi32, #tpu.memory_space<hbm>>
        %dma_wait3A_77 = arith.constant 0 : i32
        %dma_wait3A_78 = tpu.memref_slice %arg8[%dma_wait3A_77] : memref<2576xi32, #tpu.memory_space<vmem>> -> memref<2560xi32, #tpu.memory_space<vmem>>
        %dma_wait3A_79 = tpu.memref_slice %arg4[%mul3A_54] : memref<320000xi32, #tpu.memory_space<hbm>> -> memref<2560xi32, #tpu.memory_space<hbm>>
        tpu.wait_dma2 semaphore(%run_scoped3A : memref<!tpu.dma_semaphore, #tpu.memory_space<semaphore_mem>>) src(%dma_wait3A_79 : memref<2560xi32, #tpu.memory_space<hbm>>) dst(%dma_wait3A_78 : memref<2560xi32, #tpu.memory_space<vmem>>)
        tpu.yield
      }) : () -> ()
      %scan3A_55 = arith.constant 0 : i32
      %scan3A_56 = arith.constant 0 : i32
      %scan3A_57 = arith.constant 40 : i32
      %scan3A_58 = arith.addi %scan3A_56, %scan3A_57 : i32
      %scan3A_59 = arith.constant 1 : i32
      %scan3A_60 = scf.for %scan3A_70 = %scan3A_56 to %scan3A_58 step %scan3A_59 iter_args(%scan3A_71 = %scan3A_55) -> (i32)  : i32 {
        %mul3A_72 = arith.constant 4 : i32
        %mul3A_73 = arith.muli %scan3A_70, %mul3A_72 : i32
        %add3A_74 = arith.constant 0 : i32
        %add3A_75 = arith.addi %mul3A_73, %add3A_74 : i32
        %mul3A_76 = arith.constant 16 : i32
        %mul3A_77 = arith.muli %add3A_75, %mul3A_76 : i32
        %get3A = arith.index_cast %mul3A_77 : i32 to index
        %get3A_78 = tpu.vector_load %arg8[%get3A] {strides = array<i32>} : memref<2576xi32, #tpu.memory_space<vmem>>, vector<16xi32>,
        %get3A_79 = vector.shape_cast %get3A_78 : vector<16xi32> to vector<16xi32>
        %sub3A = vector.broadcast %mul3A_2 : i32 to vector<16xi32>
        %sub3A_80 = arith.subi %get3A_79, %sub3A : vector<16xi32>
        %ge3A = arith.constant 0 : i32
        %ge3A_81 = vector.broadcast %ge3A : i32 to vector<16xi32>
        %ge3A_82 = arith.cmpi sge, %sub3A_80, %ge3A_81 : vector<16xi32>
        %lt3A = arith.constant 320 : i32
        %lt3A_83 = vector.broadcast %lt3A : i32 to vector<16xi32>
        %lt3A_84 = arith.cmpi slt, %sub3A_80, %lt3A_83 : vector<16xi32>
        %and3A = arith.andi %ge3A_82, %lt3A_84 : vector<16xi1>
        %jit3A = arith.constant 320 : i32
        %broadcast_in_dim3A_85 = vector.broadcast %jit3A : i32 to vector<16xi32>
        %select_n3A = arith.select %and3A, %sub3A_80, %broadcast_in_dim3A_85 : vector<16xi1>, vector<16xi32>
        %swap3A_86 = arith.index_cast %mul3A_77 : i32 to index
        %swap3A_87 = tpu.vector_load %arg9[%swap3A_86] {strides = array<i32>} : memref<2576xi32, #tpu.memory_space<vmem>>, vector<16xi32>,
        %swap3A_88 = vector.shape_cast %swap3A_87 : vector<16xi32> to vector<16xi32>
        %swap3A_89 = vector.shape_cast %select_n3A : vector<16xi32> to vector<16xi32>
        tpu.vector_store %arg9[%swap3A_86], %swap3A_89 {strides = array<i32>} : memref<2576xi32, #tpu.memory_space<vmem>>, vector<16xi32>,
        %get3A_90 = arith.index_cast %mul3A_77 : i32 to index
        %get3A_91 = tpu.vector_load %arg7[%get3A_90] {strides = array<i32>} : memref<2576xi32, #tpu.memory_space<vmem>>, vector<16xi32>,
        %get3A_92 = vector.shape_cast %get3A_91 : vector<16xi32> to vector<16xi32>
        %mul3A_93 = arith.constant 64 : i32
        %mul3A_94 = vector.broadcast %mul3A_93 : i32 to vector<16xi32>
        %mul3A_95 = arith.muli %get3A_92, %mul3A_94 : vector<16xi32>
        %swap3A_96 = arith.index_cast %mul3A_77 : i32 to index
        %swap3A_97 = tpu.vector_load %arg11[%swap3A_96] {strides = array<i32>} : memref<2576xi32, #tpu.memory_space<vmem>>, vector<16xi32>,
        %swap3A_98 = vector.shape_cast %swap3A_97 : vector<16xi32> to vector<16xi32>
        %swap3A_99 = vector.shape_cast %mul3A_95 : vector<16xi32> to vector<16xi32>
        tpu.vector_store %arg11[%swap3A_96], %swap3A_99 {strides = array<i32>} : memref<2576xi32, #tpu.memory_space<vmem>>, vector<16xi32>,
        %jit3A_100 = arith.constant 16 : i32
        %broadcast_in_dim3A_101 = vector.broadcast %jit3A_100 : i32 to vector<16xi32>
        %select_n3A_102 = arith.select %and3A, %iota3A, %broadcast_in_dim3A_101 : vector<16xi1>, vector<16xi32>
        %swap3A_103 = arith.constant 0 : index
        %swap3A_104 = tpu.vector_load %arg13[%swap3A_103] {strides = array<i32>} : memref<192xi32, #tpu.memory_space<vmem>>, vector<16xi32>,
        %swap3A_105 = vector.shape_cast %swap3A_104 : vector<16xi32> to vector<16xi32>
        %swap3A_106 = vector.shape_cast %select_n3A_102 : vector<16xi32> to vector<16xi32>
        tpu.vector_store %arg13[%swap3A_103], %swap3A_106 {strides = array<i32>} : memref<192xi32, #tpu.memory_space<vmem>>, vector<16xi32>,
        %mul3A_107 = arith.constant 4 : i32
        %mul3A_108 = arith.muli %scan3A_70, %mul3A_107 : i32
        %add3A_109 = arith.constant 1 : i32
        %add3A_110 = arith.addi %mul3A_108, %add3A_109 : i32
        %mul3A_111 = arith.constant 16 : i32
        %mul3A_112 = arith.muli %add3A_110, %mul3A_111 : i32
        %get3A_113 = arith.index_cast %mul3A_112 : i32 to index
        %get3A_114 = tpu.vector_load %arg8[%get3A_113] {strides = array<i32>} : memref<2576xi32, #tpu.memory_space<vmem>>, vector<16xi32>,
        %get3A_115 = vector.shape_cast %get3A_114 : vector<16xi32> to vector<16xi32>
        %sub3A_116 = vector.broadcast %mul3A_2 : i32 to vector<16xi32>
        %sub3A_117 = arith.subi %get3A_115, %sub3A_116 : vector<16xi32>
        %ge3A_118 = arith.constant 0 : i32
        %ge3A_119 = vector.broadcast %ge3A_118 : i32 to vector<16xi32>
        %ge3A_120 = arith.cmpi sge, %sub3A_117, %ge3A_119 : vector<16xi32>
        %lt3A_121 = arith.constant 320 : i32
        %lt3A_122 = vector.broadcast %lt3A_121 : i32 to vector<16xi32>
        %lt3A_123 = arith.cmpi slt, %sub3A_117, %lt3A_122 : vector<16xi32>
        %and3A_124 = arith.andi %ge3A_120, %lt3A_123 : vector<16xi1>
        %jit3A_125 = arith.constant 320 : i32
        %broadcast_in_dim3A_126 = vector.broadcast %jit3A_125 : i32 to vector<16xi32>
        %select_n3A_127 = arith.select %and3A_124, %sub3A_117, %broadcast_in_dim3A_126 : vector<16xi1>, vector<16xi32>
        %swap3A_128 = arith.index_cast %mul3A_112 : i32 to index
        %swap3A_129 = tpu.vector_load %arg9[%swap3A_128] {strides = array<i32>} : memref<2576xi32, #tpu.memory_space<vmem>>, vector<16xi32>,
        %swap3A_130 = vector.shape_cast %swap3A_129 : vector<16xi32> to vector<16xi32>
        %swap3A_131 = vector.shape_cast %select_n3A_127 : vector<16xi32> to vector<16xi32>
        tpu.vector_store %arg9[%swap3A_128], %swap3A_131 {strides = array<i32>} : memref<2576xi32, #tpu.memory_space<vmem>>, vector<16xi32>,
        %get3A_132 = arith.index_cast %mul3A_112 : i32 to index
        %get3A_133 = tpu.vector_load %arg7[%get3A_132] {strides = array<i32>} : memref<2576xi32, #tpu.memory_space<vmem>>, vector<16xi32>,
        %get3A_134 = vector.shape_cast %get3A_133 : vector<16xi32> to vector<16xi32>
        %mul3A_135 = arith.constant 64 : i32
        %mul3A_136 = vector.broadcast %mul3A_135 : i32 to vector<16xi32>
        %mul3A_137 = arith.muli %get3A_134, %mul3A_136 : vector<16xi32>
        %swap3A_138 = arith.index_cast %mul3A_112 : i32 to index
        %swap3A_139 = tpu.vector_load %arg11[%swap3A_138] {strides = array<i32>} : memref<2576xi32, #tpu.memory_space<vmem>>, vector<16xi32>,
        %swap3A_140 = vector.shape_cast %swap3A_139 : vector<16xi32> to vector<16xi32>
        %swap3A_141 = vector.shape_cast %mul3A_137 : vector<16xi32> to vector<16xi32>
        tpu.vector_store %arg11[%swap3A_138], %swap3A_141 {strides = array<i32>} : memref<2576xi32, #tpu.memory_space<vmem>>, vector<16xi32>,
        %jit3A_142 = arith.constant 16 : i32
        %broadcast_in_dim3A_143 = vector.broadcast %jit3A_142 : i32 to vector<16xi32>
        %select_n3A_144 = arith.select %and3A_124, %iota3A, %broadcast_in_dim3A_143 : vector<16xi1>, vector<16xi32>
        %swap3A_145 = arith.constant 48 : index
        %swap3A_146 = tpu.vector_load %arg13[%swap3A_145] {strides = array<i32>} : memref<192xi32, #tpu.memory_space<vmem>>, vector<16xi32>,
        %swap3A_147 = vector.shape_cast %swap3A_146 : vector<16xi32> to vector<16xi32>
        %swap3A_148 = vector.shape_cast %select_n3A_144 : vector<16xi32> to vector<16xi32>
        tpu.vector_store %arg13[%swap3A_145], %swap3A_148 {strides = array<i32>} : memref<192xi32, #tpu.memory_space<vmem>>, vector<16xi32>,
        %mul3A_149 = arith.constant 4 : i32
        %mul3A_150 = arith.muli %scan3A_70, %mul3A_149 : i32
        %add3A_151 = arith.constant 2 : i32
        %add3A_152 = arith.addi %mul3A_150, %add3A_151 : i32
        %mul3A_153 = arith.constant 16 : i32
        %mul3A_154 = arith.muli %add3A_152, %mul3A_153 : i32
        %get3A_155 = arith.index_cast %mul3A_154 : i32 to index
        %get3A_156 = tpu.vector_load %arg8[%get3A_155] {strides = array<i32>} : memref<2576xi32, #tpu.memory_space<vmem>>, vector<16xi32>,
        %get3A_157 = vector.shape_cast %get3A_156 : vector<16xi32> to vector<16xi32>
        %sub3A_158 = vector.broadcast %mul3A_2 : i32 to vector<16xi32>
        %sub3A_159 = arith.subi %get3A_157, %sub3A_158 : vector<16xi32>
        %ge3A_160 = arith.constant 0 : i32
        %ge3A_161 = vector.broadcast %ge3A_160 : i32 to vector<16xi32>
        %ge3A_162 = arith.cmpi sge, %sub3A_159, %ge3A_161 : vector<16xi32>
        %lt3A_163 = arith.constant 320 : i32
        %lt3A_164 = vector.broadcast %lt3A_163 : i32 to vector<16xi32>
        %lt3A_165 = arith.cmpi slt, %sub3A_159, %lt3A_164 : vector<16xi32>
        %and3A_166 = arith.andi %ge3A_162, %lt3A_165 : vector<16xi1>
        %jit3A_167 = arith.constant 320 : i32
        %broadcast_in_dim3A_168 = vector.broadcast %jit3A_167 : i32 to vector<16xi32>
        %select_n3A_169 = arith.select %and3A_166, %sub3A_159, %broadcast_in_dim3A_168 : vector<16xi1>, vector<16xi32>
        %swap3A_170 = arith.index_cast %mul3A_154 : i32 to index
        %swap3A_171 = tpu.vector_load %arg9[%swap3A_170] {strides = array<i32>} : memref<2576xi32, #tpu.memory_space<vmem>>, vector<16xi32>,
        %swap3A_172 = vector.shape_cast %swap3A_171 : vector<16xi32> to vector<16xi32>
        %swap3A_173 = vector.shape_cast %select_n3A_169 : vector<16xi32> to vector<16xi32>
        tpu.vector_store %arg9[%swap3A_170], %swap3A_173 {strides = array<i32>} : memref<2576xi32, #tpu.memory_space<vmem>>, vector<16xi32>,
        %get3A_174 = arith.index_cast %mul3A_154 : i32 to index
        %get3A_175 = tpu.vector_load %arg7[%get3A_174] {strides = array<i32>} : memref<2576xi32, #tpu.memory_space<vmem>>, vector<16xi32>,
        %get3A_176 = vector.shape_cast %get3A_175 : vector<16xi32> to vector<16xi32>
        %mul3A_177 = arith.constant 64 : i32
        %mul3A_178 = vector.broadcast %mul3A_177 : i32 to vector<16xi32>
        %mul3A_179 = arith.muli %get3A_176, %mul3A_178 : vector<16xi32>
        %swap3A_180 = arith.index_cast %mul3A_154 : i32 to index
        %swap3A_181 = tpu.vector_load %arg11[%swap3A_180] {strides = array<i32>} : memref<2576xi32, #tpu.memory_space<vmem>>, vector<16xi32>,
        %swap3A_182 = vector.shape_cast %swap3A_181 : vector<16xi32> to vector<16xi32>
        %swap3A_183 = vector.shape_cast %mul3A_179 : vector<16xi32> to vector<16xi32>
        tpu.vector_store %arg11[%swap3A_180], %swap3A_183 {strides = array<i32>} : memref<2576xi32, #tpu.memory_space<vmem>>, vector<16xi32>,
        %jit3A_184 = arith.constant 16 : i32
        %broadcast_in_dim3A_185 = vector.broadcast %jit3A_184 : i32 to vector<16xi32>
        %select_n3A_186 = arith.select %and3A_166, %iota3A, %broadcast_in_dim3A_185 : vector<16xi1>, vector<16xi32>
        %swap3A_187 = arith.constant 96 : index
        %swap3A_188 = tpu.vector_load %arg13[%swap3A_187] {strides = array<i32>} : memref<192xi32, #tpu.memory_space<vmem>>, vector<16xi32>,
        %swap3A_189 = vector.shape_cast %swap3A_188 : vector<16xi32> to vector<16xi32>
        %swap3A_190 = vector.shape_cast %select_n3A_186 : vector<16xi32> to vector<16xi32>
        tpu.vector_store %arg13[%swap3A_187], %swap3A_190 {strides = array<i32>} : memref<192xi32, #tpu.memory_space<vmem>>, vector<16xi32>,
        %mul3A_191 = arith.constant 4 : i32
        %mul3A_192 = arith.muli %scan3A_70, %mul3A_191 : i32
        %add3A_193 = arith.constant 3 : i32
        %add3A_194 = arith.addi %mul3A_192, %add3A_193 : i32
        %mul3A_195 = arith.constant 16 : i32
        %mul3A_196 = arith.muli %add3A_194, %mul3A_195 : i32
        %get3A_197 = arith.index_cast %mul3A_196 : i32 to index
        %get3A_198 = tpu.vector_load %arg8[%get3A_197] {strides = array<i32>} : memref<2576xi32, #tpu.memory_space<vmem>>, vector<16xi32>,
        %get3A_199 = vector.shape_cast %get3A_198 : vector<16xi32> to vector<16xi32>
        %sub3A_200 = vector.broadcast %mul3A_2 : i32 to vector<16xi32>
        %sub3A_201 = arith.subi %get3A_199, %sub3A_200 : vector<16xi32>
        %ge3A_202 = arith.constant 0 : i32
        %ge3A_203 = vector.broadcast %ge3A_202 : i32 to vector<16xi32>
        %ge3A_204 = arith.cmpi sge, %sub3A_201, %ge3A_203 : vector<16xi32>
        %lt3A_205 = arith.constant 320 : i32
        %lt3A_206 = vector.broadcast %lt3A_205 : i32 to vector<16xi32>
        %lt3A_207 = arith.cmpi slt, %sub3A_201, %lt3A_206 : vector<16xi32>
        %and3A_208 = arith.andi %ge3A_204, %lt3A_207 : vector<16xi1>
        %jit3A_209 = arith.constant 320 : i32
        %broadcast_in_dim3A_210 = vector.broadcast %jit3A_209 : i32 to vector<16xi32>
        %select_n3A_211 = arith.select %and3A_208, %sub3A_201, %broadcast_in_dim3A_210 : vector<16xi1>, vector<16xi32>
        %swap3A_212 = arith.index_cast %mul3A_196 : i32 to index
        %swap3A_213 = tpu.vector_load %arg9[%swap3A_212] {strides = array<i32>} : memref<2576xi32, #tpu.memory_space<vmem>>, vector<16xi32>,
        %swap3A_214 = vector.shape_cast %swap3A_213 : vector<16xi32> to vector<16xi32>
        %swap3A_215 = vector.shape_cast %select_n3A_211 : vector<16xi32> to vector<16xi32>
        tpu.vector_store %arg9[%swap3A_212], %swap3A_215 {strides = array<i32>} : memref<2576xi32, #tpu.memory_space<vmem>>, vector<16xi32>,
        %get3A_216 = arith.index_cast %mul3A_196 : i32 to index
        %get3A_217 = tpu.vector_load %arg7[%get3A_216] {strides = array<i32>} : memref<2576xi32, #tpu.memory_space<vmem>>, vector<16xi32>,
        %get3A_218 = vector.shape_cast %get3A_217 : vector<16xi32> to vector<16xi32>
        %mul3A_219 = arith.constant 64 : i32
        %mul3A_220 = vector.broadcast %mul3A_219 : i32 to vector<16xi32>
        %mul3A_221 = arith.muli %get3A_218, %mul3A_220 : vector<16xi32>
        %swap3A_222 = arith.index_cast %mul3A_196 : i32 to index
        %swap3A_223 = tpu.vector_load %arg11[%swap3A_222] {strides = array<i32>} : memref<2576xi32, #tpu.memory_space<vmem>>, vector<16xi32>,
        %swap3A_224 = vector.shape_cast %swap3A_223 : vector<16xi32> to vector<16xi32>
        %swap3A_225 = vector.shape_cast %mul3A_221 : vector<16xi32> to vector<16xi32>
        tpu.vector_store %arg11[%swap3A_222], %swap3A_225 {strides = array<i32>} : memref<2576xi32, #tpu.memory_space<vmem>>, vector<16xi32>,
        %jit3A_226 = arith.constant 16 : i32
        %broadcast_in_dim3A_227 = vector.broadcast %jit3A_226 : i32 to vector<16xi32>
        %select_n3A_228 = arith.select %and3A_208, %iota3A, %broadcast_in_dim3A_227 : vector<16xi1>, vector<16xi32>
        %swap3A_229 = arith.constant 144 : index
        %swap3A_230 = tpu.vector_load %arg13[%swap3A_229] {strides = array<i32>} : memref<192xi32, #tpu.memory_space<vmem>>, vector<16xi32>,
        %swap3A_231 = vector.shape_cast %swap3A_230 : vector<16xi32> to vector<16xi32>
        %swap3A_232 = vector.shape_cast %select_n3A_228 : vector<16xi32> to vector<16xi32>
        tpu.vector_store %arg13[%swap3A_229], %swap3A_232 {strides = array<i32>} : memref<192xi32, #tpu.memory_space<vmem>>, vector<16xi32>,
        %get3A_233 = arith.constant 0 : index
        %get3A_234 = tpu.vector_load %arg13[%get3A_233] {strides = array<i32>} : memref<192xi32, #tpu.memory_space<vmem>>, vector<16xi32>,
        %get3A_235 = vector.shape_cast %get3A_234 : vector<16xi32> to vector<16xi32>
        %get3A_236 = arith.constant 1 : index
        %get3A_237 = tpu.vector_load %arg13[%get3A_236] {strides = array<i32>} : memref<192xi32, #tpu.memory_space<vmem>>, vector<16xi32>,
        %get3A_238 = vector.shape_cast %get3A_237 : vector<16xi32> to vector<16xi32>
        %min3A = arith.minsi %get3A_235, %get3A_238 : vector<16xi32>
        %swap3A_239 = arith.constant 0 : index
        %swap3A_240 = tpu.vector_load %arg13[%swap3A_239] {strides = array<i32>} : memref<192xi32, #tpu.memory_space<vmem>>, vector<16xi32>,
        %swap3A_241 = vector.shape_cast %swap3A_240 : vector<16xi32> to vector<16xi32>
        %swap3A_242 = vector.shape_cast %min3A : vector<16xi32> to vector<16xi32>
        tpu.vector_store %arg13[%swap3A_239], %swap3A_242 {strides = array<i32>} : memref<192xi32, #tpu.memory_space<vmem>>, vector<16xi32>,
        %get3A_243 = arith.constant 48 : index
        %get3A_244 = tpu.vector_load %arg13[%get3A_243] {strides = array<i32>} : memref<192xi32, #tpu.memory_space<vmem>>, vector<16xi32>,
        %get3A_245 = vector.shape_cast %get3A_244 : vector<16xi32> to vector<16xi32>
        %get3A_246 = arith.constant 49 : index
        %get3A_247 = tpu.vector_load %arg13[%get3A_246] {strides = array<i32>} : memref<192xi32, #tpu.memory_space<vmem>>, vector<16xi32>,
        %get3A_248 = vector.shape_cast %get3A_247 : vector<16xi32> to vector<16xi32>
        %min3A_249 = arith.minsi %get3A_245, %get3A_248 : vector<16xi32>
        %swap3A_250 = arith.constant 48 : index
        %swap3A_251 = tpu.vector_load %arg13[%swap3A_250] {strides = array<i32>} : memref<192xi32, #tpu.memory_space<vmem>>, vector<16xi32>,
        %swap3A_252 = vector.shape_cast %swap3A_251 : vector<16xi32> to vector<16xi32>
        %swap3A_253 = vector.shape_cast %min3A_249 : vector<16xi32> to vector<16xi32>
        tpu.vector_store %arg13[%swap3A_250], %swap3A_253 {strides = array<i32>} : memref<192xi32, #tpu.memory_space<vmem>>, vector<16xi32>,
        %get3A_254 = arith.constant 96 : index
        %get3A_255 = tpu.vector_load %arg13[%get3A_254] {strides = array<i32>} : memref<192xi32, #tpu.memory_space<vmem>>, vector<16xi32>,
        %get3A_256 = vector.shape_cast %get3A_255 : vector<16xi32> to vector<16xi32>
        %get3A_257 = arith.constant 97 : index
        %get3A_258 = tpu.vector_load %arg13[%get3A_257] {strides = array<i32>} : memref<192xi32, #tpu.memory_space<vmem>>, vector<16xi32>,
        %get3A_259 = vector.shape_cast %get3A_258 : vector<16xi32> to vector<16xi32>
        %min3A_260 = arith.minsi %get3A_256, %get3A_259 : vector<16xi32>
        %swap3A_261 = arith.constant 96 : index
        %swap3A_262 = tpu.vector_load %arg13[%swap3A_261] {strides = array<i32>} : memref<192xi32, #tpu.memory_space<vmem>>, vector<16xi32>,
        %swap3A_263 = vector.shape_cast %swap3A_262 : vector<16xi32> to vector<16xi32>
        %swap3A_264 = vector.shape_cast %min3A_260 : vector<16xi32> to vector<16xi32>
        tpu.vector_store %arg13[%swap3A_261], %swap3A_264 {strides = array<i32>} : memref<192xi32, #tpu.memory_space<vmem>>, vector<16xi32>,
        %get3A_265 = arith.constant 144 : index
        %get3A_266 = tpu.vector_load %arg13[%get3A_265] {strides = array<i32>} : memref<192xi32, #tpu.memory_space<vmem>>, vector<16xi32>,
        %get3A_267 = vector.shape_cast %get3A_266 : vector<16xi32> to vector<16xi32>
        %get3A_268 = arith.constant 145 : index
        %get3A_269 = tpu.vector_load %arg13[%get3A_268] {strides = array<i32>} : memref<192xi32, #tpu.memory_space<vmem>>, vector<16xi32>,
        %get3A_270 = vector.shape_cast %get3A_269 : vector<16xi32> to vector<16xi32>
        %min3A_271 = arith.minsi %get3A_267, %get3A_270 : vector<16xi32>
        %swap3A_272 = arith.constant 144 : index
        %swap3A_273 = tpu.vector_load %arg13[%swap3A_272] {strides = array<i32>} : memref<192xi32, #tpu.memory_space<vmem>>, vector<16xi32>,
        %swap3A_274 = vector.shape_cast %swap3A_273 : vector<16xi32> to vector<16xi32>
        %swap3A_275 = vector.shape_cast %min3A_271 : vector<16xi32> to vector<16xi32>
        tpu.vector_store %arg13[%swap3A_272], %swap3A_275 {strides = array<i32>} : memref<192xi32, #tpu.memory_space<vmem>>, vector<16xi32>,
        %get3A_276 = arith.constant 0 : index
        %get3A_277 = tpu.vector_load %arg13[%get3A_276] {strides = array<i32>} : memref<192xi32, #tpu.memory_space<vmem>>, vector<16xi32>,
        %get3A_278 = vector.shape_cast %get3A_277 : vector<16xi32> to vector<16xi32>
        %get3A_279 = arith.constant 2 : index
        %get3A_280 = tpu.vector_load %arg13[%get3A_279] {strides = array<i32>} : memref<192xi32, #tpu.memory_space<vmem>>, vector<16xi32>,
        %get3A_281 = vector.shape_cast %get3A_280 : vector<16xi32> to vector<16xi32>
        %min3A_282 = arith.minsi %get3A_278, %get3A_281 : vector<16xi32>
        %swap3A_283 = arith.constant 0 : index
        %swap3A_284 = tpu.vector_load %arg13[%swap3A_283] {strides = array<i32>} : memref<192xi32, #tpu.memory_space<vmem>>, vector<16xi32>,
        %swap3A_285 = vector.shape_cast %swap3A_284 : vector<16xi32> to vector<16xi32>
        %swap3A_286 = vector.shape_cast %min3A_282 : vector<16xi32> to vector<16xi32>
        tpu.vector_store %arg13[%swap3A_283], %swap3A_286 {strides = array<i32>} : memref<192xi32, #tpu.memory_space<vmem>>, vector<16xi32>,
        %get3A_287 = arith.constant 48 : index
        %get3A_288 = tpu.vector_load %arg13[%get3A_287] {strides = array<i32>} : memref<192xi32, #tpu.memory_space<vmem>>, vector<16xi32>,
        %get3A_289 = vector.shape_cast %get3A_288 : vector<16xi32> to vector<16xi32>
        %get3A_290 = arith.constant 50 : index
        %get3A_291 = tpu.vector_load %arg13[%get3A_290] {strides = array<i32>} : memref<192xi32, #tpu.memory_space<vmem>>, vector<16xi32>,
        %get3A_292 = vector.shape_cast %get3A_291 : vector<16xi32> to vector<16xi32>
        %min3A_293 = arith.minsi %get3A_289, %get3A_292 : vector<16xi32>
        %swap3A_294 = arith.constant 48 : index
        %swap3A_295 = tpu.vector_load %arg13[%swap3A_294] {strides = array<i32>} : memref<192xi32, #tpu.memory_space<vmem>>, vector<16xi32>,
        %swap3A_296 = vector.shape_cast %swap3A_295 : vector<16xi32> to vector<16xi32>
        %swap3A_297 = vector.shape_cast %min3A_293 : vector<16xi32> to vector<16xi32>
        tpu.vector_store %arg13[%swap3A_294], %swap3A_297 {strides = array<i32>} : memref<192xi32, #tpu.memory_space<vmem>>, vector<16xi32>,
        %get3A_298 = arith.constant 96 : index
        %get3A_299 = tpu.vector_load %arg13[%get3A_298] {strides = array<i32>} : memref<192xi32, #tpu.memory_space<vmem>>, vector<16xi32>,
        %get3A_300 = vector.shape_cast %get3A_299 : vector<16xi32> to vector<16xi32>
        %get3A_301 = arith.constant 98 : index
        %get3A_302 = tpu.vector_load %arg13[%get3A_301] {strides = array<i32>} : memref<192xi32, #tpu.memory_space<vmem>>, vector<16xi32>,
        %get3A_303 = vector.shape_cast %get3A_302 : vector<16xi32> to vector<16xi32>
        %min3A_304 = arith.minsi %get3A_300, %get3A_303 : vector<16xi32>
        %swap3A_305 = arith.constant 96 : index
        %swap3A_306 = tpu.vector_load %arg13[%swap3A_305] {strides = array<i32>} : memref<192xi32, #tpu.memory_space<vmem>>, vector<16xi32>,
        %swap3A_307 = vector.shape_cast %swap3A_306 : vector<16xi32> to vector<16xi32>
        %swap3A_308 = vector.shape_cast %min3A_304 : vector<16xi32> to vector<16xi32>
        tpu.vector_store %arg13[%swap3A_305], %swap3A_308 {strides = array<i32>} : memref<192xi32, #tpu.memory_space<vmem>>, vector<16xi32>,
        %get3A_309 = arith.constant 144 : index
        %get3A_310 = tpu.vector_load %arg13[%get3A_309] {strides = array<i32>} : memref<192xi32, #tpu.memory_space<vmem>>, vector<16xi32>,
        %get3A_311 = vector.shape_cast %get3A_310 : vector<16xi32> to vector<16xi32>
        %get3A_312 = arith.constant 146 : index
        %get3A_313 = tpu.vector_load %arg13[%get3A_312] {strides = array<i32>} : memref<192xi32, #tpu.memory_space<vmem>>, vector<16xi32>,
        %get3A_314 = vector.shape_cast %get3A_313 : vector<16xi32> to vector<16xi32>
        %min3A_315 = arith.minsi %get3A_311, %get3A_314 : vector<16xi32>
        %swap3A_316 = arith.constant 144 : index
        %swap3A_317 = tpu.vector_load %arg13[%swap3A_316] {strides = array<i32>} : memref<192xi32, #tpu.memory_space<vmem>>, vector<16xi32>,
        %swap3A_318 = vector.shape_cast %swap3A_317 : vector<16xi32> to vector<16xi32>
        %swap3A_319 = vector.shape_cast %min3A_315 : vector<16xi32> to vector<16xi32>
        tpu.vector_store %arg13[%swap3A_316], %swap3A_319 {strides = array<i32>} : memref<192xi32, #tpu.memory_space<vmem>>, vector<16xi32>,
        %get3A_320 = arith.constant 0 : index
        %get3A_321 = tpu.vector_load %arg13[%get3A_320] {strides = array<i32>} : memref<192xi32, #tpu.memory_space<vmem>>, vector<16xi32>,
        %get3A_322 = vector.shape_cast %get3A_321 : vector<16xi32> to vector<16xi32>
        %get3A_323 = arith.constant 4 : index
        %get3A_324 = tpu.vector_load %arg13[%get3A_323] {strides = array<i32>} : memref<192xi32, #tpu.memory_space<vmem>>, vector<16xi32>,
        %get3A_325 = vector.shape_cast %get3A_324 : vector<16xi32> to vector<16xi32>
        %min3A_326 = arith.minsi %get3A_322, %get3A_325 : vector<16xi32>
        %swap3A_327 = arith.constant 0 : index
        %swap3A_328 = tpu.vector_load %arg13[%swap3A_327] {strides = array<i32>} : memref<192xi32, #tpu.memory_space<vmem>>, vector<16xi32>,
        %swap3A_329 = vector.shape_cast %swap3A_328 : vector<16xi32> to vector<16xi32>
        %swap3A_330 = vector.shape_cast %min3A_326 : vector<16xi32> to vector<16xi32>
        tpu.vector_store %arg13[%swap3A_327], %swap3A_330 {strides = array<i32>} : memref<192xi32, #tpu.memory_space<vmem>>, vector<16xi32>,
        %get3A_331 = arith.constant 48 : index
        %get3A_332 = tpu.vector_load %arg13[%get3A_331] {strides = array<i32>} : memref<192xi32, #tpu.memory_space<vmem>>, vector<16xi32>,
        %get3A_333 = vector.shape_cast %get3A_332 : vector<16xi32> to vector<16xi32>
        %get3A_334 = arith.constant 52 : index
        %get3A_335 = tpu.vector_load %arg13[%get3A_334] {strides = array<i32>} : memref<192xi32, #tpu.memory_space<vmem>>, vector<16xi32>,
        %get3A_336 = vector.shape_cast %get3A_335 : vector<16xi32> to vector<16xi32>
        %min3A_337 = arith.minsi %get3A_333, %get3A_336 : vector<16xi32>
        %swap3A_338 = arith.constant 48 : index
        %swap3A_339 = tpu.vector_load %arg13[%swap3A_338] {strides = array<i32>} : memref<192xi32, #tpu.memory_space<vmem>>, vector<16xi32>,
        %swap3A_340 = vector.shape_cast %swap3A_339 : vector<16xi32> to vector<16xi32>
        %swap3A_341 = vector.shape_cast %min3A_337 : vector<16xi32> to vector<16xi32>
        tpu.vector_store %arg13[%swap3A_338], %swap3A_341 {strides = array<i32>} : memref<192xi32, #tpu.memory_space<vmem>>, vector<16xi32>,
        %get3A_342 = arith.constant 96 : index
        %get3A_343 = tpu.vector_load %arg13[%get3A_342] {strides = array<i32>} : memref<192xi32, #tpu.memory_space<vmem>>, vector<16xi32>,
        %get3A_344 = vector.shape_cast %get3A_343 : vector<16xi32> to vector<16xi32>
        %get3A_345 = arith.constant 100 : index
        %get3A_346 = tpu.vector_load %arg13[%get3A_345] {strides = array<i32>} : memref<192xi32, #tpu.memory_space<vmem>>, vector<16xi32>,
        %get3A_347 = vector.shape_cast %get3A_346 : vector<16xi32> to vector<16xi32>
        %min3A_348 = arith.minsi %get3A_344, %get3A_347 : vector<16xi32>
        %swap3A_349 = arith.constant 96 : index
        %swap3A_350 = tpu.vector_load %arg13[%swap3A_349] {strides = array<i32>} : memref<192xi32, #tpu.memory_space<vmem>>, vector<16xi32>,
        %swap3A_351 = vector.shape_cast %swap3A_350 : vector<16xi32> to vector<16xi32>
        %swap3A_352 = vector.shape_cast %min3A_348 : vector<16xi32> to vector<16xi32>
        tpu.vector_store %arg13[%swap3A_349], %swap3A_352 {strides = array<i32>} : memref<192xi32, #tpu.memory_space<vmem>>, vector<16xi32>,
        %get3A_353 = arith.constant 144 : index
        %get3A_354 = tpu.vector_load %arg13[%get3A_353] {strides = array<i32>} : memref<192xi32, #tpu.memory_space<vmem>>, vector<16xi32>,
        %get3A_355 = vector.shape_cast %get3A_354 : vector<16xi32> to vector<16xi32>
        %get3A_356 = arith.constant 148 : index
        %get3A_357 = tpu.vector_load %arg13[%get3A_356] {strides = array<i32>} : memref<192xi32, #tpu.memory_space<vmem>>, vector<16xi32>,
        %get3A_358 = vector.shape_cast %get3A_357 : vector<16xi32> to vector<16xi32>
        %min3A_359 = arith.minsi %get3A_355, %get3A_358 : vector<16xi32>
        %swap3A_360 = arith.constant 144 : index
        %swap3A_361 = tpu.vector_load %arg13[%swap3A_360] {strides = array<i32>} : memref<192xi32, #tpu.memory_space<vmem>>, vector<16xi32>,
        %swap3A_362 = vector.shape_cast %swap3A_361 : vector<16xi32> to vector<16xi32>
        %swap3A_363 = vector.shape_cast %min3A_359 : vector<16xi32> to vector<16xi32>
        tpu.vector_store %arg13[%swap3A_360], %swap3A_363 {strides = array<i32>} : memref<192xi32, #tpu.memory_space<vmem>>, vector<16xi32>,
        %get3A_364 = arith.constant 0 : index
        %get3A_365 = tpu.vector_load %arg13[%get3A_364] {strides = array<i32>} : memref<192xi32, #tpu.memory_space<vmem>>, vector<16xi32>,
        %get3A_366 = vector.shape_cast %get3A_365 : vector<16xi32> to vector<16xi32>
        %get3A_367 = arith.constant 8 : index
        %get3A_368 = tpu.vector_load %arg13[%get3A_367] {strides = array<i32>} : memref<192xi32, #tpu.memory_space<vmem>>, vector<16xi32>,
        %get3A_369 = vector.shape_cast %get3A_368 : vector<16xi32> to vector<16xi32>
        %min3A_370 = arith.minsi %get3A_366, %get3A_369 : vector<16xi32>
        %swap3A_371 = arith.constant 0 : index
        %swap3A_372 = tpu.vector_load %arg13[%swap3A_371] {strides = array<i32>} : memref<192xi32, #tpu.memory_space<vmem>>, vector<16xi32>,
        %swap3A_373 = vector.shape_cast %swap3A_372 : vector<16xi32> to vector<16xi32>
        %swap3A_374 = vector.shape_cast %min3A_370 : vector<16xi32> to vector<16xi32>
        tpu.vector_store %arg13[%swap3A_371], %swap3A_374 {strides = array<i32>} : memref<192xi32, #tpu.memory_space<vmem>>, vector<16xi32>,
        %get3A_375 = arith.constant 48 : index
        %get3A_376 = tpu.vector_load %arg13[%get3A_375] {strides = array<i32>} : memref<192xi32, #tpu.memory_space<vmem>>, vector<16xi32>,
        %get3A_377 = vector.shape_cast %get3A_376 : vector<16xi32> to vector<16xi32>
        %get3A_378 = arith.constant 56 : index
        %get3A_379 = tpu.vector_load %arg13[%get3A_378] {strides = array<i32>} : memref<192xi32, #tpu.memory_space<vmem>>, vector<16xi32>,
        %get3A_380 = vector.shape_cast %get3A_379 : vector<16xi32> to vector<16xi32>
        %min3A_381 = arith.minsi %get3A_377, %get3A_380 : vector<16xi32>
        %swap3A_382 = arith.constant 48 : index
        %swap3A_383 = tpu.vector_load %arg13[%swap3A_382] {strides = array<i32>} : memref<192xi32, #tpu.memory_space<vmem>>, vector<16xi32>,
        %swap3A_384 = vector.shape_cast %swap3A_383 : vector<16xi32> to vector<16xi32>
        %swap3A_385 = vector.shape_cast %min3A_381 : vector<16xi32> to vector<16xi32>
        tpu.vector_store %arg13[%swap3A_382], %swap3A_385 {strides = array<i32>} : memref<192xi32, #tpu.memory_space<vmem>>, vector<16xi32>,
        %get3A_386 = arith.constant 96 : index
        %get3A_387 = tpu.vector_load %arg13[%get3A_386] {strides = array<i32>} : memref<192xi32, #tpu.memory_space<vmem>>, vector<16xi32>,
        %get3A_388 = vector.shape_cast %get3A_387 : vector<16xi32> to vector<16xi32>
        %get3A_389 = arith.constant 104 : index
        %get3A_390 = tpu.vector_load %arg13[%get3A_389] {strides = array<i32>} : memref<192xi32, #tpu.memory_space<vmem>>, vector<16xi32>,
        %get3A_391 = vector.shape_cast %get3A_390 : vector<16xi32> to vector<16xi32>
        %min3A_392 = arith.minsi %get3A_388, %get3A_391 : vector<16xi32>
        %swap3A_393 = arith.constant 96 : index
        %swap3A_394 = tpu.vector_load %arg13[%swap3A_393] {strides = array<i32>} : memref<192xi32, #tpu.memory_space<vmem>>, vector<16xi32>,
        %swap3A_395 = vector.shape_cast %swap3A_394 : vector<16xi32> to vector<16xi32>
        %swap3A_396 = vector.shape_cast %min3A_392 : vector<16xi32> to vector<16xi32>
        tpu.vector_store %arg13[%swap3A_393], %swap3A_396 {strides = array<i32>} : memref<192xi32, #tpu.memory_space<vmem>>, vector<16xi32>,
        %get3A_397 = arith.constant 144 : index
        %get3A_398 = tpu.vector_load %arg13[%get3A_397] {strides = array<i32>} : memref<192xi32, #tpu.memory_space<vmem>>, vector<16xi32>,
        %get3A_399 = vector.shape_cast %get3A_398 : vector<16xi32> to vector<16xi32>
        %get3A_400 = arith.constant 152 : index
        %get3A_401 = tpu.vector_load %arg13[%get3A_400] {strides = array<i32>} : memref<192xi32, #tpu.memory_space<vmem>>, vector<16xi32>,
        %get3A_402 = vector.shape_cast %get3A_401 : vector<16xi32> to vector<16xi32>
        %min3A_403 = arith.minsi %get3A_399, %get3A_402 : vector<16xi32>
        %swap3A_404 = arith.constant 144 : index
        %swap3A_405 = tpu.vector_load %arg13[%swap3A_404] {strides = array<i32>} : memref<192xi32, #tpu.memory_space<vmem>>, vector<16xi32>,
        %swap3A_406 = vector.shape_cast %swap3A_405 : vector<16xi32> to vector<16xi32>
        %swap3A_407 = vector.shape_cast %min3A_403 : vector<16xi32> to vector<16xi32>
        tpu.vector_store %arg13[%swap3A_404], %swap3A_407 {strides = array<i32>} : memref<192xi32, #tpu.memory_space<vmem>>, vector<16xi32>,
        %mul3A_408 = arith.constant 4 : i32
        %mul3A_409 = arith.muli %scan3A_70, %mul3A_408 : i32
        %add3A_410 = arith.constant 0 : i32
        %add3A_411 = arith.addi %mul3A_409, %add3A_410 : i32
        %mul3A_412 = arith.constant 16 : i32
        %mul3A_413 = arith.muli %add3A_411, %mul3A_412 : i32
        %get3A_414 = arith.constant 0 : index
        %get3A_415 = tpu.vector_load %arg13[%get3A_414] {strides = array<i32>} : memref<192xi32, #tpu.memory_space<vmem>>, vector<16xi32>,
        %get3A_416 = vector.shape_cast %get3A_415 : vector<16xi32> to vector<16xi32>
        %swap3A_417 = arith.index_cast %mul3A_413 : i32 to index
        %swap3A_418 = tpu.vector_load %arg10[%swap3A_417] {strides = array<i32>} : memref<2576xi32, #tpu.memory_space<vmem>>, vector<16xi32>,
        %swap3A_419 = vector.shape_cast %swap3A_418 : vector<16xi32> to vector<16xi32>
        %swap3A_420 = vector.shape_cast %get3A_416 : vector<16xi32> to vector<16xi32>
        tpu.vector_store %arg10[%swap3A_417], %swap3A_420 {strides = array<i32>} : memref<2576xi32, #tpu.memory_space<vmem>>, vector<16xi32>,
        %mul3A_421 = arith.constant 4 : i32
        %mul3A_422 = arith.muli %scan3A_70, %mul3A_421 : i32
        %add3A_423 = arith.constant 1 : i32
        %add3A_424 = arith.addi %mul3A_422, %add3A_423 : i32
        %mul3A_425 = arith.constant 16 : i32
        %mul3A_426 = arith.muli %add3A_424, %mul3A_425 : i32
        %get3A_427 = arith.constant 48 : index
        %get3A_428 = tpu.vector_load %arg13[%get3A_427] {strides = array<i32>} : memref<192xi32, #tpu.memory_space<vmem>>, vector<16xi32>,
        %get3A_429 = vector.shape_cast %get3A_428 : vector<16xi32> to vector<16xi32>
        %swap3A_430 = arith.index_cast %mul3A_426 : i32 to index
        %swap3A_431 = tpu.vector_load %arg10[%swap3A_430] {strides = array<i32>} : memref<2576xi32, #tpu.memory_space<vmem>>, vector<16xi32>,
        %swap3A_432 = vector.shape_cast %swap3A_431 : vector<16xi32> to vector<16xi32>
        %swap3A_433 = vector.shape_cast %get3A_429 : vector<16xi32> to vector<16xi32>
        tpu.vector_store %arg10[%swap3A_430], %swap3A_433 {strides = array<i32>} : memref<2576xi32, #tpu.memory_space<vmem>>, vector<16xi32>,
        %mul3A_434 = arith.constant 4 : i32
        %mul3A_435 = arith.muli %scan3A_70, %mul3A_434 : i32
        %add3A_436 = arith.constant 2 : i32
        %add3A_437 = arith.addi %mul3A_435, %add3A_436 : i32
        %mul3A_438 = arith.constant 16 : i32
        %mul3A_439 = arith.muli %add3A_437, %mul3A_438 : i32
        %get3A_440 = arith.constant 96 : index
        %get3A_441 = tpu.vector_load %arg13[%get3A_440] {strides = array<i32>} : memref<192xi32, #tpu.memory_space<vmem>>, vector<16xi32>,
        %get3A_442 = vector.shape_cast %get3A_441 : vector<16xi32> to vector<16xi32>
        %swap3A_443 = arith.index_cast %mul3A_439 : i32 to index
        %swap3A_444 = tpu.vector_load %arg10[%swap3A_443] {strides = array<i32>} : memref<2576xi32, #tpu.memory_space<vmem>>, vector<16xi32>,
        %swap3A_445 = vector.shape_cast %swap3A_444 : vector<16xi32> to vector<16xi32>
        %swap3A_446 = vector.shape_cast %get3A_442 : vector<16xi32> to vector<16xi32>
        tpu.vector_store %arg10[%swap3A_443], %swap3A_446 {strides = array<i32>} : memref<2576xi32, #tpu.memory_space<vmem>>, vector<16xi32>,
        %mul3A_447 = arith.constant 4 : i32
        %mul3A_448 = arith.muli %scan3A_70, %mul3A_447 : i32
        %add3A_449 = arith.constant 3 : i32
        %add3A_450 = arith.addi %mul3A_448, %add3A_449 : i32
        %mul3A_451 = arith.constant 16 : i32
        %mul3A_452 = arith.muli %add3A_450, %mul3A_451 : i32
        %get3A_453 = arith.constant 144 : index
        %get3A_454 = tpu.vector_load %arg13[%get3A_453] {strides = array<i32>} : memref<192xi32, #tpu.memory_space<vmem>>, vector<16xi32>,
        %get3A_455 = vector.shape_cast %get3A_454 : vector<16xi32> to vector<16xi32>
        %swap3A_456 = arith.index_cast %mul3A_452 : i32 to index
        %swap3A_457 = tpu.vector_load %arg10[%swap3A_456] {strides = array<i32>} : memref<2576xi32, #tpu.memory_space<vmem>>, vector<16xi32>,
        %swap3A_458 = vector.shape_cast %swap3A_457 : vector<16xi32> to vector<16xi32>
        %swap3A_459 = vector.shape_cast %get3A_455 : vector<16xi32> to vector<16xi32>
        tpu.vector_store %arg10[%swap3A_456], %swap3A_459 {strides = array<i32>} : memref<2576xi32, #tpu.memory_space<vmem>>, vector<16xi32>,
        %scan3A_460 = arith.constant 0 : i32
        scf.yield %scan3A_460 : i32
      }
      %scan3A_61 = arith.constant 40 : i32
      %scan3A_62 = arith.constant 0 : i32
      %scan3A_63 = arith.constant 0 : i32
      %scan3A_64 = arith.constant 160 : i32
      %scan3A_65 = arith.addi %scan3A_63, %scan3A_64 : i32
      %scan3A_66 = arith.constant 1 : i32
      %scan3A_67 = scf.for %scan3A_70 = %scan3A_63 to %scan3A_65 step %scan3A_66 iter_args(%scan3A_71 = %scan3A_62) -> (i32)  : i32 {
        %mul3A_72 = arith.constant 16 : i32
        %mul3A_73 = arith.muli %scan3A_70, %mul3A_72 : i32
        %get3A = arith.index_cast %mul3A_73 : i32 to index
        %get3A_74 = tpu.vector_load %arg10[%get3A] {strides = array<i32>} : memref<2576xi32, #tpu.memory_space<vmem>>, vector<16xi32>,
        %get3A_75 = vector.shape_cast %get3A_74 : vector<16xi32> to vector<16xi32>
        %slice3A = vector.extract_strided_slice %get3A_75 {offsets = [0], sizes = [1], strides = [1]} : vector<16xi32> to vector<1xi32>
        %squeeze3A = vector.extract %slice3A[0] : i32 from vector<1xi32>
        %lt3A = arith.constant 16 : i32
        %lt3A_76 = arith.cmpi slt, %squeeze3A, %lt3A : i32
        %convert_element_type3A_77 = arith.extui %lt3A_76 : i1 to i32
        %cond3A_78 = arith.constant 0 : i32
        %cond3A_79 = arith.cmpi ne, %convert_element_type3A_77, %cond3A_78 : i32
        scf.if %cond3A_79 {
          %get3A_81 = arith.index_cast %mul3A_73 : i32 to index
          %get3A_82 = tpu.vector_load %arg9[%get3A_81] {strides = array<i32>} : memref<2576xi32, #tpu.memory_space<vmem>>, vector<16xi32>,
          %get3A_83 = vector.shape_cast %get3A_82 : vector<16xi32> to vector<16xi32>
          %get3A_84 = arith.index_cast %mul3A_73 : i32 to index
          %get3A_85 = tpu.vector_load %arg11[%get3A_84] {strides = array<i32>} : memref<2576xi32, #tpu.memory_space<vmem>>, vector<16xi32>,
          %get3A_86 = vector.shape_cast %get3A_85 : vector<16xi32> to vector<16xi32>
          %slice3A_87 = vector.extract_strided_slice %get3A_83 {offsets = [0], sizes = [1], strides = [1]} : vector<16xi32> to vector<1xi32>
          %squeeze3A_88 = vector.extract %slice3A_87[0] : i32 from vector<1xi32>
          %slice3A_89 = vector.extract_strided_slice %get3A_86 {offsets = [0], sizes = [1], strides = [1]} : vector<16xi32> to vector<1xi32>
          %squeeze3A_90 = vector.extract %slice3A_89[0] : i32 from vector<1xi32>
          %lt3A_91 = arith.constant 320 : i32
          %lt3A_92 = arith.cmpi slt, %squeeze3A_88, %lt3A_91 : i32
          %convert_element_type3A_93 = arith.extui %lt3A_92 : i1 to i32
          %cond3A_94 = arith.constant 0 : i32
          %cond3A_95 = arith.cmpi ne, %convert_element_type3A_93, %cond3A_94 : i32
          scf.if %cond3A_95 {
            %multiple_of3A = tpu.assume_multiple %squeeze3A_90, 8 : i32
            "tpu.region"() ({
              %run_scoped3A = tpu.sem_alloc : memref<!tpu.dma_semaphore, #tpu.memory_space<semaphore_mem>>
              %dma_start3A = tpu.memref_slice %arg14[%multiple_of3A] : memref<655360xf32, #tpu.memory_space<vmem_shared>> -> memref<64xf32, #tpu.memory_space<vmem_shared>>
              %dma_start3A_282 = tpu.memref_slice %arg14[%multiple_of3A] : memref<655360xf32, #tpu.memory_space<vmem_shared>> -> memref<64xf32, #tpu.memory_space<vmem_shared>>
              tpu.enqueue_dma source(%dma_start3A_282 : memref<64xf32, #tpu.memory_space<vmem_shared>>) target(%arg12 : memref<64xf32, #tpu.memory_space<vmem>>) target_semaphore(%run_scoped3A : memref<!tpu.dma_semaphore, #tpu.memory_space<semaphore_mem>>)
              %dma_wait3A = tpu.memref_slice %arg14[%multiple_of3A] : memref<655360xf32, #tpu.memory_space<vmem_shared>> -> memref<64xf32, #tpu.memory_space<vmem_shared>>
              %dma_wait3A_283 = tpu.memref_slice %arg14[%multiple_of3A] : memref<655360xf32, #tpu.memory_space<vmem_shared>> -> memref<64xf32, #tpu.memory_space<vmem_shared>>
              tpu.wait_dma2 semaphore(%run_scoped3A : memref<!tpu.dma_semaphore, #tpu.memory_space<semaphore_mem>>) src(%dma_wait3A_283 : memref<64xf32, #tpu.memory_space<vmem_shared>>) dst(%arg12 : memref<64xf32, #tpu.memory_space<vmem>>)
              tpu.yield
            }) : () -> ()
            %get3A_231 = arith.index_cast %squeeze3A_88 : i32 to index
            %get3A_232 = arith.constant 0 : index
            %get3A_233 = tpu.vector_load %arg6[%get3A_231, %get3A_232] {strides = array<i32>} : memref<321x64xf32, #tpu.memory_space<vmem>>, vector<1x16xf32>,
            %get3A_234 = vector.shape_cast %get3A_233 : vector<1x16xf32> to vector<16xf32>
            %get3A_235 = arith.constant 0 : index
            %get3A_236 = tpu.vector_load %arg12[%get3A_235] {strides = array<i32>} : memref<64xf32, #tpu.memory_space<vmem>>, vector<16xf32>,
            %get3A_237 = vector.shape_cast %get3A_236 : vector<16xf32> to vector<16xf32>
            %max3A = arith.maximumf %get3A_234, %get3A_237 : vector<16xf32>
            %swap3A_238 = arith.index_cast %squeeze3A_88 : i32 to index
            %swap3A_239 = arith.constant 0 : index
            %swap3A_240 = tpu.vector_load %arg6[%swap3A_238, %swap3A_239] {strides = array<i32>} : memref<321x64xf32, #tpu.memory_space<vmem>>, vector<1x16xf32>,
            %swap3A_241 = vector.shape_cast %swap3A_240 : vector<1x16xf32> to vector<16xf32>
            %swap3A_242 = vector.shape_cast %max3A : vector<16xf32> to vector<1x16xf32>
            tpu.vector_store %arg6[%swap3A_238, %swap3A_239], %swap3A_242 {strides = array<i32>} : memref<321x64xf32, #tpu.memory_space<vmem>>, vector<1x16xf32>,
            %get3A_243 = arith.index_cast %squeeze3A_88 : i32 to index
            %get3A_244 = arith.constant 16 : index
            %get3A_245 = tpu.vector_load %arg6[%get3A_243, %get3A_244] {strides = array<i32>} : memref<321x64xf32, #tpu.memory_space<vmem>>, vector<1x16xf32>,
            %get3A_246 = vector.shape_cast %get3A_245 : vector<1x16xf32> to vector<16xf32>
            %get3A_247 = arith.constant 16 : index
            %get3A_248 = tpu.vector_load %arg12[%get3A_247] {strides = array<i32>} : memref<64xf32, #tpu.memory_space<vmem>>, vector<16xf32>,
            %get3A_249 = vector.shape_cast %get3A_248 : vector<16xf32> to vector<16xf32>
            %max3A_250 = arith.maximumf %get3A_246, %get3A_249 : vector<16xf32>
            %swap3A_251 = arith.index_cast %squeeze3A_88 : i32 to index
            %swap3A_252 = arith.constant 16 : index
            %swap3A_253 = tpu.vector_load %arg6[%swap3A_251, %swap3A_252] {strides = array<i32>} : memref<321x64xf32, #tpu.memory_space<vmem>>, vector<1x16xf32>,
            %swap3A_254 = vector.shape_cast %swap3A_253 : vector<1x16xf32> to vector<16xf32>
            %swap3A_255 = vector.shape_cast %max3A_250 : vector<16xf32> to vector<1x16xf32>
            tpu.vector_store %arg6[%swap3A_251, %swap3A_252], %swap3A_255 {strides = array<i32>} : memref<321x64xf32, #tpu.memory_space<vmem>>, vector<1x16xf32>,
            %get3A_256 = arith.index_cast %squeeze3A_88 : i32 to index
            %get3A_257 = arith.constant 32 : index
            %get3A_258 = tpu.vector_load %arg6[%get3A_256, %get3A_257] {strides = array<i32>} : memref<321x64xf32, #tpu.memory_space<vmem>>, vector<1x16xf32>,
            %get3A_259 = vector.shape_cast %get3A_258 : vector<1x16xf32> to vector<16xf32>
            %get3A_260 = arith.constant 32 : index
            %get3A_261 = tpu.vector_load %arg12[%get3A_260] {strides = array<i32>} : memref<64xf32, #tpu.memory_space<vmem>>, vector<16xf32>,
            %get3A_262 = vector.shape_cast %get3A_261 : vector<16xf32> to vector<16xf32>
            %max3A_263 = arith.maximumf %get3A_259, %get3A_262 : vector<16xf32>
            %swap3A_264 = arith.index_cast %squeeze3A_88 : i32 to index
            %swap3A_265 = arith.constant 32 : index
            %swap3A_266 = tpu.vector_load %arg6[%swap3A_264, %swap3A_265] {strides = array<i32>} : memref<321x64xf32, #tpu.memory_space<vmem>>, vector<1x16xf32>,
            %swap3A_267 = vector.shape_cast %swap3A_266 : vector<1x16xf32> to vector<16xf32>
            %swap3A_268 = vector.shape_cast %max3A_263 : vector<16xf32> to vector<1x16xf32>
            tpu.vector_store %arg6[%swap3A_264, %swap3A_265], %swap3A_268 {strides = array<i32>} : memref<321x64xf32, #tpu.memory_space<vmem>>, vector<1x16xf32>,
            %get3A_269 = arith.index_cast %squeeze3A_88 : i32 to index
            %get3A_270 = arith.constant 48 : index
            %get3A_271 = tpu.vector_load %arg6[%get3A_269, %get3A_270] {strides = array<i32>} : memref<321x64xf32, #tpu.memory_space<vmem>>, vector<1x16xf32>,
            %get3A_272 = vector.shape_cast %get3A_271 : vector<1x16xf32> to vector<16xf32>
            %get3A_273 = arith.constant 48 : index
            %get3A_274 = tpu.vector_load %arg12[%get3A_273] {strides = array<i32>} : memref<64xf32, #tpu.memory_space<vmem>>, vector<16xf32>,
            %get3A_275 = vector.shape_cast %get3A_274 : vector<16xf32> to vector<16xf32>
            %max3A_276 = arith.maximumf %get3A_272, %get3A_275 : vector<16xf32>
            %swap3A_277 = arith.index_cast %squeeze3A_88 : i32 to index
            %swap3A_278 = arith.constant 48 : index
            %swap3A_279 = tpu.vector_load %arg6[%swap3A_277, %swap3A_278] {strides = array<i32>} : memref<321x64xf32, #tpu.memory_space<vmem>>, vector<1x16xf32>,
            %swap3A_280 = vector.shape_cast %swap3A_279 : vector<1x16xf32> to vector<16xf32>
            %swap3A_281 = vector.shape_cast %max3A_276 : vector<16xf32> to vector<1x16xf32>
            tpu.vector_store %arg6[%swap3A_277, %swap3A_278], %swap3A_281 {strides = array<i32>} : memref<321x64xf32, #tpu.memory_space<vmem>>, vector<1x16xf32>,
          } else {
          }
          %slice3A_96 = vector.extract_strided_slice %get3A_83 {offsets = [1], sizes = [1], strides = [1]} : vector<16xi32> to vector<1xi32>
          %squeeze3A_97 = vector.extract %slice3A_96[0] : i32 from vector<1xi32>
          %slice3A_98 = vector.extract_strided_slice %get3A_86 {offsets = [1], sizes = [1], strides = [1]} : vector<16xi32> to vector<1xi32>
          %squeeze3A_99 = vector.extract %slice3A_98[0] : i32 from vector<1xi32>
          %lt3A_100 = arith.constant 320 : i32
          %lt3A_101 = arith.cmpi slt, %squeeze3A_97, %lt3A_100 : i32
          %convert_element_type3A_102 = arith.extui %lt3A_101 : i1 to i32
          %cond3A_103 = arith.constant 0 : i32
          %cond3A_104 = arith.cmpi ne, %convert_element_type3A_102, %cond3A_103 : i32
          scf.if %cond3A_104 {
            %multiple_of3A = tpu.assume_multiple %squeeze3A_99, 8 : i32
            "tpu.region"() ({
              %run_scoped3A = tpu.sem_alloc : memref<!tpu.dma_semaphore, #tpu.memory_space<semaphore_mem>>
              %dma_start3A = tpu.memref_slice %arg14[%multiple_of3A] : memref<655360xf32, #tpu.memory_space<vmem_shared>> -> memref<64xf32, #tpu.memory_space<vmem_shared>>
              %dma_start3A_282 = tpu.memref_slice %arg14[%multiple_of3A] : memref<655360xf32, #tpu.memory_space<vmem_shared>> -> memref<64xf32, #tpu.memory_space<vmem_shared>>
              tpu.enqueue_dma source(%dma_start3A_282 : memref<64xf32, #tpu.memory_space<vmem_shared>>) target(%arg12 : memref<64xf32, #tpu.memory_space<vmem>>) target_semaphore(%run_scoped3A : memref<!tpu.dma_semaphore, #tpu.memory_space<semaphore_mem>>)
              %dma_wait3A = tpu.memref_slice %arg14[%multiple_of3A] : memref<655360xf32, #tpu.memory_space<vmem_shared>> -> memref<64xf32, #tpu.memory_space<vmem_shared>>
              %dma_wait3A_283 = tpu.memref_slice %arg14[%multiple_of3A] : memref<655360xf32, #tpu.memory_space<vmem_shared>> -> memref<64xf32, #tpu.memory_space<vmem_shared>>
              tpu.wait_dma2 semaphore(%run_scoped3A : memref<!tpu.dma_semaphore, #tpu.memory_space<semaphore_mem>>) src(%dma_wait3A_283 : memref<64xf32, #tpu.memory_space<vmem_shared>>) dst(%arg12 : memref<64xf32, #tpu.memory_space<vmem>>)
              tpu.yield
            }) : () -> ()
            %get3A_231 = arith.index_cast %squeeze3A_97 : i32 to index
            %get3A_232 = arith.constant 0 : index
            %get3A_233 = tpu.vector_load %arg6[%get3A_231, %get3A_232] {strides = array<i32>} : memref<321x64xf32, #tpu.memory_space<vmem>>, vector<1x16xf32>,
            %get3A_234 = vector.shape_cast %get3A_233 : vector<1x16xf32> to vector<16xf32>
            %get3A_235 = arith.constant 0 : index
            %get3A_236 = tpu.vector_load %arg12[%get3A_235] {strides = array<i32>} : memref<64xf32, #tpu.memory_space<vmem>>, vector<16xf32>,
            %get3A_237 = vector.shape_cast %get3A_236 : vector<16xf32> to vector<16xf32>
            %max3A = arith.maximumf %get3A_234, %get3A_237 : vector<16xf32>
            %swap3A_238 = arith.index_cast %squeeze3A_97 : i32 to index
            %swap3A_239 = arith.constant 0 : index
            %swap3A_240 = tpu.vector_load %arg6[%swap3A_238, %swap3A_239] {strides = array<i32>} : memref<321x64xf32, #tpu.memory_space<vmem>>, vector<1x16xf32>,
            %swap3A_241 = vector.shape_cast %swap3A_240 : vector<1x16xf32> to vector<16xf32>
            %swap3A_242 = vector.shape_cast %max3A : vector<16xf32> to vector<1x16xf32>
            tpu.vector_store %arg6[%swap3A_238, %swap3A_239], %swap3A_242 {strides = array<i32>} : memref<321x64xf32, #tpu.memory_space<vmem>>, vector<1x16xf32>,
            %get3A_243 = arith.index_cast %squeeze3A_97 : i32 to index
            %get3A_244 = arith.constant 16 : index
            %get3A_245 = tpu.vector_load %arg6[%get3A_243, %get3A_244] {strides = array<i32>} : memref<321x64xf32, #tpu.memory_space<vmem>>, vector<1x16xf32>,
            %get3A_246 = vector.shape_cast %get3A_245 : vector<1x16xf32> to vector<16xf32>
            %get3A_247 = arith.constant 16 : index
            %get3A_248 = tpu.vector_load %arg12[%get3A_247] {strides = array<i32>} : memref<64xf32, #tpu.memory_space<vmem>>, vector<16xf32>,
            %get3A_249 = vector.shape_cast %get3A_248 : vector<16xf32> to vector<16xf32>
            %max3A_250 = arith.maximumf %get3A_246, %get3A_249 : vector<16xf32>
            %swap3A_251 = arith.index_cast %squeeze3A_97 : i32 to index
            %swap3A_252 = arith.constant 16 : index
            %swap3A_253 = tpu.vector_load %arg6[%swap3A_251, %swap3A_252] {strides = array<i32>} : memref<321x64xf32, #tpu.memory_space<vmem>>, vector<1x16xf32>,
            %swap3A_254 = vector.shape_cast %swap3A_253 : vector<1x16xf32> to vector<16xf32>
            %swap3A_255 = vector.shape_cast %max3A_250 : vector<16xf32> to vector<1x16xf32>
            tpu.vector_store %arg6[%swap3A_251, %swap3A_252], %swap3A_255 {strides = array<i32>} : memref<321x64xf32, #tpu.memory_space<vmem>>, vector<1x16xf32>,
            %get3A_256 = arith.index_cast %squeeze3A_97 : i32 to index
            %get3A_257 = arith.constant 32 : index
            %get3A_258 = tpu.vector_load %arg6[%get3A_256, %get3A_257] {strides = array<i32>} : memref<321x64xf32, #tpu.memory_space<vmem>>, vector<1x16xf32>,
            %get3A_259 = vector.shape_cast %get3A_258 : vector<1x16xf32> to vector<16xf32>
            %get3A_260 = arith.constant 32 : index
            %get3A_261 = tpu.vector_load %arg12[%get3A_260] {strides = array<i32>} : memref<64xf32, #tpu.memory_space<vmem>>, vector<16xf32>,
            %get3A_262 = vector.shape_cast %get3A_261 : vector<16xf32> to vector<16xf32>
            %max3A_263 = arith.maximumf %get3A_259, %get3A_262 : vector<16xf32>
            %swap3A_264 = arith.index_cast %squeeze3A_97 : i32 to index
            %swap3A_265 = arith.constant 32 : index
            %swap3A_266 = tpu.vector_load %arg6[%swap3A_264, %swap3A_265] {strides = array<i32>} : memref<321x64xf32, #tpu.memory_space<vmem>>, vector<1x16xf32>,
            %swap3A_267 = vector.shape_cast %swap3A_266 : vector<1x16xf32> to vector<16xf32>
            %swap3A_268 = vector.shape_cast %max3A_263 : vector<16xf32> to vector<1x16xf32>
            tpu.vector_store %arg6[%swap3A_264, %swap3A_265], %swap3A_268 {strides = array<i32>} : memref<321x64xf32, #tpu.memory_space<vmem>>, vector<1x16xf32>,
            %get3A_269 = arith.index_cast %squeeze3A_97 : i32 to index
            %get3A_270 = arith.constant 48 : index
            %get3A_271 = tpu.vector_load %arg6[%get3A_269, %get3A_270] {strides = array<i32>} : memref<321x64xf32, #tpu.memory_space<vmem>>, vector<1x16xf32>,
            %get3A_272 = vector.shape_cast %get3A_271 : vector<1x16xf32> to vector<16xf32>
            %get3A_273 = arith.constant 48 : index
            %get3A_274 = tpu.vector_load %arg12[%get3A_273] {strides = array<i32>} : memref<64xf32, #tpu.memory_space<vmem>>, vector<16xf32>,
            %get3A_275 = vector.shape_cast %get3A_274 : vector<16xf32> to vector<16xf32>
            %max3A_276 = arith.maximumf %get3A_272, %get3A_275 : vector<16xf32>
            %swap3A_277 = arith.index_cast %squeeze3A_97 : i32 to index
            %swap3A_278 = arith.constant 48 : index
            %swap3A_279 = tpu.vector_load %arg6[%swap3A_277, %swap3A_278] {strides = array<i32>} : memref<321x64xf32, #tpu.memory_space<vmem>>, vector<1x16xf32>,
            %swap3A_280 = vector.shape_cast %swap3A_279 : vector<1x16xf32> to vector<16xf32>
            %swap3A_281 = vector.shape_cast %max3A_276 : vector<16xf32> to vector<1x16xf32>
            tpu.vector_store %arg6[%swap3A_277, %swap3A_278], %swap3A_281 {strides = array<i32>} : memref<321x64xf32, #tpu.memory_space<vmem>>, vector<1x16xf32>,
          } else {
          }
          %slice3A_105 = vector.extract_strided_slice %get3A_83 {offsets = [2], sizes = [1], strides = [1]} : vector<16xi32> to vector<1xi32>
          %squeeze3A_106 = vector.extract %slice3A_105[0] : i32 from vector<1xi32>
          %slice3A_107 = vector.extract_strided_slice %get3A_86 {offsets = [2], sizes = [1], strides = [1]} : vector<16xi32> to vector<1xi32>
          %squeeze3A_108 = vector.extract %slice3A_107[0] : i32 from vector<1xi32>
          %lt3A_109 = arith.constant 320 : i32
          %lt3A_110 = arith.cmpi slt, %squeeze3A_106, %lt3A_109 : i32
          %convert_element_type3A_111 = arith.extui %lt3A_110 : i1 to i32
          %cond3A_112 = arith.constant 0 : i32
          %cond3A_113 = arith.cmpi ne, %convert_element_type3A_111, %cond3A_112 : i32
          scf.if %cond3A_113 {
            %multiple_of3A = tpu.assume_multiple %squeeze3A_108, 8 : i32
            "tpu.region"() ({
              %run_scoped3A = tpu.sem_alloc : memref<!tpu.dma_semaphore, #tpu.memory_space<semaphore_mem>>
              %dma_start3A = tpu.memref_slice %arg14[%multiple_of3A] : memref<655360xf32, #tpu.memory_space<vmem_shared>> -> memref<64xf32, #tpu.memory_space<vmem_shared>>
              %dma_start3A_282 = tpu.memref_slice %arg14[%multiple_of3A] : memref<655360xf32, #tpu.memory_space<vmem_shared>> -> memref<64xf32, #tpu.memory_space<vmem_shared>>
              tpu.enqueue_dma source(%dma_start3A_282 : memref<64xf32, #tpu.memory_space<vmem_shared>>) target(%arg12 : memref<64xf32, #tpu.memory_space<vmem>>) target_semaphore(%run_scoped3A : memref<!tpu.dma_semaphore, #tpu.memory_space<semaphore_mem>>)
              %dma_wait3A = tpu.memref_slice %arg14[%multiple_of3A] : memref<655360xf32, #tpu.memory_space<vmem_shared>> -> memref<64xf32, #tpu.memory_space<vmem_shared>>
              %dma_wait3A_283 = tpu.memref_slice %arg14[%multiple_of3A] : memref<655360xf32, #tpu.memory_space<vmem_shared>> -> memref<64xf32, #tpu.memory_space<vmem_shared>>
              tpu.wait_dma2 semaphore(%run_scoped3A : memref<!tpu.dma_semaphore, #tpu.memory_space<semaphore_mem>>) src(%dma_wait3A_283 : memref<64xf32, #tpu.memory_space<vmem_shared>>) dst(%arg12 : memref<64xf32, #tpu.memory_space<vmem>>)
              tpu.yield
            }) : () -> ()
            %get3A_231 = arith.index_cast %squeeze3A_106 : i32 to index
            %get3A_232 = arith.constant 0 : index
            %get3A_233 = tpu.vector_load %arg6[%get3A_231, %get3A_232] {strides = array<i32>} : memref<321x64xf32, #tpu.memory_space<vmem>>, vector<1x16xf32>,
            %get3A_234 = vector.shape_cast %get3A_233 : vector<1x16xf32> to vector<16xf32>
            %get3A_235 = arith.constant 0 : index
            %get3A_236 = tpu.vector_load %arg12[%get3A_235] {strides = array<i32>} : memref<64xf32, #tpu.memory_space<vmem>>, vector<16xf32>,
            %get3A_237 = vector.shape_cast %get3A_236 : vector<16xf32> to vector<16xf32>
            %max3A = arith.maximumf %get3A_234, %get3A_237 : vector<16xf32>
            %swap3A_238 = arith.index_cast %squeeze3A_106 : i32 to index
            %swap3A_239 = arith.constant 0 : index
            %swap3A_240 = tpu.vector_load %arg6[%swap3A_238, %swap3A_239] {strides = array<i32>} : memref<321x64xf32, #tpu.memory_space<vmem>>, vector<1x16xf32>,
            %swap3A_241 = vector.shape_cast %swap3A_240 : vector<1x16xf32> to vector<16xf32>
            %swap3A_242 = vector.shape_cast %max3A : vector<16xf32> to vector<1x16xf32>
            tpu.vector_store %arg6[%swap3A_238, %swap3A_239], %swap3A_242 {strides = array<i32>} : memref<321x64xf32, #tpu.memory_space<vmem>>, vector<1x16xf32>,
            %get3A_243 = arith.index_cast %squeeze3A_106 : i32 to index
            %get3A_244 = arith.constant 16 : index
            %get3A_245 = tpu.vector_load %arg6[%get3A_243, %get3A_244] {strides = array<i32>} : memref<321x64xf32, #tpu.memory_space<vmem>>, vector<1x16xf32>,
            %get3A_246 = vector.shape_cast %get3A_245 : vector<1x16xf32> to vector<16xf32>
            %get3A_247 = arith.constant 16 : index
            %get3A_248 = tpu.vector_load %arg12[%get3A_247] {strides = array<i32>} : memref<64xf32, #tpu.memory_space<vmem>>, vector<16xf32>,
            %get3A_249 = vector.shape_cast %get3A_248 : vector<16xf32> to vector<16xf32>
            %max3A_250 = arith.maximumf %get3A_246, %get3A_249 : vector<16xf32>
            %swap3A_251 = arith.index_cast %squeeze3A_106 : i32 to index
            %swap3A_252 = arith.constant 16 : index
            %swap3A_253 = tpu.vector_load %arg6[%swap3A_251, %swap3A_252] {strides = array<i32>} : memref<321x64xf32, #tpu.memory_space<vmem>>, vector<1x16xf32>,
            %swap3A_254 = vector.shape_cast %swap3A_253 : vector<1x16xf32> to vector<16xf32>
            %swap3A_255 = vector.shape_cast %max3A_250 : vector<16xf32> to vector<1x16xf32>
            tpu.vector_store %arg6[%swap3A_251, %swap3A_252], %swap3A_255 {strides = array<i32>} : memref<321x64xf32, #tpu.memory_space<vmem>>, vector<1x16xf32>,
            %get3A_256 = arith.index_cast %squeeze3A_106 : i32 to index
            %get3A_257 = arith.constant 32 : index
            %get3A_258 = tpu.vector_load %arg6[%get3A_256, %get3A_257] {strides = array<i32>} : memref<321x64xf32, #tpu.memory_space<vmem>>, vector<1x16xf32>,
            %get3A_259 = vector.shape_cast %get3A_258 : vector<1x16xf32> to vector<16xf32>
            %get3A_260 = arith.constant 32 : index
            %get3A_261 = tpu.vector_load %arg12[%get3A_260] {strides = array<i32>} : memref<64xf32, #tpu.memory_space<vmem>>, vector<16xf32>,
            %get3A_262 = vector.shape_cast %get3A_261 : vector<16xf32> to vector<16xf32>
            %max3A_263 = arith.maximumf %get3A_259, %get3A_262 : vector<16xf32>
            %swap3A_264 = arith.index_cast %squeeze3A_106 : i32 to index
            %swap3A_265 = arith.constant 32 : index
            %swap3A_266 = tpu.vector_load %arg6[%swap3A_264, %swap3A_265] {strides = array<i32>} : memref<321x64xf32, #tpu.memory_space<vmem>>, vector<1x16xf32>,
            %swap3A_267 = vector.shape_cast %swap3A_266 : vector<1x16xf32> to vector<16xf32>
            %swap3A_268 = vector.shape_cast %max3A_263 : vector<16xf32> to vector<1x16xf32>
            tpu.vector_store %arg6[%swap3A_264, %swap3A_265], %swap3A_268 {strides = array<i32>} : memref<321x64xf32, #tpu.memory_space<vmem>>, vector<1x16xf32>,
            %get3A_269 = arith.index_cast %squeeze3A_106 : i32 to index
            %get3A_270 = arith.constant 48 : index
            %get3A_271 = tpu.vector_load %arg6[%get3A_269, %get3A_270] {strides = array<i32>} : memref<321x64xf32, #tpu.memory_space<vmem>>, vector<1x16xf32>,
            %get3A_272 = vector.shape_cast %get3A_271 : vector<1x16xf32> to vector<16xf32>
            %get3A_273 = arith.constant 48 : index
            %get3A_274 = tpu.vector_load %arg12[%get3A_273] {strides = array<i32>} : memref<64xf32, #tpu.memory_space<vmem>>, vector<16xf32>,
            %get3A_275 = vector.shape_cast %get3A_274 : vector<16xf32> to vector<16xf32>
            %max3A_276 = arith.maximumf %get3A_272, %get3A_275 : vector<16xf32>
            %swap3A_277 = arith.index_cast %squeeze3A_106 : i32 to index
            %swap3A_278 = arith.constant 48 : index
            %swap3A_279 = tpu.vector_load %arg6[%swap3A_277, %swap3A_278] {strides = array<i32>} : memref<321x64xf32, #tpu.memory_space<vmem>>, vector<1x16xf32>,
            %swap3A_280 = vector.shape_cast %swap3A_279 : vector<1x16xf32> to vector<16xf32>
            %swap3A_281 = vector.shape_cast %max3A_276 : vector<16xf32> to vector<1x16xf32>
            tpu.vector_store %arg6[%swap3A_277, %swap3A_278], %swap3A_281 {strides = array<i32>} : memref<321x64xf32, #tpu.memory_space<vmem>>, vector<1x16xf32>,
          } else {
          }
          %slice3A_114 = vector.extract_strided_slice %get3A_83 {offsets = [3], sizes = [1], strides = [1]} : vector<16xi32> to vector<1xi32>
          %squeeze3A_115 = vector.extract %slice3A_114[0] : i32 from vector<1xi32>
          %slice3A_116 = vector.extract_strided_slice %get3A_86 {offsets = [3], sizes = [1], strides = [1]} : vector<16xi32> to vector<1xi32>
          %squeeze3A_117 = vector.extract %slice3A_116[0] : i32 from vector<1xi32>
          %lt3A_118 = arith.constant 320 : i32
          %lt3A_119 = arith.cmpi slt, %squeeze3A_115, %lt3A_118 : i32
          %convert_element_type3A_120 = arith.extui %lt3A_119 : i1 to i32
          %cond3A_121 = arith.constant 0 : i32
          %cond3A_122 = arith.cmpi ne, %convert_element_type3A_120, %cond3A_121 : i32
          scf.if %cond3A_122 {
            %multiple_of3A = tpu.assume_multiple %squeeze3A_117, 8 : i32
            "tpu.region"() ({
              %run_scoped3A = tpu.sem_alloc : memref<!tpu.dma_semaphore, #tpu.memory_space<semaphore_mem>>
              %dma_start3A = tpu.memref_slice %arg14[%multiple_of3A] : memref<655360xf32, #tpu.memory_space<vmem_shared>> -> memref<64xf32, #tpu.memory_space<vmem_shared>>
              %dma_start3A_282 = tpu.memref_slice %arg14[%multiple_of3A] : memref<655360xf32, #tpu.memory_space<vmem_shared>> -> memref<64xf32, #tpu.memory_space<vmem_shared>>
              tpu.enqueue_dma source(%dma_start3A_282 : memref<64xf32, #tpu.memory_space<vmem_shared>>) target(%arg12 : memref<64xf32, #tpu.memory_space<vmem>>) target_semaphore(%run_scoped3A : memref<!tpu.dma_semaphore, #tpu.memory_space<semaphore_mem>>)
              %dma_wait3A = tpu.memref_slice %arg14[%multiple_of3A] : memref<655360xf32, #tpu.memory_space<vmem_shared>> -> memref<64xf32, #tpu.memory_space<vmem_shared>>
              %dma_wait3A_283 = tpu.memref_slice %arg14[%multiple_of3A] : memref<655360xf32, #tpu.memory_space<vmem_shared>> -> memref<64xf32, #tpu.memory_space<vmem_shared>>
              tpu.wait_dma2 semaphore(%run_scoped3A : memref<!tpu.dma_semaphore, #tpu.memory_space<semaphore_mem>>) src(%dma_wait3A_283 : memref<64xf32, #tpu.memory_space<vmem_shared>>) dst(%arg12 : memref<64xf32, #tpu.memory_space<vmem>>)
              tpu.yield
            }) : () -> ()
            %get3A_231 = arith.index_cast %squeeze3A_115 : i32 to index
            %get3A_232 = arith.constant 0 : index
            %get3A_233 = tpu.vector_load %arg6[%get3A_231, %get3A_232] {strides = array<i32>} : memref<321x64xf32, #tpu.memory_space<vmem>>, vector<1x16xf32>,
            %get3A_234 = vector.shape_cast %get3A_233 : vector<1x16xf32> to vector<16xf32>
            %get3A_235 = arith.constant 0 : index
            %get3A_236 = tpu.vector_load %arg12[%get3A_235] {strides = array<i32>} : memref<64xf32, #tpu.memory_space<vmem>>, vector<16xf32>,
            %get3A_237 = vector.shape_cast %get3A_236 : vector<16xf32> to vector<16xf32>
            %max3A = arith.maximumf %get3A_234, %get3A_237 : vector<16xf32>
            %swap3A_238 = arith.index_cast %squeeze3A_115 : i32 to index
            %swap3A_239 = arith.constant 0 : index
            %swap3A_240 = tpu.vector_load %arg6[%swap3A_238, %swap3A_239] {strides = array<i32>} : memref<321x64xf32, #tpu.memory_space<vmem>>, vector<1x16xf32>,
            %swap3A_241 = vector.shape_cast %swap3A_240 : vector<1x16xf32> to vector<16xf32>
            %swap3A_242 = vector.shape_cast %max3A : vector<16xf32> to vector<1x16xf32>
            tpu.vector_store %arg6[%swap3A_238, %swap3A_239], %swap3A_242 {strides = array<i32>} : memref<321x64xf32, #tpu.memory_space<vmem>>, vector<1x16xf32>,
            %get3A_243 = arith.index_cast %squeeze3A_115 : i32 to index
            %get3A_244 = arith.constant 16 : index
            %get3A_245 = tpu.vector_load %arg6[%get3A_243, %get3A_244] {strides = array<i32>} : memref<321x64xf32, #tpu.memory_space<vmem>>, vector<1x16xf32>,
            %get3A_246 = vector.shape_cast %get3A_245 : vector<1x16xf32> to vector<16xf32>
            %get3A_247 = arith.constant 16 : index
            %get3A_248 = tpu.vector_load %arg12[%get3A_247] {strides = array<i32>} : memref<64xf32, #tpu.memory_space<vmem>>, vector<16xf32>,
            %get3A_249 = vector.shape_cast %get3A_248 : vector<16xf32> to vector<16xf32>
            %max3A_250 = arith.maximumf %get3A_246, %get3A_249 : vector<16xf32>
            %swap3A_251 = arith.index_cast %squeeze3A_115 : i32 to index
            %swap3A_252 = arith.constant 16 : index
            %swap3A_253 = tpu.vector_load %arg6[%swap3A_251, %swap3A_252] {strides = array<i32>} : memref<321x64xf32, #tpu.memory_space<vmem>>, vector<1x16xf32>,
            %swap3A_254 = vector.shape_cast %swap3A_253 : vector<1x16xf32> to vector<16xf32>
            %swap3A_255 = vector.shape_cast %max3A_250 : vector<16xf32> to vector<1x16xf32>
            tpu.vector_store %arg6[%swap3A_251, %swap3A_252], %swap3A_255 {strides = array<i32>} : memref<321x64xf32, #tpu.memory_space<vmem>>, vector<1x16xf32>,
            %get3A_256 = arith.index_cast %squeeze3A_115 : i32 to index
            %get3A_257 = arith.constant 32 : index
            %get3A_258 = tpu.vector_load %arg6[%get3A_256, %get3A_257] {strides = array<i32>} : memref<321x64xf32, #tpu.memory_space<vmem>>, vector<1x16xf32>,
            %get3A_259 = vector.shape_cast %get3A_258 : vector<1x16xf32> to vector<16xf32>
            %get3A_260 = arith.constant 32 : index
            %get3A_261 = tpu.vector_load %arg12[%get3A_260] {strides = array<i32>} : memref<64xf32, #tpu.memory_space<vmem>>, vector<16xf32>,
            %get3A_262 = vector.shape_cast %get3A_261 : vector<16xf32> to vector<16xf32>
            %max3A_263 = arith.maximumf %get3A_259, %get3A_262 : vector<16xf32>
            %swap3A_264 = arith.index_cast %squeeze3A_115 : i32 to index
            %swap3A_265 = arith.constant 32 : index
            %swap3A_266 = tpu.vector_load %arg6[%swap3A_264, %swap3A_265] {strides = array<i32>} : memref<321x64xf32, #tpu.memory_space<vmem>>, vector<1x16xf32>,
            %swap3A_267 = vector.shape_cast %swap3A_266 : vector<1x16xf32> to vector<16xf32>
            %swap3A_268 = vector.shape_cast %max3A_263 : vector<16xf32> to vector<1x16xf32>
            tpu.vector_store %arg6[%swap3A_264, %swap3A_265], %swap3A_268 {strides = array<i32>} : memref<321x64xf32, #tpu.memory_space<vmem>>, vector<1x16xf32>,
            %get3A_269 = arith.index_cast %squeeze3A_115 : i32 to index
            %get3A_270 = arith.constant 48 : index
            %get3A_271 = tpu.vector_load %arg6[%get3A_269, %get3A_270] {strides = array<i32>} : memref<321x64xf32, #tpu.memory_space<vmem>>, vector<1x16xf32>,
            %get3A_272 = vector.shape_cast %get3A_271 : vector<1x16xf32> to vector<16xf32>
            %get3A_273 = arith.constant 48 : index
            %get3A_274 = tpu.vector_load %arg12[%get3A_273] {strides = array<i32>} : memref<64xf32, #tpu.memory_space<vmem>>, vector<16xf32>,
            %get3A_275 = vector.shape_cast %get3A_274 : vector<16xf32> to vector<16xf32>
            %max3A_276 = arith.maximumf %get3A_272, %get3A_275 : vector<16xf32>
            %swap3A_277 = arith.index_cast %squeeze3A_115 : i32 to index
            %swap3A_278 = arith.constant 48 : index
            %swap3A_279 = tpu.vector_load %arg6[%swap3A_277, %swap3A_278] {strides = array<i32>} : memref<321x64xf32, #tpu.memory_space<vmem>>, vector<1x16xf32>,
            %swap3A_280 = vector.shape_cast %swap3A_279 : vector<1x16xf32> to vector<16xf32>
            %swap3A_281 = vector.shape_cast %max3A_276 : vector<16xf32> to vector<1x16xf32>
            tpu.vector_store %arg6[%swap3A_277, %swap3A_278], %swap3A_281 {strides = array<i32>} : memref<321x64xf32, #tpu.memory_space<vmem>>, vector<1x16xf32>,
          } else {
          }
          %slice3A_123 = vector.extract_strided_slice %get3A_83 {offsets = [4], sizes = [1], strides = [1]} : vector<16xi32> to vector<1xi32>
          %squeeze3A_124 = vector.extract %slice3A_123[0] : i32 from vector<1xi32>
          %slice3A_125 = vector.extract_strided_slice %get3A_86 {offsets = [4], sizes = [1], strides = [1]} : vector<16xi32> to vector<1xi32>
          %squeeze3A_126 = vector.extract %slice3A_125[0] : i32 from vector<1xi32>
          %lt3A_127 = arith.constant 320 : i32
          %lt3A_128 = arith.cmpi slt, %squeeze3A_124, %lt3A_127 : i32
          %convert_element_type3A_129 = arith.extui %lt3A_128 : i1 to i32
          %cond3A_130 = arith.constant 0 : i32
          %cond3A_131 = arith.cmpi ne, %convert_element_type3A_129, %cond3A_130 : i32
          scf.if %cond3A_131 {
            %multiple_of3A = tpu.assume_multiple %squeeze3A_126, 8 : i32
            "tpu.region"() ({
              %run_scoped3A = tpu.sem_alloc : memref<!tpu.dma_semaphore, #tpu.memory_space<semaphore_mem>>
              %dma_start3A = tpu.memref_slice %arg14[%multiple_of3A] : memref<655360xf32, #tpu.memory_space<vmem_shared>> -> memref<64xf32, #tpu.memory_space<vmem_shared>>
              %dma_start3A_282 = tpu.memref_slice %arg14[%multiple_of3A] : memref<655360xf32, #tpu.memory_space<vmem_shared>> -> memref<64xf32, #tpu.memory_space<vmem_shared>>
              tpu.enqueue_dma source(%dma_start3A_282 : memref<64xf32, #tpu.memory_space<vmem_shared>>) target(%arg12 : memref<64xf32, #tpu.memory_space<vmem>>) target_semaphore(%run_scoped3A : memref<!tpu.dma_semaphore, #tpu.memory_space<semaphore_mem>>)
              %dma_wait3A = tpu.memref_slice %arg14[%multiple_of3A] : memref<655360xf32, #tpu.memory_space<vmem_shared>> -> memref<64xf32, #tpu.memory_space<vmem_shared>>
              %dma_wait3A_283 = tpu.memref_slice %arg14[%multiple_of3A] : memref<655360xf32, #tpu.memory_space<vmem_shared>> -> memref<64xf32, #tpu.memory_space<vmem_shared>>
              tpu.wait_dma2 semaphore(%run_scoped3A : memref<!tpu.dma_semaphore, #tpu.memory_space<semaphore_mem>>) src(%dma_wait3A_283 : memref<64xf32, #tpu.memory_space<vmem_shared>>) dst(%arg12 : memref<64xf32, #tpu.memory_space<vmem>>)
              tpu.yield
            }) : () -> ()
            %get3A_231 = arith.index_cast %squeeze3A_124 : i32 to index
            %get3A_232 = arith.constant 0 : index
            %get3A_233 = tpu.vector_load %arg6[%get3A_231, %get3A_232] {strides = array<i32>} : memref<321x64xf32, #tpu.memory_space<vmem>>, vector<1x16xf32>,
            %get3A_234 = vector.shape_cast %get3A_233 : vector<1x16xf32> to vector<16xf32>
            %get3A_235 = arith.constant 0 : index
            %get3A_236 = tpu.vector_load %arg12[%get3A_235] {strides = array<i32>} : memref<64xf32, #tpu.memory_space<vmem>>, vector<16xf32>,
            %get3A_237 = vector.shape_cast %get3A_236 : vector<16xf32> to vector<16xf32>
            %max3A = arith.maximumf %get3A_234, %get3A_237 : vector<16xf32>
            %swap3A_238 = arith.index_cast %squeeze3A_124 : i32 to index
            %swap3A_239 = arith.constant 0 : index
            %swap3A_240 = tpu.vector_load %arg6[%swap3A_238, %swap3A_239] {strides = array<i32>} : memref<321x64xf32, #tpu.memory_space<vmem>>, vector<1x16xf32>,
            %swap3A_241 = vector.shape_cast %swap3A_240 : vector<1x16xf32> to vector<16xf32>
            %swap3A_242 = vector.shape_cast %max3A : vector<16xf32> to vector<1x16xf32>
            tpu.vector_store %arg6[%swap3A_238, %swap3A_239], %swap3A_242 {strides = array<i32>} : memref<321x64xf32, #tpu.memory_space<vmem>>, vector<1x16xf32>,
            %get3A_243 = arith.index_cast %squeeze3A_124 : i32 to index
            %get3A_244 = arith.constant 16 : index
            %get3A_245 = tpu.vector_load %arg6[%get3A_243, %get3A_244] {strides = array<i32>} : memref<321x64xf32, #tpu.memory_space<vmem>>, vector<1x16xf32>,
            %get3A_246 = vector.shape_cast %get3A_245 : vector<1x16xf32> to vector<16xf32>
            %get3A_247 = arith.constant 16 : index
            %get3A_248 = tpu.vector_load %arg12[%get3A_247] {strides = array<i32>} : memref<64xf32, #tpu.memory_space<vmem>>, vector<16xf32>,
            %get3A_249 = vector.shape_cast %get3A_248 : vector<16xf32> to vector<16xf32>
            %max3A_250 = arith.maximumf %get3A_246, %get3A_249 : vector<16xf32>
            %swap3A_251 = arith.index_cast %squeeze3A_124 : i32 to index
            %swap3A_252 = arith.constant 16 : index
            %swap3A_253 = tpu.vector_load %arg6[%swap3A_251, %swap3A_252] {strides = array<i32>} : memref<321x64xf32, #tpu.memory_space<vmem>>, vector<1x16xf32>,
            %swap3A_254 = vector.shape_cast %swap3A_253 : vector<1x16xf32> to vector<16xf32>
            %swap3A_255 = vector.shape_cast %max3A_250 : vector<16xf32> to vector<1x16xf32>
            tpu.vector_store %arg6[%swap3A_251, %swap3A_252], %swap3A_255 {strides = array<i32>} : memref<321x64xf32, #tpu.memory_space<vmem>>, vector<1x16xf32>,
            %get3A_256 = arith.index_cast %squeeze3A_124 : i32 to index
            %get3A_257 = arith.constant 32 : index
            %get3A_258 = tpu.vector_load %arg6[%get3A_256, %get3A_257] {strides = array<i32>} : memref<321x64xf32, #tpu.memory_space<vmem>>, vector<1x16xf32>,
            %get3A_259 = vector.shape_cast %get3A_258 : vector<1x16xf32> to vector<16xf32>
            %get3A_260 = arith.constant 32 : index
            %get3A_261 = tpu.vector_load %arg12[%get3A_260] {strides = array<i32>} : memref<64xf32, #tpu.memory_space<vmem>>, vector<16xf32>,
            %get3A_262 = vector.shape_cast %get3A_261 : vector<16xf32> to vector<16xf32>
            %max3A_263 = arith.maximumf %get3A_259, %get3A_262 : vector<16xf32>
            %swap3A_264 = arith.index_cast %squeeze3A_124 : i32 to index
            %swap3A_265 = arith.constant 32 : index
            %swap3A_266 = tpu.vector_load %arg6[%swap3A_264, %swap3A_265] {strides = array<i32>} : memref<321x64xf32, #tpu.memory_space<vmem>>, vector<1x16xf32>,
            %swap3A_267 = vector.shape_cast %swap3A_266 : vector<1x16xf32> to vector<16xf32>
            %swap3A_268 = vector.shape_cast %max3A_263 : vector<16xf32> to vector<1x16xf32>
            tpu.vector_store %arg6[%swap3A_264, %swap3A_265], %swap3A_268 {strides = array<i32>} : memref<321x64xf32, #tpu.memory_space<vmem>>, vector<1x16xf32>,
            %get3A_269 = arith.index_cast %squeeze3A_124 : i32 to index
            %get3A_270 = arith.constant 48 : index
            %get3A_271 = tpu.vector_load %arg6[%get3A_269, %get3A_270] {strides = array<i32>} : memref<321x64xf32, #tpu.memory_space<vmem>>, vector<1x16xf32>,
            %get3A_272 = vector.shape_cast %get3A_271 : vector<1x16xf32> to vector<16xf32>
            %get3A_273 = arith.constant 48 : index
            %get3A_274 = tpu.vector_load %arg12[%get3A_273] {strides = array<i32>} : memref<64xf32, #tpu.memory_space<vmem>>, vector<16xf32>,
            %get3A_275 = vector.shape_cast %get3A_274 : vector<16xf32> to vector<16xf32>
            %max3A_276 = arith.maximumf %get3A_272, %get3A_275 : vector<16xf32>
            %swap3A_277 = arith.index_cast %squeeze3A_124 : i32 to index
            %swap3A_278 = arith.constant 48 : index
            %swap3A_279 = tpu.vector_load %arg6[%swap3A_277, %swap3A_278] {strides = array<i32>} : memref<321x64xf32, #tpu.memory_space<vmem>>, vector<1x16xf32>,
            %swap3A_280 = vector.shape_cast %swap3A_279 : vector<1x16xf32> to vector<16xf32>
            %swap3A_281 = vector.shape_cast %max3A_276 : vector<16xf32> to vector<1x16xf32>
            tpu.vector_store %arg6[%swap3A_277, %swap3A_278], %swap3A_281 {strides = array<i32>} : memref<321x64xf32, #tpu.memory_space<vmem>>, vector<1x16xf32>,
          } else {
          }
          %slice3A_132 = vector.extract_strided_slice %get3A_83 {offsets = [5], sizes = [1], strides = [1]} : vector<16xi32> to vector<1xi32>
          %squeeze3A_133 = vector.extract %slice3A_132[0] : i32 from vector<1xi32>
          %slice3A_134 = vector.extract_strided_slice %get3A_86 {offsets = [5], sizes = [1], strides = [1]} : vector<16xi32> to vector<1xi32>
          %squeeze3A_135 = vector.extract %slice3A_134[0] : i32 from vector<1xi32>
          %lt3A_136 = arith.constant 320 : i32
          %lt3A_137 = arith.cmpi slt, %squeeze3A_133, %lt3A_136 : i32
          %convert_element_type3A_138 = arith.extui %lt3A_137 : i1 to i32
          %cond3A_139 = arith.constant 0 : i32
          %cond3A_140 = arith.cmpi ne, %convert_element_type3A_138, %cond3A_139 : i32
          scf.if %cond3A_140 {
            %multiple_of3A = tpu.assume_multiple %squeeze3A_135, 8 : i32
            "tpu.region"() ({
              %run_scoped3A = tpu.sem_alloc : memref<!tpu.dma_semaphore, #tpu.memory_space<semaphore_mem>>
              %dma_start3A = tpu.memref_slice %arg14[%multiple_of3A] : memref<655360xf32, #tpu.memory_space<vmem_shared>> -> memref<64xf32, #tpu.memory_space<vmem_shared>>
              %dma_start3A_282 = tpu.memref_slice %arg14[%multiple_of3A] : memref<655360xf32, #tpu.memory_space<vmem_shared>> -> memref<64xf32, #tpu.memory_space<vmem_shared>>
              tpu.enqueue_dma source(%dma_start3A_282 : memref<64xf32, #tpu.memory_space<vmem_shared>>) target(%arg12 : memref<64xf32, #tpu.memory_space<vmem>>) target_semaphore(%run_scoped3A : memref<!tpu.dma_semaphore, #tpu.memory_space<semaphore_mem>>)
              %dma_wait3A = tpu.memref_slice %arg14[%multiple_of3A] : memref<655360xf32, #tpu.memory_space<vmem_shared>> -> memref<64xf32, #tpu.memory_space<vmem_shared>>
              %dma_wait3A_283 = tpu.memref_slice %arg14[%multiple_of3A] : memref<655360xf32, #tpu.memory_space<vmem_shared>> -> memref<64xf32, #tpu.memory_space<vmem_shared>>
              tpu.wait_dma2 semaphore(%run_scoped3A : memref<!tpu.dma_semaphore, #tpu.memory_space<semaphore_mem>>) src(%dma_wait3A_283 : memref<64xf32, #tpu.memory_space<vmem_shared>>) dst(%arg12 : memref<64xf32, #tpu.memory_space<vmem>>)
              tpu.yield
            }) : () -> ()
            %get3A_231 = arith.index_cast %squeeze3A_133 : i32 to index
            %get3A_232 = arith.constant 0 : index
            %get3A_233 = tpu.vector_load %arg6[%get3A_231, %get3A_232] {strides = array<i32>} : memref<321x64xf32, #tpu.memory_space<vmem>>, vector<1x16xf32>,
            %get3A_234 = vector.shape_cast %get3A_233 : vector<1x16xf32> to vector<16xf32>
            %get3A_235 = arith.constant 0 : index
            %get3A_236 = tpu.vector_load %arg12[%get3A_235] {strides = array<i32>} : memref<64xf32, #tpu.memory_space<vmem>>, vector<16xf32>,
            %get3A_237 = vector.shape_cast %get3A_236 : vector<16xf32> to vector<16xf32>
            %max3A = arith.maximumf %get3A_234, %get3A_237 : vector<16xf32>
            %swap3A_238 = arith.index_cast %squeeze3A_133 : i32 to index
            %swap3A_239 = arith.constant 0 : index
            %swap3A_240 = tpu.vector_load %arg6[%swap3A_238, %swap3A_239] {strides = array<i32>} : memref<321x64xf32, #tpu.memory_space<vmem>>, vector<1x16xf32>,
            %swap3A_241 = vector.shape_cast %swap3A_240 : vector<1x16xf32> to vector<16xf32>
            %swap3A_242 = vector.shape_cast %max3A : vector<16xf32> to vector<1x16xf32>
            tpu.vector_store %arg6[%swap3A_238, %swap3A_239], %swap3A_242 {strides = array<i32>} : memref<321x64xf32, #tpu.memory_space<vmem>>, vector<1x16xf32>,
            %get3A_243 = arith.index_cast %squeeze3A_133 : i32 to index
            %get3A_244 = arith.constant 16 : index
            %get3A_245 = tpu.vector_load %arg6[%get3A_243, %get3A_244] {strides = array<i32>} : memref<321x64xf32, #tpu.memory_space<vmem>>, vector<1x16xf32>,
            %get3A_246 = vector.shape_cast %get3A_245 : vector<1x16xf32> to vector<16xf32>
            %get3A_247 = arith.constant 16 : index
            %get3A_248 = tpu.vector_load %arg12[%get3A_247] {strides = array<i32>} : memref<64xf32, #tpu.memory_space<vmem>>, vector<16xf32>,
            %get3A_249 = vector.shape_cast %get3A_248 : vector<16xf32> to vector<16xf32>
            %max3A_250 = arith.maximumf %get3A_246, %get3A_249 : vector<16xf32>
            %swap3A_251 = arith.index_cast %squeeze3A_133 : i32 to index
            %swap3A_252 = arith.constant 16 : index
            %swap3A_253 = tpu.vector_load %arg6[%swap3A_251, %swap3A_252] {strides = array<i32>} : memref<321x64xf32, #tpu.memory_space<vmem>>, vector<1x16xf32>,
            %swap3A_254 = vector.shape_cast %swap3A_253 : vector<1x16xf32> to vector<16xf32>
            %swap3A_255 = vector.shape_cast %max3A_250 : vector<16xf32> to vector<1x16xf32>
            tpu.vector_store %arg6[%swap3A_251, %swap3A_252], %swap3A_255 {strides = array<i32>} : memref<321x64xf32, #tpu.memory_space<vmem>>, vector<1x16xf32>,
            %get3A_256 = arith.index_cast %squeeze3A_133 : i32 to index
            %get3A_257 = arith.constant 32 : index
            %get3A_258 = tpu.vector_load %arg6[%get3A_256, %get3A_257] {strides = array<i32>} : memref<321x64xf32, #tpu.memory_space<vmem>>, vector<1x16xf32>,
            %get3A_259 = vector.shape_cast %get3A_258 : vector<1x16xf32> to vector<16xf32>
            %get3A_260 = arith.constant 32 : index
            %get3A_261 = tpu.vector_load %arg12[%get3A_260] {strides = array<i32>} : memref<64xf32, #tpu.memory_space<vmem>>, vector<16xf32>,
            %get3A_262 = vector.shape_cast %get3A_261 : vector<16xf32> to vector<16xf32>
            %max3A_263 = arith.maximumf %get3A_259, %get3A_262 : vector<16xf32>
            %swap3A_264 = arith.index_cast %squeeze3A_133 : i32 to index
            %swap3A_265 = arith.constant 32 : index
            %swap3A_266 = tpu.vector_load %arg6[%swap3A_264, %swap3A_265] {strides = array<i32>} : memref<321x64xf32, #tpu.memory_space<vmem>>, vector<1x16xf32>,
            %swap3A_267 = vector.shape_cast %swap3A_266 : vector<1x16xf32> to vector<16xf32>
            %swap3A_268 = vector.shape_cast %max3A_263 : vector<16xf32> to vector<1x16xf32>
            tpu.vector_store %arg6[%swap3A_264, %swap3A_265], %swap3A_268 {strides = array<i32>} : memref<321x64xf32, #tpu.memory_space<vmem>>, vector<1x16xf32>,
            %get3A_269 = arith.index_cast %squeeze3A_133 : i32 to index
            %get3A_270 = arith.constant 48 : index
            %get3A_271 = tpu.vector_load %arg6[%get3A_269, %get3A_270] {strides = array<i32>} : memref<321x64xf32, #tpu.memory_space<vmem>>, vector<1x16xf32>,
            %get3A_272 = vector.shape_cast %get3A_271 : vector<1x16xf32> to vector<16xf32>
            %get3A_273 = arith.constant 48 : index
            %get3A_274 = tpu.vector_load %arg12[%get3A_273] {strides = array<i32>} : memref<64xf32, #tpu.memory_space<vmem>>, vector<16xf32>,
            %get3A_275 = vector.shape_cast %get3A_274 : vector<16xf32> to vector<16xf32>
            %max3A_276 = arith.maximumf %get3A_272, %get3A_275 : vector<16xf32>
            %swap3A_277 = arith.index_cast %squeeze3A_133 : i32 to index
            %swap3A_278 = arith.constant 48 : index
            %swap3A_279 = tpu.vector_load %arg6[%swap3A_277, %swap3A_278] {strides = array<i32>} : memref<321x64xf32, #tpu.memory_space<vmem>>, vector<1x16xf32>,
            %swap3A_280 = vector.shape_cast %swap3A_279 : vector<1x16xf32> to vector<16xf32>
            %swap3A_281 = vector.shape_cast %max3A_276 : vector<16xf32> to vector<1x16xf32>
            tpu.vector_store %arg6[%swap3A_277, %swap3A_278], %swap3A_281 {strides = array<i32>} : memref<321x64xf32, #tpu.memory_space<vmem>>, vector<1x16xf32>,
          } else {
          }
          %slice3A_141 = vector.extract_strided_slice %get3A_83 {offsets = [6], sizes = [1], strides = [1]} : vector<16xi32> to vector<1xi32>
          %squeeze3A_142 = vector.extract %slice3A_141[0] : i32 from vector<1xi32>
          %slice3A_143 = vector.extract_strided_slice %get3A_86 {offsets = [6], sizes = [1], strides = [1]} : vector<16xi32> to vector<1xi32>
          %squeeze3A_144 = vector.extract %slice3A_143[0] : i32 from vector<1xi32>
          %lt3A_145 = arith.constant 320 : i32
          %lt3A_146 = arith.cmpi slt, %squeeze3A_142, %lt3A_145 : i32
          %convert_element_type3A_147 = arith.extui %lt3A_146 : i1 to i32
          %cond3A_148 = arith.constant 0 : i32
          %cond3A_149 = arith.cmpi ne, %convert_element_type3A_147, %cond3A_148 : i32
          scf.if %cond3A_149 {
            %multiple_of3A = tpu.assume_multiple %squeeze3A_144, 8 : i32
            "tpu.region"() ({
              %run_scoped3A = tpu.sem_alloc : memref<!tpu.dma_semaphore, #tpu.memory_space<semaphore_mem>>
              %dma_start3A = tpu.memref_slice %arg14[%multiple_of3A] : memref<655360xf32, #tpu.memory_space<vmem_shared>> -> memref<64xf32, #tpu.memory_space<vmem_shared>>
              %dma_start3A_282 = tpu.memref_slice %arg14[%multiple_of3A] : memref<655360xf32, #tpu.memory_space<vmem_shared>> -> memref<64xf32, #tpu.memory_space<vmem_shared>>
              tpu.enqueue_dma source(%dma_start3A_282 : memref<64xf32, #tpu.memory_space<vmem_shared>>) target(%arg12 : memref<64xf32, #tpu.memory_space<vmem>>) target_semaphore(%run_scoped3A : memref<!tpu.dma_semaphore, #tpu.memory_space<semaphore_mem>>)
              %dma_wait3A = tpu.memref_slice %arg14[%multiple_of3A] : memref<655360xf32, #tpu.memory_space<vmem_shared>> -> memref<64xf32, #tpu.memory_space<vmem_shared>>
              %dma_wait3A_283 = tpu.memref_slice %arg14[%multiple_of3A] : memref<655360xf32, #tpu.memory_space<vmem_shared>> -> memref<64xf32, #tpu.memory_space<vmem_shared>>
              tpu.wait_dma2 semaphore(%run_scoped3A : memref<!tpu.dma_semaphore, #tpu.memory_space<semaphore_mem>>) src(%dma_wait3A_283 : memref<64xf32, #tpu.memory_space<vmem_shared>>) dst(%arg12 : memref<64xf32, #tpu.memory_space<vmem>>)
              tpu.yield
            }) : () -> ()
            %get3A_231 = arith.index_cast %squeeze3A_142 : i32 to index
            %get3A_232 = arith.constant 0 : index
            %get3A_233 = tpu.vector_load %arg6[%get3A_231, %get3A_232] {strides = array<i32>} : memref<321x64xf32, #tpu.memory_space<vmem>>, vector<1x16xf32>,
            %get3A_234 = vector.shape_cast %get3A_233 : vector<1x16xf32> to vector<16xf32>
            %get3A_235 = arith.constant 0 : index
            %get3A_236 = tpu.vector_load %arg12[%get3A_235] {strides = array<i32>} : memref<64xf32, #tpu.memory_space<vmem>>, vector<16xf32>,
            %get3A_237 = vector.shape_cast %get3A_236 : vector<16xf32> to vector<16xf32>
            %max3A = arith.maximumf %get3A_234, %get3A_237 : vector<16xf32>
            %swap3A_238 = arith.index_cast %squeeze3A_142 : i32 to index
            %swap3A_239 = arith.constant 0 : index
            %swap3A_240 = tpu.vector_load %arg6[%swap3A_238, %swap3A_239] {strides = array<i32>} : memref<321x64xf32, #tpu.memory_space<vmem>>, vector<1x16xf32>,
            %swap3A_241 = vector.shape_cast %swap3A_240 : vector<1x16xf32> to vector<16xf32>
            %swap3A_242 = vector.shape_cast %max3A : vector<16xf32> to vector<1x16xf32>
            tpu.vector_store %arg6[%swap3A_238, %swap3A_239], %swap3A_242 {strides = array<i32>} : memref<321x64xf32, #tpu.memory_space<vmem>>, vector<1x16xf32>,
            %get3A_243 = arith.index_cast %squeeze3A_142 : i32 to index
            %get3A_244 = arith.constant 16 : index
            %get3A_245 = tpu.vector_load %arg6[%get3A_243, %get3A_244] {strides = array<i32>} : memref<321x64xf32, #tpu.memory_space<vmem>>, vector<1x16xf32>,
            %get3A_246 = vector.shape_cast %get3A_245 : vector<1x16xf32> to vector<16xf32>
            %get3A_247 = arith.constant 16 : index
            %get3A_248 = tpu.vector_load %arg12[%get3A_247] {strides = array<i32>} : memref<64xf32, #tpu.memory_space<vmem>>, vector<16xf32>,
            %get3A_249 = vector.shape_cast %get3A_248 : vector<16xf32> to vector<16xf32>
            %max3A_250 = arith.maximumf %get3A_246, %get3A_249 : vector<16xf32>
            %swap3A_251 = arith.index_cast %squeeze3A_142 : i32 to index
            %swap3A_252 = arith.constant 16 : index
            %swap3A_253 = tpu.vector_load %arg6[%swap3A_251, %swap3A_252] {strides = array<i32>} : memref<321x64xf32, #tpu.memory_space<vmem>>, vector<1x16xf32>,
            %swap3A_254 = vector.shape_cast %swap3A_253 : vector<1x16xf32> to vector<16xf32>
            %swap3A_255 = vector.shape_cast %max3A_250 : vector<16xf32> to vector<1x16xf32>
            tpu.vector_store %arg6[%swap3A_251, %swap3A_252], %swap3A_255 {strides = array<i32>} : memref<321x64xf32, #tpu.memory_space<vmem>>, vector<1x16xf32>,
            %get3A_256 = arith.index_cast %squeeze3A_142 : i32 to index
            %get3A_257 = arith.constant 32 : index
            %get3A_258 = tpu.vector_load %arg6[%get3A_256, %get3A_257] {strides = array<i32>} : memref<321x64xf32, #tpu.memory_space<vmem>>, vector<1x16xf32>,
            %get3A_259 = vector.shape_cast %get3A_258 : vector<1x16xf32> to vector<16xf32>
            %get3A_260 = arith.constant 32 : index
            %get3A_261 = tpu.vector_load %arg12[%get3A_260] {strides = array<i32>} : memref<64xf32, #tpu.memory_space<vmem>>, vector<16xf32>,
            %get3A_262 = vector.shape_cast %get3A_261 : vector<16xf32> to vector<16xf32>
            %max3A_263 = arith.maximumf %get3A_259, %get3A_262 : vector<16xf32>
            %swap3A_264 = arith.index_cast %squeeze3A_142 : i32 to index
            %swap3A_265 = arith.constant 32 : index
            %swap3A_266 = tpu.vector_load %arg6[%swap3A_264, %swap3A_265] {strides = array<i32>} : memref<321x64xf32, #tpu.memory_space<vmem>>, vector<1x16xf32>,
            %swap3A_267 = vector.shape_cast %swap3A_266 : vector<1x16xf32> to vector<16xf32>
            %swap3A_268 = vector.shape_cast %max3A_263 : vector<16xf32> to vector<1x16xf32>
            tpu.vector_store %arg6[%swap3A_264, %swap3A_265], %swap3A_268 {strides = array<i32>} : memref<321x64xf32, #tpu.memory_space<vmem>>, vector<1x16xf32>,
            %get3A_269 = arith.index_cast %squeeze3A_142 : i32 to index
            %get3A_270 = arith.constant 48 : index
            %get3A_271 = tpu.vector_load %arg6[%get3A_269, %get3A_270] {strides = array<i32>} : memref<321x64xf32, #tpu.memory_space<vmem>>, vector<1x16xf32>,
            %get3A_272 = vector.shape_cast %get3A_271 : vector<1x16xf32> to vector<16xf32>
            %get3A_273 = arith.constant 48 : index
            %get3A_274 = tpu.vector_load %arg12[%get3A_273] {strides = array<i32>} : memref<64xf32, #tpu.memory_space<vmem>>, vector<16xf32>,
            %get3A_275 = vector.shape_cast %get3A_274 : vector<16xf32> to vector<16xf32>
            %max3A_276 = arith.maximumf %get3A_272, %get3A_275 : vector<16xf32>
            %swap3A_277 = arith.index_cast %squeeze3A_142 : i32 to index
            %swap3A_278 = arith.constant 48 : index
            %swap3A_279 = tpu.vector_load %arg6[%swap3A_277, %swap3A_278] {strides = array<i32>} : memref<321x64xf32, #tpu.memory_space<vmem>>, vector<1x16xf32>,
            %swap3A_280 = vector.shape_cast %swap3A_279 : vector<1x16xf32> to vector<16xf32>
            %swap3A_281 = vector.shape_cast %max3A_276 : vector<16xf32> to vector<1x16xf32>
            tpu.vector_store %arg6[%swap3A_277, %swap3A_278], %swap3A_281 {strides = array<i32>} : memref<321x64xf32, #tpu.memory_space<vmem>>, vector<1x16xf32>,
          } else {
          }
          %slice3A_150 = vector.extract_strided_slice %get3A_83 {offsets = [7], sizes = [1], strides = [1]} : vector<16xi32> to vector<1xi32>
          %squeeze3A_151 = vector.extract %slice3A_150[0] : i32 from vector<1xi32>
          %slice3A_152 = vector.extract_strided_slice %get3A_86 {offsets = [7], sizes = [1], strides = [1]} : vector<16xi32> to vector<1xi32>
          %squeeze3A_153 = vector.extract %slice3A_152[0] : i32 from vector<1xi32>
          %lt3A_154 = arith.constant 320 : i32
          %lt3A_155 = arith.cmpi slt, %squeeze3A_151, %lt3A_154 : i32
          %convert_element_type3A_156 = arith.extui %lt3A_155 : i1 to i32
          %cond3A_157 = arith.constant 0 : i32
          %cond3A_158 = arith.cmpi ne, %convert_element_type3A_156, %cond3A_157 : i32
          scf.if %cond3A_158 {
            %multiple_of3A = tpu.assume_multiple %squeeze3A_153, 8 : i32
            "tpu.region"() ({
              %run_scoped3A = tpu.sem_alloc : memref<!tpu.dma_semaphore, #tpu.memory_space<semaphore_mem>>
              %dma_start3A = tpu.memref_slice %arg14[%multiple_of3A] : memref<655360xf32, #tpu.memory_space<vmem_shared>> -> memref<64xf32, #tpu.memory_space<vmem_shared>>
              %dma_start3A_282 = tpu.memref_slice %arg14[%multiple_of3A] : memref<655360xf32, #tpu.memory_space<vmem_shared>> -> memref<64xf32, #tpu.memory_space<vmem_shared>>
              tpu.enqueue_dma source(%dma_start3A_282 : memref<64xf32, #tpu.memory_space<vmem_shared>>) target(%arg12 : memref<64xf32, #tpu.memory_space<vmem>>) target_semaphore(%run_scoped3A : memref<!tpu.dma_semaphore, #tpu.memory_space<semaphore_mem>>)
              %dma_wait3A = tpu.memref_slice %arg14[%multiple_of3A] : memref<655360xf32, #tpu.memory_space<vmem_shared>> -> memref<64xf32, #tpu.memory_space<vmem_shared>>
              %dma_wait3A_283 = tpu.memref_slice %arg14[%multiple_of3A] : memref<655360xf32, #tpu.memory_space<vmem_shared>> -> memref<64xf32, #tpu.memory_space<vmem_shared>>
              tpu.wait_dma2 semaphore(%run_scoped3A : memref<!tpu.dma_semaphore, #tpu.memory_space<semaphore_mem>>) src(%dma_wait3A_283 : memref<64xf32, #tpu.memory_space<vmem_shared>>) dst(%arg12 : memref<64xf32, #tpu.memory_space<vmem>>)
              tpu.yield
            }) : () -> ()
            %get3A_231 = arith.index_cast %squeeze3A_151 : i32 to index
            %get3A_232 = arith.constant 0 : index
            %get3A_233 = tpu.vector_load %arg6[%get3A_231, %get3A_232] {strides = array<i32>} : memref<321x64xf32, #tpu.memory_space<vmem>>, vector<1x16xf32>,
            %get3A_234 = vector.shape_cast %get3A_233 : vector<1x16xf32> to vector<16xf32>
            %get3A_235 = arith.constant 0 : index
            %get3A_236 = tpu.vector_load %arg12[%get3A_235] {strides = array<i32>} : memref<64xf32, #tpu.memory_space<vmem>>, vector<16xf32>,
            %get3A_237 = vector.shape_cast %get3A_236 : vector<16xf32> to vector<16xf32>
            %max3A = arith.maximumf %get3A_234, %get3A_237 : vector<16xf32>
            %swap3A_238 = arith.index_cast %squeeze3A_151 : i32 to index
            %swap3A_239 = arith.constant 0 : index
            %swap3A_240 = tpu.vector_load %arg6[%swap3A_238, %swap3A_239] {strides = array<i32>} : memref<321x64xf32, #tpu.memory_space<vmem>>, vector<1x16xf32>,
            %swap3A_241 = vector.shape_cast %swap3A_240 : vector<1x16xf32> to vector<16xf32>
            %swap3A_242 = vector.shape_cast %max3A : vector<16xf32> to vector<1x16xf32>
            tpu.vector_store %arg6[%swap3A_238, %swap3A_239], %swap3A_242 {strides = array<i32>} : memref<321x64xf32, #tpu.memory_space<vmem>>, vector<1x16xf32>,
            %get3A_243 = arith.index_cast %squeeze3A_151 : i32 to index
            %get3A_244 = arith.constant 16 : index
            %get3A_245 = tpu.vector_load %arg6[%get3A_243, %get3A_244] {strides = array<i32>} : memref<321x64xf32, #tpu.memory_space<vmem>>, vector<1x16xf32>,
            %get3A_246 = vector.shape_cast %get3A_245 : vector<1x16xf32> to vector<16xf32>
            %get3A_247 = arith.constant 16 : index
            %get3A_248 = tpu.vector_load %arg12[%get3A_247] {strides = array<i32>} : memref<64xf32, #tpu.memory_space<vmem>>, vector<16xf32>,
            %get3A_249 = vector.shape_cast %get3A_248 : vector<16xf32> to vector<16xf32>
            %max3A_250 = arith.maximumf %get3A_246, %get3A_249 : vector<16xf32>
            %swap3A_251 = arith.index_cast %squeeze3A_151 : i32 to index
            %swap3A_252 = arith.constant 16 : index
            %swap3A_253 = tpu.vector_load %arg6[%swap3A_251, %swap3A_252] {strides = array<i32>} : memref<321x64xf32, #tpu.memory_space<vmem>>, vector<1x16xf32>,
            %swap3A_254 = vector.shape_cast %swap3A_253 : vector<1x16xf32> to vector<16xf32>
            %swap3A_255 = vector.shape_cast %max3A_250 : vector<16xf32> to vector<1x16xf32>
            tpu.vector_store %arg6[%swap3A_251, %swap3A_252], %swap3A_255 {strides = array<i32>} : memref<321x64xf32, #tpu.memory_space<vmem>>, vector<1x16xf32>,
            %get3A_256 = arith.index_cast %squeeze3A_151 : i32 to index
            %get3A_257 = arith.constant 32 : index
            %get3A_258 = tpu.vector_load %arg6[%get3A_256, %get3A_257] {strides = array<i32>} : memref<321x64xf32, #tpu.memory_space<vmem>>, vector<1x16xf32>,
            %get3A_259 = vector.shape_cast %get3A_258 : vector<1x16xf32> to vector<16xf32>
            %get3A_260 = arith.constant 32 : index
            %get3A_261 = tpu.vector_load %arg12[%get3A_260] {strides = array<i32>} : memref<64xf32, #tpu.memory_space<vmem>>, vector<16xf32>,
            %get3A_262 = vector.shape_cast %get3A_261 : vector<16xf32> to vector<16xf32>
            %max3A_263 = arith.maximumf %get3A_259, %get3A_262 : vector<16xf32>
            %swap3A_264 = arith.index_cast %squeeze3A_151 : i32 to index
            %swap3A_265 = arith.constant 32 : index
            %swap3A_266 = tpu.vector_load %arg6[%swap3A_264, %swap3A_265] {strides = array<i32>} : memref<321x64xf32, #tpu.memory_space<vmem>>, vector<1x16xf32>,
            %swap3A_267 = vector.shape_cast %swap3A_266 : vector<1x16xf32> to vector<16xf32>
            %swap3A_268 = vector.shape_cast %max3A_263 : vector<16xf32> to vector<1x16xf32>
            tpu.vector_store %arg6[%swap3A_264, %swap3A_265], %swap3A_268 {strides = array<i32>} : memref<321x64xf32, #tpu.memory_space<vmem>>, vector<1x16xf32>,
            %get3A_269 = arith.index_cast %squeeze3A_151 : i32 to index
            %get3A_270 = arith.constant 48 : index
            %get3A_271 = tpu.vector_load %arg6[%get3A_269, %get3A_270] {strides = array<i32>} : memref<321x64xf32, #tpu.memory_space<vmem>>, vector<1x16xf32>,
            %get3A_272 = vector.shape_cast %get3A_271 : vector<1x16xf32> to vector<16xf32>
            %get3A_273 = arith.constant 48 : index
            %get3A_274 = tpu.vector_load %arg12[%get3A_273] {strides = array<i32>} : memref<64xf32, #tpu.memory_space<vmem>>, vector<16xf32>,
            %get3A_275 = vector.shape_cast %get3A_274 : vector<16xf32> to vector<16xf32>
            %max3A_276 = arith.maximumf %get3A_272, %get3A_275 : vector<16xf32>
            %swap3A_277 = arith.index_cast %squeeze3A_151 : i32 to index
            %swap3A_278 = arith.constant 48 : index
            %swap3A_279 = tpu.vector_load %arg6[%swap3A_277, %swap3A_278] {strides = array<i32>} : memref<321x64xf32, #tpu.memory_space<vmem>>, vector<1x16xf32>,
            %swap3A_280 = vector.shape_cast %swap3A_279 : vector<1x16xf32> to vector<16xf32>
            %swap3A_281 = vector.shape_cast %max3A_276 : vector<16xf32> to vector<1x16xf32>
            tpu.vector_store %arg6[%swap3A_277, %swap3A_278], %swap3A_281 {strides = array<i32>} : memref<321x64xf32, #tpu.memory_space<vmem>>, vector<1x16xf32>,
          } else {
          }
          %slice3A_159 = vector.extract_strided_slice %get3A_83 {offsets = [8], sizes = [1], strides = [1]} : vector<16xi32> to vector<1xi32>
          %squeeze3A_160 = vector.extract %slice3A_159[0] : i32 from vector<1xi32>
          %slice3A_161 = vector.extract_strided_slice %get3A_86 {offsets = [8], sizes = [1], strides = [1]} : vector<16xi32> to vector<1xi32>
          %squeeze3A_162 = vector.extract %slice3A_161[0] : i32 from vector<1xi32>
          %lt3A_163 = arith.constant 320 : i32
          %lt3A_164 = arith.cmpi slt, %squeeze3A_160, %lt3A_163 : i32
          %convert_element_type3A_165 = arith.extui %lt3A_164 : i1 to i32
          %cond3A_166 = arith.constant 0 : i32
          %cond3A_167 = arith.cmpi ne, %convert_element_type3A_165, %cond3A_166 : i32
          scf.if %cond3A_167 {
            %multiple_of3A = tpu.assume_multiple %squeeze3A_162, 8 : i32
            "tpu.region"() ({
              %run_scoped3A = tpu.sem_alloc : memref<!tpu.dma_semaphore, #tpu.memory_space<semaphore_mem>>
              %dma_start3A = tpu.memref_slice %arg14[%multiple_of3A] : memref<655360xf32, #tpu.memory_space<vmem_shared>> -> memref<64xf32, #tpu.memory_space<vmem_shared>>
              %dma_start3A_282 = tpu.memref_slice %arg14[%multiple_of3A] : memref<655360xf32, #tpu.memory_space<vmem_shared>> -> memref<64xf32, #tpu.memory_space<vmem_shared>>
              tpu.enqueue_dma source(%dma_start3A_282 : memref<64xf32, #tpu.memory_space<vmem_shared>>) target(%arg12 : memref<64xf32, #tpu.memory_space<vmem>>) target_semaphore(%run_scoped3A : memref<!tpu.dma_semaphore, #tpu.memory_space<semaphore_mem>>)
              %dma_wait3A = tpu.memref_slice %arg14[%multiple_of3A] : memref<655360xf32, #tpu.memory_space<vmem_shared>> -> memref<64xf32, #tpu.memory_space<vmem_shared>>
              %dma_wait3A_283 = tpu.memref_slice %arg14[%multiple_of3A] : memref<655360xf32, #tpu.memory_space<vmem_shared>> -> memref<64xf32, #tpu.memory_space<vmem_shared>>
              tpu.wait_dma2 semaphore(%run_scoped3A : memref<!tpu.dma_semaphore, #tpu.memory_space<semaphore_mem>>) src(%dma_wait3A_283 : memref<64xf32, #tpu.memory_space<vmem_shared>>) dst(%arg12 : memref<64xf32, #tpu.memory_space<vmem>>)
              tpu.yield
            }) : () -> ()
            %get3A_231 = arith.index_cast %squeeze3A_160 : i32 to index
            %get3A_232 = arith.constant 0 : index
            %get3A_233 = tpu.vector_load %arg6[%get3A_231, %get3A_232] {strides = array<i32>} : memref<321x64xf32, #tpu.memory_space<vmem>>, vector<1x16xf32>,
            %get3A_234 = vector.shape_cast %get3A_233 : vector<1x16xf32> to vector<16xf32>
            %get3A_235 = arith.constant 0 : index
            %get3A_236 = tpu.vector_load %arg12[%get3A_235] {strides = array<i32>} : memref<64xf32, #tpu.memory_space<vmem>>, vector<16xf32>,
            %get3A_237 = vector.shape_cast %get3A_236 : vector<16xf32> to vector<16xf32>
            %max3A = arith.maximumf %get3A_234, %get3A_237 : vector<16xf32>
            %swap3A_238 = arith.index_cast %squeeze3A_160 : i32 to index
            %swap3A_239 = arith.constant 0 : index
            %swap3A_240 = tpu.vector_load %arg6[%swap3A_238, %swap3A_239] {strides = array<i32>} : memref<321x64xf32, #tpu.memory_space<vmem>>, vector<1x16xf32>,
            %swap3A_241 = vector.shape_cast %swap3A_240 : vector<1x16xf32> to vector<16xf32>
            %swap3A_242 = vector.shape_cast %max3A : vector<16xf32> to vector<1x16xf32>
            tpu.vector_store %arg6[%swap3A_238, %swap3A_239], %swap3A_242 {strides = array<i32>} : memref<321x64xf32, #tpu.memory_space<vmem>>, vector<1x16xf32>,
            %get3A_243 = arith.index_cast %squeeze3A_160 : i32 to index
            %get3A_244 = arith.constant 16 : index
            %get3A_245 = tpu.vector_load %arg6[%get3A_243, %get3A_244] {strides = array<i32>} : memref<321x64xf32, #tpu.memory_space<vmem>>, vector<1x16xf32>,
            %get3A_246 = vector.shape_cast %get3A_245 : vector<1x16xf32> to vector<16xf32>
            %get3A_247 = arith.constant 16 : index
            %get3A_248 = tpu.vector_load %arg12[%get3A_247] {strides = array<i32>} : memref<64xf32, #tpu.memory_space<vmem>>, vector<16xf32>,
            %get3A_249 = vector.shape_cast %get3A_248 : vector<16xf32> to vector<16xf32>
            %max3A_250 = arith.maximumf %get3A_246, %get3A_249 : vector<16xf32>
            %swap3A_251 = arith.index_cast %squeeze3A_160 : i32 to index
            %swap3A_252 = arith.constant 16 : index
            %swap3A_253 = tpu.vector_load %arg6[%swap3A_251, %swap3A_252] {strides = array<i32>} : memref<321x64xf32, #tpu.memory_space<vmem>>, vector<1x16xf32>,
            %swap3A_254 = vector.shape_cast %swap3A_253 : vector<1x16xf32> to vector<16xf32>
            %swap3A_255 = vector.shape_cast %max3A_250 : vector<16xf32> to vector<1x16xf32>
            tpu.vector_store %arg6[%swap3A_251, %swap3A_252], %swap3A_255 {strides = array<i32>} : memref<321x64xf32, #tpu.memory_space<vmem>>, vector<1x16xf32>,
            %get3A_256 = arith.index_cast %squeeze3A_160 : i32 to index
            %get3A_257 = arith.constant 32 : index
            %get3A_258 = tpu.vector_load %arg6[%get3A_256, %get3A_257] {strides = array<i32>} : memref<321x64xf32, #tpu.memory_space<vmem>>, vector<1x16xf32>,
            %get3A_259 = vector.shape_cast %get3A_258 : vector<1x16xf32> to vector<16xf32>
            %get3A_260 = arith.constant 32 : index
            %get3A_261 = tpu.vector_load %arg12[%get3A_260] {strides = array<i32>} : memref<64xf32, #tpu.memory_space<vmem>>, vector<16xf32>,
            %get3A_262 = vector.shape_cast %get3A_261 : vector<16xf32> to vector<16xf32>
            %max3A_263 = arith.maximumf %get3A_259, %get3A_262 : vector<16xf32>
            %swap3A_264 = arith.index_cast %squeeze3A_160 : i32 to index
            %swap3A_265 = arith.constant 32 : index
            %swap3A_266 = tpu.vector_load %arg6[%swap3A_264, %swap3A_265] {strides = array<i32>} : memref<321x64xf32, #tpu.memory_space<vmem>>, vector<1x16xf32>,
            %swap3A_267 = vector.shape_cast %swap3A_266 : vector<1x16xf32> to vector<16xf32>
            %swap3A_268 = vector.shape_cast %max3A_263 : vector<16xf32> to vector<1x16xf32>
            tpu.vector_store %arg6[%swap3A_264, %swap3A_265], %swap3A_268 {strides = array<i32>} : memref<321x64xf32, #tpu.memory_space<vmem>>, vector<1x16xf32>,
            %get3A_269 = arith.index_cast %squeeze3A_160 : i32 to index
            %get3A_270 = arith.constant 48 : index
            %get3A_271 = tpu.vector_load %arg6[%get3A_269, %get3A_270] {strides = array<i32>} : memref<321x64xf32, #tpu.memory_space<vmem>>, vector<1x16xf32>,
            %get3A_272 = vector.shape_cast %get3A_271 : vector<1x16xf32> to vector<16xf32>
            %get3A_273 = arith.constant 48 : index
            %get3A_274 = tpu.vector_load %arg12[%get3A_273] {strides = array<i32>} : memref<64xf32, #tpu.memory_space<vmem>>, vector<16xf32>,
            %get3A_275 = vector.shape_cast %get3A_274 : vector<16xf32> to vector<16xf32>
            %max3A_276 = arith.maximumf %get3A_272, %get3A_275 : vector<16xf32>
            %swap3A_277 = arith.index_cast %squeeze3A_160 : i32 to index
            %swap3A_278 = arith.constant 48 : index
            %swap3A_279 = tpu.vector_load %arg6[%swap3A_277, %swap3A_278] {strides = array<i32>} : memref<321x64xf32, #tpu.memory_space<vmem>>, vector<1x16xf32>,
            %swap3A_280 = vector.shape_cast %swap3A_279 : vector<1x16xf32> to vector<16xf32>
            %swap3A_281 = vector.shape_cast %max3A_276 : vector<16xf32> to vector<1x16xf32>
            tpu.vector_store %arg6[%swap3A_277, %swap3A_278], %swap3A_281 {strides = array<i32>} : memref<321x64xf32, #tpu.memory_space<vmem>>, vector<1x16xf32>,
          } else {
          }
          %slice3A_168 = vector.extract_strided_slice %get3A_83 {offsets = [9], sizes = [1], strides = [1]} : vector<16xi32> to vector<1xi32>
          %squeeze3A_169 = vector.extract %slice3A_168[0] : i32 from vector<1xi32>
          %slice3A_170 = vector.extract_strided_slice %get3A_86 {offsets = [9], sizes = [1], strides = [1]} : vector<16xi32> to vector<1xi32>
          %squeeze3A_171 = vector.extract %slice3A_170[0] : i32 from vector<1xi32>
          %lt3A_172 = arith.constant 320 : i32
          %lt3A_173 = arith.cmpi slt, %squeeze3A_169, %lt3A_172 : i32
          %convert_element_type3A_174 = arith.extui %lt3A_173 : i1 to i32
          %cond3A_175 = arith.constant 0 : i32
          %cond3A_176 = arith.cmpi ne, %convert_element_type3A_174, %cond3A_175 : i32
          scf.if %cond3A_176 {
            %multiple_of3A = tpu.assume_multiple %squeeze3A_171, 8 : i32
            "tpu.region"() ({
              %run_scoped3A = tpu.sem_alloc : memref<!tpu.dma_semaphore, #tpu.memory_space<semaphore_mem>>
              %dma_start3A = tpu.memref_slice %arg14[%multiple_of3A] : memref<655360xf32, #tpu.memory_space<vmem_shared>> -> memref<64xf32, #tpu.memory_space<vmem_shared>>
              %dma_start3A_282 = tpu.memref_slice %arg14[%multiple_of3A] : memref<655360xf32, #tpu.memory_space<vmem_shared>> -> memref<64xf32, #tpu.memory_space<vmem_shared>>
              tpu.enqueue_dma source(%dma_start3A_282 : memref<64xf32, #tpu.memory_space<vmem_shared>>) target(%arg12 : memref<64xf32, #tpu.memory_space<vmem>>) target_semaphore(%run_scoped3A : memref<!tpu.dma_semaphore, #tpu.memory_space<semaphore_mem>>)
              %dma_wait3A = tpu.memref_slice %arg14[%multiple_of3A] : memref<655360xf32, #tpu.memory_space<vmem_shared>> -> memref<64xf32, #tpu.memory_space<vmem_shared>>
              %dma_wait3A_283 = tpu.memref_slice %arg14[%multiple_of3A] : memref<655360xf32, #tpu.memory_space<vmem_shared>> -> memref<64xf32, #tpu.memory_space<vmem_shared>>
              tpu.wait_dma2 semaphore(%run_scoped3A : memref<!tpu.dma_semaphore, #tpu.memory_space<semaphore_mem>>) src(%dma_wait3A_283 : memref<64xf32, #tpu.memory_space<vmem_shared>>) dst(%arg12 : memref<64xf32, #tpu.memory_space<vmem>>)
              tpu.yield
            }) : () -> ()
            %get3A_231 = arith.index_cast %squeeze3A_169 : i32 to index
            %get3A_232 = arith.constant 0 : index
            %get3A_233 = tpu.vector_load %arg6[%get3A_231, %get3A_232] {strides = array<i32>} : memref<321x64xf32, #tpu.memory_space<vmem>>, vector<1x16xf32>,
            %get3A_234 = vector.shape_cast %get3A_233 : vector<1x16xf32> to vector<16xf32>
            %get3A_235 = arith.constant 0 : index
            %get3A_236 = tpu.vector_load %arg12[%get3A_235] {strides = array<i32>} : memref<64xf32, #tpu.memory_space<vmem>>, vector<16xf32>,
            %get3A_237 = vector.shape_cast %get3A_236 : vector<16xf32> to vector<16xf32>
            %max3A = arith.maximumf %get3A_234, %get3A_237 : vector<16xf32>
            %swap3A_238 = arith.index_cast %squeeze3A_169 : i32 to index
            %swap3A_239 = arith.constant 0 : index
            %swap3A_240 = tpu.vector_load %arg6[%swap3A_238, %swap3A_239] {strides = array<i32>} : memref<321x64xf32, #tpu.memory_space<vmem>>, vector<1x16xf32>,
            %swap3A_241 = vector.shape_cast %swap3A_240 : vector<1x16xf32> to vector<16xf32>
            %swap3A_242 = vector.shape_cast %max3A : vector<16xf32> to vector<1x16xf32>
            tpu.vector_store %arg6[%swap3A_238, %swap3A_239], %swap3A_242 {strides = array<i32>} : memref<321x64xf32, #tpu.memory_space<vmem>>, vector<1x16xf32>,
            %get3A_243 = arith.index_cast %squeeze3A_169 : i32 to index
            %get3A_244 = arith.constant 16 : index
            %get3A_245 = tpu.vector_load %arg6[%get3A_243, %get3A_244] {strides = array<i32>} : memref<321x64xf32, #tpu.memory_space<vmem>>, vector<1x16xf32>,
            %get3A_246 = vector.shape_cast %get3A_245 : vector<1x16xf32> to vector<16xf32>
            %get3A_247 = arith.constant 16 : index
            %get3A_248 = tpu.vector_load %arg12[%get3A_247] {strides = array<i32>} : memref<64xf32, #tpu.memory_space<vmem>>, vector<16xf32>,
            %get3A_249 = vector.shape_cast %get3A_248 : vector<16xf32> to vector<16xf32>
            %max3A_250 = arith.maximumf %get3A_246, %get3A_249 : vector<16xf32>
            %swap3A_251 = arith.index_cast %squeeze3A_169 : i32 to index
            %swap3A_252 = arith.constant 16 : index
            %swap3A_253 = tpu.vector_load %arg6[%swap3A_251, %swap3A_252] {strides = array<i32>} : memref<321x64xf32, #tpu.memory_space<vmem>>, vector<1x16xf32>,
            %swap3A_254 = vector.shape_cast %swap3A_253 : vector<1x16xf32> to vector<16xf32>
            %swap3A_255 = vector.shape_cast %max3A_250 : vector<16xf32> to vector<1x16xf32>
            tpu.vector_store %arg6[%swap3A_251, %swap3A_252], %swap3A_255 {strides = array<i32>} : memref<321x64xf32, #tpu.memory_space<vmem>>, vector<1x16xf32>,
            %get3A_256 = arith.index_cast %squeeze3A_169 : i32 to index
            %get3A_257 = arith.constant 32 : index
            %get3A_258 = tpu.vector_load %arg6[%get3A_256, %get3A_257] {strides = array<i32>} : memref<321x64xf32, #tpu.memory_space<vmem>>, vector<1x16xf32>,
            %get3A_259 = vector.shape_cast %get3A_258 : vector<1x16xf32> to vector<16xf32>
            %get3A_260 = arith.constant 32 : index
            %get3A_261 = tpu.vector_load %arg12[%get3A_260] {strides = array<i32>} : memref<64xf32, #tpu.memory_space<vmem>>, vector<16xf32>,
            %get3A_262 = vector.shape_cast %get3A_261 : vector<16xf32> to vector<16xf32>
            %max3A_263 = arith.maximumf %get3A_259, %get3A_262 : vector<16xf32>
            %swap3A_264 = arith.index_cast %squeeze3A_169 : i32 to index
            %swap3A_265 = arith.constant 32 : index
            %swap3A_266 = tpu.vector_load %arg6[%swap3A_264, %swap3A_265] {strides = array<i32>} : memref<321x64xf32, #tpu.memory_space<vmem>>, vector<1x16xf32>,
            %swap3A_267 = vector.shape_cast %swap3A_266 : vector<1x16xf32> to vector<16xf32>
            %swap3A_268 = vector.shape_cast %max3A_263 : vector<16xf32> to vector<1x16xf32>
            tpu.vector_store %arg6[%swap3A_264, %swap3A_265], %swap3A_268 {strides = array<i32>} : memref<321x64xf32, #tpu.memory_space<vmem>>, vector<1x16xf32>,
            %get3A_269 = arith.index_cast %squeeze3A_169 : i32 to index
            %get3A_270 = arith.constant 48 : index
            %get3A_271 = tpu.vector_load %arg6[%get3A_269, %get3A_270] {strides = array<i32>} : memref<321x64xf32, #tpu.memory_space<vmem>>, vector<1x16xf32>,
            %get3A_272 = vector.shape_cast %get3A_271 : vector<1x16xf32> to vector<16xf32>
            %get3A_273 = arith.constant 48 : index
            %get3A_274 = tpu.vector_load %arg12[%get3A_273] {strides = array<i32>} : memref<64xf32, #tpu.memory_space<vmem>>, vector<16xf32>,
            %get3A_275 = vector.shape_cast %get3A_274 : vector<16xf32> to vector<16xf32>
            %max3A_276 = arith.maximumf %get3A_272, %get3A_275 : vector<16xf32>
            %swap3A_277 = arith.index_cast %squeeze3A_169 : i32 to index
            %swap3A_278 = arith.constant 48 : index
            %swap3A_279 = tpu.vector_load %arg6[%swap3A_277, %swap3A_278] {strides = array<i32>} : memref<321x64xf32, #tpu.memory_space<vmem>>, vector<1x16xf32>,
            %swap3A_280 = vector.shape_cast %swap3A_279 : vector<1x16xf32> to vector<16xf32>
            %swap3A_281 = vector.shape_cast %max3A_276 : vector<16xf32> to vector<1x16xf32>
            tpu.vector_store %arg6[%swap3A_277, %swap3A_278], %swap3A_281 {strides = array<i32>} : memref<321x64xf32, #tpu.memory_space<vmem>>, vector<1x16xf32>,
          } else {
          }
          %slice3A_177 = vector.extract_strided_slice %get3A_83 {offsets = [10], sizes = [1], strides = [1]} : vector<16xi32> to vector<1xi32>
          %squeeze3A_178 = vector.extract %slice3A_177[0] : i32 from vector<1xi32>
          %slice3A_179 = vector.extract_strided_slice %get3A_86 {offsets = [10], sizes = [1], strides = [1]} : vector<16xi32> to vector<1xi32>
          %squeeze3A_180 = vector.extract %slice3A_179[0] : i32 from vector<1xi32>
          %lt3A_181 = arith.constant 320 : i32
          %lt3A_182 = arith.cmpi slt, %squeeze3A_178, %lt3A_181 : i32
          %convert_element_type3A_183 = arith.extui %lt3A_182 : i1 to i32
          %cond3A_184 = arith.constant 0 : i32
          %cond3A_185 = arith.cmpi ne, %convert_element_type3A_183, %cond3A_184 : i32
          scf.if %cond3A_185 {
            %multiple_of3A = tpu.assume_multiple %squeeze3A_180, 8 : i32
            "tpu.region"() ({
              %run_scoped3A = tpu.sem_alloc : memref<!tpu.dma_semaphore, #tpu.memory_space<semaphore_mem>>
              %dma_start3A = tpu.memref_slice %arg14[%multiple_of3A] : memref<655360xf32, #tpu.memory_space<vmem_shared>> -> memref<64xf32, #tpu.memory_space<vmem_shared>>
              %dma_start3A_282 = tpu.memref_slice %arg14[%multiple_of3A] : memref<655360xf32, #tpu.memory_space<vmem_shared>> -> memref<64xf32, #tpu.memory_space<vmem_shared>>
              tpu.enqueue_dma source(%dma_start3A_282 : memref<64xf32, #tpu.memory_space<vmem_shared>>) target(%arg12 : memref<64xf32, #tpu.memory_space<vmem>>) target_semaphore(%run_scoped3A : memref<!tpu.dma_semaphore, #tpu.memory_space<semaphore_mem>>)
              %dma_wait3A = tpu.memref_slice %arg14[%multiple_of3A] : memref<655360xf32, #tpu.memory_space<vmem_shared>> -> memref<64xf32, #tpu.memory_space<vmem_shared>>
              %dma_wait3A_283 = tpu.memref_slice %arg14[%multiple_of3A] : memref<655360xf32, #tpu.memory_space<vmem_shared>> -> memref<64xf32, #tpu.memory_space<vmem_shared>>
              tpu.wait_dma2 semaphore(%run_scoped3A : memref<!tpu.dma_semaphore, #tpu.memory_space<semaphore_mem>>) src(%dma_wait3A_283 : memref<64xf32, #tpu.memory_space<vmem_shared>>) dst(%arg12 : memref<64xf32, #tpu.memory_space<vmem>>)
              tpu.yield
            }) : () -> ()
            %get3A_231 = arith.index_cast %squeeze3A_178 : i32 to index
            %get3A_232 = arith.constant 0 : index
            %get3A_233 = tpu.vector_load %arg6[%get3A_231, %get3A_232] {strides = array<i32>} : memref<321x64xf32, #tpu.memory_space<vmem>>, vector<1x16xf32>,
            %get3A_234 = vector.shape_cast %get3A_233 : vector<1x16xf32> to vector<16xf32>
            %get3A_235 = arith.constant 0 : index
            %get3A_236 = tpu.vector_load %arg12[%get3A_235] {strides = array<i32>} : memref<64xf32, #tpu.memory_space<vmem>>, vector<16xf32>,
            %get3A_237 = vector.shape_cast %get3A_236 : vector<16xf32> to vector<16xf32>
            %max3A = arith.maximumf %get3A_234, %get3A_237 : vector<16xf32>
            %swap3A_238 = arith.index_cast %squeeze3A_178 : i32 to index
            %swap3A_239 = arith.constant 0 : index
            %swap3A_240 = tpu.vector_load %arg6[%swap3A_238, %swap3A_239] {strides = array<i32>} : memref<321x64xf32, #tpu.memory_space<vmem>>, vector<1x16xf32>,
            %swap3A_241 = vector.shape_cast %swap3A_240 : vector<1x16xf32> to vector<16xf32>
            %swap3A_242 = vector.shape_cast %max3A : vector<16xf32> to vector<1x16xf32>
            tpu.vector_store %arg6[%swap3A_238, %swap3A_239], %swap3A_242 {strides = array<i32>} : memref<321x64xf32, #tpu.memory_space<vmem>>, vector<1x16xf32>,
            %get3A_243 = arith.index_cast %squeeze3A_178 : i32 to index
            %get3A_244 = arith.constant 16 : index
            %get3A_245 = tpu.vector_load %arg6[%get3A_243, %get3A_244] {strides = array<i32>} : memref<321x64xf32, #tpu.memory_space<vmem>>, vector<1x16xf32>,
            %get3A_246 = vector.shape_cast %get3A_245 : vector<1x16xf32> to vector<16xf32>
            %get3A_247 = arith.constant 16 : index
            %get3A_248 = tpu.vector_load %arg12[%get3A_247] {strides = array<i32>} : memref<64xf32, #tpu.memory_space<vmem>>, vector<16xf32>,
            %get3A_249 = vector.shape_cast %get3A_248 : vector<16xf32> to vector<16xf32>
            %max3A_250 = arith.maximumf %get3A_246, %get3A_249 : vector<16xf32>
            %swap3A_251 = arith.index_cast %squeeze3A_178 : i32 to index
            %swap3A_252 = arith.constant 16 : index
            %swap3A_253 = tpu.vector_load %arg6[%swap3A_251, %swap3A_252] {strides = array<i32>} : memref<321x64xf32, #tpu.memory_space<vmem>>, vector<1x16xf32>,
            %swap3A_254 = vector.shape_cast %swap3A_253 : vector<1x16xf32> to vector<16xf32>
            %swap3A_255 = vector.shape_cast %max3A_250 : vector<16xf32> to vector<1x16xf32>
            tpu.vector_store %arg6[%swap3A_251, %swap3A_252], %swap3A_255 {strides = array<i32>} : memref<321x64xf32, #tpu.memory_space<vmem>>, vector<1x16xf32>,
            %get3A_256 = arith.index_cast %squeeze3A_178 : i32 to index
            %get3A_257 = arith.constant 32 : index
            %get3A_258 = tpu.vector_load %arg6[%get3A_256, %get3A_257] {strides = array<i32>} : memref<321x64xf32, #tpu.memory_space<vmem>>, vector<1x16xf32>,
            %get3A_259 = vector.shape_cast %get3A_258 : vector<1x16xf32> to vector<16xf32>
            %get3A_260 = arith.constant 32 : index
            %get3A_261 = tpu.vector_load %arg12[%get3A_260] {strides = array<i32>} : memref<64xf32, #tpu.memory_space<vmem>>, vector<16xf32>,
            %get3A_262 = vector.shape_cast %get3A_261 : vector<16xf32> to vector<16xf32>
            %max3A_263 = arith.maximumf %get3A_259, %get3A_262 : vector<16xf32>
            %swap3A_264 = arith.index_cast %squeeze3A_178 : i32 to index
            %swap3A_265 = arith.constant 32 : index
            %swap3A_266 = tpu.vector_load %arg6[%swap3A_264, %swap3A_265] {strides = array<i32>} : memref<321x64xf32, #tpu.memory_space<vmem>>, vector<1x16xf32>,
            %swap3A_267 = vector.shape_cast %swap3A_266 : vector<1x16xf32> to vector<16xf32>
            %swap3A_268 = vector.shape_cast %max3A_263 : vector<16xf32> to vector<1x16xf32>
            tpu.vector_store %arg6[%swap3A_264, %swap3A_265], %swap3A_268 {strides = array<i32>} : memref<321x64xf32, #tpu.memory_space<vmem>>, vector<1x16xf32>,
            %get3A_269 = arith.index_cast %squeeze3A_178 : i32 to index
            %get3A_270 = arith.constant 48 : index
            %get3A_271 = tpu.vector_load %arg6[%get3A_269, %get3A_270] {strides = array<i32>} : memref<321x64xf32, #tpu.memory_space<vmem>>, vector<1x16xf32>,
            %get3A_272 = vector.shape_cast %get3A_271 : vector<1x16xf32> to vector<16xf32>
            %get3A_273 = arith.constant 48 : index
            %get3A_274 = tpu.vector_load %arg12[%get3A_273] {strides = array<i32>} : memref<64xf32, #tpu.memory_space<vmem>>, vector<16xf32>,
            %get3A_275 = vector.shape_cast %get3A_274 : vector<16xf32> to vector<16xf32>
            %max3A_276 = arith.maximumf %get3A_272, %get3A_275 : vector<16xf32>
            %swap3A_277 = arith.index_cast %squeeze3A_178 : i32 to index
            %swap3A_278 = arith.constant 48 : index
            %swap3A_279 = tpu.vector_load %arg6[%swap3A_277, %swap3A_278] {strides = array<i32>} : memref<321x64xf32, #tpu.memory_space<vmem>>, vector<1x16xf32>,
            %swap3A_280 = vector.shape_cast %swap3A_279 : vector<1x16xf32> to vector<16xf32>
            %swap3A_281 = vector.shape_cast %max3A_276 : vector<16xf32> to vector<1x16xf32>
            tpu.vector_store %arg6[%swap3A_277, %swap3A_278], %swap3A_281 {strides = array<i32>} : memref<321x64xf32, #tpu.memory_space<vmem>>, vector<1x16xf32>,
          } else {
          }
          %slice3A_186 = vector.extract_strided_slice %get3A_83 {offsets = [11], sizes = [1], strides = [1]} : vector<16xi32> to vector<1xi32>
          %squeeze3A_187 = vector.extract %slice3A_186[0] : i32 from vector<1xi32>
          %slice3A_188 = vector.extract_strided_slice %get3A_86 {offsets = [11], sizes = [1], strides = [1]} : vector<16xi32> to vector<1xi32>
          %squeeze3A_189 = vector.extract %slice3A_188[0] : i32 from vector<1xi32>
          %lt3A_190 = arith.constant 320 : i32
          %lt3A_191 = arith.cmpi slt, %squeeze3A_187, %lt3A_190 : i32
          %convert_element_type3A_192 = arith.extui %lt3A_191 : i1 to i32
          %cond3A_193 = arith.constant 0 : i32
          %cond3A_194 = arith.cmpi ne, %convert_element_type3A_192, %cond3A_193 : i32
          scf.if %cond3A_194 {
            %multiple_of3A = tpu.assume_multiple %squeeze3A_189, 8 : i32
            "tpu.region"() ({
              %run_scoped3A = tpu.sem_alloc : memref<!tpu.dma_semaphore, #tpu.memory_space<semaphore_mem>>
              %dma_start3A = tpu.memref_slice %arg14[%multiple_of3A] : memref<655360xf32, #tpu.memory_space<vmem_shared>> -> memref<64xf32, #tpu.memory_space<vmem_shared>>
              %dma_start3A_282 = tpu.memref_slice %arg14[%multiple_of3A] : memref<655360xf32, #tpu.memory_space<vmem_shared>> -> memref<64xf32, #tpu.memory_space<vmem_shared>>
              tpu.enqueue_dma source(%dma_start3A_282 : memref<64xf32, #tpu.memory_space<vmem_shared>>) target(%arg12 : memref<64xf32, #tpu.memory_space<vmem>>) target_semaphore(%run_scoped3A : memref<!tpu.dma_semaphore, #tpu.memory_space<semaphore_mem>>)
              %dma_wait3A = tpu.memref_slice %arg14[%multiple_of3A] : memref<655360xf32, #tpu.memory_space<vmem_shared>> -> memref<64xf32, #tpu.memory_space<vmem_shared>>
              %dma_wait3A_283 = tpu.memref_slice %arg14[%multiple_of3A] : memref<655360xf32, #tpu.memory_space<vmem_shared>> -> memref<64xf32, #tpu.memory_space<vmem_shared>>
              tpu.wait_dma2 semaphore(%run_scoped3A : memref<!tpu.dma_semaphore, #tpu.memory_space<semaphore_mem>>) src(%dma_wait3A_283 : memref<64xf32, #tpu.memory_space<vmem_shared>>) dst(%arg12 : memref<64xf32, #tpu.memory_space<vmem>>)
              tpu.yield
            }) : () -> ()
            %get3A_231 = arith.index_cast %squeeze3A_187 : i32 to index
            %get3A_232 = arith.constant 0 : index
            %get3A_233 = tpu.vector_load %arg6[%get3A_231, %get3A_232] {strides = array<i32>} : memref<321x64xf32, #tpu.memory_space<vmem>>, vector<1x16xf32>,
            %get3A_234 = vector.shape_cast %get3A_233 : vector<1x16xf32> to vector<16xf32>
            %get3A_235 = arith.constant 0 : index
            %get3A_236 = tpu.vector_load %arg12[%get3A_235] {strides = array<i32>} : memref<64xf32, #tpu.memory_space<vmem>>, vector<16xf32>,
            %get3A_237 = vector.shape_cast %get3A_236 : vector<16xf32> to vector<16xf32>
            %max3A = arith.maximumf %get3A_234, %get3A_237 : vector<16xf32>
            %swap3A_238 = arith.index_cast %squeeze3A_187 : i32 to index
            %swap3A_239 = arith.constant 0 : index
            %swap3A_240 = tpu.vector_load %arg6[%swap3A_238, %swap3A_239] {strides = array<i32>} : memref<321x64xf32, #tpu.memory_space<vmem>>, vector<1x16xf32>,
            %swap3A_241 = vector.shape_cast %swap3A_240 : vector<1x16xf32> to vector<16xf32>
            %swap3A_242 = vector.shape_cast %max3A : vector<16xf32> to vector<1x16xf32>
            tpu.vector_store %arg6[%swap3A_238, %swap3A_239], %swap3A_242 {strides = array<i32>} : memref<321x64xf32, #tpu.memory_space<vmem>>, vector<1x16xf32>,
            %get3A_243 = arith.index_cast %squeeze3A_187 : i32 to index
            %get3A_244 = arith.constant 16 : index
            %get3A_245 = tpu.vector_load %arg6[%get3A_243, %get3A_244] {strides = array<i32>} : memref<321x64xf32, #tpu.memory_space<vmem>>, vector<1x16xf32>,
            %get3A_246 = vector.shape_cast %get3A_245 : vector<1x16xf32> to vector<16xf32>
            %get3A_247 = arith.constant 16 : index
            %get3A_248 = tpu.vector_load %arg12[%get3A_247] {strides = array<i32>} : memref<64xf32, #tpu.memory_space<vmem>>, vector<16xf32>,
            %get3A_249 = vector.shape_cast %get3A_248 : vector<16xf32> to vector<16xf32>
            %max3A_250 = arith.maximumf %get3A_246, %get3A_249 : vector<16xf32>
            %swap3A_251 = arith.index_cast %squeeze3A_187 : i32 to index
            %swap3A_252 = arith.constant 16 : index
            %swap3A_253 = tpu.vector_load %arg6[%swap3A_251, %swap3A_252] {strides = array<i32>} : memref<321x64xf32, #tpu.memory_space<vmem>>, vector<1x16xf32>,
            %swap3A_254 = vector.shape_cast %swap3A_253 : vector<1x16xf32> to vector<16xf32>
            %swap3A_255 = vector.shape_cast %max3A_250 : vector<16xf32> to vector<1x16xf32>
            tpu.vector_store %arg6[%swap3A_251, %swap3A_252], %swap3A_255 {strides = array<i32>} : memref<321x64xf32, #tpu.memory_space<vmem>>, vector<1x16xf32>,
            %get3A_256 = arith.index_cast %squeeze3A_187 : i32 to index
            %get3A_257 = arith.constant 32 : index
            %get3A_258 = tpu.vector_load %arg6[%get3A_256, %get3A_257] {strides = array<i32>} : memref<321x64xf32, #tpu.memory_space<vmem>>, vector<1x16xf32>,
            %get3A_259 = vector.shape_cast %get3A_258 : vector<1x16xf32> to vector<16xf32>
            %get3A_260 = arith.constant 32 : index
            %get3A_261 = tpu.vector_load %arg12[%get3A_260] {strides = array<i32>} : memref<64xf32, #tpu.memory_space<vmem>>, vector<16xf32>,
            %get3A_262 = vector.shape_cast %get3A_261 : vector<16xf32> to vector<16xf32>
            %max3A_263 = arith.maximumf %get3A_259, %get3A_262 : vector<16xf32>
            %swap3A_264 = arith.index_cast %squeeze3A_187 : i32 to index
            %swap3A_265 = arith.constant 32 : index
            %swap3A_266 = tpu.vector_load %arg6[%swap3A_264, %swap3A_265] {strides = array<i32>} : memref<321x64xf32, #tpu.memory_space<vmem>>, vector<1x16xf32>,
            %swap3A_267 = vector.shape_cast %swap3A_266 : vector<1x16xf32> to vector<16xf32>
            %swap3A_268 = vector.shape_cast %max3A_263 : vector<16xf32> to vector<1x16xf32>
            tpu.vector_store %arg6[%swap3A_264, %swap3A_265], %swap3A_268 {strides = array<i32>} : memref<321x64xf32, #tpu.memory_space<vmem>>, vector<1x16xf32>,
            %get3A_269 = arith.index_cast %squeeze3A_187 : i32 to index
            %get3A_270 = arith.constant 48 : index
            %get3A_271 = tpu.vector_load %arg6[%get3A_269, %get3A_270] {strides = array<i32>} : memref<321x64xf32, #tpu.memory_space<vmem>>, vector<1x16xf32>,
            %get3A_272 = vector.shape_cast %get3A_271 : vector<1x16xf32> to vector<16xf32>
            %get3A_273 = arith.constant 48 : index
            %get3A_274 = tpu.vector_load %arg12[%get3A_273] {strides = array<i32>} : memref<64xf32, #tpu.memory_space<vmem>>, vector<16xf32>,
            %get3A_275 = vector.shape_cast %get3A_274 : vector<16xf32> to vector<16xf32>
            %max3A_276 = arith.maximumf %get3A_272, %get3A_275 : vector<16xf32>
            %swap3A_277 = arith.index_cast %squeeze3A_187 : i32 to index
            %swap3A_278 = arith.constant 48 : index
            %swap3A_279 = tpu.vector_load %arg6[%swap3A_277, %swap3A_278] {strides = array<i32>} : memref<321x64xf32, #tpu.memory_space<vmem>>, vector<1x16xf32>,
            %swap3A_280 = vector.shape_cast %swap3A_279 : vector<1x16xf32> to vector<16xf32>
            %swap3A_281 = vector.shape_cast %max3A_276 : vector<16xf32> to vector<1x16xf32>
            tpu.vector_store %arg6[%swap3A_277, %swap3A_278], %swap3A_281 {strides = array<i32>} : memref<321x64xf32, #tpu.memory_space<vmem>>, vector<1x16xf32>,
          } else {
          }
          %slice3A_195 = vector.extract_strided_slice %get3A_83 {offsets = [12], sizes = [1], strides = [1]} : vector<16xi32> to vector<1xi32>
          %squeeze3A_196 = vector.extract %slice3A_195[0] : i32 from vector<1xi32>
          %slice3A_197 = vector.extract_strided_slice %get3A_86 {offsets = [12], sizes = [1], strides = [1]} : vector<16xi32> to vector<1xi32>
          %squeeze3A_198 = vector.extract %slice3A_197[0] : i32 from vector<1xi32>
          %lt3A_199 = arith.constant 320 : i32
          %lt3A_200 = arith.cmpi slt, %squeeze3A_196, %lt3A_199 : i32
          %convert_element_type3A_201 = arith.extui %lt3A_200 : i1 to i32
          %cond3A_202 = arith.constant 0 : i32
          %cond3A_203 = arith.cmpi ne, %convert_element_type3A_201, %cond3A_202 : i32
          scf.if %cond3A_203 {
            %multiple_of3A = tpu.assume_multiple %squeeze3A_198, 8 : i32
            "tpu.region"() ({
              %run_scoped3A = tpu.sem_alloc : memref<!tpu.dma_semaphore, #tpu.memory_space<semaphore_mem>>
              %dma_start3A = tpu.memref_slice %arg14[%multiple_of3A] : memref<655360xf32, #tpu.memory_space<vmem_shared>> -> memref<64xf32, #tpu.memory_space<vmem_shared>>
              %dma_start3A_282 = tpu.memref_slice %arg14[%multiple_of3A] : memref<655360xf32, #tpu.memory_space<vmem_shared>> -> memref<64xf32, #tpu.memory_space<vmem_shared>>
              tpu.enqueue_dma source(%dma_start3A_282 : memref<64xf32, #tpu.memory_space<vmem_shared>>) target(%arg12 : memref<64xf32, #tpu.memory_space<vmem>>) target_semaphore(%run_scoped3A : memref<!tpu.dma_semaphore, #tpu.memory_space<semaphore_mem>>)
              %dma_wait3A = tpu.memref_slice %arg14[%multiple_of3A] : memref<655360xf32, #tpu.memory_space<vmem_shared>> -> memref<64xf32, #tpu.memory_space<vmem_shared>>
              %dma_wait3A_283 = tpu.memref_slice %arg14[%multiple_of3A] : memref<655360xf32, #tpu.memory_space<vmem_shared>> -> memref<64xf32, #tpu.memory_space<vmem_shared>>
              tpu.wait_dma2 semaphore(%run_scoped3A : memref<!tpu.dma_semaphore, #tpu.memory_space<semaphore_mem>>) src(%dma_wait3A_283 : memref<64xf32, #tpu.memory_space<vmem_shared>>) dst(%arg12 : memref<64xf32, #tpu.memory_space<vmem>>)
              tpu.yield
            }) : () -> ()
            %get3A_231 = arith.index_cast %squeeze3A_196 : i32 to index
            %get3A_232 = arith.constant 0 : index
            %get3A_233 = tpu.vector_load %arg6[%get3A_231, %get3A_232] {strides = array<i32>} : memref<321x64xf32, #tpu.memory_space<vmem>>, vector<1x16xf32>,
            %get3A_234 = vector.shape_cast %get3A_233 : vector<1x16xf32> to vector<16xf32>
            %get3A_235 = arith.constant 0 : index
            %get3A_236 = tpu.vector_load %arg12[%get3A_235] {strides = array<i32>} : memref<64xf32, #tpu.memory_space<vmem>>, vector<16xf32>,
            %get3A_237 = vector.shape_cast %get3A_236 : vector<16xf32> to vector<16xf32>
            %max3A = arith.maximumf %get3A_234, %get3A_237 : vector<16xf32>
            %swap3A_238 = arith.index_cast %squeeze3A_196 : i32 to index
            %swap3A_239 = arith.constant 0 : index
            %swap3A_240 = tpu.vector_load %arg6[%swap3A_238, %swap3A_239] {strides = array<i32>} : memref<321x64xf32, #tpu.memory_space<vmem>>, vector<1x16xf32>,
            %swap3A_241 = vector.shape_cast %swap3A_240 : vector<1x16xf32> to vector<16xf32>
            %swap3A_242 = vector.shape_cast %max3A : vector<16xf32> to vector<1x16xf32>
            tpu.vector_store %arg6[%swap3A_238, %swap3A_239], %swap3A_242 {strides = array<i32>} : memref<321x64xf32, #tpu.memory_space<vmem>>, vector<1x16xf32>,
            %get3A_243 = arith.index_cast %squeeze3A_196 : i32 to index
            %get3A_244 = arith.constant 16 : index
            %get3A_245 = tpu.vector_load %arg6[%get3A_243, %get3A_244] {strides = array<i32>} : memref<321x64xf32, #tpu.memory_space<vmem>>, vector<1x16xf32>,
            %get3A_246 = vector.shape_cast %get3A_245 : vector<1x16xf32> to vector<16xf32>
            %get3A_247 = arith.constant 16 : index
            %get3A_248 = tpu.vector_load %arg12[%get3A_247] {strides = array<i32>} : memref<64xf32, #tpu.memory_space<vmem>>, vector<16xf32>,
            %get3A_249 = vector.shape_cast %get3A_248 : vector<16xf32> to vector<16xf32>
            %max3A_250 = arith.maximumf %get3A_246, %get3A_249 : vector<16xf32>
            %swap3A_251 = arith.index_cast %squeeze3A_196 : i32 to index
            %swap3A_252 = arith.constant 16 : index
            %swap3A_253 = tpu.vector_load %arg6[%swap3A_251, %swap3A_252] {strides = array<i32>} : memref<321x64xf32, #tpu.memory_space<vmem>>, vector<1x16xf32>,
            %swap3A_254 = vector.shape_cast %swap3A_253 : vector<1x16xf32> to vector<16xf32>
            %swap3A_255 = vector.shape_cast %max3A_250 : vector<16xf32> to vector<1x16xf32>
            tpu.vector_store %arg6[%swap3A_251, %swap3A_252], %swap3A_255 {strides = array<i32>} : memref<321x64xf32, #tpu.memory_space<vmem>>, vector<1x16xf32>,
            %get3A_256 = arith.index_cast %squeeze3A_196 : i32 to index
            %get3A_257 = arith.constant 32 : index
            %get3A_258 = tpu.vector_load %arg6[%get3A_256, %get3A_257] {strides = array<i32>} : memref<321x64xf32, #tpu.memory_space<vmem>>, vector<1x16xf32>,
            %get3A_259 = vector.shape_cast %get3A_258 : vector<1x16xf32> to vector<16xf32>
            %get3A_260 = arith.constant 32 : index
            %get3A_261 = tpu.vector_load %arg12[%get3A_260] {strides = array<i32>} : memref<64xf32, #tpu.memory_space<vmem>>, vector<16xf32>,
            %get3A_262 = vector.shape_cast %get3A_261 : vector<16xf32> to vector<16xf32>
            %max3A_263 = arith.maximumf %get3A_259, %get3A_262 : vector<16xf32>
            %swap3A_264 = arith.index_cast %squeeze3A_196 : i32 to index
            %swap3A_265 = arith.constant 32 : index
            %swap3A_266 = tpu.vector_load %arg6[%swap3A_264, %swap3A_265] {strides = array<i32>} : memref<321x64xf32, #tpu.memory_space<vmem>>, vector<1x16xf32>,
            %swap3A_267 = vector.shape_cast %swap3A_266 : vector<1x16xf32> to vector<16xf32>
            %swap3A_268 = vector.shape_cast %max3A_263 : vector<16xf32> to vector<1x16xf32>
            tpu.vector_store %arg6[%swap3A_264, %swap3A_265], %swap3A_268 {strides = array<i32>} : memref<321x64xf32, #tpu.memory_space<vmem>>, vector<1x16xf32>,
            %get3A_269 = arith.index_cast %squeeze3A_196 : i32 to index
            %get3A_270 = arith.constant 48 : index
            %get3A_271 = tpu.vector_load %arg6[%get3A_269, %get3A_270] {strides = array<i32>} : memref<321x64xf32, #tpu.memory_space<vmem>>, vector<1x16xf32>,
            %get3A_272 = vector.shape_cast %get3A_271 : vector<1x16xf32> to vector<16xf32>
            %get3A_273 = arith.constant 48 : index
            %get3A_274 = tpu.vector_load %arg12[%get3A_273] {strides = array<i32>} : memref<64xf32, #tpu.memory_space<vmem>>, vector<16xf32>,
            %get3A_275 = vector.shape_cast %get3A_274 : vector<16xf32> to vector<16xf32>
            %max3A_276 = arith.maximumf %get3A_272, %get3A_275 : vector<16xf32>
            %swap3A_277 = arith.index_cast %squeeze3A_196 : i32 to index
            %swap3A_278 = arith.constant 48 : index
            %swap3A_279 = tpu.vector_load %arg6[%swap3A_277, %swap3A_278] {strides = array<i32>} : memref<321x64xf32, #tpu.memory_space<vmem>>, vector<1x16xf32>,
            %swap3A_280 = vector.shape_cast %swap3A_279 : vector<1x16xf32> to vector<16xf32>
            %swap3A_281 = vector.shape_cast %max3A_276 : vector<16xf32> to vector<1x16xf32>
            tpu.vector_store %arg6[%swap3A_277, %swap3A_278], %swap3A_281 {strides = array<i32>} : memref<321x64xf32, #tpu.memory_space<vmem>>, vector<1x16xf32>,
          } else {
          }
          %slice3A_204 = vector.extract_strided_slice %get3A_83 {offsets = [13], sizes = [1], strides = [1]} : vector<16xi32> to vector<1xi32>
          %squeeze3A_205 = vector.extract %slice3A_204[0] : i32 from vector<1xi32>
          %slice3A_206 = vector.extract_strided_slice %get3A_86 {offsets = [13], sizes = [1], strides = [1]} : vector<16xi32> to vector<1xi32>
          %squeeze3A_207 = vector.extract %slice3A_206[0] : i32 from vector<1xi32>
          %lt3A_208 = arith.constant 320 : i32
          %lt3A_209 = arith.cmpi slt, %squeeze3A_205, %lt3A_208 : i32
          %convert_element_type3A_210 = arith.extui %lt3A_209 : i1 to i32
          %cond3A_211 = arith.constant 0 : i32
          %cond3A_212 = arith.cmpi ne, %convert_element_type3A_210, %cond3A_211 : i32
          scf.if %cond3A_212 {
            %multiple_of3A = tpu.assume_multiple %squeeze3A_207, 8 : i32
            "tpu.region"() ({
              %run_scoped3A = tpu.sem_alloc : memref<!tpu.dma_semaphore, #tpu.memory_space<semaphore_mem>>
              %dma_start3A = tpu.memref_slice %arg14[%multiple_of3A] : memref<655360xf32, #tpu.memory_space<vmem_shared>> -> memref<64xf32, #tpu.memory_space<vmem_shared>>
              %dma_start3A_282 = tpu.memref_slice %arg14[%multiple_of3A] : memref<655360xf32, #tpu.memory_space<vmem_shared>> -> memref<64xf32, #tpu.memory_space<vmem_shared>>
              tpu.enqueue_dma source(%dma_start3A_282 : memref<64xf32, #tpu.memory_space<vmem_shared>>) target(%arg12 : memref<64xf32, #tpu.memory_space<vmem>>) target_semaphore(%run_scoped3A : memref<!tpu.dma_semaphore, #tpu.memory_space<semaphore_mem>>)
              %dma_wait3A = tpu.memref_slice %arg14[%multiple_of3A] : memref<655360xf32, #tpu.memory_space<vmem_shared>> -> memref<64xf32, #tpu.memory_space<vmem_shared>>
              %dma_wait3A_283 = tpu.memref_slice %arg14[%multiple_of3A] : memref<655360xf32, #tpu.memory_space<vmem_shared>> -> memref<64xf32, #tpu.memory_space<vmem_shared>>
              tpu.wait_dma2 semaphore(%run_scoped3A : memref<!tpu.dma_semaphore, #tpu.memory_space<semaphore_mem>>) src(%dma_wait3A_283 : memref<64xf32, #tpu.memory_space<vmem_shared>>) dst(%arg12 : memref<64xf32, #tpu.memory_space<vmem>>)
              tpu.yield
            }) : () -> ()
            %get3A_231 = arith.index_cast %squeeze3A_205 : i32 to index
            %get3A_232 = arith.constant 0 : index
            %get3A_233 = tpu.vector_load %arg6[%get3A_231, %get3A_232] {strides = array<i32>} : memref<321x64xf32, #tpu.memory_space<vmem>>, vector<1x16xf32>,
            %get3A_234 = vector.shape_cast %get3A_233 : vector<1x16xf32> to vector<16xf32>
            %get3A_235 = arith.constant 0 : index
            %get3A_236 = tpu.vector_load %arg12[%get3A_235] {strides = array<i32>} : memref<64xf32, #tpu.memory_space<vmem>>, vector<16xf32>,
            %get3A_237 = vector.shape_cast %get3A_236 : vector<16xf32> to vector<16xf32>
            %max3A = arith.maximumf %get3A_234, %get3A_237 : vector<16xf32>
            %swap3A_238 = arith.index_cast %squeeze3A_205 : i32 to index
            %swap3A_239 = arith.constant 0 : index
            %swap3A_240 = tpu.vector_load %arg6[%swap3A_238, %swap3A_239] {strides = array<i32>} : memref<321x64xf32, #tpu.memory_space<vmem>>, vector<1x16xf32>,
            %swap3A_241 = vector.shape_cast %swap3A_240 : vector<1x16xf32> to vector<16xf32>
            %swap3A_242 = vector.shape_cast %max3A : vector<16xf32> to vector<1x16xf32>
            tpu.vector_store %arg6[%swap3A_238, %swap3A_239], %swap3A_242 {strides = array<i32>} : memref<321x64xf32, #tpu.memory_space<vmem>>, vector<1x16xf32>,
            %get3A_243 = arith.index_cast %squeeze3A_205 : i32 to index
            %get3A_244 = arith.constant 16 : index
            %get3A_245 = tpu.vector_load %arg6[%get3A_243, %get3A_244] {strides = array<i32>} : memref<321x64xf32, #tpu.memory_space<vmem>>, vector<1x16xf32>,
            %get3A_246 = vector.shape_cast %get3A_245 : vector<1x16xf32> to vector<16xf32>
            %get3A_247 = arith.constant 16 : index
            %get3A_248 = tpu.vector_load %arg12[%get3A_247] {strides = array<i32>} : memref<64xf32, #tpu.memory_space<vmem>>, vector<16xf32>,
            %get3A_249 = vector.shape_cast %get3A_248 : vector<16xf32> to vector<16xf32>
            %max3A_250 = arith.maximumf %get3A_246, %get3A_249 : vector<16xf32>
            %swap3A_251 = arith.index_cast %squeeze3A_205 : i32 to index
            %swap3A_252 = arith.constant 16 : index
            %swap3A_253 = tpu.vector_load %arg6[%swap3A_251, %swap3A_252] {strides = array<i32>} : memref<321x64xf32, #tpu.memory_space<vmem>>, vector<1x16xf32>,
            %swap3A_254 = vector.shape_cast %swap3A_253 : vector<1x16xf32> to vector<16xf32>
            %swap3A_255 = vector.shape_cast %max3A_250 : vector<16xf32> to vector<1x16xf32>
            tpu.vector_store %arg6[%swap3A_251, %swap3A_252], %swap3A_255 {strides = array<i32>} : memref<321x64xf32, #tpu.memory_space<vmem>>, vector<1x16xf32>,
            %get3A_256 = arith.index_cast %squeeze3A_205 : i32 to index
            %get3A_257 = arith.constant 32 : index
            %get3A_258 = tpu.vector_load %arg6[%get3A_256, %get3A_257] {strides = array<i32>} : memref<321x64xf32, #tpu.memory_space<vmem>>, vector<1x16xf32>,
            %get3A_259 = vector.shape_cast %get3A_258 : vector<1x16xf32> to vector<16xf32>
            %get3A_260 = arith.constant 32 : index
            %get3A_261 = tpu.vector_load %arg12[%get3A_260] {strides = array<i32>} : memref<64xf32, #tpu.memory_space<vmem>>, vector<16xf32>,
            %get3A_262 = vector.shape_cast %get3A_261 : vector<16xf32> to vector<16xf32>
            %max3A_263 = arith.maximumf %get3A_259, %get3A_262 : vector<16xf32>
            %swap3A_264 = arith.index_cast %squeeze3A_205 : i32 to index
            %swap3A_265 = arith.constant 32 : index
            %swap3A_266 = tpu.vector_load %arg6[%swap3A_264, %swap3A_265] {strides = array<i32>} : memref<321x64xf32, #tpu.memory_space<vmem>>, vector<1x16xf32>,
            %swap3A_267 = vector.shape_cast %swap3A_266 : vector<1x16xf32> to vector<16xf32>
            %swap3A_268 = vector.shape_cast %max3A_263 : vector<16xf32> to vector<1x16xf32>
            tpu.vector_store %arg6[%swap3A_264, %swap3A_265], %swap3A_268 {strides = array<i32>} : memref<321x64xf32, #tpu.memory_space<vmem>>, vector<1x16xf32>,
            %get3A_269 = arith.index_cast %squeeze3A_205 : i32 to index
            %get3A_270 = arith.constant 48 : index
            %get3A_271 = tpu.vector_load %arg6[%get3A_269, %get3A_270] {strides = array<i32>} : memref<321x64xf32, #tpu.memory_space<vmem>>, vector<1x16xf32>,
            %get3A_272 = vector.shape_cast %get3A_271 : vector<1x16xf32> to vector<16xf32>
            %get3A_273 = arith.constant 48 : index
            %get3A_274 = tpu.vector_load %arg12[%get3A_273] {strides = array<i32>} : memref<64xf32, #tpu.memory_space<vmem>>, vector<16xf32>,
            %get3A_275 = vector.shape_cast %get3A_274 : vector<16xf32> to vector<16xf32>
            %max3A_276 = arith.maximumf %get3A_272, %get3A_275 : vector<16xf32>
            %swap3A_277 = arith.index_cast %squeeze3A_205 : i32 to index
            %swap3A_278 = arith.constant 48 : index
            %swap3A_279 = tpu.vector_load %arg6[%swap3A_277, %swap3A_278] {strides = array<i32>} : memref<321x64xf32, #tpu.memory_space<vmem>>, vector<1x16xf32>,
            %swap3A_280 = vector.shape_cast %swap3A_279 : vector<1x16xf32> to vector<16xf32>
            %swap3A_281 = vector.shape_cast %max3A_276 : vector<16xf32> to vector<1x16xf32>
            tpu.vector_store %arg6[%swap3A_277, %swap3A_278], %swap3A_281 {strides = array<i32>} : memref<321x64xf32, #tpu.memory_space<vmem>>, vector<1x16xf32>,
          } else {
          }
          %slice3A_213 = vector.extract_strided_slice %get3A_83 {offsets = [14], sizes = [1], strides = [1]} : vector<16xi32> to vector<1xi32>
          %squeeze3A_214 = vector.extract %slice3A_213[0] : i32 from vector<1xi32>
          %slice3A_215 = vector.extract_strided_slice %get3A_86 {offsets = [14], sizes = [1], strides = [1]} : vector<16xi32> to vector<1xi32>
          %squeeze3A_216 = vector.extract %slice3A_215[0] : i32 from vector<1xi32>
          %lt3A_217 = arith.constant 320 : i32
          %lt3A_218 = arith.cmpi slt, %squeeze3A_214, %lt3A_217 : i32
          %convert_element_type3A_219 = arith.extui %lt3A_218 : i1 to i32
          %cond3A_220 = arith.constant 0 : i32
          %cond3A_221 = arith.cmpi ne, %convert_element_type3A_219, %cond3A_220 : i32
          scf.if %cond3A_221 {
            %multiple_of3A = tpu.assume_multiple %squeeze3A_216, 8 : i32
            "tpu.region"() ({
              %run_scoped3A = tpu.sem_alloc : memref<!tpu.dma_semaphore, #tpu.memory_space<semaphore_mem>>
              %dma_start3A = tpu.memref_slice %arg14[%multiple_of3A] : memref<655360xf32, #tpu.memory_space<vmem_shared>> -> memref<64xf32, #tpu.memory_space<vmem_shared>>
              %dma_start3A_282 = tpu.memref_slice %arg14[%multiple_of3A] : memref<655360xf32, #tpu.memory_space<vmem_shared>> -> memref<64xf32, #tpu.memory_space<vmem_shared>>
              tpu.enqueue_dma source(%dma_start3A_282 : memref<64xf32, #tpu.memory_space<vmem_shared>>) target(%arg12 : memref<64xf32, #tpu.memory_space<vmem>>) target_semaphore(%run_scoped3A : memref<!tpu.dma_semaphore, #tpu.memory_space<semaphore_mem>>)
              %dma_wait3A = tpu.memref_slice %arg14[%multiple_of3A] : memref<655360xf32, #tpu.memory_space<vmem_shared>> -> memref<64xf32, #tpu.memory_space<vmem_shared>>
              %dma_wait3A_283 = tpu.memref_slice %arg14[%multiple_of3A] : memref<655360xf32, #tpu.memory_space<vmem_shared>> -> memref<64xf32, #tpu.memory_space<vmem_shared>>
              tpu.wait_dma2 semaphore(%run_scoped3A : memref<!tpu.dma_semaphore, #tpu.memory_space<semaphore_mem>>) src(%dma_wait3A_283 : memref<64xf32, #tpu.memory_space<vmem_shared>>) dst(%arg12 : memref<64xf32, #tpu.memory_space<vmem>>)
              tpu.yield
            }) : () -> ()
            %get3A_231 = arith.index_cast %squeeze3A_214 : i32 to index
            %get3A_232 = arith.constant 0 : index
            %get3A_233 = tpu.vector_load %arg6[%get3A_231, %get3A_232] {strides = array<i32>} : memref<321x64xf32, #tpu.memory_space<vmem>>, vector<1x16xf32>,
            %get3A_234 = vector.shape_cast %get3A_233 : vector<1x16xf32> to vector<16xf32>
            %get3A_235 = arith.constant 0 : index
            %get3A_236 = tpu.vector_load %arg12[%get3A_235] {strides = array<i32>} : memref<64xf32, #tpu.memory_space<vmem>>, vector<16xf32>,
            %get3A_237 = vector.shape_cast %get3A_236 : vector<16xf32> to vector<16xf32>
            %max3A = arith.maximumf %get3A_234, %get3A_237 : vector<16xf32>
            %swap3A_238 = arith.index_cast %squeeze3A_214 : i32 to index
            %swap3A_239 = arith.constant 0 : index
            %swap3A_240 = tpu.vector_load %arg6[%swap3A_238, %swap3A_239] {strides = array<i32>} : memref<321x64xf32, #tpu.memory_space<vmem>>, vector<1x16xf32>,
            %swap3A_241 = vector.shape_cast %swap3A_240 : vector<1x16xf32> to vector<16xf32>
            %swap3A_242 = vector.shape_cast %max3A : vector<16xf32> to vector<1x16xf32>
            tpu.vector_store %arg6[%swap3A_238, %swap3A_239], %swap3A_242 {strides = array<i32>} : memref<321x64xf32, #tpu.memory_space<vmem>>, vector<1x16xf32>,
            %get3A_243 = arith.index_cast %squeeze3A_214 : i32 to index
            %get3A_244 = arith.constant 16 : index
            %get3A_245 = tpu.vector_load %arg6[%get3A_243, %get3A_244] {strides = array<i32>} : memref<321x64xf32, #tpu.memory_space<vmem>>, vector<1x16xf32>,
            %get3A_246 = vector.shape_cast %get3A_245 : vector<1x16xf32> to vector<16xf32>
            %get3A_247 = arith.constant 16 : index
            %get3A_248 = tpu.vector_load %arg12[%get3A_247] {strides = array<i32>} : memref<64xf32, #tpu.memory_space<vmem>>, vector<16xf32>,
            %get3A_249 = vector.shape_cast %get3A_248 : vector<16xf32> to vector<16xf32>
            %max3A_250 = arith.maximumf %get3A_246, %get3A_249 : vector<16xf32>
            %swap3A_251 = arith.index_cast %squeeze3A_214 : i32 to index
            %swap3A_252 = arith.constant 16 : index
            %swap3A_253 = tpu.vector_load %arg6[%swap3A_251, %swap3A_252] {strides = array<i32>} : memref<321x64xf32, #tpu.memory_space<vmem>>, vector<1x16xf32>,
            %swap3A_254 = vector.shape_cast %swap3A_253 : vector<1x16xf32> to vector<16xf32>
            %swap3A_255 = vector.shape_cast %max3A_250 : vector<16xf32> to vector<1x16xf32>
            tpu.vector_store %arg6[%swap3A_251, %swap3A_252], %swap3A_255 {strides = array<i32>} : memref<321x64xf32, #tpu.memory_space<vmem>>, vector<1x16xf32>,
            %get3A_256 = arith.index_cast %squeeze3A_214 : i32 to index
            %get3A_257 = arith.constant 32 : index
            %get3A_258 = tpu.vector_load %arg6[%get3A_256, %get3A_257] {strides = array<i32>} : memref<321x64xf32, #tpu.memory_space<vmem>>, vector<1x16xf32>,
            %get3A_259 = vector.shape_cast %get3A_258 : vector<1x16xf32> to vector<16xf32>
            %get3A_260 = arith.constant 32 : index
            %get3A_261 = tpu.vector_load %arg12[%get3A_260] {strides = array<i32>} : memref<64xf32, #tpu.memory_space<vmem>>, vector<16xf32>,
            %get3A_262 = vector.shape_cast %get3A_261 : vector<16xf32> to vector<16xf32>
            %max3A_263 = arith.maximumf %get3A_259, %get3A_262 : vector<16xf32>
            %swap3A_264 = arith.index_cast %squeeze3A_214 : i32 to index
            %swap3A_265 = arith.constant 32 : index
            %swap3A_266 = tpu.vector_load %arg6[%swap3A_264, %swap3A_265] {strides = array<i32>} : memref<321x64xf32, #tpu.memory_space<vmem>>, vector<1x16xf32>,
            %swap3A_267 = vector.shape_cast %swap3A_266 : vector<1x16xf32> to vector<16xf32>
            %swap3A_268 = vector.shape_cast %max3A_263 : vector<16xf32> to vector<1x16xf32>
            tpu.vector_store %arg6[%swap3A_264, %swap3A_265], %swap3A_268 {strides = array<i32>} : memref<321x64xf32, #tpu.memory_space<vmem>>, vector<1x16xf32>,
            %get3A_269 = arith.index_cast %squeeze3A_214 : i32 to index
            %get3A_270 = arith.constant 48 : index
            %get3A_271 = tpu.vector_load %arg6[%get3A_269, %get3A_270] {strides = array<i32>} : memref<321x64xf32, #tpu.memory_space<vmem>>, vector<1x16xf32>,
            %get3A_272 = vector.shape_cast %get3A_271 : vector<1x16xf32> to vector<16xf32>
            %get3A_273 = arith.constant 48 : index
            %get3A_274 = tpu.vector_load %arg12[%get3A_273] {strides = array<i32>} : memref<64xf32, #tpu.memory_space<vmem>>, vector<16xf32>,
            %get3A_275 = vector.shape_cast %get3A_274 : vector<16xf32> to vector<16xf32>
            %max3A_276 = arith.maximumf %get3A_272, %get3A_275 : vector<16xf32>
            %swap3A_277 = arith.index_cast %squeeze3A_214 : i32 to index
            %swap3A_278 = arith.constant 48 : index
            %swap3A_279 = tpu.vector_load %arg6[%swap3A_277, %swap3A_278] {strides = array<i32>} : memref<321x64xf32, #tpu.memory_space<vmem>>, vector<1x16xf32>,
            %swap3A_280 = vector.shape_cast %swap3A_279 : vector<1x16xf32> to vector<16xf32>
            %swap3A_281 = vector.shape_cast %max3A_276 : vector<16xf32> to vector<1x16xf32>
            tpu.vector_store %arg6[%swap3A_277, %swap3A_278], %swap3A_281 {strides = array<i32>} : memref<321x64xf32, #tpu.memory_space<vmem>>, vector<1x16xf32>,
          } else {
          }
          %slice3A_222 = vector.extract_strided_slice %get3A_83 {offsets = [15], sizes = [1], strides = [1]} : vector<16xi32> to vector<1xi32>
          %squeeze3A_223 = vector.extract %slice3A_222[0] : i32 from vector<1xi32>
          %slice3A_224 = vector.extract_strided_slice %get3A_86 {offsets = [15], sizes = [1], strides = [1]} : vector<16xi32> to vector<1xi32>
          %squeeze3A_225 = vector.extract %slice3A_224[0] : i32 from vector<1xi32>
          %lt3A_226 = arith.constant 320 : i32
          %lt3A_227 = arith.cmpi slt, %squeeze3A_223, %lt3A_226 : i32
          %convert_element_type3A_228 = arith.extui %lt3A_227 : i1 to i32
          %cond3A_229 = arith.constant 0 : i32
          %cond3A_230 = arith.cmpi ne, %convert_element_type3A_228, %cond3A_229 : i32
          scf.if %cond3A_230 {
            %multiple_of3A = tpu.assume_multiple %squeeze3A_225, 8 : i32
            "tpu.region"() ({
              %run_scoped3A = tpu.sem_alloc : memref<!tpu.dma_semaphore, #tpu.memory_space<semaphore_mem>>
              %dma_start3A = tpu.memref_slice %arg14[%multiple_of3A] : memref<655360xf32, #tpu.memory_space<vmem_shared>> -> memref<64xf32, #tpu.memory_space<vmem_shared>>
              %dma_start3A_282 = tpu.memref_slice %arg14[%multiple_of3A] : memref<655360xf32, #tpu.memory_space<vmem_shared>> -> memref<64xf32, #tpu.memory_space<vmem_shared>>
              tpu.enqueue_dma source(%dma_start3A_282 : memref<64xf32, #tpu.memory_space<vmem_shared>>) target(%arg12 : memref<64xf32, #tpu.memory_space<vmem>>) target_semaphore(%run_scoped3A : memref<!tpu.dma_semaphore, #tpu.memory_space<semaphore_mem>>)
              %dma_wait3A = tpu.memref_slice %arg14[%multiple_of3A] : memref<655360xf32, #tpu.memory_space<vmem_shared>> -> memref<64xf32, #tpu.memory_space<vmem_shared>>
              %dma_wait3A_283 = tpu.memref_slice %arg14[%multiple_of3A] : memref<655360xf32, #tpu.memory_space<vmem_shared>> -> memref<64xf32, #tpu.memory_space<vmem_shared>>
              tpu.wait_dma2 semaphore(%run_scoped3A : memref<!tpu.dma_semaphore, #tpu.memory_space<semaphore_mem>>) src(%dma_wait3A_283 : memref<64xf32, #tpu.memory_space<vmem_shared>>) dst(%arg12 : memref<64xf32, #tpu.memory_space<vmem>>)
              tpu.yield
            }) : () -> ()
            %get3A_231 = arith.index_cast %squeeze3A_223 : i32 to index
            %get3A_232 = arith.constant 0 : index
            %get3A_233 = tpu.vector_load %arg6[%get3A_231, %get3A_232] {strides = array<i32>} : memref<321x64xf32, #tpu.memory_space<vmem>>, vector<1x16xf32>,
            %get3A_234 = vector.shape_cast %get3A_233 : vector<1x16xf32> to vector<16xf32>
            %get3A_235 = arith.constant 0 : index
            %get3A_236 = tpu.vector_load %arg12[%get3A_235] {strides = array<i32>} : memref<64xf32, #tpu.memory_space<vmem>>, vector<16xf32>,
            %get3A_237 = vector.shape_cast %get3A_236 : vector<16xf32> to vector<16xf32>
            %max3A = arith.maximumf %get3A_234, %get3A_237 : vector<16xf32>
            %swap3A_238 = arith.index_cast %squeeze3A_223 : i32 to index
            %swap3A_239 = arith.constant 0 : index
            %swap3A_240 = tpu.vector_load %arg6[%swap3A_238, %swap3A_239] {strides = array<i32>} : memref<321x64xf32, #tpu.memory_space<vmem>>, vector<1x16xf32>,
            %swap3A_241 = vector.shape_cast %swap3A_240 : vector<1x16xf32> to vector<16xf32>
            %swap3A_242 = vector.shape_cast %max3A : vector<16xf32> to vector<1x16xf32>
            tpu.vector_store %arg6[%swap3A_238, %swap3A_239], %swap3A_242 {strides = array<i32>} : memref<321x64xf32, #tpu.memory_space<vmem>>, vector<1x16xf32>,
            %get3A_243 = arith.index_cast %squeeze3A_223 : i32 to index
            %get3A_244 = arith.constant 16 : index
            %get3A_245 = tpu.vector_load %arg6[%get3A_243, %get3A_244] {strides = array<i32>} : memref<321x64xf32, #tpu.memory_space<vmem>>, vector<1x16xf32>,
            %get3A_246 = vector.shape_cast %get3A_245 : vector<1x16xf32> to vector<16xf32>
            %get3A_247 = arith.constant 16 : index
            %get3A_248 = tpu.vector_load %arg12[%get3A_247] {strides = array<i32>} : memref<64xf32, #tpu.memory_space<vmem>>, vector<16xf32>,
            %get3A_249 = vector.shape_cast %get3A_248 : vector<16xf32> to vector<16xf32>
            %max3A_250 = arith.maximumf %get3A_246, %get3A_249 : vector<16xf32>
            %swap3A_251 = arith.index_cast %squeeze3A_223 : i32 to index
            %swap3A_252 = arith.constant 16 : index
            %swap3A_253 = tpu.vector_load %arg6[%swap3A_251, %swap3A_252] {strides = array<i32>} : memref<321x64xf32, #tpu.memory_space<vmem>>, vector<1x16xf32>,
            %swap3A_254 = vector.shape_cast %swap3A_253 : vector<1x16xf32> to vector<16xf32>
            %swap3A_255 = vector.shape_cast %max3A_250 : vector<16xf32> to vector<1x16xf32>
            tpu.vector_store %arg6[%swap3A_251, %swap3A_252], %swap3A_255 {strides = array<i32>} : memref<321x64xf32, #tpu.memory_space<vmem>>, vector<1x16xf32>,
            %get3A_256 = arith.index_cast %squeeze3A_223 : i32 to index
            %get3A_257 = arith.constant 32 : index
            %get3A_258 = tpu.vector_load %arg6[%get3A_256, %get3A_257] {strides = array<i32>} : memref<321x64xf32, #tpu.memory_space<vmem>>, vector<1x16xf32>,
            %get3A_259 = vector.shape_cast %get3A_258 : vector<1x16xf32> to vector<16xf32>
            %get3A_260 = arith.constant 32 : index
            %get3A_261 = tpu.vector_load %arg12[%get3A_260] {strides = array<i32>} : memref<64xf32, #tpu.memory_space<vmem>>, vector<16xf32>,
            %get3A_262 = vector.shape_cast %get3A_261 : vector<16xf32> to vector<16xf32>
            %max3A_263 = arith.maximumf %get3A_259, %get3A_262 : vector<16xf32>
            %swap3A_264 = arith.index_cast %squeeze3A_223 : i32 to index
            %swap3A_265 = arith.constant 32 : index
            %swap3A_266 = tpu.vector_load %arg6[%swap3A_264, %swap3A_265] {strides = array<i32>} : memref<321x64xf32, #tpu.memory_space<vmem>>, vector<1x16xf32>,
            %swap3A_267 = vector.shape_cast %swap3A_266 : vector<1x16xf32> to vector<16xf32>
            %swap3A_268 = vector.shape_cast %max3A_263 : vector<16xf32> to vector<1x16xf32>
            tpu.vector_store %arg6[%swap3A_264, %swap3A_265], %swap3A_268 {strides = array<i32>} : memref<321x64xf32, #tpu.memory_space<vmem>>, vector<1x16xf32>,
            %get3A_269 = arith.index_cast %squeeze3A_223 : i32 to index
            %get3A_270 = arith.constant 48 : index
            %get3A_271 = tpu.vector_load %arg6[%get3A_269, %get3A_270] {strides = array<i32>} : memref<321x64xf32, #tpu.memory_space<vmem>>, vector<1x16xf32>,
            %get3A_272 = vector.shape_cast %get3A_271 : vector<1x16xf32> to vector<16xf32>
            %get3A_273 = arith.constant 48 : index
            %get3A_274 = tpu.vector_load %arg12[%get3A_273] {strides = array<i32>} : memref<64xf32, #tpu.memory_space<vmem>>, vector<16xf32>,
            %get3A_275 = vector.shape_cast %get3A_274 : vector<16xf32> to vector<16xf32>
            %max3A_276 = arith.maximumf %get3A_272, %get3A_275 : vector<16xf32>
            %swap3A_277 = arith.index_cast %squeeze3A_223 : i32 to index
            %swap3A_278 = arith.constant 48 : index
            %swap3A_279 = tpu.vector_load %arg6[%swap3A_277, %swap3A_278] {strides = array<i32>} : memref<321x64xf32, #tpu.memory_space<vmem>>, vector<1x16xf32>,
            %swap3A_280 = vector.shape_cast %swap3A_279 : vector<1x16xf32> to vector<16xf32>
            %swap3A_281 = vector.shape_cast %max3A_276 : vector<16xf32> to vector<1x16xf32>
            tpu.vector_store %arg6[%swap3A_277, %swap3A_278], %swap3A_281 {strides = array<i32>} : memref<321x64xf32, #tpu.memory_space<vmem>>, vector<1x16xf32>,
          } else {
          }
        } else {
        }
        %scan3A_80 = arith.constant 0 : i32
        scf.yield %scan3A_80 : i32
      }
      %scan3A_68 = arith.constant 160 : i32
      %scan3A_69 = arith.constant 0 : i32
      scf.yield %scan3A_69 : i32
    }
    %scan3A_41 = arith.constant 125 : i32
    %scan3A_42 = arith.constant 0 : i32
    %scan3A_43 = arith.constant 0 : i32
    %scan3A_44 = arith.constant 320 : i32
    %scan3A_45 = arith.addi %scan3A_43, %scan3A_44 : i32
    %scan3A_46 = arith.constant 1 : i32
    %scan3A_47 = scf.for %scan3A_49 = %scan3A_43 to %scan3A_45 step %scan3A_46 iter_args(%scan3A_50 = %scan3A_42) -> (i32)  : i32 {
      %get3A = arith.index_cast %scan3A_49 : i32 to index
      %get3A_51 = arith.constant 0 : index
      %get3A_52 = tpu.vector_load %arg6[%get3A, %get3A_51] {strides = array<i32>} : memref<321x64xf32, #tpu.memory_space<vmem>>, vector<1x16xf32>,
      %get3A_53 = vector.shape_cast %get3A_52 : vector<1x16xf32> to vector<16xf32>
      %eq3A_54 = arith.constant 0xFF800000 : f32
      %eq3A_55 = vector.broadcast %eq3A_54 : f32 to vector<16xf32>
      %eq3A_56 = arith.cmpf oeq, %get3A_53, %eq3A_55 : vector<16xf32>
      %jit3A = arith.constant 0.000000e+00 : f32
      %broadcast_in_dim3A_57 = vector.broadcast %jit3A : f32 to vector<16xf32>
      %select_n3A = arith.select %eq3A_56, %broadcast_in_dim3A_57, %get3A_53 : vector<16xi1>, vector<16xf32>
      %swap3A_58 = arith.index_cast %scan3A_49 : i32 to index
      %swap3A_59 = arith.constant 0 : index
      %swap3A_60 = tpu.vector_load %arg6[%swap3A_58, %swap3A_59] {strides = array<i32>} : memref<321x64xf32, #tpu.memory_space<vmem>>, vector<1x16xf32>,
      %swap3A_61 = vector.shape_cast %swap3A_60 : vector<1x16xf32> to vector<16xf32>
      %swap3A_62 = vector.shape_cast %select_n3A : vector<16xf32> to vector<1x16xf32>
      tpu.vector_store %arg6[%swap3A_58, %swap3A_59], %swap3A_62 {strides = array<i32>} : memref<321x64xf32, #tpu.memory_space<vmem>>, vector<1x16xf32>,
      %get3A_63 = arith.index_cast %scan3A_49 : i32 to index
      %get3A_64 = arith.constant 16 : index
      %get3A_65 = tpu.vector_load %arg6[%get3A_63, %get3A_64] {strides = array<i32>} : memref<321x64xf32, #tpu.memory_space<vmem>>, vector<1x16xf32>,
      %get3A_66 = vector.shape_cast %get3A_65 : vector<1x16xf32> to vector<16xf32>
      %eq3A_67 = arith.constant 0xFF800000 : f32
      %eq3A_68 = vector.broadcast %eq3A_67 : f32 to vector<16xf32>
      %eq3A_69 = arith.cmpf oeq, %get3A_66, %eq3A_68 : vector<16xf32>
      %jit3A_70 = arith.constant 0.000000e+00 : f32
      %broadcast_in_dim3A_71 = vector.broadcast %jit3A_70 : f32 to vector<16xf32>
      %select_n3A_72 = arith.select %eq3A_69, %broadcast_in_dim3A_71, %get3A_66 : vector<16xi1>, vector<16xf32>
      %swap3A_73 = arith.index_cast %scan3A_49 : i32 to index
      %swap3A_74 = arith.constant 16 : index
      %swap3A_75 = tpu.vector_load %arg6[%swap3A_73, %swap3A_74] {strides = array<i32>} : memref<321x64xf32, #tpu.memory_space<vmem>>, vector<1x16xf32>,
      %swap3A_76 = vector.shape_cast %swap3A_75 : vector<1x16xf32> to vector<16xf32>
      %swap3A_77 = vector.shape_cast %select_n3A_72 : vector<16xf32> to vector<1x16xf32>
      tpu.vector_store %arg6[%swap3A_73, %swap3A_74], %swap3A_77 {strides = array<i32>} : memref<321x64xf32, #tpu.memory_space<vmem>>, vector<1x16xf32>,
      %get3A_78 = arith.index_cast %scan3A_49 : i32 to index
      %get3A_79 = arith.constant 32 : index
      %get3A_80 = tpu.vector_load %arg6[%get3A_78, %get3A_79] {strides = array<i32>} : memref<321x64xf32, #tpu.memory_space<vmem>>, vector<1x16xf32>,
      %get3A_81 = vector.shape_cast %get3A_80 : vector<1x16xf32> to vector<16xf32>
      %eq3A_82 = arith.constant 0xFF800000 : f32
      %eq3A_83 = vector.broadcast %eq3A_82 : f32 to vector<16xf32>
      %eq3A_84 = arith.cmpf oeq, %get3A_81, %eq3A_83 : vector<16xf32>
      %jit3A_85 = arith.constant 0.000000e+00 : f32
      %broadcast_in_dim3A_86 = vector.broadcast %jit3A_85 : f32 to vector<16xf32>
      %select_n3A_87 = arith.select %eq3A_84, %broadcast_in_dim3A_86, %get3A_81 : vector<16xi1>, vector<16xf32>
      %swap3A_88 = arith.index_cast %scan3A_49 : i32 to index
      %swap3A_89 = arith.constant 32 : index
      %swap3A_90 = tpu.vector_load %arg6[%swap3A_88, %swap3A_89] {strides = array<i32>} : memref<321x64xf32, #tpu.memory_space<vmem>>, vector<1x16xf32>,
      %swap3A_91 = vector.shape_cast %swap3A_90 : vector<1x16xf32> to vector<16xf32>
      %swap3A_92 = vector.shape_cast %select_n3A_87 : vector<16xf32> to vector<1x16xf32>
      tpu.vector_store %arg6[%swap3A_88, %swap3A_89], %swap3A_92 {strides = array<i32>} : memref<321x64xf32, #tpu.memory_space<vmem>>, vector<1x16xf32>,
      %get3A_93 = arith.index_cast %scan3A_49 : i32 to index
      %get3A_94 = arith.constant 48 : index
      %get3A_95 = tpu.vector_load %arg6[%get3A_93, %get3A_94] {strides = array<i32>} : memref<321x64xf32, #tpu.memory_space<vmem>>, vector<1x16xf32>,
      %get3A_96 = vector.shape_cast %get3A_95 : vector<1x16xf32> to vector<16xf32>
      %eq3A_97 = arith.constant 0xFF800000 : f32
      %eq3A_98 = vector.broadcast %eq3A_97 : f32 to vector<16xf32>
      %eq3A_99 = arith.cmpf oeq, %get3A_96, %eq3A_98 : vector<16xf32>
      %jit3A_100 = arith.constant 0.000000e+00 : f32
      %broadcast_in_dim3A_101 = vector.broadcast %jit3A_100 : f32 to vector<16xf32>
      %select_n3A_102 = arith.select %eq3A_99, %broadcast_in_dim3A_101, %get3A_96 : vector<16xi1>, vector<16xf32>
      %swap3A_103 = arith.index_cast %scan3A_49 : i32 to index
      %swap3A_104 = arith.constant 48 : index
      %swap3A_105 = tpu.vector_load %arg6[%swap3A_103, %swap3A_104] {strides = array<i32>} : memref<321x64xf32, #tpu.memory_space<vmem>>, vector<1x16xf32>,
      %swap3A_106 = vector.shape_cast %swap3A_105 : vector<1x16xf32> to vector<16xf32>
      %swap3A_107 = vector.shape_cast %select_n3A_102 : vector<16xf32> to vector<1x16xf32>
      tpu.vector_store %arg6[%swap3A_103, %swap3A_104], %swap3A_107 {strides = array<i32>} : memref<321x64xf32, #tpu.memory_space<vmem>>, vector<1x16xf32>,
      %scan3A_108 = arith.constant 0 : i32
      scf.yield %scan3A_108 : i32
    }
    %scan3A_48 = arith.constant 320 : i32
    "tpu.region"() ({
      %run_scoped3A = tpu.sem_alloc : memref<!tpu.dma_semaphore, #tpu.memory_space<semaphore_mem>>
      %dma_start3A = arith.constant 0 : i32
      %dma_start3A_49 = arith.constant 0 : i32
      %dma_start3A_50 = tpu.memref_slice %arg6[%dma_start3A, %dma_start3A_49] : memref<321x64xf32, #tpu.memory_space<vmem>> -> memref<320x64xf32, #tpu.memory_space<vmem>>
      %dma_start3A_51 = arith.constant 0 : i32
      %dma_start3A_52 = tpu.memref_slice %arg5[%mul3A_2, %dma_start3A_51] : memref<10240x64xf32, #tpu.memory_space<hbm>> -> memref<320x64xf32, #tpu.memory_space<hbm>>
      %dma_start3A_53 = arith.constant 0 : i32
      %dma_start3A_54 = tpu.memref_slice %arg5[%mul3A_2, %dma_start3A_53] : memref<10240x64xf32, #tpu.memory_space<hbm>> -> memref<320x64xf32, #tpu.memory_space<hbm>>
      %dma_start3A_55 = arith.constant 0 : i32
      %dma_start3A_56 = arith.constant 0 : i32
      %dma_start3A_57 = tpu.memref_slice %arg6[%dma_start3A_55, %dma_start3A_56] : memref<321x64xf32, #tpu.memory_space<vmem>> -> memref<320x64xf32, #tpu.memory_space<vmem>>
      tpu.enqueue_dma source(%dma_start3A_57 : memref<320x64xf32, #tpu.memory_space<vmem>>) target(%dma_start3A_54 : memref<320x64xf32, #tpu.memory_space<hbm>>) target_semaphore(%run_scoped3A : memref<!tpu.dma_semaphore, #tpu.memory_space<semaphore_mem>>)
      %dma_wait3A = arith.constant 0 : i32
      %dma_wait3A_58 = arith.constant 0 : i32
      %dma_wait3A_59 = tpu.memref_slice %arg6[%dma_wait3A, %dma_wait3A_58] : memref<321x64xf32, #tpu.memory_space<vmem>> -> memref<320x64xf32, #tpu.memory_space<vmem>>
      %dma_wait3A_60 = arith.constant 0 : i32
      %dma_wait3A_61 = tpu.memref_slice %arg5[%mul3A_2, %dma_wait3A_60] : memref<10240x64xf32, #tpu.memory_space<hbm>> -> memref<320x64xf32, #tpu.memory_space<hbm>>
      %dma_wait3A_62 = arith.constant 0 : i32
      %dma_wait3A_63 = tpu.memref_slice %arg5[%mul3A_2, %dma_wait3A_62] : memref<10240x64xf32, #tpu.memory_space<hbm>> -> memref<320x64xf32, #tpu.memory_space<hbm>>
      %dma_wait3A_64 = arith.constant 0 : i32
      %dma_wait3A_65 = arith.constant 0 : i32
      %dma_wait3A_66 = tpu.memref_slice %arg6[%dma_wait3A_64, %dma_wait3A_65] : memref<321x64xf32, #tpu.memory_space<vmem>> -> memref<320x64xf32, #tpu.memory_space<vmem>>
      tpu.wait_dma2 semaphore(%run_scoped3A : memref<!tpu.dma_semaphore, #tpu.memory_space<semaphore_mem>>) src(%dma_wait3A_66 : memref<320x64xf32, #tpu.memory_space<vmem>>) dst(%dma_wait3A_63 : memref<320x64xf32, #tpu.memory_space<hbm>>)
      tpu.yield
    }) : () -> ()
    return
  }
}

module attributes {stable_mosaic.version = 14 : i64} {
  func.func @_proj_body(%arg0: i32, %arg1: memref<1280x128xf32, #tpu.memory_space<vmem>>, %arg2: memref<128x64xf32, #tpu.memory_space<vmem>>, %arg3: memref<1x64xf32, #tpu.memory_space<vmem>>, %arg4: memref<1280x64xf32, #tpu.memory_space<vmem>>) attributes {dimension_semantics = [#tpu.dimension_semantics<arbitrary>], iteration_bounds = array<i64: 8>, scalar_prefetch = 0 : i64, scratch_operands = 0 : i64, tpu.core_type = #tpu.core_type<tc>, window_params = [{transform_indices = @transform_0, window_bounds = array<i64: 1280, 128>}, {pipeline_mode = #tpu.pipeline_mode<synchronous>, transform_indices = @transform_1, window_bounds = array<i64: 128, 64>}, {pipeline_mode = #tpu.pipeline_mode<synchronous>, transform_indices = @transform_2, window_bounds = array<i64: 1, 64>}, {transform_indices = @transform_3, window_bounds = array<i64: 1280, 64>}]} {
    %get3A = arith.constant 0 : index
    %get3A_0 = arith.constant 0 : index
    %get3A_1 = vector.load %arg1[%get3A, %get3A_0] : memref<1280x128xf32, #tpu.memory_space<vmem>>, vector<1280x128xf32>
    %get3A_2 = arith.constant 0 : index
    %get3A_3 = arith.constant 0 : index
    %get3A_4 = vector.load %arg2[%get3A_2, %get3A_3] : memref<128x64xf32, #tpu.memory_space<vmem>>, vector<128x64xf32>
    %dot_general3A = arith.constant dense<0.000000e+00> : vector<1280x64xf32>
    %dot_general3A_5 = tpu.matmul %get3A_1, %get3A_4, %dot_general3A {dimension_numbers = #tpu.dot_dimension_numbers<[1], [0], [0], [1], [0, 0, 1, 1], [], []>, transpose_lhs_hint = false} : vector<1280x128xf32>, vector<128x64xf32>, vector<1280x64xf32> -> vector<1280x64xf32>
    %get3A_6 = arith.constant 0 : index
    %get3A_7 = arith.constant 0 : index
    %get3A_8 = vector.load %arg3[%get3A_6, %get3A_7] : memref<1x64xf32, #tpu.memory_space<vmem>>, vector<1x64xf32>
    %add3A = vector.broadcast %get3A_8 : vector<1x64xf32> to vector<1280x64xf32>
    %add3A_9 = arith.addf %dot_general3A_5, %add3A : vector<1280x64xf32>
    %swap3A = arith.constant 0 : index
    %swap3A_10 = arith.constant 0 : index
    %swap3A_11 = vector.load %arg4[%swap3A, %swap3A_10] : memref<1280x64xf32, #tpu.memory_space<vmem>>, vector<1280x64xf32>
    tpu.vector_store %arg4[%swap3A, %swap3A_10], %add3A_9 {strides = array<i32>} : memref<1280x64xf32, #tpu.memory_space<vmem>>, vector<1280x64xf32>,
    return
  }
  func.func @transform_0(%arg0: i32) -> (i32, i32) {
    %c0_i32 = arith.constant 0 : i32
    %c0_i32_0 = arith.constant 0 : i32
    return %arg0, %c0_i32 : i32, i32
  }
  func.func @transform_1(%arg0: i32) -> (i32, i32) {
    %c0_i32 = arith.constant 0 : i32
    %c0_i32_0 = arith.constant 0 : i32
    %c0_i32_1 = arith.constant 0 : i32
    return %c0_i32, %c0_i32_0 : i32, i32
  }
  func.func @transform_2(%arg0: i32) -> (i32, i32) {
    %c0_i32 = arith.constant 0 : i32
    %c0_i32_0 = arith.constant 0 : i32
    %c0_i32_1 = arith.constant 0 : i32
    return %c0_i32, %c0_i32_0 : i32, i32
  }
  func.func @transform_3(%arg0: i32) -> (i32, i32) {
    %c0_i32 = arith.constant 0 : i32
    %c0_i32_0 = arith.constant 0 : i32
    return %arg0, %c0_i32 : i32, i32
  }
}

module attributes {stable_mosaic.version = 14 : i64} {
  func.func @_sage_body(%arg0: i32, %arg1: memref<1280x64xf32, #tpu.memory_space<vmem>>, %arg2: memref<1280x64xf32, #tpu.memory_space<vmem>>, %arg3: memref<64x64xf32, #tpu.memory_space<vmem>>, %arg4: memref<64x64xf32, #tpu.memory_space<vmem>>, %arg5: memref<1x64xf32, #tpu.memory_space<vmem>>, %arg6: memref<1x64xf32, #tpu.memory_space<vmem>>, %arg7: memref<1x64xf32, #tpu.memory_space<vmem>>, %arg8: memref<1280x64xf32, #tpu.memory_space<vmem>>) attributes {dimension_semantics = [#tpu.dimension_semantics<arbitrary>], iteration_bounds = array<i64: 8>, scalar_prefetch = 0 : i64, scratch_operands = 0 : i64, tpu.core_type = #tpu.core_type<tc>, window_params = [{transform_indices = @transform_0, window_bounds = array<i64: 1280, 64>}, {transform_indices = @transform_1, window_bounds = array<i64: 1280, 64>}, {pipeline_mode = #tpu.pipeline_mode<synchronous>, transform_indices = @transform_2, window_bounds = array<i64: 64, 64>}, {pipeline_mode = #tpu.pipeline_mode<synchronous>, transform_indices = @transform_3, window_bounds = array<i64: 64, 64>}, {pipeline_mode = #tpu.pipeline_mode<synchronous>, transform_indices = @transform_4, window_bounds = array<i64: 1, 64>}, {pipeline_mode = #tpu.pipeline_mode<synchronous>, transform_indices = @transform_5, window_bounds = array<i64: 1, 64>}, {pipeline_mode = #tpu.pipeline_mode<synchronous>, transform_indices = @transform_6, window_bounds = array<i64: 1, 64>}, {transform_indices = @transform_7, window_bounds = array<i64: 1280, 64>}]} {
    %get3A = arith.constant 0 : index
    %get3A_0 = arith.constant 0 : index
    %get3A_1 = vector.load %arg1[%get3A, %get3A_0] : memref<1280x64xf32, #tpu.memory_space<vmem>>, vector<1280x64xf32>
    %get3A_2 = arith.constant 0 : index
    %get3A_3 = arith.constant 0 : index
    %get3A_4 = vector.load %arg3[%get3A_2, %get3A_3] : memref<64x64xf32, #tpu.memory_space<vmem>>, vector<64x64xf32>
    %dot_general3A = arith.constant dense<0.000000e+00> : vector<1280x64xf32>
    %dot_general3A_5 = tpu.matmul %get3A_1, %get3A_4, %dot_general3A {dimension_numbers = #tpu.dot_dimension_numbers<[1], [0], [0], [1], [0, 0, 1, 1], [], []>, transpose_lhs_hint = false} : vector<1280x64xf32>, vector<64x64xf32>, vector<1280x64xf32> -> vector<1280x64xf32>
    %get3A_6 = arith.constant 0 : index
    %get3A_7 = arith.constant 0 : index
    %get3A_8 = vector.load %arg2[%get3A_6, %get3A_7] : memref<1280x64xf32, #tpu.memory_space<vmem>>, vector<1280x64xf32>
    %get3A_9 = arith.constant 0 : index
    %get3A_10 = arith.constant 0 : index
    %get3A_11 = vector.load %arg4[%get3A_9, %get3A_10] : memref<64x64xf32, #tpu.memory_space<vmem>>, vector<64x64xf32>
    %dot_general3A_12 = arith.constant dense<0.000000e+00> : vector<1280x64xf32>
    %dot_general3A_13 = tpu.matmul %get3A_8, %get3A_11, %dot_general3A_12 {dimension_numbers = #tpu.dot_dimension_numbers<[1], [0], [0], [1], [0, 0, 1, 1], [], []>, transpose_lhs_hint = false} : vector<1280x64xf32>, vector<64x64xf32>, vector<1280x64xf32> -> vector<1280x64xf32>
    %add3A = arith.addf %dot_general3A_5, %dot_general3A_13 : vector<1280x64xf32>
    %get3A_14 = arith.constant 0 : index
    %get3A_15 = arith.constant 0 : index
    %get3A_16 = vector.load %arg5[%get3A_14, %get3A_15] : memref<1x64xf32, #tpu.memory_space<vmem>>, vector<1x64xf32>
    %add3A_17 = vector.broadcast %get3A_16 : vector<1x64xf32> to vector<1280x64xf32>
    %add3A_18 = arith.addf %add3A, %add3A_17 : vector<1280x64xf32>
    %get3A_19 = arith.constant 0 : index
    %get3A_20 = arith.constant 0 : index
    %get3A_21 = vector.load %arg6[%get3A_19, %get3A_20] : memref<1x64xf32, #tpu.memory_space<vmem>>, vector<1x64xf32>
    %rsqrt3A = arith.constant 1.000010e+00 : f32
    %rsqrt3A_22 = math.rsqrt %rsqrt3A : f32
    %mul3A = vector.broadcast %rsqrt3A_22 : f32 to vector<1x64xf32>
    %mul3A_23 = arith.mulf %get3A_21, %mul3A : vector<1x64xf32>
    %mul3A_24 = vector.broadcast %mul3A_23 : vector<1x64xf32> to vector<1280x64xf32>
    %mul3A_25 = arith.mulf %add3A_18, %mul3A_24 : vector<1280x64xf32>
    %get3A_26 = arith.constant 0 : index
    %get3A_27 = arith.constant 0 : index
    %get3A_28 = vector.load %arg7[%get3A_26, %get3A_27] : memref<1x64xf32, #tpu.memory_space<vmem>>, vector<1x64xf32>
    %add3A_29 = vector.broadcast %get3A_28 : vector<1x64xf32> to vector<1280x64xf32>
    %add3A_30 = arith.addf %mul3A_25, %add3A_29 : vector<1280x64xf32>
    %max3A = arith.constant 0.000000e+00 : f32
    %max3A_31 = vector.broadcast %max3A : f32 to vector<1280x64xf32>
    %max3A_32 = arith.maximumf %add3A_30, %max3A_31 : vector<1280x64xf32>
    %swap3A = arith.constant 0 : index
    %swap3A_33 = arith.constant 0 : index
    %swap3A_34 = vector.load %arg8[%swap3A, %swap3A_33] : memref<1280x64xf32, #tpu.memory_space<vmem>>, vector<1280x64xf32>
    tpu.vector_store %arg8[%swap3A, %swap3A_33], %max3A_32 {strides = array<i32>} : memref<1280x64xf32, #tpu.memory_space<vmem>>, vector<1280x64xf32>,
    return
  }
  func.func @transform_0(%arg0: i32) -> (i32, i32) {
    %c0_i32 = arith.constant 0 : i32
    %c0_i32_0 = arith.constant 0 : i32
    return %arg0, %c0_i32 : i32, i32
  }
  func.func @transform_1(%arg0: i32) -> (i32, i32) {
    %c0_i32 = arith.constant 0 : i32
    %c0_i32_0 = arith.constant 0 : i32
    return %arg0, %c0_i32 : i32, i32
  }
  func.func @transform_2(%arg0: i32) -> (i32, i32) {
    %c0_i32 = arith.constant 0 : i32
    %c0_i32_0 = arith.constant 0 : i32
    %c0_i32_1 = arith.constant 0 : i32
    return %c0_i32, %c0_i32_0 : i32, i32
  }
  func.func @transform_3(%arg0: i32) -> (i32, i32) {
    %c0_i32 = arith.constant 0 : i32
    %c0_i32_0 = arith.constant 0 : i32
    %c0_i32_1 = arith.constant 0 : i32
    return %c0_i32, %c0_i32_0 : i32, i32
  }
  func.func @transform_4(%arg0: i32) -> (i32, i32) {
    %c0_i32 = arith.constant 0 : i32
    %c0_i32_0 = arith.constant 0 : i32
    %c0_i32_1 = arith.constant 0 : i32
    return %c0_i32, %c0_i32_0 : i32, i32
  }
  func.func @transform_5(%arg0: i32) -> (i32, i32) {
    %c0_i32 = arith.constant 0 : i32
    %c0_i32_0 = arith.constant 0 : i32
    %c0_i32_1 = arith.constant 0 : i32
    return %c0_i32, %c0_i32_0 : i32, i32
  }
  func.func @transform_6(%arg0: i32) -> (i32, i32) {
    %c0_i32 = arith.constant 0 : i32
    %c0_i32_0 = arith.constant 0 : i32
    %c0_i32_1 = arith.constant 0 : i32
    return %c0_i32, %c0_i32_0 : i32, i32
  }
  func.func @transform_7(%arg0: i32) -> (i32, i32) {
    %c0_i32 = arith.constant 0 : i32
    %c0_i32_0 = arith.constant 0 : i32
    return %arg0, %c0_i32 : i32, i32
  }
}

module attributes {stable_mosaic.version = 14 : i64} {
  func.func @_head_body(%arg0: i32, %arg1: memref<1280x64xf32, #tpu.memory_space<vmem>>, %arg2: memref<1280x64xf32, #tpu.memory_space<vmem>>, %arg3: memref<64x64xf32, #tpu.memory_space<vmem>>, %arg4: memref<64x64xf32, #tpu.memory_space<vmem>>, %arg5: memref<1x64xf32, #tpu.memory_space<vmem>>, %arg6: memref<1x64xf32, #tpu.memory_space<vmem>>, %arg7: memref<1x64xf32, #tpu.memory_space<vmem>>, %arg8: memref<64x64xf32, #tpu.memory_space<vmem>>, %arg9: memref<1x64xf32, #tpu.memory_space<vmem>>, %arg10: memref<64x8xf32, #tpu.memory_space<vmem>>, %arg11: memref<1x8xf32, #tpu.memory_space<vmem>>, %arg12: memref<1280x8xf32, #tpu.memory_space<vmem>>) attributes {dimension_semantics = [#tpu.dimension_semantics<arbitrary>], iteration_bounds = array<i64: 8>, scalar_prefetch = 0 : i64, scratch_operands = 0 : i64, tpu.core_type = #tpu.core_type<tc>, window_params = [{transform_indices = @transform_0, window_bounds = array<i64: 1280, 64>}, {transform_indices = @transform_1, window_bounds = array<i64: 1280, 64>}, {pipeline_mode = #tpu.pipeline_mode<synchronous>, transform_indices = @transform_2, window_bounds = array<i64: 64, 64>}, {pipeline_mode = #tpu.pipeline_mode<synchronous>, transform_indices = @transform_3, window_bounds = array<i64: 64, 64>}, {pipeline_mode = #tpu.pipeline_mode<synchronous>, transform_indices = @transform_4, window_bounds = array<i64: 1, 64>}, {pipeline_mode = #tpu.pipeline_mode<synchronous>, transform_indices = @transform_5, window_bounds = array<i64: 1, 64>}, {pipeline_mode = #tpu.pipeline_mode<synchronous>, transform_indices = @transform_6, window_bounds = array<i64: 1, 64>}, {pipeline_mode = #tpu.pipeline_mode<synchronous>, transform_indices = @transform_7, window_bounds = array<i64: 64, 64>}, {pipeline_mode = #tpu.pipeline_mode<synchronous>, transform_indices = @transform_8, window_bounds = array<i64: 1, 64>}, {pipeline_mode = #tpu.pipeline_mode<synchronous>, transform_indices = @transform_9, window_bounds = array<i64: 64, 8>}, {pipeline_mode = #tpu.pipeline_mode<synchronous>, transform_indices = @transform_10, window_bounds = array<i64: 1, 8>}, {transform_indices = @transform_11, window_bounds = array<i64: 1280, 8>}]} {
    %get3A = arith.constant 0 : index
    %get3A_0 = arith.constant 0 : index
    %get3A_1 = vector.load %arg1[%get3A, %get3A_0] : memref<1280x64xf32, #tpu.memory_space<vmem>>, vector<1280x64xf32>
    %get3A_2 = arith.constant 0 : index
    %get3A_3 = arith.constant 0 : index
    %get3A_4 = vector.load %arg3[%get3A_2, %get3A_3] : memref<64x64xf32, #tpu.memory_space<vmem>>, vector<64x64xf32>
    %dot_general3A = arith.constant dense<0.000000e+00> : vector<1280x64xf32>
    %dot_general3A_5 = tpu.matmul %get3A_1, %get3A_4, %dot_general3A {dimension_numbers = #tpu.dot_dimension_numbers<[1], [0], [0], [1], [0, 0, 1, 1], [], []>, transpose_lhs_hint = false} : vector<1280x64xf32>, vector<64x64xf32>, vector<1280x64xf32> -> vector<1280x64xf32>
    %get3A_6 = arith.constant 0 : index
    %get3A_7 = arith.constant 0 : index
    %get3A_8 = vector.load %arg2[%get3A_6, %get3A_7] : memref<1280x64xf32, #tpu.memory_space<vmem>>, vector<1280x64xf32>
    %get3A_9 = arith.constant 0 : index
    %get3A_10 = arith.constant 0 : index
    %get3A_11 = vector.load %arg4[%get3A_9, %get3A_10] : memref<64x64xf32, #tpu.memory_space<vmem>>, vector<64x64xf32>
    %dot_general3A_12 = arith.constant dense<0.000000e+00> : vector<1280x64xf32>
    %dot_general3A_13 = tpu.matmul %get3A_8, %get3A_11, %dot_general3A_12 {dimension_numbers = #tpu.dot_dimension_numbers<[1], [0], [0], [1], [0, 0, 1, 1], [], []>, transpose_lhs_hint = false} : vector<1280x64xf32>, vector<64x64xf32>, vector<1280x64xf32> -> vector<1280x64xf32>
    %add3A = arith.addf %dot_general3A_5, %dot_general3A_13 : vector<1280x64xf32>
    %get3A_14 = arith.constant 0 : index
    %get3A_15 = arith.constant 0 : index
    %get3A_16 = vector.load %arg5[%get3A_14, %get3A_15] : memref<1x64xf32, #tpu.memory_space<vmem>>, vector<1x64xf32>
    %add3A_17 = vector.broadcast %get3A_16 : vector<1x64xf32> to vector<1280x64xf32>
    %add3A_18 = arith.addf %add3A, %add3A_17 : vector<1280x64xf32>
    %get3A_19 = arith.constant 0 : index
    %get3A_20 = arith.constant 0 : index
    %get3A_21 = vector.load %arg6[%get3A_19, %get3A_20] : memref<1x64xf32, #tpu.memory_space<vmem>>, vector<1x64xf32>
    %rsqrt3A = arith.constant 1.000010e+00 : f32
    %rsqrt3A_22 = math.rsqrt %rsqrt3A : f32
    %mul3A = vector.broadcast %rsqrt3A_22 : f32 to vector<1x64xf32>
    %mul3A_23 = arith.mulf %get3A_21, %mul3A : vector<1x64xf32>
    %mul3A_24 = vector.broadcast %mul3A_23 : vector<1x64xf32> to vector<1280x64xf32>
    %mul3A_25 = arith.mulf %add3A_18, %mul3A_24 : vector<1280x64xf32>
    %get3A_26 = arith.constant 0 : index
    %get3A_27 = arith.constant 0 : index
    %get3A_28 = vector.load %arg7[%get3A_26, %get3A_27] : memref<1x64xf32, #tpu.memory_space<vmem>>, vector<1x64xf32>
    %add3A_29 = vector.broadcast %get3A_28 : vector<1x64xf32> to vector<1280x64xf32>
    %add3A_30 = arith.addf %mul3A_25, %add3A_29 : vector<1280x64xf32>
    %max3A = arith.constant 0.000000e+00 : f32
    %max3A_31 = vector.broadcast %max3A : f32 to vector<1280x64xf32>
    %max3A_32 = arith.maximumf %add3A_30, %max3A_31 : vector<1280x64xf32>
    %get3A_33 = arith.constant 0 : index
    %get3A_34 = arith.constant 0 : index
    %get3A_35 = vector.load %arg8[%get3A_33, %get3A_34] : memref<64x64xf32, #tpu.memory_space<vmem>>, vector<64x64xf32>
    %dot_general3A_36 = arith.constant dense<0.000000e+00> : vector<1280x64xf32>
    %dot_general3A_37 = tpu.matmul %max3A_32, %get3A_35, %dot_general3A_36 {dimension_numbers = #tpu.dot_dimension_numbers<[1], [0], [0], [1], [0, 0, 1, 1], [], []>, transpose_lhs_hint = false} : vector<1280x64xf32>, vector<64x64xf32>, vector<1280x64xf32> -> vector<1280x64xf32>
    %get3A_38 = arith.constant 0 : index
    %get3A_39 = arith.constant 0 : index
    %get3A_40 = vector.load %arg9[%get3A_38, %get3A_39] : memref<1x64xf32, #tpu.memory_space<vmem>>, vector<1x64xf32>
    %add3A_41 = vector.broadcast %get3A_40 : vector<1x64xf32> to vector<1280x64xf32>
    %add3A_42 = arith.addf %dot_general3A_37, %add3A_41 : vector<1280x64xf32>
    %max3A_43 = arith.constant 0.000000e+00 : f32
    %max3A_44 = vector.broadcast %max3A_43 : f32 to vector<1280x64xf32>
    %max3A_45 = arith.maximumf %add3A_42, %max3A_44 : vector<1280x64xf32>
    %get3A_46 = arith.constant 0 : index
    %get3A_47 = arith.constant 0 : index
    %get3A_48 = vector.load %arg10[%get3A_46, %get3A_47] : memref<64x8xf32, #tpu.memory_space<vmem>>, vector<64x8xf32>
    %dot_general3A_49 = arith.constant dense<0.000000e+00> : vector<1280x8xf32>
    %dot_general3A_50 = tpu.matmul %max3A_45, %get3A_48, %dot_general3A_49 {dimension_numbers = #tpu.dot_dimension_numbers<[1], [0], [0], [1], [0, 0, 1, 1], [], []>, transpose_lhs_hint = false} : vector<1280x64xf32>, vector<64x8xf32>, vector<1280x8xf32> -> vector<1280x8xf32>
    %get3A_51 = arith.constant 0 : index
    %get3A_52 = arith.constant 0 : index
    %get3A_53 = vector.load %arg11[%get3A_51, %get3A_52] : memref<1x8xf32, #tpu.memory_space<vmem>>, vector<1x8xf32>
    %add3A_54 = vector.broadcast %get3A_53 : vector<1x8xf32> to vector<1280x8xf32>
    %add3A_55 = arith.addf %dot_general3A_50, %add3A_54 : vector<1280x8xf32>
    %swap3A = arith.constant 0 : index
    %swap3A_56 = arith.constant 0 : index
    %swap3A_57 = vector.load %arg12[%swap3A, %swap3A_56] : memref<1280x8xf32, #tpu.memory_space<vmem>>, vector<1280x8xf32>
    tpu.vector_store %arg12[%swap3A, %swap3A_56], %add3A_55 {strides = array<i32>} : memref<1280x8xf32, #tpu.memory_space<vmem>>, vector<1280x8xf32>,
    return
  }
  func.func @transform_0(%arg0: i32) -> (i32, i32) {
    %c0_i32 = arith.constant 0 : i32
    %c0_i32_0 = arith.constant 0 : i32
    return %arg0, %c0_i32 : i32, i32
  }
  func.func @transform_1(%arg0: i32) -> (i32, i32) {
    %c0_i32 = arith.constant 0 : i32
    %c0_i32_0 = arith.constant 0 : i32
    return %arg0, %c0_i32 : i32, i32
  }
  func.func @transform_2(%arg0: i32) -> (i32, i32) {
    %c0_i32 = arith.constant 0 : i32
    %c0_i32_0 = arith.constant 0 : i32
    %c0_i32_1 = arith.constant 0 : i32
    return %c0_i32, %c0_i32_0 : i32, i32
  }
  func.func @transform_3(%arg0: i32) -> (i32, i32) {
    %c0_i32 = arith.constant 0 : i32
    %c0_i32_0 = arith.constant 0 : i32
    %c0_i32_1 = arith.constant 0 : i32
    return %c0_i32, %c0_i32_0 : i32, i32
  }
  func.func @transform_4(%arg0: i32) -> (i32, i32) {
    %c0_i32 = arith.constant 0 : i32
    %c0_i32_0 = arith.constant 0 : i32
    %c0_i32_1 = arith.constant 0 : i32
    return %c0_i32, %c0_i32_0 : i32, i32
  }
  func.func @transform_5(%arg0: i32) -> (i32, i32) {
    %c0_i32 = arith.constant 0 : i32
    %c0_i32_0 = arith.constant 0 : i32
    %c0_i32_1 = arith.constant 0 : i32
    return %c0_i32, %c0_i32_0 : i32, i32
  }
  func.func @transform_6(%arg0: i32) -> (i32, i32) {
    %c0_i32 = arith.constant 0 : i32
    %c0_i32_0 = arith.constant 0 : i32
    %c0_i32_1 = arith.constant 0 : i32
    return %c0_i32, %c0_i32_0 : i32, i32
  }
  func.func @transform_7(%arg0: i32) -> (i32, i32) {
    %c0_i32 = arith.constant 0 : i32
    %c0_i32_0 = arith.constant 0 : i32
    %c0_i32_1 = arith.constant 0 : i32
    return %c0_i32, %c0_i32_0 : i32, i32
  }
  func.func @transform_8(%arg0: i32) -> (i32, i32) {
    %c0_i32 = arith.constant 0 : i32
    %c0_i32_0 = arith.constant 0 : i32
    %c0_i32_1 = arith.constant 0 : i32
    return %c0_i32, %c0_i32_0 : i32, i32
  }
  func.func @transform_9(%arg0: i32) -> (i32, i32) {
    %c0_i32 = arith.constant 0 : i32
    %c0_i32_0 = arith.constant 0 : i32
    %c0_i32_1 = arith.constant 0 : i32
    return %c0_i32, %c0_i32_0 : i32, i32
  }
  func.func @transform_10(%arg0: i32) -> (i32, i32) {
    %c0_i32 = arith.constant 0 : i32
    %c0_i32_0 = arith.constant 0 : i32
    %c0_i32_1 = arith.constant 0 : i32
    return %c0_i32, %c0_i32_0 : i32, i32
  }
  func.func @transform_11(%arg0: i32) -> (i32, i32) {
    %c0_i32 = arith.constant 0 : i32
    %c0_i32_0 = arith.constant 0 : i32
    return %arg0, %c0_i32 : i32, i32
  }
}

</mosaic_0001>

<sc_bundles>
// kernel: kernel.10.cloned.1.call-start
scs
__scs_entry_jumppad:
0x0: {  	(pc) =	sbr.rel $0x88, $3  }
0x1: {  	(tag) =	ssettag $0x0;
	lr =	simm.s32 $0x1  }
0x2: {  	[smem:$0x3F8F] =	sst lr;
	_ =	strace $0xD0000000  }
0x3: {  	_ = 	snop  }
0x4: {  	_ = 	snop  }
0x5: {  	_ = 	snop  }
0x6: {  	_ = 	snop  }
0x7: {  	_ = 	snop  }
__scs_overlays_trampoline_lowered:
0x8: {  	[smem:$0x3F9E] =	sst s0  }
0x9: {  	[smem:$0x3F9F] =	sst s1  }
0xa: {  	[smem:$0x3FA0] =	sst s2  }
0xb: {  	[smem:$0x3FA1] =	sst s3  }
0xc: {  	[smem:$0x3FA2] =	sst s4  }
0xd: {  	[smem:$0x3FA3] =	sst s5  }
0xe: {  	[smem:$0x3FA4] =	sst s6  }
0xf: {  	[smem:$0x3FA5] =	sst s7  }
0x10: {  	[smem:$0x3FA6] =	sst s8  }
0x11: {  	[smem:$0x3FA7] =	sst s9;
	s0 =	simm.s32 @!p0 $0x0  }
0x12: {  	s1 =	sld [smem:$0x3F8D];
	s0 =	simm.s32 @p0 $0x1  }
0x13: {  	[smem:$0x3FA8] =	sst s0;
	s0 =	simm.s32 @!p1 $0x0  }
0x14: {  	s2 =	sld [smem:$0x3F8C];
	s0 =	simm.s32 @p1 $0x1  }
0x15: {  	[smem:$0x3FA9] =	sst s0;
	s0 =	simm.s32 @!p2 $0x0  }
0x16: {  	s3 =	sld [smem:$0x3FDB];
	s0 =	simm.s32 @p2 $0x1  }
0x17: {  	s4 =	simm.s32 $0x1BF5;
	[smem:$0x3FAB] =	sst s0  }
0x18: {  	s0 =	sld [smem:$0x3F8E];
	_ =	swait.ge [sflag:s4], $0x0  }
0x19: {  	s7 =	sld [smem:$0x3F8F]  }
0x1a: {  	s8 =	sadd.s32 $0xFFFFE003, lr  }
0x1b: {  	s9 =	sadd.s32 $0xFFFFFEF7, lr;
	s5 =	simm.s32 $0xFFFFFFFF;
	p2 =	slt.u32 s8, $0xFFFFF086  }
0x1c: {  	p1 =	slt.u32 s9, $0xF7A;
	s5 =	simm.s32 @!p2 $0x0  }
0x1d: {  	s5 =	simm.s32 @p1 $0x1;
	p0 =	seq.s32 s7, s2  }
0x1e: {  	s7 =	smul.u32 @!p0 $0xF7A, s2;
	p2 =	seq.s32 @!p0 s5, $0x0  }
0x1f: {  	s9 =	smul.u32 $0xF7A, s1;
	s8 =	simm.s32 @!p0 $0x1BF5;
	p2 =	por !p2, p0  }
0x20: {  	[sflag:s8] =	ssyncset.s32 @!p0 $0xFFFFF086;
	s6 =	sadd.s32 @!p0 s3, s7;
	s7 =	simm.s32 @!p0 $0x108  }
0x21: {  	s3 =	sadd.s32 s3, s9;
	s6 =	sadd.s32 @!p0 $0x88, s6;
	s7 =	simm.s32 @p2 $0x1082  }
0x22: {  	[simem:s7], [sflag:s8] =	dma.local @!p0 [hbm:s6], $0xF7A  }
0x23: {  	s9 =	sor.u32 $0xD0000000, s2;
	s6 =	simm.s32 $0x108;
	_ =	swait.ge @!p0 [sflag:s8], $0x0  }
0x24: {  	s3 =	sadd.s32 $0x88, s3;
	s6 =	simm.s32 @!p1 $0x1082;
	[sflag:s4] =	ssyncset.s32 $0xFFFFF086  }
0x25: {  	[simem:s6], [sflag:s4] =	dma.local [hbm:s3], $0xF7A  }
0x26: {  	[smem:$0x3F8F] =	sst s1;
	(tag) =	ssettag s2;
	_ =	strace s9  }
0x27: {  	s1 =	sld [smem:$0x3F9F]  }
0x28: {  	s2 =	sld [smem:$0x3FA0]  }
0x29: {  	s4 =	sld [smem:$0x3FA2]  }
0x2a: {  	p0 =	seq.s32 s5, $0x0;
	s5 =	sld [smem:$0x3FA3]  }
0x2b: {  	s6 =	sld [smem:$0x3FA4]  }
0x2c: {  	s7 =	sld [smem:$0x3FA5]  }
0x2d: {  	s3 =	simm.s32 $0x108;
	s8 =	sld [smem:$0x3FA6]  }
0x2e: {  	s3 =	simm.s32 @!p0 $0x1082;
	s9 =	sld [smem:$0x3FA7]  }
0x2f: {  	lr =	sadd.s32 s0, s3;
	s0 =	sld [smem:$0x3F9E]  }
0x30: {  	s3 =	sld [smem:$0x3FA1]  }
0x31: {  	[smem:$0x3FAA] =	sst s10  }
0x32: {  	s10 =	sld [smem:$0x3FA8];
	_ =	sdelay $0x3  }
0x33: {  	p0 =	seq.s32 s10, $0x1;
	s10 =	sld [smem:$0x3FAA];
	_ =	sdelay $0x3  }
0x34: {  	[smem:$0x3FAA] =	sst s10  }
0x35: {  	s10 =	sld [smem:$0x3FA9];
	_ =	sdelay $0x3  }
0x36: {  	p1 =	seq.s32 s10, $0x1;
	s10 =	sld [smem:$0x3FAA];
	_ =	sdelay $0x3  }
0x37: {  	[smem:$0x3FAA] =	sst s10  }
0x38: {  	s10 =	sld [smem:$0x3FAB]  }
0x39: {  	_ = 	snop;
	(pc) =	sbr.ind lr, $3  }
0x3a: {  	_ = 	snop  }
0x3b: {  	_ = 	snop  }
0x3c: {  	p2 =	seq.s32 s10, $0x1;
	s10 =	sld [smem:$0x3FAA]  }
0x3d: {  	_ =	shalt  }
0x3e: {  	_ =	shalt  }
0x3f: {  	_ =	shalt  }
0x40: {  	_ =	shalt  }
0x41: {  	_ =	shalt  }
0x42: {  	_ =	shalt  }
0x43: {  	_ =	shalt  }
0x44: {  	_ =	shalt  }
0x45: {  	_ =	shalt  }
0x46: {  	_ =	shalt  }
0x47: {  	_ =	shalt  }
0x48: {  	_ =	shalt  }
0x49: {  	_ =	shalt  }
0x4a: {  	_ =	shalt  }
0x4b: {  	_ =	shalt  }
0x4c: {  	_ =	shalt  }
0x4d: {  	_ =	shalt  }
0x4e: {  	_ =	shalt  }
0x4f: {  	_ =	shalt  }
0x50: {  	_ =	shalt  }
0x51: {  	_ =	shalt  }
0x52: {  	_ =	shalt  }
0x53: {  	_ =	shalt  }
0x54: {  	_ =	shalt  }
0x55: {  	_ =	shalt  }
0x56: {  	_ =	shalt  }
0x57: {  	_ =	shalt  }
0x58: {  	_ =	shalt  }
0x59: {  	_ =	shalt  }
0x5a: {  	_ =	shalt  }
0x5b: {  	_ =	shalt  }
0x5c: {  	_ =	shalt  }
0x5d: {  	_ =	shalt  }
0x5e: {  	_ =	shalt  }
0x5f: {  	_ =	shalt  }
0x60: {  	_ =	shalt  }
0x61: {  	_ =	shalt  }
0x62: {  	_ =	shalt  }
0x63: {  	_ =	shalt  }
0x64: {  	_ =	shalt  }
0x65: {  	_ =	shalt  }
0x66: {  	_ =	shalt  }
0x67: {  	_ =	shalt  }
0x68: {  	_ =	shalt  }
0x69: {  	_ =	shalt  }
0x6a: {  	_ =	shalt  }
0x6b: {  	_ =	shalt  }
0x6c: {  	_ =	shalt  }
0x6d: {  	_ =	shalt  }
0x6e: {  	_ =	shalt  }
0x6f: {  	_ =	shalt  }
0x70: {  	_ =	shalt  }
0x71: {  	_ =	shalt  }
0x72: {  	_ =	shalt  }
0x73: {  	_ =	shalt  }
0x74: {  	_ =	shalt  }
0x75: {  	_ =	shalt  }
0x76: {  	_ =	shalt  }
0x77: {  	_ =	shalt  }
0x78: {  	_ =	shalt  }
0x79: {  	_ =	shalt  }
0x7a: {  	_ =	shalt  }
0x7b: {  	_ =	shalt  }
0x7c: {  	_ =	shalt  }
0x7d: {  	_ =	shalt  }
0x7e: {  	_ =	shalt  }
0x7f: {  	_ =	shalt  }
0x80: {  	_ =	shalt  }
0x81: {  	_ =	shalt  }
0x82: {  	_ =	shalt  }
0x83: {  	_ =	shalt  }
0x84: {  	_ =	shalt  }
0x85: {  	_ =	shalt  }
0x86: {  	_ =	shalt  }
0x87: {  	_ =	shalt  }
.Lfunc_end0:
.L_simem_size_0:
called_computation.1_lowered:
.L_overlay_start_0:
0x88: {  	s2 =	sld [smem:$0x3FD9]  }
0x89: {  	s3 =	sld [smem:$0x3FFE];
	_ =	sdelay $0x1  }
0x8a: {  	s1 =	srdreg.scid  }
0x8b: {  	s0 =	sand.u32 $0x1, s1  }
0x8c: {  	s16 =	sshll.u32 s0, $0xA;
	s2 =	sadd.s32 s3, s2  }
0x8d: {  	s2 =	sadd.s32 s2, s16  }
0x8e: {  	[smem:$0x3FB6] =	sst s2  }
0x8f: {  	_ = 	snop  }
0x90: {  	(tm) =	ssettm $0x1  }
0x91: {  	s17 =	sld [smem:$0x3FFB];
	_ =	sdelay $0x3  }
0x92: {  	_ =	strace s17  }
0x93: {  	s2 =	sld [smem:$0x3FFC];
	_ =	sdelay $0x3  }
0x94: {  	_ =	strace s2  }
0x95: {  	s2 =	sld [smem:$0x3FFD];
	_ =	sdelay $0x3  }
0x96: {  	_ =	strace s2  }
0x97: {  	_ =	strace $0x8FFFFFFF  }
0x98: {  	s18 =	sld [smem:$0x3FDB];
	_ =	sdelay $0x1  }
0x99: {  	s19 =	simm.s32 $_scs_section_size  }
0x9a: {  	s4 =	simm.s32 $_size__tile_overlayer_lowered;
	s5 =	simm.s32 $_tile_overlayer_lowered  }
0x9b: {  	s22 =	simm.s32 $0x1BFF;
	s21 =	sshll.u32 s5, $0x1;
	s2 =	sadd.s32 s19, s18  }
0x9c: {  	s6 =	simm.s32 $0x0;
	s20 =	sshll.u32 s4, $0x1;
	s4 =	sadd.s32 s21, s2  }
0x9d: {  	[timem:s6], [sflag:s22] =	dma.local [hbm:s4], s20  }
0x9e: {  	_ =	swait.ge [sflag:s22], s20  }
0x9f: {  	s3 =	ssub.s32 $0x0, s20;
	[sflag:s22] =	ssyncset.done $0x0  }
0xa0: {  	[sflag:s22] =	ssyncadd.s32 s3;
	_ =	sdelay $0x1  }
0xa1: {  	s23 =	simm.s32 $0x1B8B  }
0xa2: {  	_ =	swait.ge [sflag:s23], $0x1  }
0xa3: {  	[sflag:s23] =	ssyncset.done $0x0  }
0xa4: {  	s25 =	simm.s32 $0x1B8E;
	s24 =	sld [smem:$0x3FFE];
	[sflag:s23] =	ssyncadd.s32 $0xFFFFFFFF  }
0xa5: {  	s26 =	simm.s32 $execute0_lowered;
	[smem:$0x3FD2] =	sst s25  }
0xa6: {  	s4 =	sshll.u32 s26, $0x1;
	_ =	strace $0x80000049;
	[dreg:$0x1] =	wrdreg $0xFFFFFFFF  }
0xa7: {  	s28 =	simm.s32 $_size_execute0_lowered;
	s2 =	sadd.s32 s2, s4;
	[dreg:$0x0] =	wrdreg $0x0  }
0xa8: {  	s4 =	sshll.u32 s28, $0x1;
	[dreg:$0x2] =	wrdreg s2  }
0xa9: {  	[dreg:$0x3] =	wrdreg s4  }
0xaa: {  	[dreg:$0x4] =	wrdreg $0xC0  }
0xab: {  	_ =	task [dreg:s6], $0x5FFFF  }
0xac: {  	[dreg:$0x1] =	wrdreg $0xFFFFFFFF  }
0xad: {  	[dreg:$0x0] =	wrdreg $0x60  }
0xae: {  	[dreg:$0x2] =	wrdreg s24  }
0xaf: {  	[dreg:$0x3] =	wrdreg $0xDA000  }
0xb0: {  	[dreg:$0x4] =	wrdreg $0x9  }
0xb1: {  	_ =	task.clear_ibuf [dreg:s6], $0x5FFFF;
	_ =	strace $0x90000049  }
0xb2: {  	s29 =	simm.s32 $0x9;
	_ =	strace $0x8000004B  }
0xb3: {  	_ =	swait.ge [sflag:s29], $0x1  }
0xb4: {  	[sflag:s29] =	ssyncadd.s32 $0xFFFFFFFF  }
0xb5: {  	_ =	strace $0x9000004B  }
0xb6: {  	_ =	sfence  }
0xb7: {  	s30 =	sld [smem:$0x0];
	_ =	sdelay $0x2  }
0xb8: {  	s31 =	sshll.u32 s1, $0xD;
	s1 =	sshrl.u32 s1, $0x2  }
0xb9: {  	s3 =	sand.u32 $0x4000, s31;
	s1 =	sadd.s32 s1, s30  }
0xba: {  	s0 =	sor.u32 s3, s0;
	s1 =	sshll.u32 s1, $0x11  }
0xbb: {  	s0 =	sor.u32 s1, s0  }
0xbc: {  	s0 =	sadd.s32 $0x8F2B, s0  }
0xbd: {  	[sflag:s0] =	ssyncadd.remote.s32 $0x1  }
0xbe: {  	_ =	sfence.sel $0xFFFF  }
0xbf: {  	[dreg:$0x0] =	wrdreg $0xFFFFFFFF;
	(pc) =	sbr.abs _section_cstart, $3  }
0xc0: {  	[dreg:$0x1] =	wrdreg $0xFFFFFFFF  }
0xc1: {  	_ =	task.clear_ibuf [dreg:s6], $0x2FFFF;
	_ =	strace $0x9FFFFFFF  }
0xc2: {  	(tm) =	ssettm $0x7FFFFFFF  }
0xc3: {  	_ =	shalt  }
tec
execute0_lowered:
.L_overlay_start_1:
0x0: {  	(tag) =	ssettag $0x1  }
0x1: {  	s6 =	rddreg [dreg:$0x0]  }
0x2: {  	s1 =	rddreg [dreg:$0x1]  }
0x3: {  	s0 =	rddreg [dreg:$0x2];
	s3 =	srdreg.scid  }
0x4: {  	s7 =	stileid.u32;
	s2 =	simm.s32 $0x0;
	s11 =	simm.s32 $0xAE80  }
0x5: {  	s12 =	simm.s32 $0x0;
	s8 =	sand.u32 $0x1, s3;
	s30 =	sshll.u32 s7, $0x1  }
0x6: {  	[smem:$0x7FF] =	sst s2;
	s3 =	sadd.s32 $0x16200, s6;
	s4 =	sadd.s32 $0xC400, s6  }
0x7: {  	s5 =	sadd.s32 $0x2600, s6;
	s9 =	sor.u32 s8, s30;
	s8 =	ssub.s32 $0x2, s8  }
0x8: {  	p0 =	sne.s32 s7, $0x0;
	s10 =	smul.u32 $0x1400, s9;
	s31 =	sshrl.u32 s8, $0x1  }
0x9: {  	_ =	strace $0x8000004A;
	s9 =	smul.u32 $0x140, s9;
	s8 =	ssub.s32 s8, s31  }
0xa: {  	v1 =	vimm.f32 $-Inf;
	s6 =	sadd.s32 s10, s6;
	s7 =	smax.u32 s8, $0x1;
	s8 =	sshrl.u32 @!p0 s1, $0x3  }
0xb: {  	v2 =	vimm.s32 $0x10;
	v3 =	vlaneseq.u32;
	v0 =	vmov s9;
	s9 =	simm.s32 $0xA400;
	s10 =	simm.s32 $0x1;
	s6 =	sadd.s32 $0x2A200, s6  }
.LBB2_1:
0xc: {  	s13 =	simm.s32 @!p0 $0x1C01  }
0xd: {  	[spmem:s8], [sflag:s13] =	dma.local @!p0 [hbm:s3], $0x14000  }
0xe: {  	s13 =	simm.s32 @!p0 $0x1  }
0xf: {  	_ =	swait.ge @!p0 [sflag:s13], $0x14000  }
0x10: {  	[sflag:s13] =	ssyncset.done @!p0 $0x0  }
0x11: {  	[sflag:s13] =	ssyncadd.s32 @!p0 $0xFFFEC000  }
0x12: {  	s14 =	simm.s32 $0x200;
	s13 =	simm.s32 $0x0;
	[bflag:$0x0] =	sbarrier.arrive $0xFFFF  }
.LBB2_2:
0x13: {  	p1 =	sne.s32 s14, $0x28000;
	[tilespmem:s13+$0x30] =	vst v1;
	s15 =	smov.u32 s14;
	s14 =	sadd.s32 $0x200, s14  }
.Ltmp0:
0x14: {  	[tilespmem:s13+$0x20] =	vst v1;
	(pc) =	sbr.rel @p1 .LBB2_2-.Ltmp0, $3  }
0x15: {  	[tilespmem:s13+$0x0] =	vst v1  }
0x16: {  	[tilespmem:s13+$0x10] =	vst v1;
	_ =	sdelay $0x1  }
0x17: {  	s13 =	sshra.s32 s15, $0x2  }
0x18: {  	[tilespmem:s13+$0x30] =	vst v1  }
0x19: {  	[tilespmem:s13+$0x20] =	vst v1  }
0x1a: {  	[tilespmem:s13+$0x0] =	vst v1  }
.Ltmp1:
0x1b: {  	[tilespmem:s13+$0x10] =	vst v1;
	(pc) =	sbr.rel .LBB2_4-.Ltmp1, $4  }
0x1c: {  	[tilespmem:$0xD910] =	vst v2  }
0x1d: {  	[tilespmem:$0xD940] =	vst v2  }
0x1e: {  	[tilespmem:$0xD970] =	vst v2  }
0x1f: {  	s13 =	simm.s32 $0x0;
	s14 =	simm.s32 $0x0;
	[tilespmem:$0xD9A0] =	vst v2  }
.LBB2_10:
0x20: {  	s14 =	sadd.s32 $0x1, s14  }
0x21: {  	p1 =	sne.s32 s14, $0x7D  }
.Ltmp2:
0x22: {  	_ = 	snop;
	(pc) =	sbr.rel @!p1 .LBB2_11-.Ltmp2, $1  }
0x23: {  	_ =	sdelay $0x3  }
.LBB2_4:
0x24: {  	s15 =	smul.u32 $0x140, s14;
	_ =	sdelay $0x1  }
0x25: {  	s16 =	sadd.s32 s4, s15  }
0x26: {  	[tilespmem:s9], [sflag:$0x1] =	stream.linear.gather [hbm4b:s16+s13], $0xA00, $0x38;
	[tilespmem:$0x17A00] =	vst v63  }
0x27: {  	_ =	swait.ge [sflag:s10], $0xA00  }
0x28: {  	[sflag:s10] =	ssyncset.done $0x0  }
0x29: {  	s15 =	sadd.s32 s5, s15;
	[sflag:s10] =	ssyncadd.s32 $0xFFFFF600  }
0x2a: {  	[tilespmem:s11], [sflag:$0x1] =	stream.linear.gather [hbm4b:s15+s13], $0xA00, $0x38;
	[tilespmem:$0x17A00] =	vst v63  }
0x2b: {  	_ =	swait.ge [sflag:s10], $0xA00  }
0x2c: {  	[sflag:s10] =	ssyncset.done $0x0  }
0x2d: {  	s15 =	simm.s32 $0x0;
	[sflag:s10] =	ssyncadd.s32 $0xFFFFF600  }
0x2e: {  	v4 =	vld [tilespmem:s15+$0xA400]  }
0x2f: {  	v5 =	vld [tilespmem:s15+$0xAE80];
	_ =	sdelay $0x4  }
0x30: {  	v5 =	vsub.s32 v5, v0;
	v4 =	vshll.u32 v4, $0x6  }
0x31: {  	vm0 =	vlt.u32 v5, $0x140;
	v5 =	vmin.u32 v5, $0x140;
	[tilespmem:s15+$0xCE00] =	vst v4  }
0x32: {  	[tilespmem:s15+$0xB900] =	vst v5;
	v4 =	vnsel vm0, $0x10, v3  }
0x33: {  	[tilespmem:$0xD900] =	vst v4  }
0x34: {  	v4 =	vld [tilespmem:s15+$0xAE90];
	_ =	sdelay $0x1  }
0x35: {  	v5 =	vld [tilespmem:s15+$0xA410];
	_ =	sdelay $0x2  }
0x36: {  	v4 =	vsub.s32 v4, v0  }
0x37: {  	v6 =	vmin.u32 v4, $0x140  }
0x38: {  	vm13 =	vlt.u32 v4, $0x140;
	v4 =	vshll.u32 v5, $0x6;
	[tilespmem:s15+$0xB910] =	vst v6  }
0x39: {  	v5 =	vnsel vm13, $0x10, v3;
	[tilespmem:s15+$0xCE10] =	vst v4  }
0x3a: {  	[tilespmem:$0xD930] =	vst v5  }
0x3b: {  	v4 =	vld [tilespmem:s15+$0xAEA0];
	_ =	sdelay $0x1  }
0x3c: {  	v5 =	vld [tilespmem:s15+$0xA420];
	_ =	sdelay $0x2  }
0x3d: {  	v4 =	vsub.s32 v4, v0  }
0x3e: {  	v6 =	vmin.u32 v4, $0x140  }
0x3f: {  	vm14 =	vlt.u32 v4, $0x140;
	v4 =	vshll.u32 v5, $0x6;
	[tilespmem:s15+$0xB920] =	vst v6  }
0x40: {  	v5 =	vnsel vm14, $0x10, v3;
	[tilespmem:s15+$0xCE20] =	vst v4  }
0x41: {  	[tilespmem:$0xD960] =	vst v5  }
0x42: {  	v4 =	vld [tilespmem:s15+$0xAEB0]  }
0x43: {  	v5 =	vld [tilespmem:s15+$0xA430];
	_ =	sdelay $0x4  }
0x44: {  	v4 =	vsub.s32 v4, v0;
	v5 =	vshll.u32 v5, $0x6  }
0x45: {  	v6 =	vmin.u32 v4, $0x140;
	[tilespmem:s15+$0xCE30] =	vst v5  }
0x46: {  	[tilespmem:s15+$0xB930] =	vst v6  }
0x47: {  	v5 =	vld [tilespmem:$0xD961]  }
0x48: {  	vm15 =	vlt.u32 v4, $0x140;
	v4 =	vld [tilespmem:$0xD900]  }
0x49: {  	v7 =	vld [tilespmem:$0xD931]  }
0x4a: {  	v6 =	vnsel vm15, $0x10, v3;
	v8 =	vld [tilespmem:$0xD960]  }
0x4b: {  	[tilespmem:$0xD990] =	vst v6;
	v11 =	vld [tilespmem:$0xD901]  }
0x4c: {  	v9 =	vld [tilespmem:$0xD991]  }
0x4d: {  	v10 =	vld [tilespmem:$0xD930];
	_ =	sdelay $0x1  }
0x4e: {  	vm4 =	vlt.s32 v8, v5  }
0x4f: {  	vm6 =	vlt.s32 v4, v11;
	v5 =	vsel vm4, v8, v5  }
0x50: {  	vm5 =	vlt.s32 v6, v9;
	v4 =	vsel vm6, v4, v11;
	[tilespmem:$0xD960] =	vst v5  }
0x51: {  	vm1 =	vlt.s32 v10, v7;
	v6 =	vsel vm5, v6, v9;
	[tilespmem:$0xD900] =	vst v4;
	v52 =	vld [tilespmem:$0xD962]  }
0x52: {  	v7 =	vsel vm1, v10, v7;
	[tilespmem:$0xD990] =	vst v6;
	v55 =	vld [tilespmem:$0xD902]  }
0x53: {  	[tilespmem:$0xD930] =	vst v7;
	v53 =	vld [tilespmem:$0xD992]  }
0x54: {  	v54 =	vld [tilespmem:$0xD932];
	_ =	sdelay $0x1  }
0x55: {  	vm7 =	vlt.s32 v5, v52  }
0x56: {  	vm9 =	vlt.s32 v4, v55;
	v5 =	vsel vm7, v5, v52  }
0x57: {  	vm8 =	vlt.s32 v6, v53;
	v4 =	vsel vm9, v4, v55;
	[tilespmem:$0xD960] =	vst v5  }
0x58: {  	vm1 =	vlt.s32 v7, v54;
	v6 =	vsel vm8, v6, v53;
	[tilespmem:$0xD900] =	vst v4;
	v56 =	vld [tilespmem:$0xD964]  }
0x59: {  	v7 =	vsel vm1, v7, v54;
	[tilespmem:$0xD990] =	vst v6;
	v59 =	vld [tilespmem:$0xD904]  }
0x5a: {  	[tilespmem:$0xD930] =	vst v7;
	v57 =	vld [tilespmem:$0xD994]  }
0x5b: {  	v58 =	vld [tilespmem:$0xD934];
	_ =	sdelay $0x1  }
0x5c: {  	vm10 =	vlt.s32 v5, v56  }
0x5d: {  	vm12 =	vlt.s32 v4, v59;
	v5 =	vsel vm10, v5, v56  }
0x5e: {  	vm11 =	vlt.s32 v6, v57;
	v4 =	vsel vm12, v4, v59;
	[tilespmem:$0xD960] =	vst v5  }
0x5f: {  	vm1 =	vlt.s32 v7, v58;
	v6 =	vsel vm11, v6, v57;
	[tilespmem:$0xD900] =	vst v4;
	v60 =	vld [tilespmem:$0xD968]  }
0x60: {  	v7 =	vsel vm1, v7, v58;
	[tilespmem:$0xD990] =	vst v6;
	v63 =	vld [tilespmem:$0xD908]  }
0x61: {  	[tilespmem:$0xD930] =	vst v7;
	v61 =	vld [tilespmem:$0xD998]  }
0x62: {  	v62 =	vld [tilespmem:$0xD938];
	_ =	sdelay $0x1  }
0x63: {  	vm13 =	vlt.s32 v5, v60  }
0x64: {  	vm15 =	vlt.s32 v4, v63;
	v5 =	vsel vm13, v5, v60  }
0x65: {  	vm14 =	vlt.s32 v6, v61;
	v4 =	vsel vm15, v4, v63;
	[tilespmem:$0xD960] =	vst v5  }
0x66: {  	vm1 =	vlt.s32 v7, v62;
	v5 =	vsel vm14, v6, v61;
	[tilespmem:$0xD900] =	vst v4  }
0x67: {  	v6 =	vsel vm1, v7, v62;
	[tilespmem:$0xD990] =	vst v5  }
0x68: {  	[tilespmem:$0xD930] =	vst v6  }
0x69: {  	[tilespmem:s15+$0xC380] =	vst v4  }
0x6a: {  	v4 =	vld [tilespmem:$0xD930];
	_ =	sdelay $0x4  }
0x6b: {  	[tilespmem:s15+$0xC390] =	vst v4  }
0x6c: {  	s17 =	simm.s32 $0x200;
	s16 =	simm.s32 $0x100;
	v4 =	vld [tilespmem:$0xD960]  }
.LBB2_5:
0x6d: {  	p1 =	sne.s32 s17, $0x2700  }
0x6e: {  	s18 =	sshra.s32 s16, $0x2;
	s16 =	smov.u32 s17;
	s17 =	sadd.s32 $0x100, s17  }
0x6f: {  	v5 =	vld [tilespmem:s18+$0xA400]  }
0x70: {  	v6 =	vld [tilespmem:s18+$0xAE80];
	_ =	sdelay $0x1  }
0x71: {  	[tilespmem:s15+$0xC3A0] =	vst v4  }
0x72: {  	v4 =	vld [tilespmem:$0xD990];
	_ =	sdelay $0x1  }
0x73: {  	v5 =	vshll.u32 v5, $0x6;
	v6 =	vsub.s32 v6, v0  }
0x74: {  	vm0 =	vlt.u32 v6, $0x140;
	v6 =	vmin.u32 v6, $0x140;
	[tilespmem:s18+$0xCE00] =	vst v5  }
0x75: {  	[tilespmem:s18+$0xB900] =	vst v6  }
0x76: {  	v5 =	vnsel vm0, $0x10, v3;
	[tilespmem:s15+$0xC3B0] =	vst v4;
	s15 =	smov.u32 s18  }
0x77: {  	[tilespmem:$0xD900] =	vst v5  }
0x78: {  	v4 =	vld [tilespmem:s15+$0xAE90]  }
0x79: {  	v5 =	vld [tilespmem:s15+$0xA410];
	_ =	sdelay $0x3  }
0x7a: {  	v4 =	vsub.s32 v4, v0  }
0x7b: {  	vm0 =	vlt.u32 v4, $0x140;
	v4 =	vmin.u32 v4, $0x140;
	v5 =	vshll.u32 v5, $0x6  }
0x7c: {  	[tilespmem:s15+$0xB910] =	vst v4;
	v4 =	vnsel vm0, $0x10, v3  }
0x7d: {  	[tilespmem:s15+$0xCE10] =	vst v5  }
0x7e: {  	[tilespmem:$0xD930] =	vst v4  }
0x7f: {  	v4 =	vld [tilespmem:s15+$0xAEA0]  }
0x80: {  	v5 =	vld [tilespmem:s15+$0xA420];
	_ =	sdelay $0x3  }
0x81: {  	v4 =	vsub.s32 v4, v0  }
0x82: {  	vm0 =	vlt.u32 v4, $0x140;
	v4 =	vmin.u32 v4, $0x140;
	v5 =	vshll.u32 v5, $0x6  }
0x83: {  	[tilespmem:s15+$0xB920] =	vst v4;
	v4 =	vnsel vm0, $0x10, v3  }
0x84: {  	[tilespmem:s15+$0xCE20] =	vst v5  }
0x85: {  	[tilespmem:$0xD960] =	vst v4  }
0x86: {  	v4 =	vld [tilespmem:s15+$0xAEB0]  }
0x87: {  	v5 =	vld [tilespmem:s15+$0xA430];
	_ =	sdelay $0x3  }
0x88: {  	v4 =	vsub.s32 v4, v0  }
0x89: {  	vm0 =	vlt.u32 v4, $0x140;
	v4 =	vmin.u32 v4, $0x140  }
0x8a: {  	[tilespmem:s15+$0xB930] =	vst v4;
	v4 =	vshll.u32 v5, $0x6;
	v5 =	vnsel vm0, $0x10, v3  }
0x8b: {  	[tilespmem:s15+$0xCE30] =	vst v4  }
0x8c: {  	[tilespmem:$0xD990] =	vst v5;
	v4 =	vld [tilespmem:$0xD961]  }
0x8d: {  	v6 =	vld [tilespmem:$0xD900]  }
0x8e: {  	v7 =	vld [tilespmem:$0xD931]  }
0x8f: {  	v8 =	vld [tilespmem:$0xD960]  }
0x90: {  	v9 =	vld [tilespmem:$0xD991]  }
0x91: {  	v10 =	vld [tilespmem:$0xD930]  }
0x92: {  	v11 =	vld [tilespmem:$0xD901];
	_ =	sdelay $0x1  }
0x93: {  	vm0 =	vlt.s32 v8, v4  }
0x94: {  	v4 =	vsel vm0, v8, v4;
	vm0 =	vlt.s32 v5, v9  }
0x95: {  	vm1 =	vlt.s32 v10, v7;
	[tilespmem:$0xD960] =	vst v4;
	v5 =	vsel vm0, v5, v9  }
0x96: {  	vm0 =	vlt.s32 v6, v11;
	v7 =	vsel vm1, v10, v7;
	[tilespmem:$0xD990] =	vst v5;
	v8 =	vld [tilespmem:$0xD962]  }
0x97: {  	v6 =	vsel vm0, v6, v11;
	[tilespmem:$0xD930] =	vst v7;
	v9 =	vld [tilespmem:$0xD992]  }
0x98: {  	[tilespmem:$0xD900] =	vst v6;
	v10 =	vld [tilespmem:$0xD932]  }
0x99: {  	v11 =	vld [tilespmem:$0xD902];
	_ =	sdelay $0x1  }
0x9a: {  	vm0 =	vlt.s32 v4, v8  }
0x9b: {  	v4 =	vsel vm0, v4, v8;
	vm0 =	vlt.s32 v5, v9  }
0x9c: {  	vm1 =	vlt.s32 v7, v10;
	[tilespmem:$0xD960] =	vst v4;
	v5 =	vsel vm0, v5, v9  }
0x9d: {  	vm0 =	vlt.s32 v6, v11;
	v7 =	vsel vm1, v7, v10;
	[tilespmem:$0xD990] =	vst v5;
	v8 =	vld [tilespmem:$0xD964]  }
0x9e: {  	v6 =	vsel vm0, v6, v11;
	[tilespmem:$0xD930] =	vst v7;
	v9 =	vld [tilespmem:$0xD994]  }
0x9f: {  	[tilespmem:$0xD900] =	vst v6;
	v10 =	vld [tilespmem:$0xD934]  }
0xa0: {  	v11 =	vld [tilespmem:$0xD904];
	_ =	sdelay $0x1  }
0xa1: {  	vm0 =	vlt.s32 v4, v8  }
0xa2: {  	v4 =	vsel vm0, v4, v8;
	vm0 =	vlt.s32 v5, v9  }
0xa3: {  	vm1 =	vlt.s32 v7, v10;
	[tilespmem:$0xD960] =	vst v4;
	v5 =	vsel vm0, v5, v9  }
0xa4: {  	vm0 =	vlt.s32 v6, v11;
	v7 =	vsel vm1, v7, v10;
	[tilespmem:$0xD990] =	vst v5;
	v8 =	vld [tilespmem:$0xD968]  }
0xa5: {  	v6 =	vsel vm0, v6, v11;
	[tilespmem:$0xD930] =	vst v7;
	v9 =	vld [tilespmem:$0xD998]  }
0xa6: {  	[tilespmem:$0xD900] =	vst v6;
	v10 =	vld [tilespmem:$0xD938]  }
0xa7: {  	v11 =	vld [tilespmem:$0xD908];
	_ =	sdelay $0x1  }
0xa8: {  	vm0 =	vlt.s32 v4, v8  }
0xa9: {  	v4 =	vsel vm0, v4, v8;
	vm0 =	vlt.s32 v5, v9  }
0xaa: {  	vm1 =	vlt.s32 v7, v10;
	[tilespmem:$0xD960] =	vst v4;
	v4 =	vsel vm0, v5, v9  }
0xab: {  	vm0 =	vlt.s32 v6, v11;
	v5 =	vsel vm1, v7, v10;
	[tilespmem:$0xD990] =	vst v4  }
0xac: {  	v4 =	vsel vm0, v6, v11;
	[tilespmem:$0xD930] =	vst v5  }
0xad: {  	[tilespmem:$0xD900] =	vst v4  }
0xae: {  	[tilespmem:s15+$0xC380] =	vst v4  }
0xaf: {  	v4 =	vld [tilespmem:$0xD930];
	_ =	sdelay $0x1  }
.Ltmp3:
0xb0: {  	(pc) =	sbr.rel @p1 .LBB2_5-.Ltmp3, $3  }
0xb1: {  	_ =	sdelay $0x1  }
0xb2: {  	[tilespmem:s15+$0xC390] =	vst v4  }
0xb3: {  	v4 =	vld [tilespmem:$0xD960]  }
0xb4: {  	s16 =	sshra.s32 s16, $0x2  }
0xb5: {  	v5 =	vld [tilespmem:s16+$0xA400]  }
0xb6: {  	v6 =	vld [tilespmem:s16+$0xAE80];
	_ =	sdelay $0x1  }
0xb7: {  	[tilespmem:s15+$0xC3A0] =	vst v4  }
0xb8: {  	v4 =	vld [tilespmem:$0xD990];
	_ =	sdelay $0x1  }
0xb9: {  	v6 =	vsub.s32 v6, v0;
	v5 =	vshll.u32 v5, $0x6  }
0xba: {  	v7 =	vmin.u32 v6, $0x140;
	[tilespmem:s16+$0xCE00] =	vst v5  }
0xbb: {  	vm0 =	vlt.u32 v6, $0x140;
	[tilespmem:s16+$0xB900] =	vst v7  }
0xbc: {  	v5 =	vnsel vm0, $0x10, v3;
	[tilespmem:s15+$0xC3B0] =	vst v4  }
0xbd: {  	[tilespmem:$0xD900] =	vst v5  }
0xbe: {  	v4 =	vld [tilespmem:s16+$0xAE90];
	_ =	sdelay $0x1  }
0xbf: {  	v5 =	vld [tilespmem:s16+$0xA410];
	_ =	sdelay $0x2  }
0xc0: {  	v4 =	vsub.s32 v4, v0  }
0xc1: {  	v47 =	vmin.u32 v4, $0x140  }
0xc2: {  	vm13 =	vlt.u32 v4, $0x140;
	v4 =	vshll.u32 v5, $0x6;
	[tilespmem:s16+$0xB910] =	vst v47  }
0xc3: {  	v5 =	vnsel vm13, $0x10, v3;
	[tilespmem:s16+$0xCE10] =	vst v4  }
0xc4: {  	[tilespmem:$0xD930] =	vst v5  }
0xc5: {  	v4 =	vld [tilespmem:s16+$0xAEA0];
	_ =	sdelay $0x1  }
0xc6: {  	v5 =	vld [tilespmem:s16+$0xA420];
	_ =	sdelay $0x2  }
0xc7: {  	v4 =	vsub.s32 v4, v0  }
0xc8: {  	v48 =	vmin.u32 v4, $0x140  }
0xc9: {  	vm14 =	vlt.u32 v4, $0x140;
	v4 =	vshll.u32 v5, $0x6;
	[tilespmem:s16+$0xB920] =	vst v48  }
0xca: {  	v5 =	vnsel vm14, $0x10, v3;
	[tilespmem:s16+$0xCE20] =	vst v4  }
0xcb: {  	[tilespmem:$0xD960] =	vst v5  }
0xcc: {  	v4 =	vld [tilespmem:s16+$0xAEB0]  }
0xcd: {  	v5 =	vld [tilespmem:s16+$0xA430];
	_ =	sdelay $0x4  }
0xce: {  	v4 =	vsub.s32 v4, v0;
	v5 =	vshll.u32 v5, $0x6  }
0xcf: {  	v49 =	vmin.u32 v4, $0x140;
	[tilespmem:s16+$0xCE30] =	vst v5  }
0xd0: {  	[tilespmem:s16+$0xB930] =	vst v49  }
0xd1: {  	v5 =	vld [tilespmem:$0xD961]  }
0xd2: {  	vm15 =	vlt.u32 v4, $0x140;
	v4 =	vld [tilespmem:$0xD900]  }
0xd3: {  	v7 =	vld [tilespmem:$0xD931]  }
0xd4: {  	v8 =	vld [tilespmem:$0xD960]  }
0xd5: {  	v50 =	vnsel vm15, $0x10, v3;
	v10 =	vld [tilespmem:$0xD930]  }
0xd6: {  	[tilespmem:$0xD990] =	vst v50;
	v11 =	vld [tilespmem:$0xD901]  }
0xd7: {  	v9 =	vld [tilespmem:$0xD991];
	_ =	sdelay $0x1  }
0xd8: {  	vm4 =	vlt.s32 v8, v5  }
0xd9: {  	vm1 =	vlt.s32 v10, v7;
	v5 =	vsel vm4, v8, v5  }
0xda: {  	vm6 =	vlt.s32 v4, v11;
	v7 =	vsel vm1, v10, v7;
	[tilespmem:$0xD960] =	vst v5  }
0xdb: {  	vm5 =	vlt.s32 v50, v9;
	v4 =	vsel vm6, v4, v11;
	[tilespmem:$0xD930] =	vst v7;
	v51 =	vld [tilespmem:$0xD962]  }
0xdc: {  	v6 =	vsel vm5, v50, v9;
	[tilespmem:$0xD900] =	vst v4;
	v53 =	vld [tilespmem:$0xD932]  }
0xdd: {  	[tilespmem:$0xD990] =	vst v6;
	v54 =	vld [tilespmem:$0xD902]  }
0xde: {  	v52 =	vld [tilespmem:$0xD992];
	_ =	sdelay $0x1  }
0xdf: {  	vm7 =	vlt.s32 v5, v51  }
0xe0: {  	vm1 =	vlt.s32 v7, v53;
	v5 =	vsel vm7, v5, v51  }
0xe1: {  	vm9 =	vlt.s32 v4, v54;
	v7 =	vsel vm1, v7, v53;
	[tilespmem:$0xD960] =	vst v5  }
0xe2: {  	vm8 =	vlt.s32 v6, v52;
	v4 =	vsel vm9, v4, v54;
	[tilespmem:$0xD930] =	vst v7;
	v55 =	vld [tilespmem:$0xD964]  }
0xe3: {  	v6 =	vsel vm8, v6, v52;
	[tilespmem:$0xD900] =	vst v4;
	v57 =	vld [tilespmem:$0xD934]  }
0xe4: {  	[tilespmem:$0xD990] =	vst v6;
	v58 =	vld [tilespmem:$0xD904]  }
0xe5: {  	v56 =	vld [tilespmem:$0xD994];
	_ =	sdelay $0x1  }
0xe6: {  	vm10 =	vlt.s32 v5, v55  }
0xe7: {  	vm1 =	vlt.s32 v7, v57;
	v5 =	vsel vm10, v5, v55  }
0xe8: {  	vm12 =	vlt.s32 v4, v58;
	v7 =	vsel vm1, v7, v57;
	[tilespmem:$0xD960] =	vst v5  }
0xe9: {  	vm11 =	vlt.s32 v6, v56;
	v4 =	vsel vm12, v4, v58;
	[tilespmem:$0xD930] =	vst v7;
	v59 =	vld [tilespmem:$0xD968]  }
0xea: {  	v6 =	vsel vm11, v6, v56;
	[tilespmem:$0xD900] =	vst v4;
	v61 =	vld [tilespmem:$0xD938]  }
0xeb: {  	[tilespmem:$0xD990] =	vst v6;
	v62 =	vld [tilespmem:$0xD908]  }
0xec: {  	v60 =	vld [tilespmem:$0xD998];
	_ =	sdelay $0x1  }
0xed: {  	vm13 =	vlt.s32 v5, v59  }
0xee: {  	vm1 =	vlt.s32 v7, v61;
	v5 =	vsel vm13, v5, v59  }
0xef: {  	vm15 =	vlt.s32 v4, v62;
	v63 =	vsel vm1, v7, v61;
	[tilespmem:$0xD960] =	vst v5  }
0xf0: {  	vm14 =	vlt.s32 v6, v60;
	v4 =	vsel vm15, v4, v62;
	[tilespmem:$0xD930] =	vst v63  }
0xf1: {  	v5 =	vsel vm14, v6, v60;
	[tilespmem:$0xD900] =	vst v4  }
0xf2: {  	[tilespmem:$0xD990] =	vst v5  }
0xf3: {  	[tilespmem:s16+$0xC380] =	vst v4  }
0xf4: {  	v4 =	vld [tilespmem:$0xD930];
	_ =	sdelay $0x4  }
0xf5: {  	[tilespmem:s16+$0xC390] =	vst v4  }
0xf6: {  	v4 =	vld [tilespmem:$0xD960];
	_ =	sdelay $0x4  }
0xf7: {  	[tilespmem:s16+$0xC3A0] =	vst v4  }
0xf8: {  	v4 =	vld [tilespmem:$0xD990]  }
.Ltmp4:
0xf9: {  	_ = 	snop;
	(pc) =	sbr.rel .LBB2_7-.Ltmp4, $2  }
0xfa: {  	_ =	sdelay $0x2  }
0xfb: {  	s15 =	simm.s32 $0x0;
	[tilespmem:s16+$0xC3B0] =	vst v4  }
.LBB2_9:
0xfc: {  	s15 =	sadd.s32 $0x40, s15  }
0xfd: {  	p1 =	sne.s32 s15, $0x2800  }
.Ltmp5:
0xfe: {  	_ = 	snop;
	(pc) =	sbr.rel @!p1 .LBB2_10-.Ltmp5, $1  }
0xff: {  	_ =	sdelay $0x3  }
.LBB2_7:
0x100: {  	s16 =	sshra.s32 s15, $0x2  }
0x101: {  	v4 =	vld [tilespmem:s16+$0xC380];
	_ =	sdelay $0x4  }
0x102: {  	(v2sf) =	vpush v4, $0x0;
	_ =	sdelay $0xe  }
0x103: {  	s17 =	spop (v2sf)  }
0x104: {  	p1 =	sgt.s32 s17, $0xF  }
.Ltmp6:
0x105: {  	_ = 	snop;
	(pc) =	sbr.rel @p1 .LBB2_9-.Ltmp6, $1  }
0x106: {  	_ =	sdelay $0x3  }
0x107: {  	v5 =	vld [tilespmem:s16+$0xB900];
	_ =	sdelay $0x4  }
0x108: {  	(v2sf) =	vpush v5, $0x0;
	_ =	sdelay $0xb  }
0x109: {  	v4 =	vld [tilespmem:s16+$0xCE00];
	_ =	sdelay $0x2  }
0x10a: {  	s16 =	spop (v2sf)  }
0x10b: {  	p2 =	sgt.s32 s16, $0x13F  }
0x10c: {  	(v2sf) =	vpush @!p2 v4, $0x0;
	_ =	sdelay $0xe  }
0x10d: {  	s17 =	spop @!p2 (v2sf)  }
0x10e: {  	s18 =	simm.s32 @!p2 $0xD880;
	s17 =	sadd.s32 @!p2 s17, s1  }
0x10f: {  	[tilespmem:s18], [sflag:$0x1] =	stream.linear.gather @!p2 [spmem:s17], $0x40, $0x38;
	[tilespmem:$0x17A00] =	vst v63  }
0x110: {  	s17 =	simm.s32 @!p2 $0x1  }
0x111: {  	_ =	swait.ge @!p2 [sflag:s17], $0x40  }
0x112: {  	(v2sf) =	vpush v5, $0x1;
	_ =	sdelay $0x2  }
0x113: {  	s16 =	sshll.u32 @!p2 s16, $0x9;
	[sflag:s17] =	ssyncset.done @!p2 $0x0  }
0x114: {  	s16 =	sshra.s32 @!p2 s16, $0x2;
	[sflag:s17] =	ssyncadd.s32 @!p2 $0xFFFFFFC0  }
0x115: {  	v6 =	vld @!p2 [tilespmem:s16+$0x0]  }
0x116: {  	v7 =	vld @!p2 [tilespmem:$0xD880];
	_ =	sdelay $0x4  }
0x117: {  	v6 =	vmax.f32 @!p2 v6, v7  }
0x118: {  	[tilespmem:s16+$0x0] =	vst @!p2 v6;
	v6 =	vld @!p2 [tilespmem:s16+$0x10]  }
0x119: {  	v7 =	vld @!p2 [tilespmem:$0xD890];
	_ =	sdelay $0x1  }
0x11a: {  	s17 =	spop (v2sf)  }
0x11b: {  	p1 =	sgt.s32 s17, $0x13F  }
0x11c: {  	(v2sf) =	vpush @!p1 v4, $0x1  }
0x11d: {  	v6 =	vmax.f32 @!p2 v6, v7  }
0x11e: {  	[tilespmem:s16+$0x10] =	vst @!p2 v6;
	v6 =	vld @!p2 [tilespmem:s16+$0x20]  }
0x11f: {  	v7 =	vld @!p2 [tilespmem:$0xD8A0];
	_ =	sdelay $0x4  }
0x120: {  	v6 =	vmax.f32 @!p2 v6, v7  }
0x121: {  	[tilespmem:s16+$0x20] =	vst @!p2 v6;
	v6 =	vld @!p2 [tilespmem:s16+$0x30]  }
0x122: {  	v7 =	vld @!p2 [tilespmem:$0xD8B0];
	_ =	sdelay $0x4  }
0x123: {  	v6 =	vmax.f32 @!p2 v6, v7;
	s18 =	spop @!p1 (v2sf)  }
0x124: {  	[tilespmem:s16+$0x30] =	vst @!p2 v6;
	s16 =	sadd.s32 @!p1 s18, s1;
	s18 =	simm.s32 @!p1 $0xD880  }
0x125: {  	[tilespmem:s18], [sflag:$0x1] =	stream.linear.gather @!p1 [spmem:s16], $0x40, $0x38;
	[tilespmem:$0x17A00] =	vst v63  }
0x126: {  	s16 =	simm.s32 @!p1 $0x1  }
0x127: {  	_ =	swait.ge @!p1 [sflag:s16], $0x40  }
0x128: {  	(v2sf) =	vpush v5, $0x2;
	_ =	sdelay $0x2  }
0x129: {  	s17 =	sshll.u32 @!p1 s17, $0x9;
	[sflag:s16] =	ssyncset.done @!p1 $0x0  }
0x12a: {  	[sflag:s16] =	ssyncadd.s32 @!p1 $0xFFFFFFC0;
	s16 =	sshra.s32 @!p1 s17, $0x2  }
0x12b: {  	v6 =	vld @!p1 [tilespmem:s16+$0x0]  }
0x12c: {  	v7 =	vld @!p1 [tilespmem:$0xD880];
	_ =	sdelay $0x4  }
0x12d: {  	v6 =	vmax.f32 @!p1 v6, v7  }
0x12e: {  	[tilespmem:s16+$0x0] =	vst @!p1 v6;
	v6 =	vld @!p1 [tilespmem:s16+$0x10]  }
0x12f: {  	v7 =	vld @!p1 [tilespmem:$0xD890];
	_ =	sdelay $0x1  }
0x130: {  	s17 =	spop (v2sf)  }
0x131: {  	p2 =	sgt.s32 s17, $0x13F  }
0x132: {  	(v2sf) =	vpush @!p2 v4, $0x2  }
0x133: {  	v6 =	vmax.f32 @!p1 v6, v7  }
0x134: {  	[tilespmem:s16+$0x10] =	vst @!p1 v6;
	v6 =	vld @!p1 [tilespmem:s16+$0x20]  }
0x135: {  	v7 =	vld @!p1 [tilespmem:$0xD8A0];
	_ =	sdelay $0x4  }
0x136: {  	v6 =	vmax.f32 @!p1 v6, v7  }
0x137: {  	[tilespmem:s16+$0x20] =	vst @!p1 v6;
	v6 =	vld @!p1 [tilespmem:s16+$0x30]  }
0x138: {  	v7 =	vld @!p1 [tilespmem:$0xD8B0];
	_ =	sdelay $0x4  }
0x139: {  	v6 =	vmax.f32 @!p1 v6, v7;
	s18 =	spop @!p2 (v2sf)  }
0x13a: {  	[tilespmem:s16+$0x30] =	vst @!p1 v6;
	s16 =	sadd.s32 @!p2 s18, s1;
	s18 =	simm.s32 @!p2 $0xD880  }
0x13b: {  	[tilespmem:s18], [sflag:$0x1] =	stream.linear.gather @!p2 [spmem:s16], $0x40, $0x38;
	[tilespmem:$0x17A00] =	vst v63  }
0x13c: {  	s16 =	simm.s32 @!p2 $0x1  }
0x13d: {  	_ =	swait.ge @!p2 [sflag:s16], $0x40  }
0x13e: {  	(v2sf) =	vpush v5, $0x3;
	_ =	sdelay $0x2  }
0x13f: {  	s17 =	sshll.u32 @!p2 s17, $0x9;
	[sflag:s16] =	ssyncset.done @!p2 $0x0  }
0x140: {  	[sflag:s16] =	ssyncadd.s32 @!p2 $0xFFFFFFC0;
	s16 =	sshra.s32 @!p2 s17, $0x2  }
0x141: {  	v6 =	vld @!p2 [tilespmem:s16+$0x0]  }
0x142: {  	v7 =	vld @!p2 [tilespmem:$0xD880];
	_ =	sdelay $0x4  }
0x143: {  	v6 =	vmax.f32 @!p2 v6, v7  }
0x144: {  	[tilespmem:s16+$0x0] =	vst @!p2 v6;
	v6 =	vld @!p2 [tilespmem:s16+$0x10]  }
0x145: {  	v7 =	vld @!p2 [tilespmem:$0xD890];
	_ =	sdelay $0x1  }
0x146: {  	s17 =	spop (v2sf)  }
0x147: {  	p1 =	sgt.s32 s17, $0x13F  }
0x148: {  	(v2sf) =	vpush @!p1 v4, $0x3  }
0x149: {  	v6 =	vmax.f32 @!p2 v6, v7  }
0x14a: {  	[tilespmem:s16+$0x10] =	vst @!p2 v6;
	v6 =	vld @!p2 [tilespmem:s16+$0x20]  }
0x14b: {  	v7 =	vld @!p2 [tilespmem:$0xD8A0];
	_ =	sdelay $0x4  }
0x14c: {  	v6 =	vmax.f32 @!p2 v6, v7  }
0x14d: {  	[tilespmem:s16+$0x20] =	vst @!p2 v6;
	v6 =	vld @!p2 [tilespmem:s16+$0x30]  }
0x14e: {  	v7 =	vld @!p2 [tilespmem:$0xD8B0];
	_ =	sdelay $0x4  }
0x14f: {  	v6 =	vmax.f32 @!p2 v6, v7;
	s18 =	spop @!p1 (v2sf)  }
0x150: {  	[tilespmem:s16+$0x30] =	vst @!p2 v6;
	s16 =	sadd.s32 @!p1 s18, s1;
	s18 =	simm.s32 @!p1 $0xD880  }
0x151: {  	[tilespmem:s18], [sflag:$0x1] =	stream.linear.gather @!p1 [spmem:s16], $0x40, $0x38;
	[tilespmem:$0x17A00] =	vst v63  }
0x152: {  	s16 =	simm.s32 @!p1 $0x1  }
0x153: {  	_ =	swait.ge @!p1 [sflag:s16], $0x40  }
0x154: {  	(v2sf) =	vpush v5, $0x4;
	_ =	sdelay $0x2  }
0x155: {  	s17 =	sshll.u32 @!p1 s17, $0x9;
	[sflag:s16] =	ssyncset.done @!p1 $0x0  }
0x156: {  	[sflag:s16] =	ssyncadd.s32 @!p1 $0xFFFFFFC0;
	s16 =	sshra.s32 @!p1 s17, $0x2  }
0x157: {  	v6 =	vld @!p1 [tilespmem:s16+$0x0]  }
0x158: {  	v7 =	vld @!p1 [tilespmem:$0xD880];
	_ =	sdelay $0x4  }
0x159: {  	v6 =	vmax.f32 @!p1 v6, v7  }
0x15a: {  	[tilespmem:s16+$0x0] =	vst @!p1 v6;
	v6 =	vld @!p1 [tilespmem:s16+$0x10]  }
0x15b: {  	v7 =	vld @!p1 [tilespmem:$0xD890];
	_ =	sdelay $0x1  }
0x15c: {  	s17 =	spop (v2sf)  }
0x15d: {  	p2 =	sgt.s32 s17, $0x13F  }
0x15e: {  	(v2sf) =	vpush @!p2 v4, $0x4  }
0x15f: {  	v6 =	vmax.f32 @!p1 v6, v7  }
0x160: {  	[tilespmem:s16+$0x10] =	vst @!p1 v6;
	v6 =	vld @!p1 [tilespmem:s16+$0x20]  }
0x161: {  	v7 =	vld @!p1 [tilespmem:$0xD8A0];
	_ =	sdelay $0x4  }
0x162: {  	v6 =	vmax.f32 @!p1 v6, v7  }
0x163: {  	[tilespmem:s16+$0x20] =	vst @!p1 v6;
	v6 =	vld @!p1 [tilespmem:s16+$0x30]  }
0x164: {  	v7 =	vld @!p1 [tilespmem:$0xD8B0];
	_ =	sdelay $0x4  }
0x165: {  	v6 =	vmax.f32 @!p1 v6, v7;
	s18 =	spop @!p2 (v2sf)  }
0x166: {  	[tilespmem:s16+$0x30] =	vst @!p1 v6;
	s16 =	sadd.s32 @!p2 s18, s1;
	s18 =	simm.s32 @!p2 $0xD880  }
0x167: {  	[tilespmem:s18], [sflag:$0x1] =	stream.linear.gather @!p2 [spmem:s16], $0x40, $0x38;
	[tilespmem:$0x17A00] =	vst v63  }
0x168: {  	s16 =	simm.s32 @!p2 $0x1  }
0x169: {  	_ =	swait.ge @!p2 [sflag:s16], $0x40  }
0x16a: {  	(v2sf) =	vpush v5, $0x5;
	_ =	sdelay $0x2  }
0x16b: {  	s17 =	sshll.u32 @!p2 s17, $0x9;
	[sflag:s16] =	ssyncset.done @!p2 $0x0  }
0x16c: {  	[sflag:s16] =	ssyncadd.s32 @!p2 $0xFFFFFFC0;
	s16 =	sshra.s32 @!p2 s17, $0x2  }
0x16d: {  	v6 =	vld @!p2 [tilespmem:s16+$0x0]  }
0x16e: {  	v7 =	vld @!p2 [tilespmem:$0xD880];
	_ =	sdelay $0x4  }
0x16f: {  	v6 =	vmax.f32 @!p2 v6, v7  }
0x170: {  	[tilespmem:s16+$0x0] =	vst @!p2 v6;
	v6 =	vld @!p2 [tilespmem:s16+$0x10]  }
0x171: {  	v7 =	vld @!p2 [tilespmem:$0xD890];
	_ =	sdelay $0x1  }
0x172: {  	s17 =	spop (v2sf)  }
0x173: {  	p1 =	sgt.s32 s17, $0x13F  }
0x174: {  	(v2sf) =	vpush @!p1 v4, $0x5  }
0x175: {  	v6 =	vmax.f32 @!p2 v6, v7  }
0x176: {  	[tilespmem:s16+$0x10] =	vst @!p2 v6;
	v6 =	vld @!p2 [tilespmem:s16+$0x20]  }
0x177: {  	v7 =	vld @!p2 [tilespmem:$0xD8A0];
	_ =	sdelay $0x4  }
0x178: {  	v6 =	vmax.f32 @!p2 v6, v7  }
0x179: {  	[tilespmem:s16+$0x20] =	vst @!p2 v6;
	v6 =	vld @!p2 [tilespmem:s16+$0x30]  }
0x17a: {  	v7 =	vld @!p2 [tilespmem:$0xD8B0];
	_ =	sdelay $0x4  }
0x17b: {  	v6 =	vmax.f32 @!p2 v6, v7;
	s18 =	spop @!p1 (v2sf)  }
0x17c: {  	[tilespmem:s16+$0x30] =	vst @!p2 v6;
	s16 =	sadd.s32 @!p1 s18, s1;
	s18 =	simm.s32 @!p1 $0xD880  }
0x17d: {  	[tilespmem:s18], [sflag:$0x1] =	stream.linear.gather @!p1 [spmem:s16], $0x40, $0x38;
	[tilespmem:$0x17A00] =	vst v63  }
0x17e: {  	s16 =	simm.s32 @!p1 $0x1  }
0x17f: {  	_ =	swait.ge @!p1 [sflag:s16], $0x40  }
0x180: {  	(v2sf) =	vpush v5, $0x6;
	_ =	sdelay $0x2  }
0x181: {  	s17 =	sshll.u32 @!p1 s17, $0x9;
	[sflag:s16] =	ssyncset.done @!p1 $0x0  }
0x182: {  	[sflag:s16] =	ssyncadd.s32 @!p1 $0xFFFFFFC0;
	s16 =	sshra.s32 @!p1 s17, $0x2  }
0x183: {  	v6 =	vld @!p1 [tilespmem:s16+$0x0]  }
0x184: {  	v7 =	vld @!p1 [tilespmem:$0xD880];
	_ =	sdelay $0x4  }
0x185: {  	v6 =	vmax.f32 @!p1 v6, v7  }
0x186: {  	[tilespmem:s16+$0x0] =	vst @!p1 v6;
	v6 =	vld @!p1 [tilespmem:s16+$0x10]  }
0x187: {  	v7 =	vld @!p1 [tilespmem:$0xD890];
	_ =	sdelay $0x1  }
0x188: {  	s17 =	spop (v2sf)  }
0x189: {  	p2 =	sgt.s32 s17, $0x13F  }
0x18a: {  	(v2sf) =	vpush @!p2 v4, $0x6  }
0x18b: {  	v6 =	vmax.f32 @!p1 v6, v7  }
0x18c: {  	[tilespmem:s16+$0x10] =	vst @!p1 v6;
	v6 =	vld @!p1 [tilespmem:s16+$0x20]  }
0x18d: {  	v7 =	vld @!p1 [tilespmem:$0xD8A0];
	_ =	sdelay $0x4  }
0x18e: {  	v6 =	vmax.f32 @!p1 v6, v7  }
0x18f: {  	[tilespmem:s16+$0x20] =	vst @!p1 v6;
	v6 =	vld @!p1 [tilespmem:s16+$0x30]  }
0x190: {  	v7 =	vld @!p1 [tilespmem:$0xD8B0];
	_ =	sdelay $0x4  }
0x191: {  	v6 =	vmax.f32 @!p1 v6, v7;
	s18 =	spop @!p2 (v2sf)  }
0x192: {  	[tilespmem:s16+$0x30] =	vst @!p1 v6;
	s16 =	sadd.s32 @!p2 s18, s1;
	s18 =	simm.s32 @!p2 $0xD880  }
0x193: {  	[tilespmem:s18], [sflag:$0x1] =	stream.linear.gather @!p2 [spmem:s16], $0x40, $0x38;
	[tilespmem:$0x17A00] =	vst v63  }
0x194: {  	s16 =	simm.s32 @!p2 $0x1  }
0x195: {  	_ =	swait.ge @!p2 [sflag:s16], $0x40  }
0x196: {  	(v2sf) =	vpush v5, $0x7;
	_ =	sdelay $0x2  }
0x197: {  	s17 =	sshll.u32 @!p2 s17, $0x9;
	[sflag:s16] =	ssyncset.done @!p2 $0x0  }
0x198: {  	[sflag:s16] =	ssyncadd.s32 @!p2 $0xFFFFFFC0;
	s16 =	sshra.s32 @!p2 s17, $0x2  }
0x199: {  	v6 =	vld @!p2 [tilespmem:s16+$0x0]  }
0x19a: {  	v7 =	vld @!p2 [tilespmem:$0xD880];
	_ =	sdelay $0x4  }
0x19b: {  	v6 =	vmax.f32 @!p2 v6, v7  }
0x19c: {  	[tilespmem:s16+$0x0] =	vst @!p2 v6;
	v6 =	vld @!p2 [tilespmem:s16+$0x10]  }
0x19d: {  	v7 =	vld @!p2 [tilespmem:$0xD890];
	_ =	sdelay $0x1  }
0x19e: {  	s17 =	spop (v2sf)  }
0x19f: {  	p1 =	sgt.s32 s17, $0x13F  }
0x1a0: {  	(v2sf) =	vpush @!p1 v4, $0x7  }
0x1a1: {  	v6 =	vmax.f32 @!p2 v6, v7  }
0x1a2: {  	[tilespmem:s16+$0x10] =	vst @!p2 v6;
	v6 =	vld @!p2 [tilespmem:s16+$0x20]  }
0x1a3: {  	v7 =	vld @!p2 [tilespmem:$0xD8A0];
	_ =	sdelay $0x4  }
0x1a4: {  	v6 =	vmax.f32 @!p2 v6, v7  }
0x1a5: {  	[tilespmem:s16+$0x20] =	vst @!p2 v6;
	v6 =	vld @!p2 [tilespmem:s16+$0x30]  }
0x1a6: {  	v7 =	vld @!p2 [tilespmem:$0xD8B0];
	_ =	sdelay $0x4  }
0x1a7: {  	v6 =	vmax.f32 @!p2 v6, v7;
	s18 =	spop @!p1 (v2sf)  }
0x1a8: {  	[tilespmem:s16+$0x30] =	vst @!p2 v6;
	s16 =	sadd.s32 @!p1 s18, s1;
	s18 =	simm.s32 @!p1 $0xD880  }
0x1a9: {  	[tilespmem:s18], [sflag:$0x1] =	stream.linear.gather @!p1 [spmem:s16], $0x40, $0x38;
	[tilespmem:$0x17A00] =	vst v63  }
0x1aa: {  	s16 =	simm.s32 @!p1 $0x1  }
0x1ab: {  	_ =	swait.ge @!p1 [sflag:s16], $0x40  }
0x1ac: {  	(v2sf) =	vpush v5, $0x8;
	_ =	sdelay $0x2  }
0x1ad: {  	s17 =	sshll.u32 @!p1 s17, $0x9;
	[sflag:s16] =	ssyncset.done @!p1 $0x0  }
0x1ae: {  	[sflag:s16] =	ssyncadd.s32 @!p1 $0xFFFFFFC0;
	s16 =	sshra.s32 @!p1 s17, $0x2  }
0x1af: {  	v6 =	vld @!p1 [tilespmem:s16+$0x0]  }
0x1b0: {  	v7 =	vld @!p1 [tilespmem:$0xD880];
	_ =	sdelay $0x4  }
0x1b1: {  	v6 =	vmax.f32 @!p1 v6, v7  }
0x1b2: {  	[tilespmem:s16+$0x0] =	vst @!p1 v6;
	v6 =	vld @!p1 [tilespmem:s16+$0x10]  }
0x1b3: {  	v7 =	vld @!p1 [tilespmem:$0xD890];
	_ =	sdelay $0x1  }
0x1b4: {  	s17 =	spop (v2sf)  }
0x1b5: {  	p2 =	sgt.s32 s17, $0x13F  }
0x1b6: {  	(v2sf) =	vpush @!p2 v4, $0x8  }
0x1b7: {  	v6 =	vmax.f32 @!p1 v6, v7  }
0x1b8: {  	[tilespmem:s16+$0x10] =	vst @!p1 v6;
	v6 =	vld @!p1 [tilespmem:s16+$0x20]  }
0x1b9: {  	v7 =	vld @!p1 [tilespmem:$0xD8A0];
	_ =	sdelay $0x4  }
0x1ba: {  	v6 =	vmax.f32 @!p1 v6, v7  }
0x1bb: {  	[tilespmem:s16+$0x20] =	vst @!p1 v6;
	v6 =	vld @!p1 [tilespmem:s16+$0x30]  }
0x1bc: {  	v7 =	vld @!p1 [tilespmem:$0xD8B0];
	_ =	sdelay $0x4  }
0x1bd: {  	v6 =	vmax.f32 @!p1 v6, v7;
	s18 =	spop @!p2 (v2sf)  }
0x1be: {  	[tilespmem:s16+$0x30] =	vst @!p1 v6;
	s16 =	sadd.s32 @!p2 s18, s1;
	s18 =	simm.s32 @!p2 $0xD880  }
0x1bf: {  	[tilespmem:s18], [sflag:$0x1] =	stream.linear.gather @!p2 [spmem:s16], $0x40, $0x38;
	[tilespmem:$0x17A00] =	vst v63  }
0x1c0: {  	s16 =	simm.s32 @!p2 $0x1  }
0x1c1: {  	_ =	swait.ge @!p2 [sflag:s16], $0x40  }
0x1c2: {  	(v2sf) =	vpush v5, $0x9;
	_ =	sdelay $0x2  }
0x1c3: {  	s17 =	sshll.u32 @!p2 s17, $0x9;
	[sflag:s16] =	ssyncset.done @!p2 $0x0  }
0x1c4: {  	[sflag:s16] =	ssyncadd.s32 @!p2 $0xFFFFFFC0;
	s16 =	sshra.s32 @!p2 s17, $0x2  }
0x1c5: {  	v6 =	vld @!p2 [tilespmem:s16+$0x0]  }
0x1c6: {  	v7 =	vld @!p2 [tilespmem:$0xD880];
	_ =	sdelay $0x4  }
0x1c7: {  	v6 =	vmax.f32 @!p2 v6, v7  }
0x1c8: {  	[tilespmem:s16+$0x0] =	vst @!p2 v6;
	v6 =	vld @!p2 [tilespmem:s16+$0x10]  }
0x1c9: {  	v7 =	vld @!p2 [tilespmem:$0xD890];
	_ =	sdelay $0x1  }
0x1ca: {  	s17 =	spop (v2sf)  }
0x1cb: {  	p1 =	sgt.s32 s17, $0x13F  }
0x1cc: {  	(v2sf) =	vpush @!p1 v4, $0x9  }
0x1cd: {  	v6 =	vmax.f32 @!p2 v6, v7  }
0x1ce: {  	[tilespmem:s16+$0x10] =	vst @!p2 v6;
	v6 =	vld @!p2 [tilespmem:s16+$0x20]  }
0x1cf: {  	v7 =	vld @!p2 [tilespmem:$0xD8A0];
	_ =	sdelay $0x4  }
0x1d0: {  	v6 =	vmax.f32 @!p2 v6, v7  }
0x1d1: {  	[tilespmem:s16+$0x20] =	vst @!p2 v6;
	v6 =	vld @!p2 [tilespmem:s16+$0x30]  }
0x1d2: {  	v7 =	vld @!p2 [tilespmem:$0xD8B0];
	_ =	sdelay $0x4  }
0x1d3: {  	v6 =	vmax.f32 @!p2 v6, v7;
	s18 =	spop @!p1 (v2sf)  }
0x1d4: {  	[tilespmem:s16+$0x30] =	vst @!p2 v6;
	s16 =	sadd.s32 @!p1 s18, s1;
	s18 =	simm.s32 @!p1 $0xD880  }
0x1d5: {  	[tilespmem:s18], [sflag:$0x1] =	stream.linear.gather @!p1 [spmem:s16], $0x40, $0x38;
	[tilespmem:$0x17A00] =	vst v63  }
0x1d6: {  	s16 =	simm.s32 @!p1 $0x1  }
0x1d7: {  	_ =	swait.ge @!p1 [sflag:s16], $0x40  }
0x1d8: {  	(v2sf) =	vpush v5, $0xA;
	_ =	sdelay $0x2  }
0x1d9: {  	s17 =	sshll.u32 @!p1 s17, $0x9;
	[sflag:s16] =	ssyncset.done @!p1 $0x0  }
0x1da: {  	[sflag:s16] =	ssyncadd.s32 @!p1 $0xFFFFFFC0;
	s16 =	sshra.s32 @!p1 s17, $0x2  }
0x1db: {  	v6 =	vld @!p1 [tilespmem:s16+$0x0]  }
0x1dc: {  	v7 =	vld @!p1 [tilespmem:$0xD880];
	_ =	sdelay $0x4  }
0x1dd: {  	v6 =	vmax.f32 @!p1 v6, v7  }
0x1de: {  	[tilespmem:s16+$0x0] =	vst @!p1 v6;
	v6 =	vld @!p1 [tilespmem:s16+$0x10]  }
0x1df: {  	v7 =	vld @!p1 [tilespmem:$0xD890];
	_ =	sdelay $0x1  }
0x1e0: {  	s17 =	spop (v2sf)  }
0x1e1: {  	p2 =	sgt.s32 s17, $0x13F  }
0x1e2: {  	(v2sf) =	vpush @!p2 v4, $0xA  }
0x1e3: {  	v6 =	vmax.f32 @!p1 v6, v7  }
0x1e4: {  	[tilespmem:s16+$0x10] =	vst @!p1 v6;
	v6 =	vld @!p1 [tilespmem:s16+$0x20]  }
0x1e5: {  	v7 =	vld @!p1 [tilespmem:$0xD8A0];
	_ =	sdelay $0x4  }
0x1e6: {  	v6 =	vmax.f32 @!p1 v6, v7  }
0x1e7: {  	[tilespmem:s16+$0x20] =	vst @!p1 v6;
	v6 =	vld @!p1 [tilespmem:s16+$0x30]  }
0x1e8: {  	v7 =	vld @!p1 [tilespmem:$0xD8B0];
	_ =	sdelay $0x4  }
0x1e9: {  	v6 =	vmax.f32 @!p1 v6, v7;
	s18 =	spop @!p2 (v2sf)  }
0x1ea: {  	[tilespmem:s16+$0x30] =	vst @!p1 v6;
	s16 =	sadd.s32 @!p2 s18, s1;
	s18 =	simm.s32 @!p2 $0xD880  }
0x1eb: {  	[tilespmem:s18], [sflag:$0x1] =	stream.linear.gather @!p2 [spmem:s16], $0x40, $0x38;
	[tilespmem:$0x17A00] =	vst v63  }
0x1ec: {  	s16 =	simm.s32 @!p2 $0x1  }
0x1ed: {  	_ =	swait.ge @!p2 [sflag:s16], $0x40  }
0x1ee: {  	(v2sf) =	vpush v5, $0xB;
	_ =	sdelay $0x2  }
0x1ef: {  	s17 =	sshll.u32 @!p2 s17, $0x9;
	[sflag:s16] =	ssyncset.done @!p2 $0x0  }
0x1f0: {  	[sflag:s16] =	ssyncadd.s32 @!p2 $0xFFFFFFC0;
	s16 =	sshra.s32 @!p2 s17, $0x2  }
0x1f1: {  	v6 =	vld @!p2 [tilespmem:s16+$0x0]  }
0x1f2: {  	v7 =	vld @!p2 [tilespmem:$0xD880];
	_ =	sdelay $0x4  }
0x1f3: {  	v6 =	vmax.f32 @!p2 v6, v7  }
0x1f4: {  	[tilespmem:s16+$0x0] =	vst @!p2 v6;
	v6 =	vld @!p2 [tilespmem:s16+$0x10]  }
0x1f5: {  	v7 =	vld @!p2 [tilespmem:$0xD890];
	_ =	sdelay $0x1  }
0x1f6: {  	s17 =	spop (v2sf)  }
0x1f7: {  	p1 =	sgt.s32 s17, $0x13F  }
0x1f8: {  	(v2sf) =	vpush @!p1 v4, $0xB  }
0x1f9: {  	v6 =	vmax.f32 @!p2 v6, v7  }
0x1fa: {  	[tilespmem:s16+$0x10] =	vst @!p2 v6;
	v6 =	vld @!p2 [tilespmem:s16+$0x20]  }
0x1fb: {  	v7 =	vld @!p2 [tilespmem:$0xD8A0];
	_ =	sdelay $0x4  }
0x1fc: {  	v6 =	vmax.f32 @!p2 v6, v7  }
0x1fd: {  	[tilespmem:s16+$0x20] =	vst @!p2 v6;
	v6 =	vld @!p2 [tilespmem:s16+$0x30]  }
0x1fe: {  	v7 =	vld @!p2 [tilespmem:$0xD8B0];
	_ =	sdelay $0x4  }
0x1ff: {  	v6 =	vmax.f32 @!p2 v6, v7;
	s18 =	spop @!p1 (v2sf)  }
0x200: {  	[tilespmem:s16+$0x30] =	vst @!p2 v6;
	s16 =	sadd.s32 @!p1 s18, s1;
	s18 =	simm.s32 @!p1 $0xD880  }
0x201: {  	[tilespmem:s18], [sflag:$0x1] =	stream.linear.gather @!p1 [spmem:s16], $0x40, $0x38;
	[tilespmem:$0x17A00] =	vst v63  }
0x202: {  	s16 =	simm.s32 @!p1 $0x1  }
0x203: {  	_ =	swait.ge @!p1 [sflag:s16], $0x40  }
0x204: {  	(v2sf) =	vpush v5, $0xC;
	_ =	sdelay $0x2  }
0x205: {  	s17 =	sshll.u32 @!p1 s17, $0x9;
	[sflag:s16] =	ssyncset.done @!p1 $0x0  }
0x206: {  	[sflag:s16] =	ssyncadd.s32 @!p1 $0xFFFFFFC0;
	s16 =	sshra.s32 @!p1 s17, $0x2  }
0x207: {  	v6 =	vld @!p1 [tilespmem:s16+$0x0]  }
0x208: {  	v7 =	vld @!p1 [tilespmem:$0xD880];
	_ =	sdelay $0x4  }
0x209: {  	v6 =	vmax.f32 @!p1 v6, v7  }
0x20a: {  	[tilespmem:s16+$0x0] =	vst @!p1 v6;
	v6 =	vld @!p1 [tilespmem:s16+$0x10]  }
0x20b: {  	v7 =	vld @!p1 [tilespmem:$0xD890];
	_ =	sdelay $0x1  }
0x20c: {  	s17 =	spop (v2sf)  }
0x20d: {  	p2 =	sgt.s32 s17, $0x13F  }
0x20e: {  	(v2sf) =	vpush @!p2 v4, $0xC  }
0x20f: {  	v6 =	vmax.f32 @!p1 v6, v7  }
0x210: {  	[tilespmem:s16+$0x10] =	vst @!p1 v6;
	v6 =	vld @!p1 [tilespmem:s16+$0x20]  }
0x211: {  	v7 =	vld @!p1 [tilespmem:$0xD8A0];
	_ =	sdelay $0x4  }
0x212: {  	v6 =	vmax.f32 @!p1 v6, v7  }
0x213: {  	[tilespmem:s16+$0x20] =	vst @!p1 v6;
	v6 =	vld @!p1 [tilespmem:s16+$0x30]  }
0x214: {  	v7 =	vld @!p1 [tilespmem:$0xD8B0];
	_ =	sdelay $0x4  }
0x215: {  	v6 =	vmax.f32 @!p1 v6, v7;
	s18 =	spop @!p2 (v2sf)  }
0x216: {  	[tilespmem:s16+$0x30] =	vst @!p1 v6;
	s16 =	sadd.s32 @!p2 s18, s1;
	s18 =	simm.s32 @!p2 $0xD880  }
0x217: {  	[tilespmem:s18], [sflag:$0x1] =	stream.linear.gather @!p2 [spmem:s16], $0x40, $0x38;
	[tilespmem:$0x17A00] =	vst v63  }
0x218: {  	s16 =	simm.s32 @!p2 $0x1  }
0x219: {  	_ =	swait.ge @!p2 [sflag:s16], $0x40  }
0x21a: {  	(v2sf) =	vpush v5, $0xD;
	_ =	sdelay $0x2  }
0x21b: {  	s17 =	sshll.u32 @!p2 s17, $0x9;
	[sflag:s16] =	ssyncset.done @!p2 $0x0  }
0x21c: {  	[sflag:s16] =	ssyncadd.s32 @!p2 $0xFFFFFFC0;
	s16 =	sshra.s32 @!p2 s17, $0x2  }
0x21d: {  	v6 =	vld @!p2 [tilespmem:s16+$0x0]  }
0x21e: {  	v7 =	vld @!p2 [tilespmem:$0xD880];
	_ =	sdelay $0x4  }
0x21f: {  	v6 =	vmax.f32 @!p2 v6, v7  }
0x220: {  	[tilespmem:s16+$0x0] =	vst @!p2 v6;
	v6 =	vld @!p2 [tilespmem:s16+$0x10]  }
0x221: {  	v7 =	vld @!p2 [tilespmem:$0xD890];
	_ =	sdelay $0x1  }
0x222: {  	s17 =	spop (v2sf)  }
0x223: {  	p1 =	sgt.s32 s17, $0x13F  }
0x224: {  	(v2sf) =	vpush @!p1 v4, $0xD  }
0x225: {  	v6 =	vmax.f32 @!p2 v6, v7  }
0x226: {  	[tilespmem:s16+$0x10] =	vst @!p2 v6;
	v6 =	vld @!p2 [tilespmem:s16+$0x20]  }
0x227: {  	v7 =	vld @!p2 [tilespmem:$0xD8A0];
	_ =	sdelay $0x4  }
0x228: {  	v6 =	vmax.f32 @!p2 v6, v7  }
0x229: {  	[tilespmem:s16+$0x20] =	vst @!p2 v6;
	v6 =	vld @!p2 [tilespmem:s16+$0x30]  }
0x22a: {  	v7 =	vld @!p2 [tilespmem:$0xD8B0];
	_ =	sdelay $0x4  }
0x22b: {  	v6 =	vmax.f32 @!p2 v6, v7;
	s18 =	spop @!p1 (v2sf)  }
0x22c: {  	[tilespmem:s16+$0x30] =	vst @!p2 v6;
	s16 =	sadd.s32 @!p1 s18, s1;
	s18 =	simm.s32 @!p1 $0xD880  }
0x22d: {  	[tilespmem:s18], [sflag:$0x1] =	stream.linear.gather @!p1 [spmem:s16], $0x40, $0x38;
	[tilespmem:$0x17A00] =	vst v63  }
0x22e: {  	s16 =	simm.s32 @!p1 $0x1  }
0x22f: {  	_ =	swait.ge @!p1 [sflag:s16], $0x40  }
0x230: {  	(v2sf) =	vpush v5, $0xE;
	_ =	sdelay $0x2  }
0x231: {  	s17 =	sshll.u32 @!p1 s17, $0x9;
	[sflag:s16] =	ssyncset.done @!p1 $0x0  }
0x232: {  	[sflag:s16] =	ssyncadd.s32 @!p1 $0xFFFFFFC0;
	s16 =	sshra.s32 @!p1 s17, $0x2  }
0x233: {  	v6 =	vld @!p1 [tilespmem:s16+$0x0]  }
0x234: {  	v7 =	vld @!p1 [tilespmem:$0xD880];
	_ =	sdelay $0x4  }
0x235: {  	v6 =	vmax.f32 @!p1 v6, v7  }
0x236: {  	[tilespmem:s16+$0x0] =	vst @!p1 v6;
	v6 =	vld @!p1 [tilespmem:s16+$0x10]  }
0x237: {  	v7 =	vld @!p1 [tilespmem:$0xD890];
	_ =	sdelay $0x1  }
0x238: {  	s17 =	spop (v2sf)  }
0x239: {  	p2 =	sgt.s32 s17, $0x13F  }
0x23a: {  	(v2sf) =	vpush @!p2 v4, $0xE  }
0x23b: {  	v6 =	vmax.f32 @!p1 v6, v7  }
0x23c: {  	[tilespmem:s16+$0x10] =	vst @!p1 v6;
	v6 =	vld @!p1 [tilespmem:s16+$0x20]  }
0x23d: {  	v7 =	vld @!p1 [tilespmem:$0xD8A0];
	_ =	sdelay $0x4  }
0x23e: {  	v6 =	vmax.f32 @!p1 v6, v7  }
0x23f: {  	[tilespmem:s16+$0x20] =	vst @!p1 v6;
	v6 =	vld @!p1 [tilespmem:s16+$0x30]  }
0x240: {  	v7 =	vld @!p1 [tilespmem:$0xD8B0];
	_ =	sdelay $0x4  }
0x241: {  	v6 =	vmax.f32 @!p1 v6, v7;
	s18 =	spop @!p2 (v2sf)  }
0x242: {  	[tilespmem:s16+$0x30] =	vst @!p1 v6;
	s16 =	sadd.s32 @!p2 s18, s1;
	s18 =	simm.s32 @!p2 $0xD880  }
0x243: {  	[tilespmem:s18], [sflag:$0x1] =	stream.linear.gather @!p2 [spmem:s16], $0x40, $0x38;
	[tilespmem:$0x17A00] =	vst v63  }
0x244: {  	s16 =	simm.s32 @!p2 $0x1  }
0x245: {  	_ =	swait.ge @!p2 [sflag:s16], $0x40  }
0x246: {  	(v2sf) =	vpush v5, $0xF;
	_ =	sdelay $0x2  }
0x247: {  	s17 =	sshll.u32 @!p2 s17, $0x9;
	[sflag:s16] =	ssyncset.done @!p2 $0x0  }
0x248: {  	[sflag:s16] =	ssyncadd.s32 @!p2 $0xFFFFFFC0;
	s16 =	sshra.s32 @!p2 s17, $0x2  }
0x249: {  	v5 =	vld @!p2 [tilespmem:s16+$0x0]  }
0x24a: {  	v6 =	vld @!p2 [tilespmem:$0xD880];
	_ =	sdelay $0x4  }
0x24b: {  	v5 =	vmax.f32 @!p2 v5, v6  }
0x24c: {  	[tilespmem:s16+$0x0] =	vst @!p2 v5;
	v5 =	vld @!p2 [tilespmem:s16+$0x10]  }
0x24d: {  	v6 =	vld @!p2 [tilespmem:$0xD890];
	_ =	sdelay $0x1  }
0x24e: {  	s17 =	spop (v2sf)  }
0x24f: {  	p1 =	sgt.s32 s17, $0x13F  }
0x250: {  	(v2sf) =	vpush @!p1 v4, $0xF  }
0x251: {  	v4 =	vmax.f32 @!p2 v5, v6  }
0x252: {  	[tilespmem:s16+$0x10] =	vst @!p2 v4;
	v4 =	vld @!p2 [tilespmem:s16+$0x20]  }
0x253: {  	v5 =	vld @!p2 [tilespmem:$0xD8A0];
	_ =	sdelay $0x4  }
0x254: {  	v4 =	vmax.f32 @!p2 v4, v5  }
0x255: {  	[tilespmem:s16+$0x20] =	vst @!p2 v4;
	v4 =	vld @!p2 [tilespmem:s16+$0x30]  }
0x256: {  	v5 =	vld @!p2 [tilespmem:$0xD8B0];
	_ =	sdelay $0x4  }
0x257: {  	v4 =	vmax.f32 @!p2 v4, v5;
	s18 =	spop @!p1 (v2sf)  }
0x258: {  	[tilespmem:s16+$0x30] =	vst @!p2 v4;
	s16 =	sadd.s32 @!p1 s18, s1;
	s18 =	simm.s32 @!p1 $0xD880  }
0x259: {  	[tilespmem:s18], [sflag:$0x1] =	stream.linear.gather @!p1 [spmem:s16], $0x40, $0x38;
	[tilespmem:$0x17A00] =	vst v63  }
0x25a: {  	s16 =	simm.s32 @!p1 $0x1  }
0x25b: {  	_ =	swait.ge @!p1 [sflag:s16], $0x40  }
0x25c: {  	s17 =	sshll.u32 @!p1 s17, $0x9;
	[sflag:s16] =	ssyncset.done @!p1 $0x0  }
0x25d: {  	[sflag:s16] =	ssyncadd.s32 @!p1 $0xFFFFFFC0;
	s16 =	sshra.s32 @!p1 s17, $0x2  }
0x25e: {  	v4 =	vld @!p1 [tilespmem:s16+$0x0]  }
0x25f: {  	v5 =	vld @!p1 [tilespmem:$0xD880];
	_ =	sdelay $0x4  }
0x260: {  	v4 =	vmax.f32 @!p1 v4, v5  }
0x261: {  	[tilespmem:s16+$0x0] =	vst @!p1 v4;
	v4 =	vld @!p1 [tilespmem:s16+$0x10]  }
0x262: {  	v5 =	vld @!p1 [tilespmem:$0xD890];
	_ =	sdelay $0x4  }
0x263: {  	v4 =	vmax.f32 @!p1 v4, v5  }
0x264: {  	[tilespmem:s16+$0x10] =	vst @!p1 v4;
	v4 =	vld @!p1 [tilespmem:s16+$0x20]  }
0x265: {  	v5 =	vld @!p1 [tilespmem:$0xD8A0];
	_ =	sdelay $0x4  }
0x266: {  	v4 =	vmax.f32 @!p1 v4, v5  }
0x267: {  	[tilespmem:s16+$0x20] =	vst @!p1 v4;
	v4 =	vld @!p1 [tilespmem:s16+$0x30]  }
0x268: {  	v5 =	vld @!p1 [tilespmem:$0xD8B0];
	_ =	sdelay $0x1  }
.Ltmp7:
0x269: {  	_ = 	snop;
	(pc) =	sbr.rel .LBB2_9-.Ltmp7, $3  }
0x26a: {  	_ =	sdelay $0x1  }
0x26b: {  	v4 =	vmax.f32 @!p1 v4, v5  }
0x26c: {  	[tilespmem:s16+$0x30] =	vst @!p1 v4  }
.LBB2_11:
0x26d: {  	s13 =	simm.s32 $0x0  }
0x26e: {  	v6 =	vld [tilespmem:s13+$0x0]  }
0x26f: {  	v5 =	vld [tilespmem:s13+$0x10]  }
0x270: {  	s14 =	simm.s32 $0x200;
	v4 =	vld [tilespmem:s13+$0x20]  }
.LBB2_12:
0x271: {  	p1 =	sne.s32 s14, $0x27E00;
	v7 =	vld [tilespmem:s13+$0x30];
	_ =	sdelay $0x1  }
0x272: {  	vm0 =	veq.f32 v6, $-Inf  }
.Ltmp8:
0x273: {  	v6 =	vsel vm0, $0x0, v6;
	vm0 =	veq.f32 v5, $-Inf;
	(pc) =	sbr.rel @p1 .LBB2_12-.Ltmp8, $4  }
0x274: {  	s15 =	sshra.s32 s14, $0x2;
	[tilespmem:s13+$0x0] =	vst v6;
	v5 =	vsel vm0, $0x0, v5;
	vm0 =	veq.f32 v4, $-Inf  }
0x275: {  	v6 =	vld [tilespmem:s15+$0x0];
	[tilespmem:s13+$0x10] =	vst v5;
	v4 =	vsel vm0, $0x0, v4;
	vm0 =	veq.f32 v7, $-Inf  }
0x276: {  	v5 =	vld [tilespmem:s15+$0x10];
	[tilespmem:s13+$0x20] =	vst v4;
	v7 =	vsel vm0, $0x0, v7  }
0x277: {  	s14 =	sadd.s32 $0x200, s14;
	v4 =	vld [tilespmem:s15+$0x20];
	[tilespmem:s13+$0x30] =	vst v7;
	s13 =	smov.u32 s15  }
0x278: {  	v7 =	vld [tilespmem:s13+$0x30];
	_ =	sdelay $0x1  }
0x279: {  	vm0 =	veq.f32 v6, $-Inf  }
0x27a: {  	v6 =	vsel vm0, $0x0, v6;
	vm13 =	veq.f32 v5, $-Inf  }
0x27b: {  	[tilespmem:s13+$0x0] =	vst v6;
	v5 =	vsel vm13, $0x0, v5;
	vm14 =	veq.f32 v4, $-Inf  }
0x27c: {  	s12 =	sadd.s32 $0x1, s12;
	[tilespmem:s13+$0x10] =	vst v5;
	v4 =	vsel vm14, $0x0, v4;
	vm15 =	veq.f32 v7, $-Inf  }
0x27d: {  	p1 =	sne.s32 s12, s7;
	[tilespmem:s13+$0x20] =	vst v4;
	v4 =	vsel vm15, $0x0, v7  }
.Ltmp9:
0x27e: {  	[tilespmem:s13+$0x30] =	vst v4;
	(pc) =	sbr.rel @p1 .LBB2_1-.Ltmp9, $4  }
0x27f: {  	[hbm4b:s6+s2] =	stream.linear.scatter [tilespmem:s2], [sflag:$0x1], $0xA000, $0x38;
	[tilespmem:$0x17A00] =	vst v63  }
0x280: {  	_ =	swait.ge [sflag:s10], $0xA000  }
0x281: {  	[sflag:s10] =	ssyncset.done $0x0  }
0x282: {  	[sflag:s10] =	ssyncadd.s32 $0xFFFF6000  }
0x283: {  	_ =	sfence.sel $0x180000  }
0x284: {  	[bflag:$0x0] =	sbarrier.arrive $0xFFFF  }
0x285: {  	_ =	strace $0x9000004A  }
0x286: {  	s0 =	sadd.s32 @!p0 $0x100000, s0;
	[bflag:$0x2] =	sbarrier.arrive $0xFFFF  }
0x287: {  	[sflag:s0] =	ssyncadd.tile.s32 @!p0 $0x1;
	_ =	shalt  }
.Lfunc_end2:
_tile_overlayer_lowered:
.L_overlay_start_2:
0x288: {  	(tag) =	ssettag $0x2  }
0x289: {  	s0 =	rddreg [dreg:$0x0];
	s2 =	stileid.u32  }
0x28a: {  	s1 =	rddreg [dreg:$0x1];
	p0 =	sne.s32 s2, $0x0  }
0x28b: {  	s3 =	rddreg [dreg:$0x2];
	[bflag:$0x3] =	sbarrier.arrive $0xFFFF;
	s2 =	simm.s32 @!p0 $0x1C01  }
0x28c: {  	[timem:s3], [sflag:s2] =	dma.local @!p0 [hbm:s0], s1  }
0x28d: {  	s0 =	simm.s32 @!p0 $0x1  }
0x28e: {  	_ =	swait.ge @!p0 [sflag:s0], s1  }
0x28f: {  	s1 =	ssub.s32 @!p0 $0x0, s1;
	[sflag:s0] =	ssyncset.done @!p0 $0x0  }
0x290: {  	[sflag:s0] =	ssyncadd.s32 @!p0 s1  }
0x291: {  	[bflag:$0x3] =	sbarrier.arrive $0xFFFF  }
0x292: {  	_ =	shalt  }

// kernel: kernel.7.cloned.1.call-start
scs
__scs_entry_jumppad:
0x0: {  	(pc) =	sbr.rel $0x88, $3  }
0x1: {  	(tag) =	ssettag $0x0;
	lr =	simm.s32 $0x1  }
0x2: {  	[smem:$0x3F8F] =	sst lr;
	_ =	strace $0xD0000000  }
0x3: {  	_ = 	snop  }
0x4: {  	_ = 	snop  }
0x5: {  	_ = 	snop  }
0x6: {  	_ = 	snop  }
0x7: {  	_ = 	snop  }
__scs_overlays_trampoline_lowered:
0x8: {  	[smem:$0x3F9E] =	sst s0  }
0x9: {  	[smem:$0x3F9F] =	sst s1  }
0xa: {  	[smem:$0x3FA0] =	sst s2  }
0xb: {  	[smem:$0x3FA1] =	sst s3  }
0xc: {  	[smem:$0x3FA2] =	sst s4  }
0xd: {  	[smem:$0x3FA3] =	sst s5  }
0xe: {  	[smem:$0x3FA4] =	sst s6  }
0xf: {  	[smem:$0x3FA5] =	sst s7  }
0x10: {  	[smem:$0x3FA6] =	sst s8  }
0x11: {  	[smem:$0x3FA7] =	sst s9;
	s0 =	simm.s32 @!p0 $0x0  }
0x12: {  	s1 =	sld [smem:$0x3F8D];
	s0 =	simm.s32 @p0 $0x1  }
0x13: {  	[smem:$0x3FA8] =	sst s0;
	s0 =	simm.s32 @!p1 $0x0  }
0x14: {  	s2 =	sld [smem:$0x3F8C];
	s0 =	simm.s32 @p1 $0x1  }
0x15: {  	[smem:$0x3FA9] =	sst s0;
	s0 =	simm.s32 @!p2 $0x0  }
0x16: {  	s3 =	sld [smem:$0x3FDB];
	s0 =	simm.s32 @p2 $0x1  }
0x17: {  	s4 =	simm.s32 $0x1BF5;
	[smem:$0x3FAB] =	sst s0  }
0x18: {  	s0 =	sld [smem:$0x3F8E];
	_ =	swait.ge [sflag:s4], $0x0  }
0x19: {  	s7 =	sld [smem:$0x3F8F]  }
0x1a: {  	s8 =	sadd.s32 $0xFFFFE003, lr  }
0x1b: {  	s9 =	sadd.s32 $0xFFFFFEF7, lr;
	s5 =	simm.s32 $0xFFFFFFFF;
	p2 =	slt.u32 s8, $0xFFFFF086  }
0x1c: {  	p1 =	slt.u32 s9, $0xF7A;
	s5 =	simm.s32 @!p2 $0x0  }
0x1d: {  	s5 =	simm.s32 @p1 $0x1;
	p0 =	seq.s32 s7, s2  }
0x1e: {  	s7 =	smul.u32 @!p0 $0xF7A, s2;
	p2 =	seq.s32 @!p0 s5, $0x0  }
0x1f: {  	s9 =	smul.u32 $0xF7A, s1;
	s8 =	simm.s32 @!p0 $0x1BF5;
	p2 =	por !p2, p0  }
0x20: {  	[sflag:s8] =	ssyncset.s32 @!p0 $0xFFFFF086;
	s6 =	sadd.s32 @!p0 s3, s7;
	s7 =	simm.s32 @!p0 $0x108  }
0x21: {  	s3 =	sadd.s32 s3, s9;
	s6 =	sadd.s32 @!p0 $0x88, s6;
	s7 =	simm.s32 @p2 $0x1082  }
0x22: {  	[simem:s7], [sflag:s8] =	dma.local @!p0 [hbm:s6], $0xF7A  }
0x23: {  	s9 =	sor.u32 $0xD0000000, s2;
	s6 =	simm.s32 $0x108;
	_ =	swait.ge @!p0 [sflag:s8], $0x0  }
0x24: {  	s3 =	sadd.s32 $0x88, s3;
	s6 =	simm.s32 @!p1 $0x1082;
	[sflag:s4] =	ssyncset.s32 $0xFFFFF086  }
0x25: {  	[simem:s6], [sflag:s4] =	dma.local [hbm:s3], $0xF7A  }
0x26: {  	[smem:$0x3F8F] =	sst s1;
	(tag) =	ssettag s2;
	_ =	strace s9  }
0x27: {  	s1 =	sld [smem:$0x3F9F]  }
0x28: {  	s2 =	sld [smem:$0x3FA0]  }
0x29: {  	s4 =	sld [smem:$0x3FA2]  }
0x2a: {  	p0 =	seq.s32 s5, $0x0;
	s5 =	sld [smem:$0x3FA3]  }
0x2b: {  	s6 =	sld [smem:$0x3FA4]  }
0x2c: {  	s7 =	sld [smem:$0x3FA5]  }
0x2d: {  	s3 =	simm.s32 $0x108;
	s8 =	sld [smem:$0x3FA6]  }
0x2e: {  	s3 =	simm.s32 @!p0 $0x1082;
	s9 =	sld [smem:$0x3FA7]  }
0x2f: {  	lr =	sadd.s32 s0, s3;
	s0 =	sld [smem:$0x3F9E]  }
0x30: {  	s3 =	sld [smem:$0x3FA1]  }
0x31: {  	[smem:$0x3FAA] =	sst s10  }
0x32: {  	s10 =	sld [smem:$0x3FA8];
	_ =	sdelay $0x3  }
0x33: {  	p0 =	seq.s32 s10, $0x1;
	s10 =	sld [smem:$0x3FAA];
	_ =	sdelay $0x3  }
0x34: {  	[smem:$0x3FAA] =	sst s10  }
0x35: {  	s10 =	sld [smem:$0x3FA9];
	_ =	sdelay $0x3  }
0x36: {  	p1 =	seq.s32 s10, $0x1;
	s10 =	sld [smem:$0x3FAA];
	_ =	sdelay $0x3  }
0x37: {  	[smem:$0x3FAA] =	sst s10  }
0x38: {  	s10 =	sld [smem:$0x3FAB]  }
0x39: {  	_ = 	snop;
	(pc) =	sbr.ind lr, $3  }
0x3a: {  	_ = 	snop  }
0x3b: {  	_ = 	snop  }
0x3c: {  	p2 =	seq.s32 s10, $0x1;
	s10 =	sld [smem:$0x3FAA]  }
0x3d: {  	_ =	shalt  }
0x3e: {  	_ =	shalt  }
0x3f: {  	_ =	shalt  }
0x40: {  	_ =	shalt  }
0x41: {  	_ =	shalt  }
0x42: {  	_ =	shalt  }
0x43: {  	_ =	shalt  }
0x44: {  	_ =	shalt  }
0x45: {  	_ =	shalt  }
0x46: {  	_ =	shalt  }
0x47: {  	_ =	shalt  }
0x48: {  	_ =	shalt  }
0x49: {  	_ =	shalt  }
0x4a: {  	_ =	shalt  }
0x4b: {  	_ =	shalt  }
0x4c: {  	_ =	shalt  }
0x4d: {  	_ =	shalt  }
0x4e: {  	_ =	shalt  }
0x4f: {  	_ =	shalt  }
0x50: {  	_ =	shalt  }
0x51: {  	_ =	shalt  }
0x52: {  	_ =	shalt  }
0x53: {  	_ =	shalt  }
0x54: {  	_ =	shalt  }
0x55: {  	_ =	shalt  }
0x56: {  	_ =	shalt  }
0x57: {  	_ =	shalt  }
0x58: {  	_ =	shalt  }
0x59: {  	_ =	shalt  }
0x5a: {  	_ =	shalt  }
0x5b: {  	_ =	shalt  }
0x5c: {  	_ =	shalt  }
0x5d: {  	_ =	shalt  }
0x5e: {  	_ =	shalt  }
0x5f: {  	_ =	shalt  }
0x60: {  	_ =	shalt  }
0x61: {  	_ =	shalt  }
0x62: {  	_ =	shalt  }
0x63: {  	_ =	shalt  }
0x64: {  	_ =	shalt  }
0x65: {  	_ =	shalt  }
0x66: {  	_ =	shalt  }
0x67: {  	_ =	shalt  }
0x68: {  	_ =	shalt  }
0x69: {  	_ =	shalt  }
0x6a: {  	_ =	shalt  }
0x6b: {  	_ =	shalt  }
0x6c: {  	_ =	shalt  }
0x6d: {  	_ =	shalt  }
0x6e: {  	_ =	shalt  }
0x6f: {  	_ =	shalt  }
0x70: {  	_ =	shalt  }
0x71: {  	_ =	shalt  }
0x72: {  	_ =	shalt  }
0x73: {  	_ =	shalt  }
0x74: {  	_ =	shalt  }
0x75: {  	_ =	shalt  }
0x76: {  	_ =	shalt  }
0x77: {  	_ =	shalt  }
0x78: {  	_ =	shalt  }
0x79: {  	_ =	shalt  }
0x7a: {  	_ =	shalt  }
0x7b: {  	_ =	shalt  }
0x7c: {  	_ =	shalt  }
0x7d: {  	_ =	shalt  }
0x7e: {  	_ =	shalt  }
0x7f: {  	_ =	shalt  }
0x80: {  	_ =	shalt  }
0x81: {  	_ =	shalt  }
0x82: {  	_ =	shalt  }
0x83: {  	_ =	shalt  }
0x84: {  	_ =	shalt  }
0x85: {  	_ =	shalt  }
0x86: {  	_ =	shalt  }
0x87: {  	_ =	shalt  }
.Lfunc_end0:
.L_simem_size_0:
called_computation_lowered:
.L_overlay_start_0:
0x88: {  	s2 =	sld [smem:$0x3FD9]  }
0x89: {  	s3 =	sld [smem:$0x3FFE];
	_ =	sdelay $0x1  }
0x8a: {  	s1 =	srdreg.scid  }
0x8b: {  	s0 =	sand.u32 $0x1, s1  }
0x8c: {  	s16 =	sshll.u32 s0, $0xA;
	s2 =	sadd.s32 s3, s2  }
0x8d: {  	s2 =	sadd.s32 s2, s16  }
0x8e: {  	[smem:$0x3FB6] =	sst s2  }
0x8f: {  	_ = 	snop  }
0x90: {  	(tm) =	ssettm $0x1  }
0x91: {  	s17 =	sld [smem:$0x3FFB];
	_ =	sdelay $0x3  }
0x92: {  	_ =	strace s17  }
0x93: {  	s2 =	sld [smem:$0x3FFC];
	_ =	sdelay $0x3  }
0x94: {  	_ =	strace s2  }
0x95: {  	s2 =	sld [smem:$0x3FFD];
	_ =	sdelay $0x3  }
0x96: {  	_ =	strace s2  }
0x97: {  	_ =	strace $0x8FFFFFFF  }
0x98: {  	s18 =	sld [smem:$0x3FDB];
	_ =	sdelay $0x1  }
0x99: {  	s19 =	simm.s32 $_scs_section_size  }
0x9a: {  	s4 =	simm.s32 $_size__tile_overlayer_lowered;
	s5 =	simm.s32 $_tile_overlayer_lowered  }
0x9b: {  	s22 =	simm.s32 $0x1BFF;
	s21 =	sshll.u32 s5, $0x1;
	s2 =	sadd.s32 s19, s18  }
0x9c: {  	s6 =	simm.s32 $0x0;
	s20 =	sshll.u32 s4, $0x1;
	s4 =	sadd.s32 s21, s2  }
0x9d: {  	[timem:s6], [sflag:s22] =	dma.local [hbm:s4], s20  }
0x9e: {  	_ =	swait.ge [sflag:s22], s20  }
0x9f: {  	s3 =	ssub.s32 $0x0, s20;
	[sflag:s22] =	ssyncset.done $0x0  }
0xa0: {  	[sflag:s22] =	ssyncadd.s32 s3;
	_ =	sdelay $0x1  }
0xa1: {  	s23 =	simm.s32 $0x1B8B  }
0xa2: {  	_ =	swait.ge [sflag:s23], $0x1  }
0xa3: {  	[sflag:s23] =	ssyncset.done $0x0  }
0xa4: {  	s25 =	simm.s32 $0x1B8E;
	s24 =	sld [smem:$0x3FFE];
	[sflag:s23] =	ssyncadd.s32 $0xFFFFFFFF  }
0xa5: {  	s26 =	simm.s32 $execute0_lowered;
	[smem:$0x3FD2] =	sst s25  }
0xa6: {  	s4 =	sshll.u32 s26, $0x1;
	_ =	strace $0x80000046;
	[dreg:$0x1] =	wrdreg $0xFFFFFFFF  }
0xa7: {  	s28 =	simm.s32 $_size_execute0_lowered;
	s2 =	sadd.s32 s2, s4;
	[dreg:$0x0] =	wrdreg $0x0  }
0xa8: {  	s4 =	sshll.u32 s28, $0x1;
	[dreg:$0x2] =	wrdreg s2  }
0xa9: {  	[dreg:$0x3] =	wrdreg s4  }
0xaa: {  	[dreg:$0x4] =	wrdreg $0xC0  }
0xab: {  	_ =	task [dreg:s6], $0x5FFFF  }
0xac: {  	[dreg:$0x1] =	wrdreg $0xFFFFFFFF  }
0xad: {  	[dreg:$0x0] =	wrdreg $0x60  }
0xae: {  	[dreg:$0x2] =	wrdreg s24  }
0xaf: {  	[dreg:$0x3] =	wrdreg $0xDA000  }
0xb0: {  	[dreg:$0x4] =	wrdreg $0x9  }
0xb1: {  	_ =	task.clear_ibuf [dreg:s6], $0x5FFFF;
	_ =	strace $0x90000046  }
0xb2: {  	s29 =	simm.s32 $0x9;
	_ =	strace $0x80000048  }
0xb3: {  	_ =	swait.ge [sflag:s29], $0x1  }
0xb4: {  	[sflag:s29] =	ssyncadd.s32 $0xFFFFFFFF  }
0xb5: {  	_ =	strace $0x90000048  }
0xb6: {  	_ =	sfence  }
0xb7: {  	s30 =	sld [smem:$0x0];
	_ =	sdelay $0x2  }
0xb8: {  	s31 =	sshll.u32 s1, $0xD;
	s1 =	sshrl.u32 s1, $0x2  }
0xb9: {  	s3 =	sand.u32 $0x4000, s31;
	s1 =	sadd.s32 s1, s30  }
0xba: {  	s0 =	sor.u32 s3, s0;
	s1 =	sshll.u32 s1, $0x11  }
0xbb: {  	s0 =	sor.u32 s1, s0  }
0xbc: {  	s0 =	sadd.s32 $0x8F2B, s0  }
0xbd: {  	[sflag:s0] =	ssyncadd.remote.s32 $0x1  }
0xbe: {  	_ =	sfence.sel $0xFFFF  }
0xbf: {  	[dreg:$0x0] =	wrdreg $0xFFFFFFFF;
	(pc) =	sbr.abs _section_cstart, $3  }
0xc0: {  	[dreg:$0x1] =	wrdreg $0xFFFFFFFF  }
0xc1: {  	_ =	task.clear_ibuf [dreg:s6], $0x2FFFF;
	_ =	strace $0x9FFFFFFF  }
0xc2: {  	(tm) =	ssettm $0x7FFFFFFF  }
0xc3: {  	_ =	shalt  }
tec
execute0_lowered:
.L_overlay_start_1:
0x0: {  	(tag) =	ssettag $0x1  }
0x1: {  	s6 =	rddreg [dreg:$0x0]  }
0x2: {  	s1 =	rddreg [dreg:$0x1]  }
0x3: {  	s0 =	rddreg [dreg:$0x2];
	s3 =	srdreg.scid  }
0x4: {  	s7 =	stileid.u32;
	s2 =	simm.s32 $0x0;
	s11 =	simm.s32 $0xAE80  }
0x5: {  	s12 =	simm.s32 $0x0;
	s8 =	sand.u32 $0x1, s3;
	s30 =	sshll.u32 s7, $0x1  }
0x6: {  	[smem:$0x7FF] =	sst s2;
	s3 =	sadd.s32 $0x16200, s6;
	s4 =	sadd.s32 $0xC400, s6  }
0x7: {  	s5 =	sadd.s32 $0x2600, s6;
	s9 =	sor.u32 s8, s30;
	s8 =	ssub.s32 $0x2, s8  }
0x8: {  	p0 =	sne.s32 s7, $0x0;
	s10 =	smul.u32 $0x1400, s9;
	s31 =	sshrl.u32 s8, $0x1  }
0x9: {  	_ =	strace $0x80000047;
	s9 =	smul.u32 $0x140, s9;
	s8 =	ssub.s32 s8, s31  }
0xa: {  	v1 =	vimm.f32 $-Inf;
	s6 =	sadd.s32 s10, s6;
	s7 =	smax.u32 s8, $0x1;
	s8 =	sshrl.u32 @!p0 s1, $0x3  }
0xb: {  	v2 =	vimm.s32 $0x10;
	v3 =	vlaneseq.u32;
	v0 =	vmov s9;
	s9 =	simm.s32 $0xA400;
	s10 =	simm.s32 $0x1;
	s6 =	sadd.s32 $0x2A200, s6  }
.LBB2_1:
0xc: {  	s13 =	simm.s32 @!p0 $0x1C01  }
0xd: {  	[spmem:s8], [sflag:s13] =	dma.local @!p0 [hbm:s3], $0x14000  }
0xe: {  	s13 =	simm.s32 @!p0 $0x1  }
0xf: {  	_ =	swait.ge @!p0 [sflag:s13], $0x14000  }
0x10: {  	[sflag:s13] =	ssyncset.done @!p0 $0x0  }
0x11: {  	[sflag:s13] =	ssyncadd.s32 @!p0 $0xFFFEC000  }
0x12: {  	s14 =	simm.s32 $0x200;
	s13 =	simm.s32 $0x0;
	[bflag:$0x0] =	sbarrier.arrive $0xFFFF  }
.LBB2_2:
0x13: {  	p1 =	sne.s32 s14, $0x28000;
	[tilespmem:s13+$0x30] =	vst v1;
	s15 =	smov.u32 s14;
	s14 =	sadd.s32 $0x200, s14  }
.Ltmp0:
0x14: {  	[tilespmem:s13+$0x20] =	vst v1;
	(pc) =	sbr.rel @p1 .LBB2_2-.Ltmp0, $3  }
0x15: {  	[tilespmem:s13+$0x0] =	vst v1  }
0x16: {  	[tilespmem:s13+$0x10] =	vst v1;
	_ =	sdelay $0x1  }
0x17: {  	s13 =	sshra.s32 s15, $0x2  }
0x18: {  	[tilespmem:s13+$0x30] =	vst v1  }
0x19: {  	[tilespmem:s13+$0x20] =	vst v1  }
0x1a: {  	[tilespmem:s13+$0x0] =	vst v1  }
.Ltmp1:
0x1b: {  	[tilespmem:s13+$0x10] =	vst v1;
	(pc) =	sbr.rel .LBB2_4-.Ltmp1, $4  }
0x1c: {  	[tilespmem:$0xD910] =	vst v2  }
0x1d: {  	[tilespmem:$0xD940] =	vst v2  }
0x1e: {  	[tilespmem:$0xD970] =	vst v2  }
0x1f: {  	s13 =	simm.s32 $0x0;
	s14 =	simm.s32 $0x0;
	[tilespmem:$0xD9A0] =	vst v2  }
.LBB2_10:
0x20: {  	s14 =	sadd.s32 $0x1, s14  }
0x21: {  	p1 =	sne.s32 s14, $0x7D  }
.Ltmp2:
0x22: {  	_ = 	snop;
	(pc) =	sbr.rel @!p1 .LBB2_11-.Ltmp2, $1  }
0x23: {  	_ =	sdelay $0x3  }
.LBB2_4:
0x24: {  	s15 =	smul.u32 $0x140, s14;
	_ =	sdelay $0x1  }
0x25: {  	s16 =	sadd.s32 s4, s15  }
0x26: {  	[tilespmem:s9], [sflag:$0x1] =	stream.linear.gather [hbm4b:s16+s13], $0xA00, $0x38;
	[tilespmem:$0x17A00] =	vst v63  }
0x27: {  	_ =	swait.ge [sflag:s10], $0xA00  }
0x28: {  	[sflag:s10] =	ssyncset.done $0x0  }
0x29: {  	s15 =	sadd.s32 s5, s15;
	[sflag:s10] =	ssyncadd.s32 $0xFFFFF600  }
0x2a: {  	[tilespmem:s11], [sflag:$0x1] =	stream.linear.gather [hbm4b:s15+s13], $0xA00, $0x38;
	[tilespmem:$0x17A00] =	vst v63  }
0x2b: {  	_ =	swait.ge [sflag:s10], $0xA00  }
0x2c: {  	[sflag:s10] =	ssyncset.done $0x0  }
0x2d: {  	s15 =	simm.s32 $0x0;
	[sflag:s10] =	ssyncadd.s32 $0xFFFFF600  }
0x2e: {  	v4 =	vld [tilespmem:s15+$0xA400]  }
0x2f: {  	v5 =	vld [tilespmem:s15+$0xAE80];
	_ =	sdelay $0x4  }
0x30: {  	v5 =	vsub.s32 v5, v0;
	v4 =	vshll.u32 v4, $0x6  }
0x31: {  	vm0 =	vlt.u32 v5, $0x140;
	v5 =	vmin.u32 v5, $0x140;
	[tilespmem:s15+$0xCE00] =	vst v4  }
0x32: {  	[tilespmem:s15+$0xB900] =	vst v5;
	v4 =	vnsel vm0, $0x10, v3  }
0x33: {  	[tilespmem:$0xD900] =	vst v4  }
0x34: {  	v4 =	vld [tilespmem:s15+$0xAE90];
	_ =	sdelay $0x1  }
0x35: {  	v5 =	vld [tilespmem:s15+$0xA410];
	_ =	sdelay $0x2  }
0x36: {  	v4 =	vsub.s32 v4, v0  }
0x37: {  	v6 =	vmin.u32 v4, $0x140  }
0x38: {  	vm13 =	vlt.u32 v4, $0x140;
	v4 =	vshll.u32 v5, $0x6;
	[tilespmem:s15+$0xB910] =	vst v6  }
0x39: {  	v5 =	vnsel vm13, $0x10, v3;
	[tilespmem:s15+$0xCE10] =	vst v4  }
0x3a: {  	[tilespmem:$0xD930] =	vst v5  }
0x3b: {  	v4 =	vld [tilespmem:s15+$0xAEA0];
	_ =	sdelay $0x1  }
0x3c: {  	v5 =	vld [tilespmem:s15+$0xA420];
	_ =	sdelay $0x2  }
0x3d: {  	v4 =	vsub.s32 v4, v0  }
0x3e: {  	v6 =	vmin.u32 v4, $0x140  }
0x3f: {  	vm14 =	vlt.u32 v4, $0x140;
	v4 =	vshll.u32 v5, $0x6;
	[tilespmem:s15+$0xB920] =	vst v6  }
0x40: {  	v5 =	vnsel vm14, $0x10, v3;
	[tilespmem:s15+$0xCE20] =	vst v4  }
0x41: {  	[tilespmem:$0xD960] =	vst v5  }
0x42: {  	v4 =	vld [tilespmem:s15+$0xAEB0]  }
0x43: {  	v5 =	vld [tilespmem:s15+$0xA430];
	_ =	sdelay $0x4  }
0x44: {  	v4 =	vsub.s32 v4, v0;
	v5 =	vshll.u32 v5, $0x6  }
0x45: {  	v6 =	vmin.u32 v4, $0x140;
	[tilespmem:s15+$0xCE30] =	vst v5  }
0x46: {  	[tilespmem:s15+$0xB930] =	vst v6  }
0x47: {  	v5 =	vld [tilespmem:$0xD961]  }
0x48: {  	vm15 =	vlt.u32 v4, $0x140;
	v4 =	vld [tilespmem:$0xD900]  }
0x49: {  	v7 =	vld [tilespmem:$0xD931]  }
0x4a: {  	v6 =	vnsel vm15, $0x10, v3;
	v8 =	vld [tilespmem:$0xD960]  }
0x4b: {  	[tilespmem:$0xD990] =	vst v6;
	v11 =	vld [tilespmem:$0xD901]  }
0x4c: {  	v9 =	vld [tilespmem:$0xD991]  }
0x4d: {  	v10 =	vld [tilespmem:$0xD930];
	_ =	sdelay $0x1  }
0x4e: {  	vm4 =	vlt.s32 v8, v5  }
0x4f: {  	vm6 =	vlt.s32 v4, v11;
	v5 =	vsel vm4, v8, v5  }
0x50: {  	vm5 =	vlt.s32 v6, v9;
	v4 =	vsel vm6, v4, v11;
	[tilespmem:$0xD960] =	vst v5  }
0x51: {  	vm1 =	vlt.s32 v10, v7;
	v6 =	vsel vm5, v6, v9;
	[tilespmem:$0xD900] =	vst v4;
	v52 =	vld [tilespmem:$0xD962]  }
0x52: {  	v7 =	vsel vm1, v10, v7;
	[tilespmem:$0xD990] =	vst v6;
	v55 =	vld [tilespmem:$0xD902]  }
0x53: {  	[tilespmem:$0xD930] =	vst v7;
	v53 =	vld [tilespmem:$0xD992]  }
0x54: {  	v54 =	vld [tilespmem:$0xD932];
	_ =	sdelay $0x1  }
0x55: {  	vm7 =	vlt.s32 v5, v52  }
0x56: {  	vm9 =	vlt.s32 v4, v55;
	v5 =	vsel vm7, v5, v52  }
0x57: {  	vm8 =	vlt.s32 v6, v53;
	v4 =	vsel vm9, v4, v55;
	[tilespmem:$0xD960] =	vst v5  }
0x58: {  	vm1 =	vlt.s32 v7, v54;
	v6 =	vsel vm8, v6, v53;
	[tilespmem:$0xD900] =	vst v4;
	v56 =	vld [tilespmem:$0xD964]  }
0x59: {  	v7 =	vsel vm1, v7, v54;
	[tilespmem:$0xD990] =	vst v6;
	v59 =	vld [tilespmem:$0xD904]  }
0x5a: {  	[tilespmem:$0xD930] =	vst v7;
	v57 =	vld [tilespmem:$0xD994]  }
0x5b: {  	v58 =	vld [tilespmem:$0xD934];
	_ =	sdelay $0x1  }
0x5c: {  	vm10 =	vlt.s32 v5, v56  }
0x5d: {  	vm12 =	vlt.s32 v4, v59;
	v5 =	vsel vm10, v5, v56  }
0x5e: {  	vm11 =	vlt.s32 v6, v57;
	v4 =	vsel vm12, v4, v59;
	[tilespmem:$0xD960] =	vst v5  }
0x5f: {  	vm1 =	vlt.s32 v7, v58;
	v6 =	vsel vm11, v6, v57;
	[tilespmem:$0xD900] =	vst v4;
	v60 =	vld [tilespmem:$0xD968]  }
0x60: {  	v7 =	vsel vm1, v7, v58;
	[tilespmem:$0xD990] =	vst v6;
	v63 =	vld [tilespmem:$0xD908]  }
0x61: {  	[tilespmem:$0xD930] =	vst v7;
	v61 =	vld [tilespmem:$0xD998]  }
0x62: {  	v62 =	vld [tilespmem:$0xD938];
	_ =	sdelay $0x1  }
0x63: {  	vm13 =	vlt.s32 v5, v60  }
0x64: {  	vm15 =	vlt.s32 v4, v63;
	v5 =	vsel vm13, v5, v60  }
0x65: {  	vm14 =	vlt.s32 v6, v61;
	v4 =	vsel vm15, v4, v63;
	[tilespmem:$0xD960] =	vst v5  }
0x66: {  	vm1 =	vlt.s32 v7, v62;
	v5 =	vsel vm14, v6, v61;
	[tilespmem:$0xD900] =	vst v4  }
0x67: {  	v6 =	vsel vm1, v7, v62;
	[tilespmem:$0xD990] =	vst v5  }
0x68: {  	[tilespmem:$0xD930] =	vst v6  }
0x69: {  	[tilespmem:s15+$0xC380] =	vst v4  }
0x6a: {  	v4 =	vld [tilespmem:$0xD930];
	_ =	sdelay $0x4  }
0x6b: {  	[tilespmem:s15+$0xC390] =	vst v4  }
0x6c: {  	s17 =	simm.s32 $0x200;
	s16 =	simm.s32 $0x100;
	v4 =	vld [tilespmem:$0xD960]  }
.LBB2_5:
0x6d: {  	p1 =	sne.s32 s17, $0x2700  }
0x6e: {  	s18 =	sshra.s32 s16, $0x2;
	s16 =	smov.u32 s17;
	s17 =	sadd.s32 $0x100, s17  }
0x6f: {  	v5 =	vld [tilespmem:s18+$0xA400]  }
0x70: {  	v6 =	vld [tilespmem:s18+$0xAE80];
	_ =	sdelay $0x1  }
0x71: {  	[tilespmem:s15+$0xC3A0] =	vst v4  }
0x72: {  	v4 =	vld [tilespmem:$0xD990];
	_ =	sdelay $0x1  }
0x73: {  	v5 =	vshll.u32 v5, $0x6;
	v6 =	vsub.s32 v6, v0  }
0x74: {  	vm0 =	vlt.u32 v6, $0x140;
	v6 =	vmin.u32 v6, $0x140;
	[tilespmem:s18+$0xCE00] =	vst v5  }
0x75: {  	[tilespmem:s18+$0xB900] =	vst v6  }
0x76: {  	v5 =	vnsel vm0, $0x10, v3;
	[tilespmem:s15+$0xC3B0] =	vst v4;
	s15 =	smov.u32 s18  }
0x77: {  	[tilespmem:$0xD900] =	vst v5  }
0x78: {  	v4 =	vld [tilespmem:s15+$0xAE90]  }
0x79: {  	v5 =	vld [tilespmem:s15+$0xA410];
	_ =	sdelay $0x3  }
0x7a: {  	v4 =	vsub.s32 v4, v0  }
0x7b: {  	vm0 =	vlt.u32 v4, $0x140;
	v4 =	vmin.u32 v4, $0x140;
	v5 =	vshll.u32 v5, $0x6  }
0x7c: {  	[tilespmem:s15+$0xB910] =	vst v4;
	v4 =	vnsel vm0, $0x10, v3  }
0x7d: {  	[tilespmem:s15+$0xCE10] =	vst v5  }
0x7e: {  	[tilespmem:$0xD930] =	vst v4  }
0x7f: {  	v4 =	vld [tilespmem:s15+$0xAEA0]  }
0x80: {  	v5 =	vld [tilespmem:s15+$0xA420];
	_ =	sdelay $0x3  }
0x81: {  	v4 =	vsub.s32 v4, v0  }
0x82: {  	vm0 =	vlt.u32 v4, $0x140;
	v4 =	vmin.u32 v4, $0x140;
	v5 =	vshll.u32 v5, $0x6  }
0x83: {  	[tilespmem:s15+$0xB920] =	vst v4;
	v4 =	vnsel vm0, $0x10, v3  }
0x84: {  	[tilespmem:s15+$0xCE20] =	vst v5  }
0x85: {  	[tilespmem:$0xD960] =	vst v4  }
0x86: {  	v4 =	vld [tilespmem:s15+$0xAEB0]  }
0x87: {  	v5 =	vld [tilespmem:s15+$0xA430];
	_ =	sdelay $0x3  }
0x88: {  	v4 =	vsub.s32 v4, v0  }
0x89: {  	vm0 =	vlt.u32 v4, $0x140;
	v4 =	vmin.u32 v4, $0x140  }
0x8a: {  	[tilespmem:s15+$0xB930] =	vst v4;
	v4 =	vshll.u32 v5, $0x6;
	v5 =	vnsel vm0, $0x10, v3  }
0x8b: {  	[tilespmem:s15+$0xCE30] =	vst v4  }
0x8c: {  	[tilespmem:$0xD990] =	vst v5;
	v4 =	vld [tilespmem:$0xD961]  }
0x8d: {  	v6 =	vld [tilespmem:$0xD900]  }
0x8e: {  	v7 =	vld [tilespmem:$0xD931]  }
0x8f: {  	v8 =	vld [tilespmem:$0xD960]  }
0x90: {  	v9 =	vld [tilespmem:$0xD991]  }
0x91: {  	v10 =	vld [tilespmem:$0xD930]  }
0x92: {  	v11 =	vld [tilespmem:$0xD901];
	_ =	sdelay $0x1  }
0x93: {  	vm0 =	vlt.s32 v8, v4  }
0x94: {  	v4 =	vsel vm0, v8, v4;
	vm0 =	vlt.s32 v5, v9  }
0x95: {  	vm1 =	vlt.s32 v10, v7;
	[tilespmem:$0xD960] =	vst v4;
	v5 =	vsel vm0, v5, v9  }
0x96: {  	vm0 =	vlt.s32 v6, v11;
	v7 =	vsel vm1, v10, v7;
	[tilespmem:$0xD990] =	vst v5;
	v8 =	vld [tilespmem:$0xD962]  }
0x97: {  	v6 =	vsel vm0, v6, v11;
	[tilespmem:$0xD930] =	vst v7;
	v9 =	vld [tilespmem:$0xD992]  }
0x98: {  	[tilespmem:$0xD900] =	vst v6;
	v10 =	vld [tilespmem:$0xD932]  }
0x99: {  	v11 =	vld [tilespmem:$0xD902];
	_ =	sdelay $0x1  }
0x9a: {  	vm0 =	vlt.s32 v4, v8  }
0x9b: {  	v4 =	vsel vm0, v4, v8;
	vm0 =	vlt.s32 v5, v9  }
0x9c: {  	vm1 =	vlt.s32 v7, v10;
	[tilespmem:$0xD960] =	vst v4;
	v5 =	vsel vm0, v5, v9  }
0x9d: {  	vm0 =	vlt.s32 v6, v11;
	v7 =	vsel vm1, v7, v10;
	[tilespmem:$0xD990] =	vst v5;
	v8 =	vld [tilespmem:$0xD964]  }
0x9e: {  	v6 =	vsel vm0, v6, v11;
	[tilespmem:$0xD930] =	vst v7;
	v9 =	vld [tilespmem:$0xD994]  }
0x9f: {  	[tilespmem:$0xD900] =	vst v6;
	v10 =	vld [tilespmem:$0xD934]  }
0xa0: {  	v11 =	vld [tilespmem:$0xD904];
	_ =	sdelay $0x1  }
0xa1: {  	vm0 =	vlt.s32 v4, v8  }
0xa2: {  	v4 =	vsel vm0, v4, v8;
	vm0 =	vlt.s32 v5, v9  }
0xa3: {  	vm1 =	vlt.s32 v7, v10;
	[tilespmem:$0xD960] =	vst v4;
	v5 =	vsel vm0, v5, v9  }
0xa4: {  	vm0 =	vlt.s32 v6, v11;
	v7 =	vsel vm1, v7, v10;
	[tilespmem:$0xD990] =	vst v5;
	v8 =	vld [tilespmem:$0xD968]  }
0xa5: {  	v6 =	vsel vm0, v6, v11;
	[tilespmem:$0xD930] =	vst v7;
	v9 =	vld [tilespmem:$0xD998]  }
0xa6: {  	[tilespmem:$0xD900] =	vst v6;
	v10 =	vld [tilespmem:$0xD938]  }
0xa7: {  	v11 =	vld [tilespmem:$0xD908];
	_ =	sdelay $0x1  }
0xa8: {  	vm0 =	vlt.s32 v4, v8  }
0xa9: {  	v4 =	vsel vm0, v4, v8;
	vm0 =	vlt.s32 v5, v9  }
0xaa: {  	vm1 =	vlt.s32 v7, v10;
	[tilespmem:$0xD960] =	vst v4;
	v4 =	vsel vm0, v5, v9  }
0xab: {  	vm0 =	vlt.s32 v6, v11;
	v5 =	vsel vm1, v7, v10;
	[tilespmem:$0xD990] =	vst v4  }
0xac: {  	v4 =	vsel vm0, v6, v11;
	[tilespmem:$0xD930] =	vst v5  }
0xad: {  	[tilespmem:$0xD900] =	vst v4  }
0xae: {  	[tilespmem:s15+$0xC380] =	vst v4  }
0xaf: {  	v4 =	vld [tilespmem:$0xD930];
	_ =	sdelay $0x1  }
.Ltmp3:
0xb0: {  	(pc) =	sbr.rel @p1 .LBB2_5-.Ltmp3, $3  }
0xb1: {  	_ =	sdelay $0x1  }
0xb2: {  	[tilespmem:s15+$0xC390] =	vst v4  }
0xb3: {  	v4 =	vld [tilespmem:$0xD960]  }
0xb4: {  	s16 =	sshra.s32 s16, $0x2  }
0xb5: {  	v5 =	vld [tilespmem:s16+$0xA400]  }
0xb6: {  	v6 =	vld [tilespmem:s16+$0xAE80];
	_ =	sdelay $0x1  }
0xb7: {  	[tilespmem:s15+$0xC3A0] =	vst v4  }
0xb8: {  	v4 =	vld [tilespmem:$0xD990];
	_ =	sdelay $0x1  }
0xb9: {  	v6 =	vsub.s32 v6, v0;
	v5 =	vshll.u32 v5, $0x6  }
0xba: {  	v7 =	vmin.u32 v6, $0x140;
	[tilespmem:s16+$0xCE00] =	vst v5  }
0xbb: {  	vm0 =	vlt.u32 v6, $0x140;
	[tilespmem:s16+$0xB900] =	vst v7  }
0xbc: {  	v5 =	vnsel vm0, $0x10, v3;
	[tilespmem:s15+$0xC3B0] =	vst v4  }
0xbd: {  	[tilespmem:$0xD900] =	vst v5  }
0xbe: {  	v4 =	vld [tilespmem:s16+$0xAE90];
	_ =	sdelay $0x1  }
0xbf: {  	v5 =	vld [tilespmem:s16+$0xA410];
	_ =	sdelay $0x2  }
0xc0: {  	v4 =	vsub.s32 v4, v0  }
0xc1: {  	v47 =	vmin.u32 v4, $0x140  }
0xc2: {  	vm13 =	vlt.u32 v4, $0x140;
	v4 =	vshll.u32 v5, $0x6;
	[tilespmem:s16+$0xB910] =	vst v47  }
0xc3: {  	v5 =	vnsel vm13, $0x10, v3;
	[tilespmem:s16+$0xCE10] =	vst v4  }
0xc4: {  	[tilespmem:$0xD930] =	vst v5  }
0xc5: {  	v4 =	vld [tilespmem:s16+$0xAEA0];
	_ =	sdelay $0x1  }
0xc6: {  	v5 =	vld [tilespmem:s16+$0xA420];
	_ =	sdelay $0x2  }
0xc7: {  	v4 =	vsub.s32 v4, v0  }
0xc8: {  	v48 =	vmin.u32 v4, $0x140  }
0xc9: {  	vm14 =	vlt.u32 v4, $0x140;
	v4 =	vshll.u32 v5, $0x6;
	[tilespmem:s16+$0xB920] =	vst v48  }
0xca: {  	v5 =	vnsel vm14, $0x10, v3;
	[tilespmem:s16+$0xCE20] =	vst v4  }
0xcb: {  	[tilespmem:$0xD960] =	vst v5  }
0xcc: {  	v4 =	vld [tilespmem:s16+$0xAEB0]  }
0xcd: {  	v5 =	vld [tilespmem:s16+$0xA430];
	_ =	sdelay $0x4  }
0xce: {  	v4 =	vsub.s32 v4, v0;
	v5 =	vshll.u32 v5, $0x6  }
0xcf: {  	v49 =	vmin.u32 v4, $0x140;
	[tilespmem:s16+$0xCE30] =	vst v5  }
0xd0: {  	[tilespmem:s16+$0xB930] =	vst v49  }
0xd1: {  	v5 =	vld [tilespmem:$0xD961]  }
0xd2: {  	vm15 =	vlt.u32 v4, $0x140;
	v4 =	vld [tilespmem:$0xD900]  }
0xd3: {  	v7 =	vld [tilespmem:$0xD931]  }
0xd4: {  	v8 =	vld [tilespmem:$0xD960]  }
0xd5: {  	v50 =	vnsel vm15, $0x10, v3;
	v10 =	vld [tilespmem:$0xD930]  }
0xd6: {  	[tilespmem:$0xD990] =	vst v50;
	v11 =	vld [tilespmem:$0xD901]  }
0xd7: {  	v9 =	vld [tilespmem:$0xD991];
	_ =	sdelay $0x1  }
0xd8: {  	vm4 =	vlt.s32 v8, v5  }
0xd9: {  	vm1 =	vlt.s32 v10, v7;
	v5 =	vsel vm4, v8, v5  }
0xda: {  	vm6 =	vlt.s32 v4, v11;
	v7 =	vsel vm1, v10, v7;
	[tilespmem:$0xD960] =	vst v5  }
0xdb: {  	vm5 =	vlt.s32 v50, v9;
	v4 =	vsel vm6, v4, v11;
	[tilespmem:$0xD930] =	vst v7;
	v51 =	vld [tilespmem:$0xD962]  }
0xdc: {  	v6 =	vsel vm5, v50, v9;
	[tilespmem:$0xD900] =	vst v4;
	v53 =	vld [tilespmem:$0xD932]  }
0xdd: {  	[tilespmem:$0xD990] =	vst v6;
	v54 =	vld [tilespmem:$0xD902]  }
0xde: {  	v52 =	vld [tilespmem:$0xD992];
	_ =	sdelay $0x1  }
0xdf: {  	vm7 =	vlt.s32 v5, v51  }
0xe0: {  	vm1 =	vlt.s32 v7, v53;
	v5 =	vsel vm7, v5, v51  }
0xe1: {  	vm9 =	vlt.s32 v4, v54;
	v7 =	vsel vm1, v7, v53;
	[tilespmem:$0xD960] =	vst v5  }
0xe2: {  	vm8 =	vlt.s32 v6, v52;
	v4 =	vsel vm9, v4, v54;
	[tilespmem:$0xD930] =	vst v7;
	v55 =	vld [tilespmem:$0xD964]  }
0xe3: {  	v6 =	vsel vm8, v6, v52;
	[tilespmem:$0xD900] =	vst v4;
	v57 =	vld [tilespmem:$0xD934]  }
0xe4: {  	[tilespmem:$0xD990] =	vst v6;
	v58 =	vld [tilespmem:$0xD904]  }
0xe5: {  	v56 =	vld [tilespmem:$0xD994];
	_ =	sdelay $0x1  }
0xe6: {  	vm10 =	vlt.s32 v5, v55  }
0xe7: {  	vm1 =	vlt.s32 v7, v57;
	v5 =	vsel vm10, v5, v55  }
0xe8: {  	vm12 =	vlt.s32 v4, v58;
	v7 =	vsel vm1, v7, v57;
	[tilespmem:$0xD960] =	vst v5  }
0xe9: {  	vm11 =	vlt.s32 v6, v56;
	v4 =	vsel vm12, v4, v58;
	[tilespmem:$0xD930] =	vst v7;
	v59 =	vld [tilespmem:$0xD968]  }
0xea: {  	v6 =	vsel vm11, v6, v56;
	[tilespmem:$0xD900] =	vst v4;
	v61 =	vld [tilespmem:$0xD938]  }
0xeb: {  	[tilespmem:$0xD990] =	vst v6;
	v62 =	vld [tilespmem:$0xD908]  }
0xec: {  	v60 =	vld [tilespmem:$0xD998];
	_ =	sdelay $0x1  }
0xed: {  	vm13 =	vlt.s32 v5, v59  }
0xee: {  	vm1 =	vlt.s32 v7, v61;
	v5 =	vsel vm13, v5, v59  }
0xef: {  	vm15 =	vlt.s32 v4, v62;
	v63 =	vsel vm1, v7, v61;
	[tilespmem:$0xD960] =	vst v5  }
0xf0: {  	vm14 =	vlt.s32 v6, v60;
	v4 =	vsel vm15, v4, v62;
	[tilespmem:$0xD930] =	vst v63  }
0xf1: {  	v5 =	vsel vm14, v6, v60;
	[tilespmem:$0xD900] =	vst v4  }
0xf2: {  	[tilespmem:$0xD990] =	vst v5  }
0xf3: {  	[tilespmem:s16+$0xC380] =	vst v4  }
0xf4: {  	v4 =	vld [tilespmem:$0xD930];
	_ =	sdelay $0x4  }
0xf5: {  	[tilespmem:s16+$0xC390] =	vst v4  }
0xf6: {  	v4 =	vld [tilespmem:$0xD960];
	_ =	sdelay $0x4  }
0xf7: {  	[tilespmem:s16+$0xC3A0] =	vst v4  }
0xf8: {  	v4 =	vld [tilespmem:$0xD990]  }
.Ltmp4:
0xf9: {  	_ = 	snop;
	(pc) =	sbr.rel .LBB2_7-.Ltmp4, $2  }
0xfa: {  	_ =	sdelay $0x2  }
0xfb: {  	s15 =	simm.s32 $0x0;
	[tilespmem:s16+$0xC3B0] =	vst v4  }
.LBB2_9:
0xfc: {  	s15 =	sadd.s32 $0x40, s15  }
0xfd: {  	p1 =	sne.s32 s15, $0x2800  }
.Ltmp5:
0xfe: {  	_ = 	snop;
	(pc) =	sbr.rel @!p1 .LBB2_10-.Ltmp5, $1  }
0xff: {  	_ =	sdelay $0x3  }
.LBB2_7:
0x100: {  	s16 =	sshra.s32 s15, $0x2  }
0x101: {  	v4 =	vld [tilespmem:s16+$0xC380];
	_ =	sdelay $0x4  }
0x102: {  	(v2sf) =	vpush v4, $0x0;
	_ =	sdelay $0xe  }
0x103: {  	s17 =	spop (v2sf)  }
0x104: {  	p1 =	sgt.s32 s17, $0xF  }
.Ltmp6:
0x105: {  	_ = 	snop;
	(pc) =	sbr.rel @p1 .LBB2_9-.Ltmp6, $1  }
0x106: {  	_ =	sdelay $0x3  }
0x107: {  	v5 =	vld [tilespmem:s16+$0xB900];
	_ =	sdelay $0x4  }
0x108: {  	(v2sf) =	vpush v5, $0x0;
	_ =	sdelay $0xb  }
0x109: {  	v4 =	vld [tilespmem:s16+$0xCE00];
	_ =	sdelay $0x2  }
0x10a: {  	s16 =	spop (v2sf)  }
0x10b: {  	p2 =	sgt.s32 s16, $0x13F  }
0x10c: {  	(v2sf) =	vpush @!p2 v4, $0x0;
	_ =	sdelay $0xe  }
0x10d: {  	s17 =	spop @!p2 (v2sf)  }
0x10e: {  	s18 =	simm.s32 @!p2 $0xD880;
	s17 =	sadd.s32 @!p2 s17, s1  }
0x10f: {  	[tilespmem:s18], [sflag:$0x1] =	stream.linear.gather @!p2 [spmem:s17], $0x40, $0x38;
	[tilespmem:$0x17A00] =	vst v63  }
0x110: {  	s17 =	simm.s32 @!p2 $0x1  }
0x111: {  	_ =	swait.ge @!p2 [sflag:s17], $0x40  }
0x112: {  	(v2sf) =	vpush v5, $0x1;
	_ =	sdelay $0x2  }
0x113: {  	s16 =	sshll.u32 @!p2 s16, $0x9;
	[sflag:s17] =	ssyncset.done @!p2 $0x0  }
0x114: {  	s16 =	sshra.s32 @!p2 s16, $0x2;
	[sflag:s17] =	ssyncadd.s32 @!p2 $0xFFFFFFC0  }
0x115: {  	v6 =	vld @!p2 [tilespmem:s16+$0x0]  }
0x116: {  	v7 =	vld @!p2 [tilespmem:$0xD880];
	_ =	sdelay $0x4  }
0x117: {  	v6 =	vmax.f32 @!p2 v6, v7  }
0x118: {  	[tilespmem:s16+$0x0] =	vst @!p2 v6;
	v6 =	vld @!p2 [tilespmem:s16+$0x10]  }
0x119: {  	v7 =	vld @!p2 [tilespmem:$0xD890];
	_ =	sdelay $0x1  }
0x11a: {  	s17 =	spop (v2sf)  }
0x11b: {  	p1 =	sgt.s32 s17, $0x13F  }
0x11c: {  	(v2sf) =	vpush @!p1 v4, $0x1  }
0x11d: {  	v6 =	vmax.f32 @!p2 v6, v7  }
0x11e: {  	[tilespmem:s16+$0x10] =	vst @!p2 v6;
	v6 =	vld @!p2 [tilespmem:s16+$0x20]  }
0x11f: {  	v7 =	vld @!p2 [tilespmem:$0xD8A0];
	_ =	sdelay $0x4  }
0x120: {  	v6 =	vmax.f32 @!p2 v6, v7  }
0x121: {  	[tilespmem:s16+$0x20] =	vst @!p2 v6;
	v6 =	vld @!p2 [tilespmem:s16+$0x30]  }
0x122: {  	v7 =	vld @!p2 [tilespmem:$0xD8B0];
	_ =	sdelay $0x4  }
0x123: {  	v6 =	vmax.f32 @!p2 v6, v7;
	s18 =	spop @!p1 (v2sf)  }
0x124: {  	[tilespmem:s16+$0x30] =	vst @!p2 v6;
	s16 =	sadd.s32 @!p1 s18, s1;
	s18 =	simm.s32 @!p1 $0xD880  }
0x125: {  	[tilespmem:s18], [sflag:$0x1] =	stream.linear.gather @!p1 [spmem:s16], $0x40, $0x38;
	[tilespmem:$0x17A00] =	vst v63  }
0x126: {  	s16 =	simm.s32 @!p1 $0x1  }
0x127: {  	_ =	swait.ge @!p1 [sflag:s16], $0x40  }
0x128: {  	(v2sf) =	vpush v5, $0x2;
	_ =	sdelay $0x2  }
0x129: {  	s17 =	sshll.u32 @!p1 s17, $0x9;
	[sflag:s16] =	ssyncset.done @!p1 $0x0  }
0x12a: {  	[sflag:s16] =	ssyncadd.s32 @!p1 $0xFFFFFFC0;
	s16 =	sshra.s32 @!p1 s17, $0x2  }
0x12b: {  	v6 =	vld @!p1 [tilespmem:s16+$0x0]  }
0x12c: {  	v7 =	vld @!p1 [tilespmem:$0xD880];
	_ =	sdelay $0x4  }
0x12d: {  	v6 =	vmax.f32 @!p1 v6, v7  }
0x12e: {  	[tilespmem:s16+$0x0] =	vst @!p1 v6;
	v6 =	vld @!p1 [tilespmem:s16+$0x10]  }
0x12f: {  	v7 =	vld @!p1 [tilespmem:$0xD890];
	_ =	sdelay $0x1  }
0x130: {  	s17 =	spop (v2sf)  }
0x131: {  	p2 =	sgt.s32 s17, $0x13F  }
0x132: {  	(v2sf) =	vpush @!p2 v4, $0x2  }
0x133: {  	v6 =	vmax.f32 @!p1 v6, v7  }
0x134: {  	[tilespmem:s16+$0x10] =	vst @!p1 v6;
	v6 =	vld @!p1 [tilespmem:s16+$0x20]  }
0x135: {  	v7 =	vld @!p1 [tilespmem:$0xD8A0];
	_ =	sdelay $0x4  }
0x136: {  	v6 =	vmax.f32 @!p1 v6, v7  }
0x137: {  	[tilespmem:s16+$0x20] =	vst @!p1 v6;
	v6 =	vld @!p1 [tilespmem:s16+$0x30]  }
0x138: {  	v7 =	vld @!p1 [tilespmem:$0xD8B0];
	_ =	sdelay $0x4  }
0x139: {  	v6 =	vmax.f32 @!p1 v6, v7;
	s18 =	spop @!p2 (v2sf)  }
0x13a: {  	[tilespmem:s16+$0x30] =	vst @!p1 v6;
	s16 =	sadd.s32 @!p2 s18, s1;
	s18 =	simm.s32 @!p2 $0xD880  }
0x13b: {  	[tilespmem:s18], [sflag:$0x1] =	stream.linear.gather @!p2 [spmem:s16], $0x40, $0x38;
	[tilespmem:$0x17A00] =	vst v63  }
0x13c: {  	s16 =	simm.s32 @!p2 $0x1  }
0x13d: {  	_ =	swait.ge @!p2 [sflag:s16], $0x40  }
0x13e: {  	(v2sf) =	vpush v5, $0x3;
	_ =	sdelay $0x2  }
0x13f: {  	s17 =	sshll.u32 @!p2 s17, $0x9;
	[sflag:s16] =	ssyncset.done @!p2 $0x0  }
0x140: {  	[sflag:s16] =	ssyncadd.s32 @!p2 $0xFFFFFFC0;
	s16 =	sshra.s32 @!p2 s17, $0x2  }
0x141: {  	v6 =	vld @!p2 [tilespmem:s16+$0x0]  }
0x142: {  	v7 =	vld @!p2 [tilespmem:$0xD880];
	_ =	sdelay $0x4  }
0x143: {  	v6 =	vmax.f32 @!p2 v6, v7  }
0x144: {  	[tilespmem:s16+$0x0] =	vst @!p2 v6;
	v6 =	vld @!p2 [tilespmem:s16+$0x10]  }
0x145: {  	v7 =	vld @!p2 [tilespmem:$0xD890];
	_ =	sdelay $0x1  }
0x146: {  	s17 =	spop (v2sf)  }
0x147: {  	p1 =	sgt.s32 s17, $0x13F  }
0x148: {  	(v2sf) =	vpush @!p1 v4, $0x3  }
0x149: {  	v6 =	vmax.f32 @!p2 v6, v7  }
0x14a: {  	[tilespmem:s16+$0x10] =	vst @!p2 v6;
	v6 =	vld @!p2 [tilespmem:s16+$0x20]  }
0x14b: {  	v7 =	vld @!p2 [tilespmem:$0xD8A0];
	_ =	sdelay $0x4  }
0x14c: {  	v6 =	vmax.f32 @!p2 v6, v7  }
0x14d: {  	[tilespmem:s16+$0x20] =	vst @!p2 v6;
	v6 =	vld @!p2 [tilespmem:s16+$0x30]  }
0x14e: {  	v7 =	vld @!p2 [tilespmem:$0xD8B0];
	_ =	sdelay $0x4  }
0x14f: {  	v6 =	vmax.f32 @!p2 v6, v7;
	s18 =	spop @!p1 (v2sf)  }
0x150: {  	[tilespmem:s16+$0x30] =	vst @!p2 v6;
	s16 =	sadd.s32 @!p1 s18, s1;
	s18 =	simm.s32 @!p1 $0xD880  }
0x151: {  	[tilespmem:s18], [sflag:$0x1] =	stream.linear.gather @!p1 [spmem:s16], $0x40, $0x38;
	[tilespmem:$0x17A00] =	vst v63  }
0x152: {  	s16 =	simm.s32 @!p1 $0x1  }
0x153: {  	_ =	swait.ge @!p1 [sflag:s16], $0x40  }
0x154: {  	(v2sf) =	vpush v5, $0x4;
	_ =	sdelay $0x2  }
0x155: {  	s17 =	sshll.u32 @!p1 s17, $0x9;
	[sflag:s16] =	ssyncset.done @!p1 $0x0  }
0x156: {  	[sflag:s16] =	ssyncadd.s32 @!p1 $0xFFFFFFC0;
	s16 =	sshra.s32 @!p1 s17, $0x2  }
0x157: {  	v6 =	vld @!p1 [tilespmem:s16+$0x0]  }
0x158: {  	v7 =	vld @!p1 [tilespmem:$0xD880];
	_ =	sdelay $0x4  }
0x159: {  	v6 =	vmax.f32 @!p1 v6, v7  }
0x15a: {  	[tilespmem:s16+$0x0] =	vst @!p1 v6;
	v6 =	vld @!p1 [tilespmem:s16+$0x10]  }
0x15b: {  	v7 =	vld @!p1 [tilespmem:$0xD890];
	_ =	sdelay $0x1  }
0x15c: {  	s17 =	spop (v2sf)  }
0x15d: {  	p2 =	sgt.s32 s17, $0x13F  }
0x15e: {  	(v2sf) =	vpush @!p2 v4, $0x4  }
0x15f: {  	v6 =	vmax.f32 @!p1 v6, v7  }
0x160: {  	[tilespmem:s16+$0x10] =	vst @!p1 v6;
	v6 =	vld @!p1 [tilespmem:s16+$0x20]  }
0x161: {  	v7 =	vld @!p1 [tilespmem:$0xD8A0];
	_ =	sdelay $0x4  }
0x162: {  	v6 =	vmax.f32 @!p1 v6, v7  }
0x163: {  	[tilespmem:s16+$0x20] =	vst @!p1 v6;
	v6 =	vld @!p1 [tilespmem:s16+$0x30]  }
0x164: {  	v7 =	vld @!p1 [tilespmem:$0xD8B0];
	_ =	sdelay $0x4  }
0x165: {  	v6 =	vmax.f32 @!p1 v6, v7;
	s18 =	spop @!p2 (v2sf)  }
0x166: {  	[tilespmem:s16+$0x30] =	vst @!p1 v6;
	s16 =	sadd.s32 @!p2 s18, s1;
	s18 =	simm.s32 @!p2 $0xD880  }
0x167: {  	[tilespmem:s18], [sflag:$0x1] =	stream.linear.gather @!p2 [spmem:s16], $0x40, $0x38;
	[tilespmem:$0x17A00] =	vst v63  }
0x168: {  	s16 =	simm.s32 @!p2 $0x1  }
0x169: {  	_ =	swait.ge @!p2 [sflag:s16], $0x40  }
0x16a: {  	(v2sf) =	vpush v5, $0x5;
	_ =	sdelay $0x2  }
0x16b: {  	s17 =	sshll.u32 @!p2 s17, $0x9;
	[sflag:s16] =	ssyncset.done @!p2 $0x0  }
0x16c: {  	[sflag:s16] =	ssyncadd.s32 @!p2 $0xFFFFFFC0;
	s16 =	sshra.s32 @!p2 s17, $0x2  }
0x16d: {  	v6 =	vld @!p2 [tilespmem:s16+$0x0]  }
0x16e: {  	v7 =	vld @!p2 [tilespmem:$0xD880];
	_ =	sdelay $0x4  }
0x16f: {  	v6 =	vmax.f32 @!p2 v6, v7  }
0x170: {  	[tilespmem:s16+$0x0] =	vst @!p2 v6;
	v6 =	vld @!p2 [tilespmem:s16+$0x10]  }
0x171: {  	v7 =	vld @!p2 [tilespmem:$0xD890];
	_ =	sdelay $0x1  }
0x172: {  	s17 =	spop (v2sf)  }
0x173: {  	p1 =	sgt.s32 s17, $0x13F  }
0x174: {  	(v2sf) =	vpush @!p1 v4, $0x5  }
0x175: {  	v6 =	vmax.f32 @!p2 v6, v7  }
0x176: {  	[tilespmem:s16+$0x10] =	vst @!p2 v6;
	v6 =	vld @!p2 [tilespmem:s16+$0x20]  }
0x177: {  	v7 =	vld @!p2 [tilespmem:$0xD8A0];
	_ =	sdelay $0x4  }
0x178: {  	v6 =	vmax.f32 @!p2 v6, v7  }
0x179: {  	[tilespmem:s16+$0x20] =	vst @!p2 v6;
	v6 =	vld @!p2 [tilespmem:s16+$0x30]  }
0x17a: {  	v7 =	vld @!p2 [tilespmem:$0xD8B0];
	_ =	sdelay $0x4  }
0x17b: {  	v6 =	vmax.f32 @!p2 v6, v7;
	s18 =	spop @!p1 (v2sf)  }
0x17c: {  	[tilespmem:s16+$0x30] =	vst @!p2 v6;
	s16 =	sadd.s32 @!p1 s18, s1;
	s18 =	simm.s32 @!p1 $0xD880  }
0x17d: {  	[tilespmem:s18], [sflag:$0x1] =	stream.linear.gather @!p1 [spmem:s16], $0x40, $0x38;
	[tilespmem:$0x17A00] =	vst v63  }
0x17e: {  	s16 =	simm.s32 @!p1 $0x1  }
0x17f: {  	_ =	swait.ge @!p1 [sflag:s16], $0x40  }
0x180: {  	(v2sf) =	vpush v5, $0x6;
	_ =	sdelay $0x2  }
0x181: {  	s17 =	sshll.u32 @!p1 s17, $0x9;
	[sflag:s16] =	ssyncset.done @!p1 $0x0  }
0x182: {  	[sflag:s16] =	ssyncadd.s32 @!p1 $0xFFFFFFC0;
	s16 =	sshra.s32 @!p1 s17, $0x2  }
0x183: {  	v6 =	vld @!p1 [tilespmem:s16+$0x0]  }
0x184: {  	v7 =	vld @!p1 [tilespmem:$0xD880];
	_ =	sdelay $0x4  }
0x185: {  	v6 =	vmax.f32 @!p1 v6, v7  }
0x186: {  	[tilespmem:s16+$0x0] =	vst @!p1 v6;
	v6 =	vld @!p1 [tilespmem:s16+$0x10]  }
0x187: {  	v7 =	vld @!p1 [tilespmem:$0xD890];
	_ =	sdelay $0x1  }
0x188: {  	s17 =	spop (v2sf)  }
0x189: {  	p2 =	sgt.s32 s17, $0x13F  }
0x18a: {  	(v2sf) =	vpush @!p2 v4, $0x6  }
0x18b: {  	v6 =	vmax.f32 @!p1 v6, v7  }
0x18c: {  	[tilespmem:s16+$0x10] =	vst @!p1 v6;
	v6 =	vld @!p1 [tilespmem:s16+$0x20]  }
0x18d: {  	v7 =	vld @!p1 [tilespmem:$0xD8A0];
	_ =	sdelay $0x4  }
0x18e: {  	v6 =	vmax.f32 @!p1 v6, v7  }
0x18f: {  	[tilespmem:s16+$0x20] =	vst @!p1 v6;
	v6 =	vld @!p1 [tilespmem:s16+$0x30]  }
0x190: {  	v7 =	vld @!p1 [tilespmem:$0xD8B0];
	_ =	sdelay $0x4  }
0x191: {  	v6 =	vmax.f32 @!p1 v6, v7;
	s18 =	spop @!p2 (v2sf)  }
0x192: {  	[tilespmem:s16+$0x30] =	vst @!p1 v6;
	s16 =	sadd.s32 @!p2 s18, s1;
	s18 =	simm.s32 @!p2 $0xD880  }
0x193: {  	[tilespmem:s18], [sflag:$0x1] =	stream.linear.gather @!p2 [spmem:s16], $0x40, $0x38;
	[tilespmem:$0x17A00] =	vst v63  }
0x194: {  	s16 =	simm.s32 @!p2 $0x1  }
0x195: {  	_ =	swait.ge @!p2 [sflag:s16], $0x40  }
0x196: {  	(v2sf) =	vpush v5, $0x7;
	_ =	sdelay $0x2  }
0x197: {  	s17 =	sshll.u32 @!p2 s17, $0x9;
	[sflag:s16] =	ssyncset.done @!p2 $0x0  }
0x198: {  	[sflag:s16] =	ssyncadd.s32 @!p2 $0xFFFFFFC0;
	s16 =	sshra.s32 @!p2 s17, $0x2  }
0x199: {  	v6 =	vld @!p2 [tilespmem:s16+$0x0]  }
0x19a: {  	v7 =	vld @!p2 [tilespmem:$0xD880];
	_ =	sdelay $0x4  }
0x19b: {  	v6 =	vmax.f32 @!p2 v6, v7  }
0x19c: {  	[tilespmem:s16+$0x0] =	vst @!p2 v6;
	v6 =	vld @!p2 [tilespmem:s16+$0x10]  }
0x19d: {  	v7 =	vld @!p2 [tilespmem:$0xD890];
	_ =	sdelay $0x1  }
0x19e: {  	s17 =	spop (v2sf)  }
0x19f: {  	p1 =	sgt.s32 s17, $0x13F  }
0x1a0: {  	(v2sf) =	vpush @!p1 v4, $0x7  }
0x1a1: {  	v6 =	vmax.f32 @!p2 v6, v7  }
0x1a2: {  	[tilespmem:s16+$0x10] =	vst @!p2 v6;
	v6 =	vld @!p2 [tilespmem:s16+$0x20]  }
0x1a3: {  	v7 =	vld @!p2 [tilespmem:$0xD8A0];
	_ =	sdelay $0x4  }
0x1a4: {  	v6 =	vmax.f32 @!p2 v6, v7  }
0x1a5: {  	[tilespmem:s16+$0x20] =	vst @!p2 v6;
	v6 =	vld @!p2 [tilespmem:s16+$0x30]  }
0x1a6: {  	v7 =	vld @!p2 [tilespmem:$0xD8B0];
	_ =	sdelay $0x4  }
0x1a7: {  	v6 =	vmax.f32 @!p2 v6, v7;
	s18 =	spop @!p1 (v2sf)  }
0x1a8: {  	[tilespmem:s16+$0x30] =	vst @!p2 v6;
	s16 =	sadd.s32 @!p1 s18, s1;
	s18 =	simm.s32 @!p1 $0xD880  }
0x1a9: {  	[tilespmem:s18], [sflag:$0x1] =	stream.linear.gather @!p1 [spmem:s16], $0x40, $0x38;
	[tilespmem:$0x17A00] =	vst v63  }
0x1aa: {  	s16 =	simm.s32 @!p1 $0x1  }
0x1ab: {  	_ =	swait.ge @!p1 [sflag:s16], $0x40  }
0x1ac: {  	(v2sf) =	vpush v5, $0x8;
	_ =	sdelay $0x2  }
0x1ad: {  	s17 =	sshll.u32 @!p1 s17, $0x9;
	[sflag:s16] =	ssyncset.done @!p1 $0x0  }
0x1ae: {  	[sflag:s16] =	ssyncadd.s32 @!p1 $0xFFFFFFC0;
	s16 =	sshra.s32 @!p1 s17, $0x2  }
0x1af: {  	v6 =	vld @!p1 [tilespmem:s16+$0x0]  }
0x1b0: {  	v7 =	vld @!p1 [tilespmem:$0xD880];
	_ =	sdelay $0x4  }
0x1b1: {  	v6 =	vmax.f32 @!p1 v6, v7  }
0x1b2: {  	[tilespmem:s16+$0x0] =	vst @!p1 v6;
	v6 =	vld @!p1 [tilespmem:s16+$0x10]  }
0x1b3: {  	v7 =	vld @!p1 [tilespmem:$0xD890];
	_ =	sdelay $0x1  }
0x1b4: {  	s17 =	spop (v2sf)  }
0x1b5: {  	p2 =	sgt.s32 s17, $0x13F  }
0x1b6: {  	(v2sf) =	vpush @!p2 v4, $0x8  }
0x1b7: {  	v6 =	vmax.f32 @!p1 v6, v7  }
0x1b8: {  	[tilespmem:s16+$0x10] =	vst @!p1 v6;
	v6 =	vld @!p1 [tilespmem:s16+$0x20]  }
0x1b9: {  	v7 =	vld @!p1 [tilespmem:$0xD8A0];
	_ =	sdelay $0x4  }
0x1ba: {  	v6 =	vmax.f32 @!p1 v6, v7  }
0x1bb: {  	[tilespmem:s16+$0x20] =	vst @!p1 v6;
	v6 =	vld @!p1 [tilespmem:s16+$0x30]  }
0x1bc: {  	v7 =	vld @!p1 [tilespmem:$0xD8B0];
	_ =	sdelay $0x4  }
0x1bd: {  	v6 =	vmax.f32 @!p1 v6, v7;
	s18 =	spop @!p2 (v2sf)  }
0x1be: {  	[tilespmem:s16+$0x30] =	vst @!p1 v6;
	s16 =	sadd.s32 @!p2 s18, s1;
	s18 =	simm.s32 @!p2 $0xD880  }
0x1bf: {  	[tilespmem:s18], [sflag:$0x1] =	stream.linear.gather @!p2 [spmem:s16], $0x40, $0x38;
	[tilespmem:$0x17A00] =	vst v63  }
0x1c0: {  	s16 =	simm.s32 @!p2 $0x1  }
0x1c1: {  	_ =	swait.ge @!p2 [sflag:s16], $0x40  }
0x1c2: {  	(v2sf) =	vpush v5, $0x9;
	_ =	sdelay $0x2  }
0x1c3: {  	s17 =	sshll.u32 @!p2 s17, $0x9;
	[sflag:s16] =	ssyncset.done @!p2 $0x0  }
0x1c4: {  	[sflag:s16] =	ssyncadd.s32 @!p2 $0xFFFFFFC0;
	s16 =	sshra.s32 @!p2 s17, $0x2  }
0x1c5: {  	v6 =	vld @!p2 [tilespmem:s16+$0x0]  }
0x1c6: {  	v7 =	vld @!p2 [tilespmem:$0xD880];
	_ =	sdelay $0x4  }
0x1c7: {  	v6 =	vmax.f32 @!p2 v6, v7  }
0x1c8: {  	[tilespmem:s16+$0x0] =	vst @!p2 v6;
	v6 =	vld @!p2 [tilespmem:s16+$0x10]  }
0x1c9: {  	v7 =	vld @!p2 [tilespmem:$0xD890];
	_ =	sdelay $0x1  }
0x1ca: {  	s17 =	spop (v2sf)  }
0x1cb: {  	p1 =	sgt.s32 s17, $0x13F  }
0x1cc: {  	(v2sf) =	vpush @!p1 v4, $0x9  }
0x1cd: {  	v6 =	vmax.f32 @!p2 v6, v7  }
0x1ce: {  	[tilespmem:s16+$0x10] =	vst @!p2 v6;
	v6 =	vld @!p2 [tilespmem:s16+$0x20]  }
0x1cf: {  	v7 =	vld @!p2 [tilespmem:$0xD8A0];
	_ =	sdelay $0x4  }
0x1d0: {  	v6 =	vmax.f32 @!p2 v6, v7  }
0x1d1: {  	[tilespmem:s16+$0x20] =	vst @!p2 v6;
	v6 =	vld @!p2 [tilespmem:s16+$0x30]  }
0x1d2: {  	v7 =	vld @!p2 [tilespmem:$0xD8B0];
	_ =	sdelay $0x4  }
0x1d3: {  	v6 =	vmax.f32 @!p2 v6, v7;
	s18 =	spop @!p1 (v2sf)  }
0x1d4: {  	[tilespmem:s16+$0x30] =	vst @!p2 v6;
	s16 =	sadd.s32 @!p1 s18, s1;
	s18 =	simm.s32 @!p1 $0xD880  }
0x1d5: {  	[tilespmem:s18], [sflag:$0x1] =	stream.linear.gather @!p1 [spmem:s16], $0x40, $0x38;
	[tilespmem:$0x17A00] =	vst v63  }
0x1d6: {  	s16 =	simm.s32 @!p1 $0x1  }
0x1d7: {  	_ =	swait.ge @!p1 [sflag:s16], $0x40  }
0x1d8: {  	(v2sf) =	vpush v5, $0xA;
	_ =	sdelay $0x2  }
0x1d9: {  	s17 =	sshll.u32 @!p1 s17, $0x9;
	[sflag:s16] =	ssyncset.done @!p1 $0x0  }
0x1da: {  	[sflag:s16] =	ssyncadd.s32 @!p1 $0xFFFFFFC0;
	s16 =	sshra.s32 @!p1 s17, $0x2  }
0x1db: {  	v6 =	vld @!p1 [tilespmem:s16+$0x0]  }
0x1dc: {  	v7 =	vld @!p1 [tilespmem:$0xD880];
	_ =	sdelay $0x4  }
0x1dd: {  	v6 =	vmax.f32 @!p1 v6, v7  }
0x1de: {  	[tilespmem:s16+$0x0] =	vst @!p1 v6;
	v6 =	vld @!p1 [tilespmem:s16+$0x10]  }
0x1df: {  	v7 =	vld @!p1 [tilespmem:$0xD890];
	_ =	sdelay $0x1  }
0x1e0: {  	s17 =	spop (v2sf)  }
0x1e1: {  	p2 =	sgt.s32 s17, $0x13F  }
0x1e2: {  	(v2sf) =	vpush @!p2 v4, $0xA  }
0x1e3: {  	v6 =	vmax.f32 @!p1 v6, v7  }
0x1e4: {  	[tilespmem:s16+$0x10] =	vst @!p1 v6;
	v6 =	vld @!p1 [tilespmem:s16+$0x20]  }
0x1e5: {  	v7 =	vld @!p1 [tilespmem:$0xD8A0];
	_ =	sdelay $0x4  }
0x1e6: {  	v6 =	vmax.f32 @!p1 v6, v7  }
0x1e7: {  	[tilespmem:s16+$0x20] =	vst @!p1 v6;
	v6 =	vld @!p1 [tilespmem:s16+$0x30]  }
0x1e8: {  	v7 =	vld @!p1 [tilespmem:$0xD8B0];
	_ =	sdelay $0x4  }
0x1e9: {  	v6 =	vmax.f32 @!p1 v6, v7;
	s18 =	spop @!p2 (v2sf)  }
0x1ea: {  	[tilespmem:s16+$0x30] =	vst @!p1 v6;
	s16 =	sadd.s32 @!p2 s18, s1;
	s18 =	simm.s32 @!p2 $0xD880  }
0x1eb: {  	[tilespmem:s18], [sflag:$0x1] =	stream.linear.gather @!p2 [spmem:s16], $0x40, $0x38;
	[tilespmem:$0x17A00] =	vst v63  }
0x1ec: {  	s16 =	simm.s32 @!p2 $0x1  }
0x1ed: {  	_ =	swait.ge @!p2 [sflag:s16], $0x40  }
0x1ee: {  	(v2sf) =	vpush v5, $0xB;
	_ =	sdelay $0x2  }
0x1ef: {  	s17 =	sshll.u32 @!p2 s17, $0x9;
	[sflag:s16] =	ssyncset.done @!p2 $0x0  }
0x1f0: {  	[sflag:s16] =	ssyncadd.s32 @!p2 $0xFFFFFFC0;
	s16 =	sshra.s32 @!p2 s17, $0x2  }
0x1f1: {  	v6 =	vld @!p2 [tilespmem:s16+$0x0]  }
0x1f2: {  	v7 =	vld @!p2 [tilespmem:$0xD880];
	_ =	sdelay $0x4  }
0x1f3: {  	v6 =	vmax.f32 @!p2 v6, v7  }
0x1f4: {  	[tilespmem:s16+$0x0] =	vst @!p2 v6;
	v6 =	vld @!p2 [tilespmem:s16+$0x10]  }
0x1f5: {  	v7 =	vld @!p2 [tilespmem:$0xD890];
	_ =	sdelay $0x1  }
0x1f6: {  	s17 =	spop (v2sf)  }
0x1f7: {  	p1 =	sgt.s32 s17, $0x13F  }
0x1f8: {  	(v2sf) =	vpush @!p1 v4, $0xB  }
0x1f9: {  	v6 =	vmax.f32 @!p2 v6, v7  }
0x1fa: {  	[tilespmem:s16+$0x10] =	vst @!p2 v6;
	v6 =	vld @!p2 [tilespmem:s16+$0x20]  }
0x1fb: {  	v7 =	vld @!p2 [tilespmem:$0xD8A0];
	_ =	sdelay $0x4  }
0x1fc: {  	v6 =	vmax.f32 @!p2 v6, v7  }
0x1fd: {  	[tilespmem:s16+$0x20] =	vst @!p2 v6;
	v6 =	vld @!p2 [tilespmem:s16+$0x30]  }
0x1fe: {  	v7 =	vld @!p2 [tilespmem:$0xD8B0];
	_ =	sdelay $0x4  }
0x1ff: {  	v6 =	vmax.f32 @!p2 v6, v7;
	s18 =	spop @!p1 (v2sf)  }
0x200: {  	[tilespmem:s16+$0x30] =	vst @!p2 v6;
	s16 =	sadd.s32 @!p1 s18, s1;
	s18 =	simm.s32 @!p1 $0xD880  }
0x201: {  	[tilespmem:s18], [sflag:$0x1] =	stream.linear.gather @!p1 [spmem:s16], $0x40, $0x38;
	[tilespmem:$0x17A00] =	vst v63  }
0x202: {  	s16 =	simm.s32 @!p1 $0x1  }
0x203: {  	_ =	swait.ge @!p1 [sflag:s16], $0x40  }
0x204: {  	(v2sf) =	vpush v5, $0xC;
	_ =	sdelay $0x2  }
0x205: {  	s17 =	sshll.u32 @!p1 s17, $0x9;
	[sflag:s16] =	ssyncset.done @!p1 $0x0  }
0x206: {  	[sflag:s16] =	ssyncadd.s32 @!p1 $0xFFFFFFC0;
	s16 =	sshra.s32 @!p1 s17, $0x2  }
0x207: {  	v6 =	vld @!p1 [tilespmem:s16+$0x0]  }
0x208: {  	v7 =	vld @!p1 [tilespmem:$0xD880];
	_ =	sdelay $0x4  }
0x209: {  	v6 =	vmax.f32 @!p1 v6, v7  }
0x20a: {  	[tilespmem:s16+$0x0] =	vst @!p1 v6;
	v6 =	vld @!p1 [tilespmem:s16+$0x10]  }
0x20b: {  	v7 =	vld @!p1 [tilespmem:$0xD890];
	_ =	sdelay $0x1  }
0x20c: {  	s17 =	spop (v2sf)  }
0x20d: {  	p2 =	sgt.s32 s17, $0x13F  }
0x20e: {  	(v2sf) =	vpush @!p2 v4, $0xC  }
0x20f: {  	v6 =	vmax.f32 @!p1 v6, v7  }
0x210: {  	[tilespmem:s16+$0x10] =	vst @!p1 v6;
	v6 =	vld @!p1 [tilespmem:s16+$0x20]  }
0x211: {  	v7 =	vld @!p1 [tilespmem:$0xD8A0];
	_ =	sdelay $0x4  }
0x212: {  	v6 =	vmax.f32 @!p1 v6, v7  }
0x213: {  	[tilespmem:s16+$0x20] =	vst @!p1 v6;
	v6 =	vld @!p1 [tilespmem:s16+$0x30]  }
0x214: {  	v7 =	vld @!p1 [tilespmem:$0xD8B0];
	_ =	sdelay $0x4  }
0x215: {  	v6 =	vmax.f32 @!p1 v6, v7;
	s18 =	spop @!p2 (v2sf)  }
0x216: {  	[tilespmem:s16+$0x30] =	vst @!p1 v6;
	s16 =	sadd.s32 @!p2 s18, s1;
	s18 =	simm.s32 @!p2 $0xD880  }
0x217: {  	[tilespmem:s18], [sflag:$0x1] =	stream.linear.gather @!p2 [spmem:s16], $0x40, $0x38;
	[tilespmem:$0x17A00] =	vst v63  }
0x218: {  	s16 =	simm.s32 @!p2 $0x1  }
0x219: {  	_ =	swait.ge @!p2 [sflag:s16], $0x40  }
0x21a: {  	(v2sf) =	vpush v5, $0xD;
	_ =	sdelay $0x2  }
0x21b: {  	s17 =	sshll.u32 @!p2 s17, $0x9;
	[sflag:s16] =	ssyncset.done @!p2 $0x0  }
0x21c: {  	[sflag:s16] =	ssyncadd.s32 @!p2 $0xFFFFFFC0;
	s16 =	sshra.s32 @!p2 s17, $0x2  }
0x21d: {  	v6 =	vld @!p2 [tilespmem:s16+$0x0]  }
0x21e: {  	v7 =	vld @!p2 [tilespmem:$0xD880];
	_ =	sdelay $0x4  }
0x21f: {  	v6 =	vmax.f32 @!p2 v6, v7  }
0x220: {  	[tilespmem:s16+$0x0] =	vst @!p2 v6;
	v6 =	vld @!p2 [tilespmem:s16+$0x10]  }
0x221: {  	v7 =	vld @!p2 [tilespmem:$0xD890];
	_ =	sdelay $0x1  }
0x222: {  	s17 =	spop (v2sf)  }
0x223: {  	p1 =	sgt.s32 s17, $0x13F  }
0x224: {  	(v2sf) =	vpush @!p1 v4, $0xD  }
0x225: {  	v6 =	vmax.f32 @!p2 v6, v7  }
0x226: {  	[tilespmem:s16+$0x10] =	vst @!p2 v6;
	v6 =	vld @!p2 [tilespmem:s16+$0x20]  }
0x227: {  	v7 =	vld @!p2 [tilespmem:$0xD8A0];
	_ =	sdelay $0x4  }
0x228: {  	v6 =	vmax.f32 @!p2 v6, v7  }
0x229: {  	[tilespmem:s16+$0x20] =	vst @!p2 v6;
	v6 =	vld @!p2 [tilespmem:s16+$0x30]  }
0x22a: {  	v7 =	vld @!p2 [tilespmem:$0xD8B0];
	_ =	sdelay $0x4  }
0x22b: {  	v6 =	vmax.f32 @!p2 v6, v7;
	s18 =	spop @!p1 (v2sf)  }
0x22c: {  	[tilespmem:s16+$0x30] =	vst @!p2 v6;
	s16 =	sadd.s32 @!p1 s18, s1;
	s18 =	simm.s32 @!p1 $0xD880  }
0x22d: {  	[tilespmem:s18], [sflag:$0x1] =	stream.linear.gather @!p1 [spmem:s16], $0x40, $0x38;
	[tilespmem:$0x17A00] =	vst v63  }
0x22e: {  	s16 =	simm.s32 @!p1 $0x1  }
0x22f: {  	_ =	swait.ge @!p1 [sflag:s16], $0x40  }
0x230: {  	(v2sf) =	vpush v5, $0xE;
	_ =	sdelay $0x2  }
0x231: {  	s17 =	sshll.u32 @!p1 s17, $0x9;
	[sflag:s16] =	ssyncset.done @!p1 $0x0  }
0x232: {  	[sflag:s16] =	ssyncadd.s32 @!p1 $0xFFFFFFC0;
	s16 =	sshra.s32 @!p1 s17, $0x2  }
0x233: {  	v6 =	vld @!p1 [tilespmem:s16+$0x0]  }
0x234: {  	v7 =	vld @!p1 [tilespmem:$0xD880];
	_ =	sdelay $0x4  }
0x235: {  	v6 =	vmax.f32 @!p1 v6, v7  }
0x236: {  	[tilespmem:s16+$0x0] =	vst @!p1 v6;
	v6 =	vld @!p1 [tilespmem:s16+$0x10]  }
0x237: {  	v7 =	vld @!p1 [tilespmem:$0xD890];
	_ =	sdelay $0x1  }
0x238: {  	s17 =	spop (v2sf)  }
0x239: {  	p2 =	sgt.s32 s17, $0x13F  }
0x23a: {  	(v2sf) =	vpush @!p2 v4, $0xE  }
0x23b: {  	v6 =	vmax.f32 @!p1 v6, v7  }
0x23c: {  	[tilespmem:s16+$0x10] =	vst @!p1 v6;
	v6 =	vld @!p1 [tilespmem:s16+$0x20]  }
0x23d: {  	v7 =	vld @!p1 [tilespmem:$0xD8A0];
	_ =	sdelay $0x4  }
0x23e: {  	v6 =	vmax.f32 @!p1 v6, v7  }
0x23f: {  	[tilespmem:s16+$0x20] =	vst @!p1 v6;
	v6 =	vld @!p1 [tilespmem:s16+$0x30]  }
0x240: {  	v7 =	vld @!p1 [tilespmem:$0xD8B0];
	_ =	sdelay $0x4  }
0x241: {  	v6 =	vmax.f32 @!p1 v6, v7;
	s18 =	spop @!p2 (v2sf)  }
0x242: {  	[tilespmem:s16+$0x30] =	vst @!p1 v6;
	s16 =	sadd.s32 @!p2 s18, s1;
	s18 =	simm.s32 @!p2 $0xD880  }
0x243: {  	[tilespmem:s18], [sflag:$0x1] =	stream.linear.gather @!p2 [spmem:s16], $0x40, $0x38;
	[tilespmem:$0x17A00] =	vst v63  }
0x244: {  	s16 =	simm.s32 @!p2 $0x1  }
0x245: {  	_ =	swait.ge @!p2 [sflag:s16], $0x40  }
0x246: {  	(v2sf) =	vpush v5, $0xF;
	_ =	sdelay $0x2  }
0x247: {  	s17 =	sshll.u32 @!p2 s17, $0x9;
	[sflag:s16] =	ssyncset.done @!p2 $0x0  }
0x248: {  	[sflag:s16] =	ssyncadd.s32 @!p2 $0xFFFFFFC0;
	s16 =	sshra.s32 @!p2 s17, $0x2  }
0x249: {  	v5 =	vld @!p2 [tilespmem:s16+$0x0]  }
0x24a: {  	v6 =	vld @!p2 [tilespmem:$0xD880];
	_ =	sdelay $0x4  }
0x24b: {  	v5 =	vmax.f32 @!p2 v5, v6  }
0x24c: {  	[tilespmem:s16+$0x0] =	vst @!p2 v5;
	v5 =	vld @!p2 [tilespmem:s16+$0x10]  }
0x24d: {  	v6 =	vld @!p2 [tilespmem:$0xD890];
	_ =	sdelay $0x1  }
0x24e: {  	s17 =	spop (v2sf)  }
0x24f: {  	p1 =	sgt.s32 s17, $0x13F  }
0x250: {  	(v2sf) =	vpush @!p1 v4, $0xF  }
0x251: {  	v4 =	vmax.f32 @!p2 v5, v6  }
0x252: {  	[tilespmem:s16+$0x10] =	vst @!p2 v4;
	v4 =	vld @!p2 [tilespmem:s16+$0x20]  }
0x253: {  	v5 =	vld @!p2 [tilespmem:$0xD8A0];
	_ =	sdelay $0x4  }
0x254: {  	v4 =	vmax.f32 @!p2 v4, v5  }
0x255: {  	[tilespmem:s16+$0x20] =	vst @!p2 v4;
	v4 =	vld @!p2 [tilespmem:s16+$0x30]  }
0x256: {  	v5 =	vld @!p2 [tilespmem:$0xD8B0];
	_ =	sdelay $0x4  }
0x257: {  	v4 =	vmax.f32 @!p2 v4, v5;
	s18 =	spop @!p1 (v2sf)  }
0x258: {  	[tilespmem:s16+$0x30] =	vst @!p2 v4;
	s16 =	sadd.s32 @!p1 s18, s1;
	s18 =	simm.s32 @!p1 $0xD880  }
0x259: {  	[tilespmem:s18], [sflag:$0x1] =	stream.linear.gather @!p1 [spmem:s16], $0x40, $0x38;
	[tilespmem:$0x17A00] =	vst v63  }
0x25a: {  	s16 =	simm.s32 @!p1 $0x1  }
0x25b: {  	_ =	swait.ge @!p1 [sflag:s16], $0x40  }
0x25c: {  	s17 =	sshll.u32 @!p1 s17, $0x9;
	[sflag:s16] =	ssyncset.done @!p1 $0x0  }
0x25d: {  	[sflag:s16] =	ssyncadd.s32 @!p1 $0xFFFFFFC0;
	s16 =	sshra.s32 @!p1 s17, $0x2  }
0x25e: {  	v4 =	vld @!p1 [tilespmem:s16+$0x0]  }
0x25f: {  	v5 =	vld @!p1 [tilespmem:$0xD880];
	_ =	sdelay $0x4  }
0x260: {  	v4 =	vmax.f32 @!p1 v4, v5  }
0x261: {  	[tilespmem:s16+$0x0] =	vst @!p1 v4;
	v4 =	vld @!p1 [tilespmem:s16+$0x10]  }
0x262: {  	v5 =	vld @!p1 [tilespmem:$0xD890];
	_ =	sdelay $0x4  }
0x263: {  	v4 =	vmax.f32 @!p1 v4, v5  }
0x264: {  	[tilespmem:s16+$0x10] =	vst @!p1 v4;
	v4 =	vld @!p1 [tilespmem:s16+$0x20]  }
0x265: {  	v5 =	vld @!p1 [tilespmem:$0xD8A0];
	_ =	sdelay $0x4  }
0x266: {  	v4 =	vmax.f32 @!p1 v4, v5  }
0x267: {  	[tilespmem:s16+$0x20] =	vst @!p1 v4;
	v4 =	vld @!p1 [tilespmem:s16+$0x30]  }
0x268: {  	v5 =	vld @!p1 [tilespmem:$0xD8B0];
	_ =	sdelay $0x1  }
.Ltmp7:
0x269: {  	_ = 	snop;
	(pc) =	sbr.rel .LBB2_9-.Ltmp7, $3  }
0x26a: {  	_ =	sdelay $0x1  }
0x26b: {  	v4 =	vmax.f32 @!p1 v4, v5  }
0x26c: {  	[tilespmem:s16+$0x30] =	vst @!p1 v4  }
.LBB2_11:
0x26d: {  	s13 =	simm.s32 $0x0  }
0x26e: {  	v6 =	vld [tilespmem:s13+$0x0]  }
0x26f: {  	v5 =	vld [tilespmem:s13+$0x10]  }
0x270: {  	s14 =	simm.s32 $0x200;
	v4 =	vld [tilespmem:s13+$0x20]  }
.LBB2_12:
0x271: {  	p1 =	sne.s32 s14, $0x27E00;
	v7 =	vld [tilespmem:s13+$0x30];
	_ =	sdelay $0x1  }
0x272: {  	vm0 =	veq.f32 v6, $-Inf  }
.Ltmp8:
0x273: {  	v6 =	vsel vm0, $0x0, v6;
	vm0 =	veq.f32 v5, $-Inf;
	(pc) =	sbr.rel @p1 .LBB2_12-.Ltmp8, $4  }
0x274: {  	s15 =	sshra.s32 s14, $0x2;
	[tilespmem:s13+$0x0] =	vst v6;
	v5 =	vsel vm0, $0x0, v5;
	vm0 =	veq.f32 v4, $-Inf  }
0x275: {  	v6 =	vld [tilespmem:s15+$0x0];
	[tilespmem:s13+$0x10] =	vst v5;
	v4 =	vsel vm0, $0x0, v4;
	vm0 =	veq.f32 v7, $-Inf  }
0x276: {  	v5 =	vld [tilespmem:s15+$0x10];
	[tilespmem:s13+$0x20] =	vst v4;
	v7 =	vsel vm0, $0x0, v7  }
0x277: {  	s14 =	sadd.s32 $0x200, s14;
	v4 =	vld [tilespmem:s15+$0x20];
	[tilespmem:s13+$0x30] =	vst v7;
	s13 =	smov.u32 s15  }
0x278: {  	v7 =	vld [tilespmem:s13+$0x30];
	_ =	sdelay $0x1  }
0x279: {  	vm0 =	veq.f32 v6, $-Inf  }
0x27a: {  	v6 =	vsel vm0, $0x0, v6;
	vm13 =	veq.f32 v5, $-Inf  }
0x27b: {  	[tilespmem:s13+$0x0] =	vst v6;
	v5 =	vsel vm13, $0x0, v5;
	vm14 =	veq.f32 v4, $-Inf  }
0x27c: {  	s12 =	sadd.s32 $0x1, s12;
	[tilespmem:s13+$0x10] =	vst v5;
	v4 =	vsel vm14, $0x0, v4;
	vm15 =	veq.f32 v7, $-Inf  }
0x27d: {  	p1 =	sne.s32 s12, s7;
	[tilespmem:s13+$0x20] =	vst v4;
	v4 =	vsel vm15, $0x0, v7  }
.Ltmp9:
0x27e: {  	[tilespmem:s13+$0x30] =	vst v4;
	(pc) =	sbr.rel @p1 .LBB2_1-.Ltmp9, $4  }
0x27f: {  	[hbm4b:s6+s2] =	stream.linear.scatter [tilespmem:s2], [sflag:$0x1], $0xA000, $0x38;
	[tilespmem:$0x17A00] =	vst v63  }
0x280: {  	_ =	swait.ge [sflag:s10], $0xA000  }
0x281: {  	[sflag:s10] =	ssyncset.done $0x0  }
0x282: {  	[sflag:s10] =	ssyncadd.s32 $0xFFFF6000  }
0x283: {  	_ =	sfence.sel $0x180000  }
0x284: {  	[bflag:$0x0] =	sbarrier.arrive $0xFFFF  }
0x285: {  	_ =	strace $0x90000047  }
0x286: {  	s0 =	sadd.s32 @!p0 $0x100000, s0;
	[bflag:$0x2] =	sbarrier.arrive $0xFFFF  }
0x287: {  	[sflag:s0] =	ssyncadd.tile.s32 @!p0 $0x1;
	_ =	shalt  }
.Lfunc_end2:
_tile_overlayer_lowered:
.L_overlay_start_2:
0x288: {  	(tag) =	ssettag $0x2  }
0x289: {  	s0 =	rddreg [dreg:$0x0];
	s2 =	stileid.u32  }
0x28a: {  	s1 =	rddreg [dreg:$0x1];
	p0 =	sne.s32 s2, $0x0  }
0x28b: {  	s3 =	rddreg [dreg:$0x2];
	[bflag:$0x3] =	sbarrier.arrive $0xFFFF;
	s2 =	simm.s32 @!p0 $0x1C01  }
0x28c: {  	[timem:s3], [sflag:s2] =	dma.local @!p0 [hbm:s0], s1  }
0x28d: {  	s0 =	simm.s32 @!p0 $0x1  }
0x28e: {  	_ =	swait.ge @!p0 [sflag:s0], s1  }
0x28f: {  	s1 =	ssub.s32 @!p0 $0x0, s1;
	[sflag:s0] =	ssyncset.done @!p0 $0x0  }
0x290: {  	[sflag:s0] =	ssyncadd.s32 @!p0 s1  }
0x291: {  	[bflag:$0x3] =	sbarrier.arrive $0xFFFF  }
0x292: {  	_ =	shalt  }

</sc_bundles>
